<compile_context>
chip_gen: v7x
topology: tpu7x:2x2x1
jax: 0.10.2.dev20260603
libtpu: 0.0.44.dev20260713+nightly
codegen_flags: <defaults>
</compile_context>

<pallas_src>
import functools

import jax
import jax.numpy as jnp
from jax import lax
from jax.experimental import pallas as pl
from jax.experimental.pallas import tpu as pltpu
from jax.experimental.pallas import tpu_sc as plsc

N = 10000
NPAD = 10240
E = 320000
IN_DIM = 1536
HID = 256
OUT = 128
B = 100
NTILES = 16
ROWS_PER_TILE = NPAD // NTILES
IDXC = 20
NBUF = 3

_MESH = plsc.VectorSubcoreMesh(
    core_axis_name="c", subcore_axis_name="s", num_cores=2, num_subcores=16
)


DEGW = 128


def _deg_body(dst_idx, zeros, ones, out, dst_buf, ones_buf, acc):
    cid = lax.axis_index("c")
    sid = lax.axis_index("s")
    base = sid * ROWS_PER_TILE
    pltpu.sync_copy(zeros.at[pl.ds(base, ROWS_PER_TILE)],
                    acc.at[pl.ds(base, ROWS_PER_TILE)])
    pltpu.sync_copy(ones, ones_buf)
    pltpu.sync_copy(dst_idx.at[cid, sid], dst_buf)
    plsc.subcore_barrier()

    nb = E // (2 * NTILES * B)

    @pl.loop(0, nb)
    def _(k):
        pltpu.sync_copy(ones_buf, acc.at[dst_buf.at[k]], add=True)

    plsc.subcore_barrier()
    pltpu.sync_copy(acc.at[pl.ds(base, ROWS_PER_TILE)],
                    out.at[cid, pl.ds(base, ROWS_PER_TILE)])


_deg_call = functools.partial(
    pl.kernel,
    _deg_body,
    out_type=jax.ShapeDtypeStruct((2, NPAD, DEGW), jnp.float32),
    mesh=_MESH,
    scratch_types=[
        pltpu.VMEM((E // (2 * NTILES * B), B), jnp.int32),
        pltpu.VMEM((B, DEGW), jnp.float32),
        pltpu.VMEM_SHARED((NPAD, DEGW), jnp.float32),
    ],
)()


def _make_agg(nb, idxc, bsz):
    nch = nb // idxc

    def body(table, src_idx, dst_idx, zeros, out, srcA, dstA, srcB, dstB,
             rows0, rows1, rows2, acc, g0, g1, g2, isem):
        rows = (rows0, rows1, rows2)
        gsem = (g0, g1, g2)
        cid = lax.axis_index("c")
        sid = lax.axis_index("s")
        base = sid * ROWS_PER_TILE
        pltpu.sync_copy(zeros.at[pl.ds(base, ROWS_PER_TILE)],
                        acc.at[pl.ds(base, ROWS_PER_TILE)])
        pltpu.sync_copy(src_idx.at[cid, sid, 0], srcA)
        pltpu.sync_copy(dst_idx.at[cid, sid, 0], dstA)
        plsc.subcore_barrier()

        def process(src_buf, dst_buf, ch_next, nsrc, ndst):
            @pl.when(ch_next < nch)
            def _():
                pltpu.async_copy(src_idx.at[cid, sid, ch_next], nsrc, isem)
                pltpu.async_copy(dst_idx.at[cid, sid, ch_next], ndst, isem)
            for b in range(NBUF):
                pltpu.async_copy(table.at[src_buf.at[b]], rows[b], gsem[b])
            for k in range(idxc):
                s = k % NBUF
                pltpu.make_async_copy(
                    table.at[src_buf.at[k]], rows[s], gsem[s]).wait()
                pltpu.sync_copy(rows[s], acc.at[dst_buf.at[k]], add=True)
                if k + NBUF < idxc:
                    pltpu.async_copy(table.at[src_buf.at[k + NBUF]], rows[s],
                                     gsem[s])

            @pl.when(ch_next < nch)
            def _():
                pltpu.make_async_copy(
                    src_idx.at[cid, sid, ch_next], nsrc, isem).wait()
                pltpu.make_async_copy(
                    dst_idx.at[cid, sid, ch_next], ndst, isem).wait()

        @pl.loop(0, nch // 2)
        def _(i):
            process(srcA, dstA, 2 * i + 1, srcB, dstB)
            process(srcB, dstB, 2 * i + 2, srcA, dstA)

        plsc.subcore_barrier()
        pltpu.sync_copy(acc.at[pl.ds(base, ROWS_PER_TILE)],
                        out.at[cid, pl.ds(base, ROWS_PER_TILE)])

    return functools.partial(
        pl.kernel,
        body,
        out_type=jax.ShapeDtypeStruct((2, NPAD, 128), jnp.float32),
        mesh=_MESH,
        scratch_types=[
            pltpu.VMEM((idxc, bsz), jnp.int32),
            pltpu.VMEM((idxc, bsz), jnp.int32),
            pltpu.VMEM((idxc, bsz), jnp.int32),
            pltpu.VMEM((idxc, bsz), jnp.int32),
            pltpu.VMEM((bsz, 128), jnp.float32),
            pltpu.VMEM((bsz, 128), jnp.float32),
            pltpu.VMEM((bsz, 128), jnp.float32),
            pltpu.VMEM_SHARED((NPAD, 128), jnp.float32),
            pltpu.SemaphoreType.DMA,
            pltpu.SemaphoreType.DMA,
            pltpu.SemaphoreType.DMA,
            pltpu.SemaphoreType.DMA,
        ],
    )()


B1 = 80
IDXC1 = 25
IDXC2 = IDXC // 2
_agg1_call = _make_agg(E // (NTILES * B1), IDXC1, B1)
_agg2_call = _make_agg(E // (2 * NTILES * B), IDXC2, B)


_RB = 1000
_GRID = N // _RB


def _mm1a_body(x_ref, w_ref, h_ref):
    h_ref[...] = jnp.dot(x_ref[...], w_ref[...],
                         preferred_element_type=jnp.float32)


def _mm1a_call(x, W1):
    return pl.pallas_call(
        _mm1a_body,
        grid=(_GRID,),
        in_specs=[
            pl.BlockSpec((_RB, IN_DIM), lambda i: (i, 0)),
            pl.BlockSpec((IN_DIM, HID), lambda i: (0, 0)),
        ],
        out_specs=pl.BlockSpec((_RB, HID), lambda i: (i, 0)),
        out_shape=jax.ShapeDtypeStruct((N, HID), jnp.float32),
    )(x, W1)


def _mm1b_body(h_ref, deg_ref, g_ref, dinv_ref):
    d = deg_ref[0][:, :1] + deg_ref[1][:, :1] + 1.0
    dinv = lax.rsqrt(d)
    g = h_ref[...] * dinv
    g_ref[0] = g[:, :128]
    g_ref[1] = g[:, 128:]
    dinv_ref[...] = jnp.broadcast_to(dinv, (_RB, 128))


def _mm1b_call(h, deg2):
    return pl.pallas_call(
        _mm1b_body,
        grid=(_GRID,),
        in_specs=[
            pl.BlockSpec((_RB, HID), lambda i: (i, 0)),
            pl.BlockSpec((2, _RB, DEGW), lambda i: (0, i, 0)),
        ],
        out_specs=[
            pl.BlockSpec((2, _RB, 128), lambda i: (0, i, 0)),
            pl.BlockSpec((_RB, 128), lambda i: (i, 0)),
        ],
        out_shape=[
            jax.ShapeDtypeStruct((2, N, 128), jnp.float32),
            jax.ShapeDtypeStruct((N, 128), jnp.float32),
        ],
    )(h, deg2)


def _mm2_body(acc_ref, g_ref, dinv_ref, b1_ref, w2_ref, o_ref):
    d = dinv_ref[...]
    a0 = (acc_ref[0] + g_ref[0]) * d + b1_ref[:, :128]
    a1 = (acc_ref[1] + g_ref[1]) * d + b1_ref[:, 128:]
    h1 = jnp.maximum(jnp.concatenate([a0, a1], axis=1), 0.0)
    o_ref[...] = jnp.dot(h1, w2_ref[...],
                         preferred_element_type=jnp.float32) * d


def _mm2_call(acc1, gsplit, dinv, b1, W2):
    return pl.pallas_call(
        _mm2_body,
        grid=(_GRID,),
        in_specs=[
            pl.BlockSpec((2, _RB, 128), lambda i: (0, i, 0)),
            pl.BlockSpec((2, _RB, 128), lambda i: (0, i, 0)),
            pl.BlockSpec((_RB, 128), lambda i: (i, 0)),
            pl.BlockSpec((1, HID), lambda i: (0, 0)),
            pl.BlockSpec((HID, OUT), lambda i: (0, 0)),
        ],
        out_specs=pl.BlockSpec((_RB, OUT), lambda i: (i, 0)),
        out_shape=jax.ShapeDtypeStruct((N, OUT), jnp.float32),
    )(acc1, gsplit, dinv, b1, W2)


def _fin_body(acc_ref, g2_ref, dinv_ref, b2_ref, o_ref):
    h2 = (acc_ref[0] + acc_ref[1] + g2_ref[...]) * dinv_ref[...] + b2_ref[...]
    nrm = jnp.sqrt(jnp.sum(h2 * h2, axis=1, keepdims=True))
    o_ref[...] = h2 / jnp.maximum(nrm, 1e-12)


def _fin_call(acc2, g2, dinv, b2):
    return pl.pallas_call(
        _fin_body,
        grid=(_GRID,),
        in_specs=[
            pl.BlockSpec((2, _RB, OUT), lambda i: (0, i, 0)),
            pl.BlockSpec((_RB, OUT), lambda i: (i, 0)),
            pl.BlockSpec((_RB, 128), lambda i: (i, 0)),
            pl.BlockSpec((1, OUT), lambda i: (0, 0)),
        ],
        out_specs=pl.BlockSpec((_RB, OUT), lambda i: (i, 0)),
        out_shape=jax.ShapeDtypeStruct((N, OUT), jnp.float32),
    )(acc2, g2, dinv, b2)


def kernel(x, edge_index, W1, b1, W2, b2):
    src = edge_index[0].astype(jnp.int32)
    dst = edge_index[1].astype(jnp.int32)

    offs = (jnp.arange(2, dtype=jnp.int32) * N)[:, None]
    src_l1 = (src[None, :] + offs).reshape(2, NTILES, -1, IDXC1, B1)
    dst_l1 = jnp.broadcast_to(dst[None, :], (2, E)).reshape(2, NTILES, -1,
                                                            IDXC1, B1)
    src_l2 = src.reshape(2, NTILES, -1, IDXC2, B)
    dst_l2 = dst.reshape(2, NTILES, -1, IDXC2, B)
    dst_deg = dst.reshape(2, NTILES, -1, B)

    zeros128 = jnp.zeros((NPAD, 128), jnp.float32)
    zeros_deg = jnp.zeros((NPAD, DEGW), jnp.float32)
    ones_deg = jnp.ones((B, DEGW), jnp.float32)

    deg2 = _deg_call(dst_deg, zeros_deg, ones_deg)
    h = _mm1a_call(x, W1)
    gsplit, dinv = _mm1b_call(h, deg2)
    acc1 = _agg1_call(gsplit.reshape(2 * N, 128), src_l1, dst_l1, zeros128)
    g2 = _mm2_call(acc1, gsplit, dinv, b1.reshape(1, HID), W2)
    acc2 = _agg2_call(g2, src_l2, dst_l2, zeros128)
    return _fin_call(acc2, g2, dinv, b2.reshape(1, OUT))

# --- scband reference (transcript-rebuilt; emitter-appended) ---
"""Pipeline reference for scband-gcn-77721728188759 (READ-ONLY COPY).

The authoritative reference and input builder live on the scoring server;
editing this copy changes nothing except your own understanding.
"""

import jax, jax.numpy as jnp
import numpy as np

N_NODES = 10000
N_EDGES = 320000
IN_DIM = 1536
HIDDEN_DIM = 256
OUT_DIM = 128


def setup_inputs(seed: int = 0) -> dict:
    key = jax.random.key(seed)
    k1, k2, k3, k4, k5, k6 = jax.random.split(key, 6)
    x = jax.random.normal(k1, (N_NODES, IN_DIM), dtype=jnp.float32)
    edge_index = jax.random.randint(k2, (2, N_EDGES), 0, N_NODES, dtype=jnp.int64)
    # Glorot-style init for GCNConv weights, zeros for bias (PyG default)
    s1 = float(np.sqrt(6.0 / (IN_DIM + HIDDEN_DIM)))
    W1 = jax.random.uniform(k3, (IN_DIM, HIDDEN_DIM), dtype=jnp.float32, minval=-s1, maxval=s1)
    b1 = jnp.zeros((HIDDEN_DIM,), dtype=jnp.float32)
    s2 = float(np.sqrt(6.0 / (HIDDEN_DIM + OUT_DIM)))
    W2 = jax.random.uniform(k4, (HIDDEN_DIM, OUT_DIM), dtype=jnp.float32, minval=-s2, maxval=s2)
    b2 = jnp.zeros((OUT_DIM,), dtype=jnp.float32)
    return {"x": x, "edge_index": edge_index, "W1": W1, "b1": b1, "W2": W2, "b2": b2}


def _gcn_conv(x, W, b, src, dst, n_nodes):
    # GCNConv with added self loops and symmetric normalization:
    # out = D^{-1/2} (A + I) D^{-1/2} (x W) + b
    deg = jax.ops.segment_sum(jnp.ones_like(dst, dtype=x.dtype), dst, num_segments=n_nodes)
    dinv = jnp.where(deg > 0, 1.0 / jnp.sqrt(deg), 0.0)
    norm = dinv[src] * dinv[dst]
    h = x @ W
    msgs = h[src] * norm[:, None]
    out = jax.ops.segment_sum(msgs, dst, num_segments=n_nodes)
    return out + b


def reference(x, edge_index, W1, b1, W2, b2):
    n = x.shape[0]
    loop = jnp.arange(n, dtype=edge_index.dtype)
    src = jnp.concatenate([edge_index[0], loop])
    dst = jnp.concatenate([edge_index[1], loop])
    h = _gcn_conv(x, W1, b1, src, dst, n)
    h = jax.nn.relu(h)
    h = _gcn_conv(h, W2, b2, src, dst, n)
    # F.normalize(h, dim=1), eps=1e-12
    nrm = jnp.linalg.norm(h, axis=1, keepdims=True)
    return h / jnp.maximum(nrm, 1e-12)

if __name__ == "__main__":
    import jax
    _d = setup_inputs()
    print(jax.jit(kernel)(*tuple(_d.values())))

</pallas_src>

<mosaic_0001>
#map = affine_map<(d0, d1) -> (0, 0)>
#map1 = affine_map<(d0, d1) -> (0, 0, 0, 0, 0)>
#map2 = affine_map<(d0, d1) -> (0, 0, 0)>
module attributes {stable_mosaic.version = 14 : i64} {
  func.func @body(%arg0: i32, %arg1: i32, %arg2: memref<10000x128xf32, #tpu.memory_space<hbm>>, %arg3: memref<2x16x10x10x100xi32, #tpu.memory_space<hbm>>, %arg4: memref<2x16x10x10x100xi32, #tpu.memory_space<hbm>>, %arg5: memref<10240x128xf32, #tpu.memory_space<hbm>>, %arg6: memref<2x10240x128xf32, #tpu.memory_space<hbm>>, %arg7: memref<10x100xi32, #tpu.memory_space<vmem>>, %arg8: memref<10x100xi32, #tpu.memory_space<vmem>>, %arg9: memref<10x100xi32, #tpu.memory_space<vmem>>, %arg10: memref<10x100xi32, #tpu.memory_space<vmem>>, %arg11: memref<100x128xf32, #tpu.memory_space<vmem>>, %arg12: memref<100x128xf32, #tpu.memory_space<vmem>>, %arg13: memref<100x128xf32, #tpu.memory_space<vmem>>, %arg14: memref<10240x128xf32, #tpu.memory_space<vmem_shared>>, %arg15: memref<!tpu.dma_semaphore, #tpu.memory_space<semaphore_mem>>, %arg16: memref<!tpu.dma_semaphore, #tpu.memory_space<semaphore_mem>>, %arg17: memref<!tpu.dma_semaphore, #tpu.memory_space<semaphore_mem>>, %arg18: memref<!tpu.dma_semaphore, #tpu.memory_space<semaphore_mem>>) attributes {dimension_semantics = [#tpu.dimension_semantics<core_parallel>, #tpu.dimension_semantics<subcore_parallel>], iteration_bounds = array<i64: 2, 16>, scalar_prefetch = 0 : i64, scratch_operands = 12 : i64, tpu.core_type = #tpu.core_type<sc_vector_subcore>, window_params = [{transform_indices = #map}, {transform_indices = #map1}, {transform_indices = #map1}, {transform_indices = #map}, {transform_indices = #map2}]} {
    %mul3A = arith.constant 640 : i32
    %mul3A_0 = arith.muli %arg1, %mul3A : i32
    "tpu.region"() ({
      %run_scoped3A_7 = tpu.sem_alloc : memref<!tpu.dma_semaphore, #tpu.memory_space<semaphore_mem>>
      %dma_start3A = arith.constant 0 : i32
      %dma_start3A_8 = tpu.memref_slice %arg14[%mul3A_0, %dma_start3A] : memref<10240x128xf32, #tpu.memory_space<vmem_shared>> -> memref<640x128xf32, #tpu.memory_space<vmem_shared>>
      %dma_start3A_9 = arith.constant 0 : i32
      %dma_start3A_10 = tpu.memref_slice %arg5[%mul3A_0, %dma_start3A_9] : memref<10240x128xf32, #tpu.memory_space<hbm>> -> memref<640x128xf32, #tpu.memory_space<hbm>>
      tpu.enqueue_dma source(%dma_start3A_10 : memref<640x128xf32, #tpu.memory_space<hbm>>) target(%dma_start3A_8 : memref<640x128xf32, #tpu.memory_space<vmem_shared>>) target_semaphore(%run_scoped3A_7 : memref<!tpu.dma_semaphore, #tpu.memory_space<semaphore_mem>>)
      %dma_wait3A = arith.constant 0 : i32
      %dma_wait3A_11 = tpu.memref_slice %arg14[%mul3A_0, %dma_wait3A] : memref<10240x128xf32, #tpu.memory_space<vmem_shared>> -> memref<640x128xf32, #tpu.memory_space<vmem_shared>>
      %dma_wait3A_12 = arith.constant 0 : i32
      %dma_wait3A_13 = tpu.memref_slice %arg5[%mul3A_0, %dma_wait3A_12] : memref<10240x128xf32, #tpu.memory_space<hbm>> -> memref<640x128xf32, #tpu.memory_space<hbm>>
      tpu.wait_dma2 semaphore(%run_scoped3A_7 : memref<!tpu.dma_semaphore, #tpu.memory_space<semaphore_mem>>) src(%dma_wait3A_13 : memref<640x128xf32, #tpu.memory_space<hbm>>) dst(%dma_wait3A_11 : memref<640x128xf32, #tpu.memory_space<vmem_shared>>)
      tpu.yield
    }) : () -> ()
    %run_scoped3A = arith.constant 0 : i32
    "tpu.region"() ({
      %run_scoped3A_7 = tpu.sem_alloc : memref<!tpu.dma_semaphore, #tpu.memory_space<semaphore_mem>>
      %dma_start3A = arith.constant 0 : i32
      %dma_start3A_8 = arith.constant 0 : i32
      %dma_start3A_9 = tpu.memref_slice %arg3[%arg0, %arg1, %run_scoped3A, %dma_start3A, %dma_start3A_8] : memref<2x16x10x10x100xi32, #tpu.memory_space<hbm>> -> memref<1x1x1x10x100xi32, #tpu.memory_space<hbm>>
      %dma_start3A_10 = tpu.memref_squeeze %dma_start3A_9 : memref<1x1x1x10x100xi32, #tpu.memory_space<hbm>> -> memref<10x100xi32, #tpu.memory_space<hbm>>
      %dma_start3A_11 = arith.constant 0 : i32
      %dma_start3A_12 = arith.constant 0 : i32
      %dma_start3A_13 = tpu.memref_slice %arg3[%arg0, %arg1, %run_scoped3A, %dma_start3A_11, %dma_start3A_12] : memref<2x16x10x10x100xi32, #tpu.memory_space<hbm>> -> memref<1x1x1x10x100xi32, #tpu.memory_space<hbm>>
      %dma_start3A_14 = tpu.memref_squeeze %dma_start3A_13 : memref<1x1x1x10x100xi32, #tpu.memory_space<hbm>> -> memref<10x100xi32, #tpu.memory_space<hbm>>
      tpu.enqueue_dma source(%dma_start3A_14 : memref<10x100xi32, #tpu.memory_space<hbm>>) target(%arg7 : memref<10x100xi32, #tpu.memory_space<vmem>>) target_semaphore(%run_scoped3A_7 : memref<!tpu.dma_semaphore, #tpu.memory_space<semaphore_mem>>)
      %dma_wait3A = arith.constant 0 : i32
      %dma_wait3A_15 = arith.constant 0 : i32
      %dma_wait3A_16 = tpu.memref_slice %arg3[%arg0, %arg1, %run_scoped3A, %dma_wait3A, %dma_wait3A_15] : memref<2x16x10x10x100xi32, #tpu.memory_space<hbm>> -> memref<1x1x1x10x100xi32, #tpu.memory_space<hbm>>
      %dma_wait3A_17 = tpu.memref_squeeze %dma_wait3A_16 : memref<1x1x1x10x100xi32, #tpu.memory_space<hbm>> -> memref<10x100xi32, #tpu.memory_space<hbm>>
      %dma_wait3A_18 = arith.constant 0 : i32
      %dma_wait3A_19 = arith.constant 0 : i32
      %dma_wait3A_20 = tpu.memref_slice %arg3[%arg0, %arg1, %run_scoped3A, %dma_wait3A_18, %dma_wait3A_19] : memref<2x16x10x10x100xi32, #tpu.memory_space<hbm>> -> memref<1x1x1x10x100xi32, #tpu.memory_space<hbm>>
      %dma_wait3A_21 = tpu.memref_squeeze %dma_wait3A_20 : memref<1x1x1x10x100xi32, #tpu.memory_space<hbm>> -> memref<10x100xi32, #tpu.memory_space<hbm>>
      tpu.wait_dma2 semaphore(%run_scoped3A_7 : memref<!tpu.dma_semaphore, #tpu.memory_space<semaphore_mem>>) src(%dma_wait3A_21 : memref<10x100xi32, #tpu.memory_space<hbm>>) dst(%arg7 : memref<10x100xi32, #tpu.memory_space<vmem>>)
      tpu.yield
    }) : () -> ()
    %run_scoped3A_1 = arith.constant 0 : i32
    "tpu.region"() ({
      %run_scoped3A_7 = tpu.sem_alloc : memref<!tpu.dma_semaphore, #tpu.memory_space<semaphore_mem>>
      %dma_start3A = arith.constant 0 : i32
      %dma_start3A_8 = arith.constant 0 : i32
      %dma_start3A_9 = tpu.memref_slice %arg4[%arg0, %arg1, %run_scoped3A_1, %dma_start3A, %dma_start3A_8] : memref<2x16x10x10x100xi32, #tpu.memory_space<hbm>> -> memref<1x1x1x10x100xi32, #tpu.memory_space<hbm>>
      %dma_start3A_10 = tpu.memref_squeeze %dma_start3A_9 : memref<1x1x1x10x100xi32, #tpu.memory_space<hbm>> -> memref<10x100xi32, #tpu.memory_space<hbm>>
      %dma_start3A_11 = arith.constant 0 : i32
      %dma_start3A_12 = arith.constant 0 : i32
      %dma_start3A_13 = tpu.memref_slice %arg4[%arg0, %arg1, %run_scoped3A_1, %dma_start3A_11, %dma_start3A_12] : memref<2x16x10x10x100xi32, #tpu.memory_space<hbm>> -> memref<1x1x1x10x100xi32, #tpu.memory_space<hbm>>
      %dma_start3A_14 = tpu.memref_squeeze %dma_start3A_13 : memref<1x1x1x10x100xi32, #tpu.memory_space<hbm>> -> memref<10x100xi32, #tpu.memory_space<hbm>>
      tpu.enqueue_dma source(%dma_start3A_14 : memref<10x100xi32, #tpu.memory_space<hbm>>) target(%arg8 : memref<10x100xi32, #tpu.memory_space<vmem>>) target_semaphore(%run_scoped3A_7 : memref<!tpu.dma_semaphore, #tpu.memory_space<semaphore_mem>>)
      %dma_wait3A = arith.constant 0 : i32
      %dma_wait3A_15 = arith.constant 0 : i32
      %dma_wait3A_16 = tpu.memref_slice %arg4[%arg0, %arg1, %run_scoped3A_1, %dma_wait3A, %dma_wait3A_15] : memref<2x16x10x10x100xi32, #tpu.memory_space<hbm>> -> memref<1x1x1x10x100xi32, #tpu.memory_space<hbm>>
      %dma_wait3A_17 = tpu.memref_squeeze %dma_wait3A_16 : memref<1x1x1x10x100xi32, #tpu.memory_space<hbm>> -> memref<10x100xi32, #tpu.memory_space<hbm>>
      %dma_wait3A_18 = arith.constant 0 : i32
      %dma_wait3A_19 = arith.constant 0 : i32
      %dma_wait3A_20 = tpu.memref_slice %arg4[%arg0, %arg1, %run_scoped3A_1, %dma_wait3A_18, %dma_wait3A_19] : memref<2x16x10x10x100xi32, #tpu.memory_space<hbm>> -> memref<1x1x1x10x100xi32, #tpu.memory_space<hbm>>
      %dma_wait3A_21 = tpu.memref_squeeze %dma_wait3A_20 : memref<1x1x1x10x100xi32, #tpu.memory_space<hbm>> -> memref<10x100xi32, #tpu.memory_space<hbm>>
      tpu.wait_dma2 semaphore(%run_scoped3A_7 : memref<!tpu.dma_semaphore, #tpu.memory_space<semaphore_mem>>) src(%dma_wait3A_21 : memref<10x100xi32, #tpu.memory_space<hbm>>) dst(%arg8 : memref<10x100xi32, #tpu.memory_space<vmem>>)
      tpu.yield
    }) : () -> ()
    %barrier3A = arith.constant 0 : index
    tpu.barrier barrier_id(%barrier3A)
    %scan3A = arith.constant 0 : i32
    %scan3A_2 = arith.constant 5 : i32
    %scan3A_3 = arith.addi %scan3A, %scan3A_2 : i32
    %scan3A_4 = arith.constant 1 : i32
    scf.for %scan3A_7 = %scan3A to %scan3A_3 step %scan3A_4  : i32 {
      %mul3A_8 = arith.constant 1 : i32
      %mul3A_9 = arith.muli %scan3A_7, %mul3A_8 : i32
      %add3A = arith.constant 0 : i32
      %add3A_10 = arith.addi %add3A, %mul3A_9 : i32
      %mul3A_11 = arith.constant 2 : i32
      %mul3A_12 = arith.muli %mul3A_11, %add3A_10 : i32
      %add3A_13 = arith.constant 1 : i32
      %add3A_14 = arith.addi %mul3A_12, %add3A_13 : i32
      %lt3A = arith.constant 10 : i32
      %lt3A_15 = arith.cmpi slt, %add3A_14, %lt3A : i32
      %convert_element_type3A = arith.extui %lt3A_15 : i1 to i32
      %cond3A = arith.constant 0 : i32
      %cond3A_16 = arith.cmpi ne, %convert_element_type3A, %cond3A : i32
      scf.if %cond3A_16 {
        %dma_start3A_334 = arith.constant 0 : i32
        %dma_start3A_335 = arith.constant 0 : i32
        %dma_start3A_336 = tpu.memref_slice %arg3[%arg0, %arg1, %add3A_14, %dma_start3A_334, %dma_start3A_335] : memref<2x16x10x10x100xi32, #tpu.memory_space<hbm>> -> memref<1x1x1x10x100xi32, #tpu.memory_space<hbm>>
        %dma_start3A_337 = tpu.memref_squeeze %dma_start3A_336 : memref<1x1x1x10x100xi32, #tpu.memory_space<hbm>> -> memref<10x100xi32, #tpu.memory_space<hbm>>
        %dma_start3A_338 = arith.constant 0 : i32
        %dma_start3A_339 = arith.constant 0 : i32
        %dma_start3A_340 = tpu.memref_slice %arg3[%arg0, %arg1, %add3A_14, %dma_start3A_338, %dma_start3A_339] : memref<2x16x10x10x100xi32, #tpu.memory_space<hbm>> -> memref<1x1x1x10x100xi32, #tpu.memory_space<hbm>>
        %dma_start3A_341 = tpu.memref_squeeze %dma_start3A_340 : memref<1x1x1x10x100xi32, #tpu.memory_space<hbm>> -> memref<10x100xi32, #tpu.memory_space<hbm>>
        tpu.enqueue_dma source(%dma_start3A_341 : memref<10x100xi32, #tpu.memory_space<hbm>>) target(%arg9 : memref<10x100xi32, #tpu.memory_space<vmem>>) target_semaphore(%arg18 : memref<!tpu.dma_semaphore, #tpu.memory_space<semaphore_mem>>)
        %dma_start3A_342 = arith.constant 0 : i32
        %dma_start3A_343 = arith.constant 0 : i32
        %dma_start3A_344 = tpu.memref_slice %arg4[%arg0, %arg1, %add3A_14, %dma_start3A_342, %dma_start3A_343] : memref<2x16x10x10x100xi32, #tpu.memory_space<hbm>> -> memref<1x1x1x10x100xi32, #tpu.memory_space<hbm>>
        %dma_start3A_345 = tpu.memref_squeeze %dma_start3A_344 : memref<1x1x1x10x100xi32, #tpu.memory_space<hbm>> -> memref<10x100xi32, #tpu.memory_space<hbm>>
        %dma_start3A_346 = arith.constant 0 : i32
        %dma_start3A_347 = arith.constant 0 : i32
        %dma_start3A_348 = tpu.memref_slice %arg4[%arg0, %arg1, %add3A_14, %dma_start3A_346, %dma_start3A_347] : memref<2x16x10x10x100xi32, #tpu.memory_space<hbm>> -> memref<1x1x1x10x100xi32, #tpu.memory_space<hbm>>
        %dma_start3A_349 = tpu.memref_squeeze %dma_start3A_348 : memref<1x1x1x10x100xi32, #tpu.memory_space<hbm>> -> memref<10x100xi32, #tpu.memory_space<hbm>>
        tpu.enqueue_dma source(%dma_start3A_349 : memref<10x100xi32, #tpu.memory_space<hbm>>) target(%arg10 : memref<10x100xi32, #tpu.memory_space<vmem>>) target_semaphore(%arg18 : memref<!tpu.dma_semaphore, #tpu.memory_space<semaphore_mem>>)
      } else {
      }
      %dma_start3A = arith.constant 0 : i32
      %dma_start3A_17 = arith.constant 0 : i32
      %dma_start3A_18 = tpu.memref_slice %arg7[%dma_start3A, %dma_start3A_17] : memref<10x100xi32, #tpu.memory_space<vmem>> -> memref<1x100xi32, #tpu.memory_space<vmem>>
      %dma_start3A_19 = tpu.memref_squeeze %dma_start3A_18 : memref<1x100xi32, #tpu.memory_space<vmem>> -> memref<100xi32, #tpu.memory_space<vmem>>
      %dma_start3A_20 = arith.constant 0 : i32
      %dma_start3A_21 = arith.constant 0 : i32
      %dma_start3A_22 = tpu.memref_slice %arg2[%dma_start3A_20, %dma_start3A_21] : memref<10000x128xf32, #tpu.memory_space<hbm>> -> memref<10000x128xf32, #tpu.memory_space<hbm>>
      tpu.enqueue_indirect_dma source(%dma_start3A_22 : memref<10000x128xf32, #tpu.memory_space<hbm>>) target(%arg11 : memref<100x128xf32, #tpu.memory_space<vmem>>) offsets(%dma_start3A_19 : memref<100xi32, #tpu.memory_space<vmem>>) semaphore(%arg15 : memref<!tpu.dma_semaphore, #tpu.memory_space<semaphore_mem>>)
      %dma_start3A_23 = arith.constant 1 : i32
      %dma_start3A_24 = arith.constant 0 : i32
      %dma_start3A_25 = tpu.memref_slice %arg7[%dma_start3A_23, %dma_start3A_24] : memref<10x100xi32, #tpu.memory_space<vmem>> -> memref<1x100xi32, #tpu.memory_space<vmem>>
      %dma_start3A_26 = tpu.memref_squeeze %dma_start3A_25 : memref<1x100xi32, #tpu.memory_space<vmem>> -> memref<100xi32, #tpu.memory_space<vmem>>
      %dma_start3A_27 = arith.constant 0 : i32
      %dma_start3A_28 = arith.constant 0 : i32
      %dma_start3A_29 = tpu.memref_slice %arg2[%dma_start3A_27, %dma_start3A_28] : memref<10000x128xf32, #tpu.memory_space<hbm>> -> memref<10000x128xf32, #tpu.memory_space<hbm>>
      tpu.enqueue_indirect_dma source(%dma_start3A_29 : memref<10000x128xf32, #tpu.memory_space<hbm>>) target(%arg12 : memref<100x128xf32, #tpu.memory_space<vmem>>) offsets(%dma_start3A_26 : memref<100xi32, #tpu.memory_space<vmem>>) semaphore(%arg16 : memref<!tpu.dma_semaphore, #tpu.memory_space<semaphore_mem>>)
      %dma_start3A_30 = arith.constant 2 : i32
      %dma_start3A_31 = arith.constant 0 : i32
      %dma_start3A_32 = tpu.memref_slice %arg7[%dma_start3A_30, %dma_start3A_31] : memref<10x100xi32, #tpu.memory_space<vmem>> -> memref<1x100xi32, #tpu.memory_space<vmem>>
      %dma_start3A_33 = tpu.memref_squeeze %dma_start3A_32 : memref<1x100xi32, #tpu.memory_space<vmem>> -> memref<100xi32, #tpu.memory_space<vmem>>
      %dma_start3A_34 = arith.constant 0 : i32
      %dma_start3A_35 = arith.constant 0 : i32
      %dma_start3A_36 = tpu.memref_slice %arg2[%dma_start3A_34, %dma_start3A_35] : memref<10000x128xf32, #tpu.memory_space<hbm>> -> memref<10000x128xf32, #tpu.memory_space<hbm>>
      tpu.enqueue_indirect_dma source(%dma_start3A_36 : memref<10000x128xf32, #tpu.memory_space<hbm>>) target(%arg13 : memref<100x128xf32, #tpu.memory_space<vmem>>) offsets(%dma_start3A_33 : memref<100xi32, #tpu.memory_space<vmem>>) semaphore(%arg17 : memref<!tpu.dma_semaphore, #tpu.memory_space<semaphore_mem>>)
      %dma_wait3A = arith.constant 0 : i32
      %dma_wait3A_37 = arith.constant 0 : i32
      %dma_wait3A_38 = tpu.memref_slice %arg7[%dma_wait3A, %dma_wait3A_37] : memref<10x100xi32, #tpu.memory_space<vmem>> -> memref<1x100xi32, #tpu.memory_space<vmem>>
      %dma_wait3A_39 = tpu.memref_squeeze %dma_wait3A_38 : memref<1x100xi32, #tpu.memory_space<vmem>> -> memref<100xi32, #tpu.memory_space<vmem>>
      %dma_wait3A_40 = arith.constant 0 : i32
      %dma_wait3A_41 = arith.constant 0 : i32
      %dma_wait3A_42 = tpu.memref_slice %arg2[%dma_wait3A_40, %dma_wait3A_41] : memref<10000x128xf32, #tpu.memory_space<hbm>> -> memref<10000x128xf32, #tpu.memory_space<hbm>>
      tpu.wait_indirect_dma semaphore(%arg15 : memref<!tpu.dma_semaphore, #tpu.memory_space<semaphore_mem>>) src(%dma_wait3A_42 : memref<10000x128xf32, #tpu.memory_space<hbm>>) dst(%arg11 : memref<100x128xf32, #tpu.memory_space<vmem>>)
      %run_scoped3A_43 = arith.constant 0 : i32
      "tpu.region"() ({
        %run_scoped3A_334 = tpu.sem_alloc : memref<!tpu.dma_semaphore, #tpu.memory_space<semaphore_mem>>
        %dma_start3A_335 = arith.constant 0 : i32
        %dma_start3A_336 = tpu.memref_slice %arg8[%run_scoped3A_43, %dma_start3A_335] : memref<10x100xi32, #tpu.memory_space<vmem>> -> memref<1x100xi32, #tpu.memory_space<vmem>>
        %dma_start3A_337 = tpu.memref_squeeze %dma_start3A_336 : memref<1x100xi32, #tpu.memory_space<vmem>> -> memref<100xi32, #tpu.memory_space<vmem>>
        %dma_start3A_338 = arith.constant 0 : i32
        %dma_start3A_339 = arith.constant 0 : i32
        %dma_start3A_340 = tpu.memref_slice %arg14[%dma_start3A_338, %dma_start3A_339] : memref<10240x128xf32, #tpu.memory_space<vmem_shared>> -> memref<10240x128xf32, #tpu.memory_space<vmem_shared>>
        tpu.enqueue_indirect_dma source(%arg11 : memref<100x128xf32, #tpu.memory_space<vmem>>) target(%dma_start3A_340 : memref<10240x128xf32, #tpu.memory_space<vmem_shared>>) offsets(%dma_start3A_337 : memref<100xi32, #tpu.memory_space<vmem>>) semaphore(%run_scoped3A_334 : memref<!tpu.dma_semaphore, #tpu.memory_space<semaphore_mem>>) {add = true}
        %dma_wait3A_341 = arith.constant 0 : i32
        %dma_wait3A_342 = tpu.memref_slice %arg8[%run_scoped3A_43, %dma_wait3A_341] : memref<10x100xi32, #tpu.memory_space<vmem>> -> memref<1x100xi32, #tpu.memory_space<vmem>>
        %dma_wait3A_343 = tpu.memref_squeeze %dma_wait3A_342 : memref<1x100xi32, #tpu.memory_space<vmem>> -> memref<100xi32, #tpu.memory_space<vmem>>
        %dma_wait3A_344 = arith.constant 0 : i32
        %dma_wait3A_345 = arith.constant 0 : i32
        %dma_wait3A_346 = tpu.memref_slice %arg14[%dma_wait3A_344, %dma_wait3A_345] : memref<10240x128xf32, #tpu.memory_space<vmem_shared>> -> memref<10240x128xf32, #tpu.memory_space<vmem_shared>>
        tpu.wait_indirect_dma semaphore(%run_scoped3A_334 : memref<!tpu.dma_semaphore, #tpu.memory_space<semaphore_mem>>) src(%arg11 : memref<100x128xf32, #tpu.memory_space<vmem>>) dst(%dma_wait3A_346 : memref<10240x128xf32, #tpu.memory_space<vmem_shared>>)
        tpu.yield
      }) : () -> ()
      %dma_start3A_44 = arith.constant 3 : i32
      %dma_start3A_45 = arith.constant 0 : i32
      %dma_start3A_46 = tpu.memref_slice %arg7[%dma_start3A_44, %dma_start3A_45] : memref<10x100xi32, #tpu.memory_space<vmem>> -> memref<1x100xi32, #tpu.memory_space<vmem>>
      %dma_start3A_47 = tpu.memref_squeeze %dma_start3A_46 : memref<1x100xi32, #tpu.memory_space<vmem>> -> memref<100xi32, #tpu.memory_space<vmem>>
      %dma_start3A_48 = arith.constant 0 : i32
      %dma_start3A_49 = arith.constant 0 : i32
      %dma_start3A_50 = tpu.memref_slice %arg2[%dma_start3A_48, %dma_start3A_49] : memref<10000x128xf32, #tpu.memory_space<hbm>> -> memref<10000x128xf32, #tpu.memory_space<hbm>>
      tpu.enqueue_indirect_dma source(%dma_start3A_50 : memref<10000x128xf32, #tpu.memory_space<hbm>>) target(%arg11 : memref<100x128xf32, #tpu.memory_space<vmem>>) offsets(%dma_start3A_47 : memref<100xi32, #tpu.memory_space<vmem>>) semaphore(%arg15 : memref<!tpu.dma_semaphore, #tpu.memory_space<semaphore_mem>>)
      %dma_wait3A_51 = arith.constant 1 : i32
      %dma_wait3A_52 = arith.constant 0 : i32
      %dma_wait3A_53 = tpu.memref_slice %arg7[%dma_wait3A_51, %dma_wait3A_52] : memref<10x100xi32, #tpu.memory_space<vmem>> -> memref<1x100xi32, #tpu.memory_space<vmem>>
      %dma_wait3A_54 = tpu.memref_squeeze %dma_wait3A_53 : memref<1x100xi32, #tpu.memory_space<vmem>> -> memref<100xi32, #tpu.memory_space<vmem>>
      %dma_wait3A_55 = arith.constant 0 : i32
      %dma_wait3A_56 = arith.constant 0 : i32
      %dma_wait3A_57 = tpu.memref_slice %arg2[%dma_wait3A_55, %dma_wait3A_56] : memref<10000x128xf32, #tpu.memory_space<hbm>> -> memref<10000x128xf32, #tpu.memory_space<hbm>>
      tpu.wait_indirect_dma semaphore(%arg16 : memref<!tpu.dma_semaphore, #tpu.memory_space<semaphore_mem>>) src(%dma_wait3A_57 : memref<10000x128xf32, #tpu.memory_space<hbm>>) dst(%arg12 : memref<100x128xf32, #tpu.memory_space<vmem>>)
      %run_scoped3A_58 = arith.constant 1 : i32
      "tpu.region"() ({
        %run_scoped3A_334 = tpu.sem_alloc : memref<!tpu.dma_semaphore, #tpu.memory_space<semaphore_mem>>
        %dma_start3A_335 = arith.constant 0 : i32
        %dma_start3A_336 = tpu.memref_slice %arg8[%run_scoped3A_58, %dma_start3A_335] : memref<10x100xi32, #tpu.memory_space<vmem>> -> memref<1x100xi32, #tpu.memory_space<vmem>>
        %dma_start3A_337 = tpu.memref_squeeze %dma_start3A_336 : memref<1x100xi32, #tpu.memory_space<vmem>> -> memref<100xi32, #tpu.memory_space<vmem>>
        %dma_start3A_338 = arith.constant 0 : i32
        %dma_start3A_339 = arith.constant 0 : i32
        %dma_start3A_340 = tpu.memref_slice %arg14[%dma_start3A_338, %dma_start3A_339] : memref<10240x128xf32, #tpu.memory_space<vmem_shared>> -> memref<10240x128xf32, #tpu.memory_space<vmem_shared>>
        tpu.enqueue_indirect_dma source(%arg12 : memref<100x128xf32, #tpu.memory_space<vmem>>) target(%dma_start3A_340 : memref<10240x128xf32, #tpu.memory_space<vmem_shared>>) offsets(%dma_start3A_337 : memref<100xi32, #tpu.memory_space<vmem>>) semaphore(%run_scoped3A_334 : memref<!tpu.dma_semaphore, #tpu.memory_space<semaphore_mem>>) {add = true}
        %dma_wait3A_341 = arith.constant 0 : i32
        %dma_wait3A_342 = tpu.memref_slice %arg8[%run_scoped3A_58, %dma_wait3A_341] : memref<10x100xi32, #tpu.memory_space<vmem>> -> memref<1x100xi32, #tpu.memory_space<vmem>>
        %dma_wait3A_343 = tpu.memref_squeeze %dma_wait3A_342 : memref<1x100xi32, #tpu.memory_space<vmem>> -> memref<100xi32, #tpu.memory_space<vmem>>
        %dma_wait3A_344 = arith.constant 0 : i32
        %dma_wait3A_345 = arith.constant 0 : i32
        %dma_wait3A_346 = tpu.memref_slice %arg14[%dma_wait3A_344, %dma_wait3A_345] : memref<10240x128xf32, #tpu.memory_space<vmem_shared>> -> memref<10240x128xf32, #tpu.memory_space<vmem_shared>>
        tpu.wait_indirect_dma semaphore(%run_scoped3A_334 : memref<!tpu.dma_semaphore, #tpu.memory_space<semaphore_mem>>) src(%arg12 : memref<100x128xf32, #tpu.memory_space<vmem>>) dst(%dma_wait3A_346 : memref<10240x128xf32, #tpu.memory_space<vmem_shared>>)
        tpu.yield
      }) : () -> ()
      %dma_start3A_59 = arith.constant 4 : i32
      %dma_start3A_60 = arith.constant 0 : i32
      %dma_start3A_61 = tpu.memref_slice %arg7[%dma_start3A_59, %dma_start3A_60] : memref<10x100xi32, #tpu.memory_space<vmem>> -> memref<1x100xi32, #tpu.memory_space<vmem>>
      %dma_start3A_62 = tpu.memref_squeeze %dma_start3A_61 : memref<1x100xi32, #tpu.memory_space<vmem>> -> memref<100xi32, #tpu.memory_space<vmem>>
      %dma_start3A_63 = arith.constant 0 : i32
      %dma_start3A_64 = arith.constant 0 : i32
      %dma_start3A_65 = tpu.memref_slice %arg2[%dma_start3A_63, %dma_start3A_64] : memref<10000x128xf32, #tpu.memory_space<hbm>> -> memref<10000x128xf32, #tpu.memory_space<hbm>>
      tpu.enqueue_indirect_dma source(%dma_start3A_65 : memref<10000x128xf32, #tpu.memory_space<hbm>>) target(%arg12 : memref<100x128xf32, #tpu.memory_space<vmem>>) offsets(%dma_start3A_62 : memref<100xi32, #tpu.memory_space<vmem>>) semaphore(%arg16 : memref<!tpu.dma_semaphore, #tpu.memory_space<semaphore_mem>>)
      %dma_wait3A_66 = arith.constant 2 : i32
      %dma_wait3A_67 = arith.constant 0 : i32
      %dma_wait3A_68 = tpu.memref_slice %arg7[%dma_wait3A_66, %dma_wait3A_67] : memref<10x100xi32, #tpu.memory_space<vmem>> -> memref<1x100xi32, #tpu.memory_space<vmem>>
      %dma_wait3A_69 = tpu.memref_squeeze %dma_wait3A_68 : memref<1x100xi32, #tpu.memory_space<vmem>> -> memref<100xi32, #tpu.memory_space<vmem>>
      %dma_wait3A_70 = arith.constant 0 : i32
      %dma_wait3A_71 = arith.constant 0 : i32
      %dma_wait3A_72 = tpu.memref_slice %arg2[%dma_wait3A_70, %dma_wait3A_71] : memref<10000x128xf32, #tpu.memory_space<hbm>> -> memref<10000x128xf32, #tpu.memory_space<hbm>>
      tpu.wait_indirect_dma semaphore(%arg17 : memref<!tpu.dma_semaphore, #tpu.memory_space<semaphore_mem>>) src(%dma_wait3A_72 : memref<10000x128xf32, #tpu.memory_space<hbm>>) dst(%arg13 : memref<100x128xf32, #tpu.memory_space<vmem>>)
      %run_scoped3A_73 = arith.constant 2 : i32
      "tpu.region"() ({
        %run_scoped3A_334 = tpu.sem_alloc : memref<!tpu.dma_semaphore, #tpu.memory_space<semaphore_mem>>
        %dma_start3A_335 = arith.constant 0 : i32
        %dma_start3A_336 = tpu.memref_slice %arg8[%run_scoped3A_73, %dma_start3A_335] : memref<10x100xi32, #tpu.memory_space<vmem>> -> memref<1x100xi32, #tpu.memory_space<vmem>>
        %dma_start3A_337 = tpu.memref_squeeze %dma_start3A_336 : memref<1x100xi32, #tpu.memory_space<vmem>> -> memref<100xi32, #tpu.memory_space<vmem>>
        %dma_start3A_338 = arith.constant 0 : i32
        %dma_start3A_339 = arith.constant 0 : i32
        %dma_start3A_340 = tpu.memref_slice %arg14[%dma_start3A_338, %dma_start3A_339] : memref<10240x128xf32, #tpu.memory_space<vmem_shared>> -> memref<10240x128xf32, #tpu.memory_space<vmem_shared>>
        tpu.enqueue_indirect_dma source(%arg13 : memref<100x128xf32, #tpu.memory_space<vmem>>) target(%dma_start3A_340 : memref<10240x128xf32, #tpu.memory_space<vmem_shared>>) offsets(%dma_start3A_337 : memref<100xi32, #tpu.memory_space<vmem>>) semaphore(%run_scoped3A_334 : memref<!tpu.dma_semaphore, #tpu.memory_space<semaphore_mem>>) {add = true}
        %dma_wait3A_341 = arith.constant 0 : i32
        %dma_wait3A_342 = tpu.memref_slice %arg8[%run_scoped3A_73, %dma_wait3A_341] : memref<10x100xi32, #tpu.memory_space<vmem>> -> memref<1x100xi32, #tpu.memory_space<vmem>>
        %dma_wait3A_343 = tpu.memref_squeeze %dma_wait3A_342 : memref<1x100xi32, #tpu.memory_space<vmem>> -> memref<100xi32, #tpu.memory_space<vmem>>
        %dma_wait3A_344 = arith.constant 0 : i32
        %dma_wait3A_345 = arith.constant 0 : i32
        %dma_wait3A_346 = tpu.memref_slice %arg14[%dma_wait3A_344, %dma_wait3A_345] : memref<10240x128xf32, #tpu.memory_space<vmem_shared>> -> memref<10240x128xf32, #tpu.memory_space<vmem_shared>>
        tpu.wait_indirect_dma semaphore(%run_scoped3A_334 : memref<!tpu.dma_semaphore, #tpu.memory_space<semaphore_mem>>) src(%arg13 : memref<100x128xf32, #tpu.memory_space<vmem>>) dst(%dma_wait3A_346 : memref<10240x128xf32, #tpu.memory_space<vmem_shared>>)
        tpu.yield
      }) : () -> ()
      %dma_start3A_74 = arith.constant 5 : i32
      %dma_start3A_75 = arith.constant 0 : i32
      %dma_start3A_76 = tpu.memref_slice %arg7[%dma_start3A_74, %dma_start3A_75] : memref<10x100xi32, #tpu.memory_space<vmem>> -> memref<1x100xi32, #tpu.memory_space<vmem>>
      %dma_start3A_77 = tpu.memref_squeeze %dma_start3A_76 : memref<1x100xi32, #tpu.memory_space<vmem>> -> memref<100xi32, #tpu.memory_space<vmem>>
      %dma_start3A_78 = arith.constant 0 : i32
      %dma_start3A_79 = arith.constant 0 : i32
      %dma_start3A_80 = tpu.memref_slice %arg2[%dma_start3A_78, %dma_start3A_79] : memref<10000x128xf32, #tpu.memory_space<hbm>> -> memref<10000x128xf32, #tpu.memory_space<hbm>>
      tpu.enqueue_indirect_dma source(%dma_start3A_80 : memref<10000x128xf32, #tpu.memory_space<hbm>>) target(%arg13 : memref<100x128xf32, #tpu.memory_space<vmem>>) offsets(%dma_start3A_77 : memref<100xi32, #tpu.memory_space<vmem>>) semaphore(%arg17 : memref<!tpu.dma_semaphore, #tpu.memory_space<semaphore_mem>>)
      %dma_wait3A_81 = arith.constant 3 : i32
      %dma_wait3A_82 = arith.constant 0 : i32
      %dma_wait3A_83 = tpu.memref_slice %arg7[%dma_wait3A_81, %dma_wait3A_82] : memref<10x100xi32, #tpu.memory_space<vmem>> -> memref<1x100xi32, #tpu.memory_space<vmem>>
      %dma_wait3A_84 = tpu.memref_squeeze %dma_wait3A_83 : memref<1x100xi32, #tpu.memory_space<vmem>> -> memref<100xi32, #tpu.memory_space<vmem>>
      %dma_wait3A_85 = arith.constant 0 : i32
      %dma_wait3A_86 = arith.constant 0 : i32
      %dma_wait3A_87 = tpu.memref_slice %arg2[%dma_wait3A_85, %dma_wait3A_86] : memref<10000x128xf32, #tpu.memory_space<hbm>> -> memref<10000x128xf32, #tpu.memory_space<hbm>>
      tpu.wait_indirect_dma semaphore(%arg15 : memref<!tpu.dma_semaphore, #tpu.memory_space<semaphore_mem>>) src(%dma_wait3A_87 : memref<10000x128xf32, #tpu.memory_space<hbm>>) dst(%arg11 : memref<100x128xf32, #tpu.memory_space<vmem>>)
      %run_scoped3A_88 = arith.constant 3 : i32
      "tpu.region"() ({
        %run_scoped3A_334 = tpu.sem_alloc : memref<!tpu.dma_semaphore, #tpu.memory_space<semaphore_mem>>
        %dma_start3A_335 = arith.constant 0 : i32
        %dma_start3A_336 = tpu.memref_slice %arg8[%run_scoped3A_88, %dma_start3A_335] : memref<10x100xi32, #tpu.memory_space<vmem>> -> memref<1x100xi32, #tpu.memory_space<vmem>>
        %dma_start3A_337 = tpu.memref_squeeze %dma_start3A_336 : memref<1x100xi32, #tpu.memory_space<vmem>> -> memref<100xi32, #tpu.memory_space<vmem>>
        %dma_start3A_338 = arith.constant 0 : i32
        %dma_start3A_339 = arith.constant 0 : i32
        %dma_start3A_340 = tpu.memref_slice %arg14[%dma_start3A_338, %dma_start3A_339] : memref<10240x128xf32, #tpu.memory_space<vmem_shared>> -> memref<10240x128xf32, #tpu.memory_space<vmem_shared>>
        tpu.enqueue_indirect_dma source(%arg11 : memref<100x128xf32, #tpu.memory_space<vmem>>) target(%dma_start3A_340 : memref<10240x128xf32, #tpu.memory_space<vmem_shared>>) offsets(%dma_start3A_337 : memref<100xi32, #tpu.memory_space<vmem>>) semaphore(%run_scoped3A_334 : memref<!tpu.dma_semaphore, #tpu.memory_space<semaphore_mem>>) {add = true}
        %dma_wait3A_341 = arith.constant 0 : i32
        %dma_wait3A_342 = tpu.memref_slice %arg8[%run_scoped3A_88, %dma_wait3A_341] : memref<10x100xi32, #tpu.memory_space<vmem>> -> memref<1x100xi32, #tpu.memory_space<vmem>>
        %dma_wait3A_343 = tpu.memref_squeeze %dma_wait3A_342 : memref<1x100xi32, #tpu.memory_space<vmem>> -> memref<100xi32, #tpu.memory_space<vmem>>
        %dma_wait3A_344 = arith.constant 0 : i32
        %dma_wait3A_345 = arith.constant 0 : i32
        %dma_wait3A_346 = tpu.memref_slice %arg14[%dma_wait3A_344, %dma_wait3A_345] : memref<10240x128xf32, #tpu.memory_space<vmem_shared>> -> memref<10240x128xf32, #tpu.memory_space<vmem_shared>>
        tpu.wait_indirect_dma semaphore(%run_scoped3A_334 : memref<!tpu.dma_semaphore, #tpu.memory_space<semaphore_mem>>) src(%arg11 : memref<100x128xf32, #tpu.memory_space<vmem>>) dst(%dma_wait3A_346 : memref<10240x128xf32, #tpu.memory_space<vmem_shared>>)
        tpu.yield
      }) : () -> ()
      %dma_start3A_89 = arith.constant 6 : i32
      %dma_start3A_90 = arith.constant 0 : i32
      %dma_start3A_91 = tpu.memref_slice %arg7[%dma_start3A_89, %dma_start3A_90] : memref<10x100xi32, #tpu.memory_space<vmem>> -> memref<1x100xi32, #tpu.memory_space<vmem>>
      %dma_start3A_92 = tpu.memref_squeeze %dma_start3A_91 : memref<1x100xi32, #tpu.memory_space<vmem>> -> memref<100xi32, #tpu.memory_space<vmem>>
      %dma_start3A_93 = arith.constant 0 : i32
      %dma_start3A_94 = arith.constant 0 : i32
      %dma_start3A_95 = tpu.memref_slice %arg2[%dma_start3A_93, %dma_start3A_94] : memref<10000x128xf32, #tpu.memory_space<hbm>> -> memref<10000x128xf32, #tpu.memory_space<hbm>>
      tpu.enqueue_indirect_dma source(%dma_start3A_95 : memref<10000x128xf32, #tpu.memory_space<hbm>>) target(%arg11 : memref<100x128xf32, #tpu.memory_space<vmem>>) offsets(%dma_start3A_92 : memref<100xi32, #tpu.memory_space<vmem>>) semaphore(%arg15 : memref<!tpu.dma_semaphore, #tpu.memory_space<semaphore_mem>>)
      %dma_wait3A_96 = arith.constant 4 : i32
      %dma_wait3A_97 = arith.constant 0 : i32
      %dma_wait3A_98 = tpu.memref_slice %arg7[%dma_wait3A_96, %dma_wait3A_97] : memref<10x100xi32, #tpu.memory_space<vmem>> -> memref<1x100xi32, #tpu.memory_space<vmem>>
      %dma_wait3A_99 = tpu.memref_squeeze %dma_wait3A_98 : memref<1x100xi32, #tpu.memory_space<vmem>> -> memref<100xi32, #tpu.memory_space<vmem>>
      %dma_wait3A_100 = arith.constant 0 : i32
      %dma_wait3A_101 = arith.constant 0 : i32
      %dma_wait3A_102 = tpu.memref_slice %arg2[%dma_wait3A_100, %dma_wait3A_101] : memref<10000x128xf32, #tpu.memory_space<hbm>> -> memref<10000x128xf32, #tpu.memory_space<hbm>>
      tpu.wait_indirect_dma semaphore(%arg16 : memref<!tpu.dma_semaphore, #tpu.memory_space<semaphore_mem>>) src(%dma_wait3A_102 : memref<10000x128xf32, #tpu.memory_space<hbm>>) dst(%arg12 : memref<100x128xf32, #tpu.memory_space<vmem>>)
      %run_scoped3A_103 = arith.constant 4 : i32
      "tpu.region"() ({
        %run_scoped3A_334 = tpu.sem_alloc : memref<!tpu.dma_semaphore, #tpu.memory_space<semaphore_mem>>
        %dma_start3A_335 = arith.constant 0 : i32
        %dma_start3A_336 = tpu.memref_slice %arg8[%run_scoped3A_103, %dma_start3A_335] : memref<10x100xi32, #tpu.memory_space<vmem>> -> memref<1x100xi32, #tpu.memory_space<vmem>>
        %dma_start3A_337 = tpu.memref_squeeze %dma_start3A_336 : memref<1x100xi32, #tpu.memory_space<vmem>> -> memref<100xi32, #tpu.memory_space<vmem>>
        %dma_start3A_338 = arith.constant 0 : i32
        %dma_start3A_339 = arith.constant 0 : i32
        %dma_start3A_340 = tpu.memref_slice %arg14[%dma_start3A_338, %dma_start3A_339] : memref<10240x128xf32, #tpu.memory_space<vmem_shared>> -> memref<10240x128xf32, #tpu.memory_space<vmem_shared>>
        tpu.enqueue_indirect_dma source(%arg12 : memref<100x128xf32, #tpu.memory_space<vmem>>) target(%dma_start3A_340 : memref<10240x128xf32, #tpu.memory_space<vmem_shared>>) offsets(%dma_start3A_337 : memref<100xi32, #tpu.memory_space<vmem>>) semaphore(%run_scoped3A_334 : memref<!tpu.dma_semaphore, #tpu.memory_space<semaphore_mem>>) {add = true}
        %dma_wait3A_341 = arith.constant 0 : i32
        %dma_wait3A_342 = tpu.memref_slice %arg8[%run_scoped3A_103, %dma_wait3A_341] : memref<10x100xi32, #tpu.memory_space<vmem>> -> memref<1x100xi32, #tpu.memory_space<vmem>>
        %dma_wait3A_343 = tpu.memref_squeeze %dma_wait3A_342 : memref<1x100xi32, #tpu.memory_space<vmem>> -> memref<100xi32, #tpu.memory_space<vmem>>
        %dma_wait3A_344 = arith.constant 0 : i32
        %dma_wait3A_345 = arith.constant 0 : i32
        %dma_wait3A_346 = tpu.memref_slice %arg14[%dma_wait3A_344, %dma_wait3A_345] : memref<10240x128xf32, #tpu.memory_space<vmem_shared>> -> memref<10240x128xf32, #tpu.memory_space<vmem_shared>>
        tpu.wait_indirect_dma semaphore(%run_scoped3A_334 : memref<!tpu.dma_semaphore, #tpu.memory_space<semaphore_mem>>) src(%arg12 : memref<100x128xf32, #tpu.memory_space<vmem>>) dst(%dma_wait3A_346 : memref<10240x128xf32, #tpu.memory_space<vmem_shared>>)
        tpu.yield
      }) : () -> ()
      %dma_start3A_104 = arith.constant 7 : i32
      %dma_start3A_105 = arith.constant 0 : i32
      %dma_start3A_106 = tpu.memref_slice %arg7[%dma_start3A_104, %dma_start3A_105] : memref<10x100xi32, #tpu.memory_space<vmem>> -> memref<1x100xi32, #tpu.memory_space<vmem>>
      %dma_start3A_107 = tpu.memref_squeeze %dma_start3A_106 : memref<1x100xi32, #tpu.memory_space<vmem>> -> memref<100xi32, #tpu.memory_space<vmem>>
      %dma_start3A_108 = arith.constant 0 : i32
      %dma_start3A_109 = arith.constant 0 : i32
      %dma_start3A_110 = tpu.memref_slice %arg2[%dma_start3A_108, %dma_start3A_109] : memref<10000x128xf32, #tpu.memory_space<hbm>> -> memref<10000x128xf32, #tpu.memory_space<hbm>>
      tpu.enqueue_indirect_dma source(%dma_start3A_110 : memref<10000x128xf32, #tpu.memory_space<hbm>>) target(%arg12 : memref<100x128xf32, #tpu.memory_space<vmem>>) offsets(%dma_start3A_107 : memref<100xi32, #tpu.memory_space<vmem>>) semaphore(%arg16 : memref<!tpu.dma_semaphore, #tpu.memory_space<semaphore_mem>>)
      %dma_wait3A_111 = arith.constant 5 : i32
      %dma_wait3A_112 = arith.constant 0 : i32
      %dma_wait3A_113 = tpu.memref_slice %arg7[%dma_wait3A_111, %dma_wait3A_112] : memref<10x100xi32, #tpu.memory_space<vmem>> -> memref<1x100xi32, #tpu.memory_space<vmem>>
      %dma_wait3A_114 = tpu.memref_squeeze %dma_wait3A_113 : memref<1x100xi32, #tpu.memory_space<vmem>> -> memref<100xi32, #tpu.memory_space<vmem>>
      %dma_wait3A_115 = arith.constant 0 : i32
      %dma_wait3A_116 = arith.constant 0 : i32
      %dma_wait3A_117 = tpu.memref_slice %arg2[%dma_wait3A_115, %dma_wait3A_116] : memref<10000x128xf32, #tpu.memory_space<hbm>> -> memref<10000x128xf32, #tpu.memory_space<hbm>>
      tpu.wait_indirect_dma semaphore(%arg17 : memref<!tpu.dma_semaphore, #tpu.memory_space<semaphore_mem>>) src(%dma_wait3A_117 : memref<10000x128xf32, #tpu.memory_space<hbm>>) dst(%arg13 : memref<100x128xf32, #tpu.memory_space<vmem>>)
      %run_scoped3A_118 = arith.constant 5 : i32
      "tpu.region"() ({
        %run_scoped3A_334 = tpu.sem_alloc : memref<!tpu.dma_semaphore, #tpu.memory_space<semaphore_mem>>
        %dma_start3A_335 = arith.constant 0 : i32
        %dma_start3A_336 = tpu.memref_slice %arg8[%run_scoped3A_118, %dma_start3A_335] : memref<10x100xi32, #tpu.memory_space<vmem>> -> memref<1x100xi32, #tpu.memory_space<vmem>>
        %dma_start3A_337 = tpu.memref_squeeze %dma_start3A_336 : memref<1x100xi32, #tpu.memory_space<vmem>> -> memref<100xi32, #tpu.memory_space<vmem>>
        %dma_start3A_338 = arith.constant 0 : i32
        %dma_start3A_339 = arith.constant 0 : i32
        %dma_start3A_340 = tpu.memref_slice %arg14[%dma_start3A_338, %dma_start3A_339] : memref<10240x128xf32, #tpu.memory_space<vmem_shared>> -> memref<10240x128xf32, #tpu.memory_space<vmem_shared>>
        tpu.enqueue_indirect_dma source(%arg13 : memref<100x128xf32, #tpu.memory_space<vmem>>) target(%dma_start3A_340 : memref<10240x128xf32, #tpu.memory_space<vmem_shared>>) offsets(%dma_start3A_337 : memref<100xi32, #tpu.memory_space<vmem>>) semaphore(%run_scoped3A_334 : memref<!tpu.dma_semaphore, #tpu.memory_space<semaphore_mem>>) {add = true}
        %dma_wait3A_341 = arith.constant 0 : i32
        %dma_wait3A_342 = tpu.memref_slice %arg8[%run_scoped3A_118, %dma_wait3A_341] : memref<10x100xi32, #tpu.memory_space<vmem>> -> memref<1x100xi32, #tpu.memory_space<vmem>>
        %dma_wait3A_343 = tpu.memref_squeeze %dma_wait3A_342 : memref<1x100xi32, #tpu.memory_space<vmem>> -> memref<100xi32, #tpu.memory_space<vmem>>
        %dma_wait3A_344 = arith.constant 0 : i32
        %dma_wait3A_345 = arith.constant 0 : i32
        %dma_wait3A_346 = tpu.memref_slice %arg14[%dma_wait3A_344, %dma_wait3A_345] : memref<10240x128xf32, #tpu.memory_space<vmem_shared>> -> memref<10240x128xf32, #tpu.memory_space<vmem_shared>>
        tpu.wait_indirect_dma semaphore(%run_scoped3A_334 : memref<!tpu.dma_semaphore, #tpu.memory_space<semaphore_mem>>) src(%arg13 : memref<100x128xf32, #tpu.memory_space<vmem>>) dst(%dma_wait3A_346 : memref<10240x128xf32, #tpu.memory_space<vmem_shared>>)
        tpu.yield
      }) : () -> ()
      %dma_start3A_119 = arith.constant 8 : i32
      %dma_start3A_120 = arith.constant 0 : i32
      %dma_start3A_121 = tpu.memref_slice %arg7[%dma_start3A_119, %dma_start3A_120] : memref<10x100xi32, #tpu.memory_space<vmem>> -> memref<1x100xi32, #tpu.memory_space<vmem>>
      %dma_start3A_122 = tpu.memref_squeeze %dma_start3A_121 : memref<1x100xi32, #tpu.memory_space<vmem>> -> memref<100xi32, #tpu.memory_space<vmem>>
      %dma_start3A_123 = arith.constant 0 : i32
      %dma_start3A_124 = arith.constant 0 : i32
      %dma_start3A_125 = tpu.memref_slice %arg2[%dma_start3A_123, %dma_start3A_124] : memref<10000x128xf32, #tpu.memory_space<hbm>> -> memref<10000x128xf32, #tpu.memory_space<hbm>>
      tpu.enqueue_indirect_dma source(%dma_start3A_125 : memref<10000x128xf32, #tpu.memory_space<hbm>>) target(%arg13 : memref<100x128xf32, #tpu.memory_space<vmem>>) offsets(%dma_start3A_122 : memref<100xi32, #tpu.memory_space<vmem>>) semaphore(%arg17 : memref<!tpu.dma_semaphore, #tpu.memory_space<semaphore_mem>>)
      %dma_wait3A_126 = arith.constant 6 : i32
      %dma_wait3A_127 = arith.constant 0 : i32
      %dma_wait3A_128 = tpu.memref_slice %arg7[%dma_wait3A_126, %dma_wait3A_127] : memref<10x100xi32, #tpu.memory_space<vmem>> -> memref<1x100xi32, #tpu.memory_space<vmem>>
      %dma_wait3A_129 = tpu.memref_squeeze %dma_wait3A_128 : memref<1x100xi32, #tpu.memory_space<vmem>> -> memref<100xi32, #tpu.memory_space<vmem>>
      %dma_wait3A_130 = arith.constant 0 : i32
      %dma_wait3A_131 = arith.constant 0 : i32
      %dma_wait3A_132 = tpu.memref_slice %arg2[%dma_wait3A_130, %dma_wait3A_131] : memref<10000x128xf32, #tpu.memory_space<hbm>> -> memref<10000x128xf32, #tpu.memory_space<hbm>>
      tpu.wait_indirect_dma semaphore(%arg15 : memref<!tpu.dma_semaphore, #tpu.memory_space<semaphore_mem>>) src(%dma_wait3A_132 : memref<10000x128xf32, #tpu.memory_space<hbm>>) dst(%arg11 : memref<100x128xf32, #tpu.memory_space<vmem>>)
      %run_scoped3A_133 = arith.constant 6 : i32
      "tpu.region"() ({
        %run_scoped3A_334 = tpu.sem_alloc : memref<!tpu.dma_semaphore, #tpu.memory_space<semaphore_mem>>
        %dma_start3A_335 = arith.constant 0 : i32
        %dma_start3A_336 = tpu.memref_slice %arg8[%run_scoped3A_133, %dma_start3A_335] : memref<10x100xi32, #tpu.memory_space<vmem>> -> memref<1x100xi32, #tpu.memory_space<vmem>>
        %dma_start3A_337 = tpu.memref_squeeze %dma_start3A_336 : memref<1x100xi32, #tpu.memory_space<vmem>> -> memref<100xi32, #tpu.memory_space<vmem>>
        %dma_start3A_338 = arith.constant 0 : i32
        %dma_start3A_339 = arith.constant 0 : i32
        %dma_start3A_340 = tpu.memref_slice %arg14[%dma_start3A_338, %dma_start3A_339] : memref<10240x128xf32, #tpu.memory_space<vmem_shared>> -> memref<10240x128xf32, #tpu.memory_space<vmem_shared>>
        tpu.enqueue_indirect_dma source(%arg11 : memref<100x128xf32, #tpu.memory_space<vmem>>) target(%dma_start3A_340 : memref<10240x128xf32, #tpu.memory_space<vmem_shared>>) offsets(%dma_start3A_337 : memref<100xi32, #tpu.memory_space<vmem>>) semaphore(%run_scoped3A_334 : memref<!tpu.dma_semaphore, #tpu.memory_space<semaphore_mem>>) {add = true}
        %dma_wait3A_341 = arith.constant 0 : i32
        %dma_wait3A_342 = tpu.memref_slice %arg8[%run_scoped3A_133, %dma_wait3A_341] : memref<10x100xi32, #tpu.memory_space<vmem>> -> memref<1x100xi32, #tpu.memory_space<vmem>>
        %dma_wait3A_343 = tpu.memref_squeeze %dma_wait3A_342 : memref<1x100xi32, #tpu.memory_space<vmem>> -> memref<100xi32, #tpu.memory_space<vmem>>
        %dma_wait3A_344 = arith.constant 0 : i32
        %dma_wait3A_345 = arith.constant 0 : i32
        %dma_wait3A_346 = tpu.memref_slice %arg14[%dma_wait3A_344, %dma_wait3A_345] : memref<10240x128xf32, #tpu.memory_space<vmem_shared>> -> memref<10240x128xf32, #tpu.memory_space<vmem_shared>>
        tpu.wait_indirect_dma semaphore(%run_scoped3A_334 : memref<!tpu.dma_semaphore, #tpu.memory_space<semaphore_mem>>) src(%arg11 : memref<100x128xf32, #tpu.memory_space<vmem>>) dst(%dma_wait3A_346 : memref<10240x128xf32, #tpu.memory_space<vmem_shared>>)
        tpu.yield
      }) : () -> ()
      %dma_start3A_134 = arith.constant 9 : i32
      %dma_start3A_135 = arith.constant 0 : i32
      %dma_start3A_136 = tpu.memref_slice %arg7[%dma_start3A_134, %dma_start3A_135] : memref<10x100xi32, #tpu.memory_space<vmem>> -> memref<1x100xi32, #tpu.memory_space<vmem>>
      %dma_start3A_137 = tpu.memref_squeeze %dma_start3A_136 : memref<1x100xi32, #tpu.memory_space<vmem>> -> memref<100xi32, #tpu.memory_space<vmem>>
      %dma_start3A_138 = arith.constant 0 : i32
      %dma_start3A_139 = arith.constant 0 : i32
      %dma_start3A_140 = tpu.memref_slice %arg2[%dma_start3A_138, %dma_start3A_139] : memref<10000x128xf32, #tpu.memory_space<hbm>> -> memref<10000x128xf32, #tpu.memory_space<hbm>>
      tpu.enqueue_indirect_dma source(%dma_start3A_140 : memref<10000x128xf32, #tpu.memory_space<hbm>>) target(%arg11 : memref<100x128xf32, #tpu.memory_space<vmem>>) offsets(%dma_start3A_137 : memref<100xi32, #tpu.memory_space<vmem>>) semaphore(%arg15 : memref<!tpu.dma_semaphore, #tpu.memory_space<semaphore_mem>>)
      %dma_wait3A_141 = arith.constant 7 : i32
      %dma_wait3A_142 = arith.constant 0 : i32
      %dma_wait3A_143 = tpu.memref_slice %arg7[%dma_wait3A_141, %dma_wait3A_142] : memref<10x100xi32, #tpu.memory_space<vmem>> -> memref<1x100xi32, #tpu.memory_space<vmem>>
      %dma_wait3A_144 = tpu.memref_squeeze %dma_wait3A_143 : memref<1x100xi32, #tpu.memory_space<vmem>> -> memref<100xi32, #tpu.memory_space<vmem>>
      %dma_wait3A_145 = arith.constant 0 : i32
      %dma_wait3A_146 = arith.constant 0 : i32
      %dma_wait3A_147 = tpu.memref_slice %arg2[%dma_wait3A_145, %dma_wait3A_146] : memref<10000x128xf32, #tpu.memory_space<hbm>> -> memref<10000x128xf32, #tpu.memory_space<hbm>>
      tpu.wait_indirect_dma semaphore(%arg16 : memref<!tpu.dma_semaphore, #tpu.memory_space<semaphore_mem>>) src(%dma_wait3A_147 : memref<10000x128xf32, #tpu.memory_space<hbm>>) dst(%arg12 : memref<100x128xf32, #tpu.memory_space<vmem>>)
      %run_scoped3A_148 = arith.constant 7 : i32
      "tpu.region"() ({
        %run_scoped3A_334 = tpu.sem_alloc : memref<!tpu.dma_semaphore, #tpu.memory_space<semaphore_mem>>
        %dma_start3A_335 = arith.constant 0 : i32
        %dma_start3A_336 = tpu.memref_slice %arg8[%run_scoped3A_148, %dma_start3A_335] : memref<10x100xi32, #tpu.memory_space<vmem>> -> memref<1x100xi32, #tpu.memory_space<vmem>>
        %dma_start3A_337 = tpu.memref_squeeze %dma_start3A_336 : memref<1x100xi32, #tpu.memory_space<vmem>> -> memref<100xi32, #tpu.memory_space<vmem>>
        %dma_start3A_338 = arith.constant 0 : i32
        %dma_start3A_339 = arith.constant 0 : i32
        %dma_start3A_340 = tpu.memref_slice %arg14[%dma_start3A_338, %dma_start3A_339] : memref<10240x128xf32, #tpu.memory_space<vmem_shared>> -> memref<10240x128xf32, #tpu.memory_space<vmem_shared>>
        tpu.enqueue_indirect_dma source(%arg12 : memref<100x128xf32, #tpu.memory_space<vmem>>) target(%dma_start3A_340 : memref<10240x128xf32, #tpu.memory_space<vmem_shared>>) offsets(%dma_start3A_337 : memref<100xi32, #tpu.memory_space<vmem>>) semaphore(%run_scoped3A_334 : memref<!tpu.dma_semaphore, #tpu.memory_space<semaphore_mem>>) {add = true}
        %dma_wait3A_341 = arith.constant 0 : i32
        %dma_wait3A_342 = tpu.memref_slice %arg8[%run_scoped3A_148, %dma_wait3A_341] : memref<10x100xi32, #tpu.memory_space<vmem>> -> memref<1x100xi32, #tpu.memory_space<vmem>>
        %dma_wait3A_343 = tpu.memref_squeeze %dma_wait3A_342 : memref<1x100xi32, #tpu.memory_space<vmem>> -> memref<100xi32, #tpu.memory_space<vmem>>
        %dma_wait3A_344 = arith.constant 0 : i32
        %dma_wait3A_345 = arith.constant 0 : i32
        %dma_wait3A_346 = tpu.memref_slice %arg14[%dma_wait3A_344, %dma_wait3A_345] : memref<10240x128xf32, #tpu.memory_space<vmem_shared>> -> memref<10240x128xf32, #tpu.memory_space<vmem_shared>>
        tpu.wait_indirect_dma semaphore(%run_scoped3A_334 : memref<!tpu.dma_semaphore, #tpu.memory_space<semaphore_mem>>) src(%arg12 : memref<100x128xf32, #tpu.memory_space<vmem>>) dst(%dma_wait3A_346 : memref<10240x128xf32, #tpu.memory_space<vmem_shared>>)
        tpu.yield
      }) : () -> ()
      %dma_wait3A_149 = arith.constant 8 : i32
      %dma_wait3A_150 = arith.constant 0 : i32
      %dma_wait3A_151 = tpu.memref_slice %arg7[%dma_wait3A_149, %dma_wait3A_150] : memref<10x100xi32, #tpu.memory_space<vmem>> -> memref<1x100xi32, #tpu.memory_space<vmem>>
      %dma_wait3A_152 = tpu.memref_squeeze %dma_wait3A_151 : memref<1x100xi32, #tpu.memory_space<vmem>> -> memref<100xi32, #tpu.memory_space<vmem>>
      %dma_wait3A_153 = arith.constant 0 : i32
      %dma_wait3A_154 = arith.constant 0 : i32
      %dma_wait3A_155 = tpu.memref_slice %arg2[%dma_wait3A_153, %dma_wait3A_154] : memref<10000x128xf32, #tpu.memory_space<hbm>> -> memref<10000x128xf32, #tpu.memory_space<hbm>>
      tpu.wait_indirect_dma semaphore(%arg17 : memref<!tpu.dma_semaphore, #tpu.memory_space<semaphore_mem>>) src(%dma_wait3A_155 : memref<10000x128xf32, #tpu.memory_space<hbm>>) dst(%arg13 : memref<100x128xf32, #tpu.memory_space<vmem>>)
      %run_scoped3A_156 = arith.constant 8 : i32
      "tpu.region"() ({
        %run_scoped3A_334 = tpu.sem_alloc : memref<!tpu.dma_semaphore, #tpu.memory_space<semaphore_mem>>
        %dma_start3A_335 = arith.constant 0 : i32
        %dma_start3A_336 = tpu.memref_slice %arg8[%run_scoped3A_156, %dma_start3A_335] : memref<10x100xi32, #tpu.memory_space<vmem>> -> memref<1x100xi32, #tpu.memory_space<vmem>>
        %dma_start3A_337 = tpu.memref_squeeze %dma_start3A_336 : memref<1x100xi32, #tpu.memory_space<vmem>> -> memref<100xi32, #tpu.memory_space<vmem>>
        %dma_start3A_338 = arith.constant 0 : i32
        %dma_start3A_339 = arith.constant 0 : i32
        %dma_start3A_340 = tpu.memref_slice %arg14[%dma_start3A_338, %dma_start3A_339] : memref<10240x128xf32, #tpu.memory_space<vmem_shared>> -> memref<10240x128xf32, #tpu.memory_space<vmem_shared>>
        tpu.enqueue_indirect_dma source(%arg13 : memref<100x128xf32, #tpu.memory_space<vmem>>) target(%dma_start3A_340 : memref<10240x128xf32, #tpu.memory_space<vmem_shared>>) offsets(%dma_start3A_337 : memref<100xi32, #tpu.memory_space<vmem>>) semaphore(%run_scoped3A_334 : memref<!tpu.dma_semaphore, #tpu.memory_space<semaphore_mem>>) {add = true}
        %dma_wait3A_341 = arith.constant 0 : i32
        %dma_wait3A_342 = tpu.memref_slice %arg8[%run_scoped3A_156, %dma_wait3A_341] : memref<10x100xi32, #tpu.memory_space<vmem>> -> memref<1x100xi32, #tpu.memory_space<vmem>>
        %dma_wait3A_343 = tpu.memref_squeeze %dma_wait3A_342 : memref<1x100xi32, #tpu.memory_space<vmem>> -> memref<100xi32, #tpu.memory_space<vmem>>
        %dma_wait3A_344 = arith.constant 0 : i32
        %dma_wait3A_345 = arith.constant 0 : i32
        %dma_wait3A_346 = tpu.memref_slice %arg14[%dma_wait3A_344, %dma_wait3A_345] : memref<10240x128xf32, #tpu.memory_space<vmem_shared>> -> memref<10240x128xf32, #tpu.memory_space<vmem_shared>>
        tpu.wait_indirect_dma semaphore(%run_scoped3A_334 : memref<!tpu.dma_semaphore, #tpu.memory_space<semaphore_mem>>) src(%arg13 : memref<100x128xf32, #tpu.memory_space<vmem>>) dst(%dma_wait3A_346 : memref<10240x128xf32, #tpu.memory_space<vmem_shared>>)
        tpu.yield
      }) : () -> ()
      %dma_wait3A_157 = arith.constant 9 : i32
      %dma_wait3A_158 = arith.constant 0 : i32
      %dma_wait3A_159 = tpu.memref_slice %arg7[%dma_wait3A_157, %dma_wait3A_158] : memref<10x100xi32, #tpu.memory_space<vmem>> -> memref<1x100xi32, #tpu.memory_space<vmem>>
      %dma_wait3A_160 = tpu.memref_squeeze %dma_wait3A_159 : memref<1x100xi32, #tpu.memory_space<vmem>> -> memref<100xi32, #tpu.memory_space<vmem>>
      %dma_wait3A_161 = arith.constant 0 : i32
      %dma_wait3A_162 = arith.constant 0 : i32
      %dma_wait3A_163 = tpu.memref_slice %arg2[%dma_wait3A_161, %dma_wait3A_162] : memref<10000x128xf32, #tpu.memory_space<hbm>> -> memref<10000x128xf32, #tpu.memory_space<hbm>>
      tpu.wait_indirect_dma semaphore(%arg15 : memref<!tpu.dma_semaphore, #tpu.memory_space<semaphore_mem>>) src(%dma_wait3A_163 : memref<10000x128xf32, #tpu.memory_space<hbm>>) dst(%arg11 : memref<100x128xf32, #tpu.memory_space<vmem>>)
      %run_scoped3A_164 = arith.constant 9 : i32
      "tpu.region"() ({
        %run_scoped3A_334 = tpu.sem_alloc : memref<!tpu.dma_semaphore, #tpu.memory_space<semaphore_mem>>
        %dma_start3A_335 = arith.constant 0 : i32
        %dma_start3A_336 = tpu.memref_slice %arg8[%run_scoped3A_164, %dma_start3A_335] : memref<10x100xi32, #tpu.memory_space<vmem>> -> memref<1x100xi32, #tpu.memory_space<vmem>>
        %dma_start3A_337 = tpu.memref_squeeze %dma_start3A_336 : memref<1x100xi32, #tpu.memory_space<vmem>> -> memref<100xi32, #tpu.memory_space<vmem>>
        %dma_start3A_338 = arith.constant 0 : i32
        %dma_start3A_339 = arith.constant 0 : i32
        %dma_start3A_340 = tpu.memref_slice %arg14[%dma_start3A_338, %dma_start3A_339] : memref<10240x128xf32, #tpu.memory_space<vmem_shared>> -> memref<10240x128xf32, #tpu.memory_space<vmem_shared>>
        tpu.enqueue_indirect_dma source(%arg11 : memref<100x128xf32, #tpu.memory_space<vmem>>) target(%dma_start3A_340 : memref<10240x128xf32, #tpu.memory_space<vmem_shared>>) offsets(%dma_start3A_337 : memref<100xi32, #tpu.memory_space<vmem>>) semaphore(%run_scoped3A_334 : memref<!tpu.dma_semaphore, #tpu.memory_space<semaphore_mem>>) {add = true}
        %dma_wait3A_341 = arith.constant 0 : i32
        %dma_wait3A_342 = tpu.memref_slice %arg8[%run_scoped3A_164, %dma_wait3A_341] : memref<10x100xi32, #tpu.memory_space<vmem>> -> memref<1x100xi32, #tpu.memory_space<vmem>>
        %dma_wait3A_343 = tpu.memref_squeeze %dma_wait3A_342 : memref<1x100xi32, #tpu.memory_space<vmem>> -> memref<100xi32, #tpu.memory_space<vmem>>
        %dma_wait3A_344 = arith.constant 0 : i32
        %dma_wait3A_345 = arith.constant 0 : i32
        %dma_wait3A_346 = tpu.memref_slice %arg14[%dma_wait3A_344, %dma_wait3A_345] : memref<10240x128xf32, #tpu.memory_space<vmem_shared>> -> memref<10240x128xf32, #tpu.memory_space<vmem_shared>>
        tpu.wait_indirect_dma semaphore(%run_scoped3A_334 : memref<!tpu.dma_semaphore, #tpu.memory_space<semaphore_mem>>) src(%arg11 : memref<100x128xf32, #tpu.memory_space<vmem>>) dst(%dma_wait3A_346 : memref<10240x128xf32, #tpu.memory_space<vmem_shared>>)
        tpu.yield
      }) : () -> ()
      %lt3A_165 = arith.constant 10 : i32
      %lt3A_166 = arith.cmpi slt, %add3A_14, %lt3A_165 : i32
      %convert_element_type3A_167 = arith.extui %lt3A_166 : i1 to i32
      %cond3A_168 = arith.constant 0 : i32
      %cond3A_169 = arith.cmpi ne, %convert_element_type3A_167, %cond3A_168 : i32
      scf.if %cond3A_169 {
        %dma_wait3A_334 = arith.constant 0 : i32
        %dma_wait3A_335 = arith.constant 0 : i32
        %dma_wait3A_336 = tpu.memref_slice %arg3[%arg0, %arg1, %add3A_14, %dma_wait3A_334, %dma_wait3A_335] : memref<2x16x10x10x100xi32, #tpu.memory_space<hbm>> -> memref<1x1x1x10x100xi32, #tpu.memory_space<hbm>>
        %dma_wait3A_337 = tpu.memref_squeeze %dma_wait3A_336 : memref<1x1x1x10x100xi32, #tpu.memory_space<hbm>> -> memref<10x100xi32, #tpu.memory_space<hbm>>
        %dma_wait3A_338 = arith.constant 0 : i32
        %dma_wait3A_339 = arith.constant 0 : i32
        %dma_wait3A_340 = tpu.memref_slice %arg3[%arg0, %arg1, %add3A_14, %dma_wait3A_338, %dma_wait3A_339] : memref<2x16x10x10x100xi32, #tpu.memory_space<hbm>> -> memref<1x1x1x10x100xi32, #tpu.memory_space<hbm>>
        %dma_wait3A_341 = tpu.memref_squeeze %dma_wait3A_340 : memref<1x1x1x10x100xi32, #tpu.memory_space<hbm>> -> memref<10x100xi32, #tpu.memory_space<hbm>>
        tpu.wait_dma2 semaphore(%arg18 : memref<!tpu.dma_semaphore, #tpu.memory_space<semaphore_mem>>) src(%dma_wait3A_341 : memref<10x100xi32, #tpu.memory_space<hbm>>) dst(%arg9 : memref<10x100xi32, #tpu.memory_space<vmem>>)
        %dma_wait3A_342 = arith.constant 0 : i32
        %dma_wait3A_343 = arith.constant 0 : i32
        %dma_wait3A_344 = tpu.memref_slice %arg4[%arg0, %arg1, %add3A_14, %dma_wait3A_342, %dma_wait3A_343] : memref<2x16x10x10x100xi32, #tpu.memory_space<hbm>> -> memref<1x1x1x10x100xi32, #tpu.memory_space<hbm>>
        %dma_wait3A_345 = tpu.memref_squeeze %dma_wait3A_344 : memref<1x1x1x10x100xi32, #tpu.memory_space<hbm>> -> memref<10x100xi32, #tpu.memory_space<hbm>>
        %dma_wait3A_346 = arith.constant 0 : i32
        %dma_wait3A_347 = arith.constant 0 : i32
        %dma_wait3A_348 = tpu.memref_slice %arg4[%arg0, %arg1, %add3A_14, %dma_wait3A_346, %dma_wait3A_347] : memref<2x16x10x10x100xi32, #tpu.memory_space<hbm>> -> memref<1x1x1x10x100xi32, #tpu.memory_space<hbm>>
        %dma_wait3A_349 = tpu.memref_squeeze %dma_wait3A_348 : memref<1x1x1x10x100xi32, #tpu.memory_space<hbm>> -> memref<10x100xi32, #tpu.memory_space<hbm>>
        tpu.wait_dma2 semaphore(%arg18 : memref<!tpu.dma_semaphore, #tpu.memory_space<semaphore_mem>>) src(%dma_wait3A_349 : memref<10x100xi32, #tpu.memory_space<hbm>>) dst(%arg10 : memref<10x100xi32, #tpu.memory_space<vmem>>)
      } else {
      }
      %mul3A_170 = arith.constant 2 : i32
      %mul3A_171 = arith.muli %mul3A_170, %add3A_10 : i32
      %add3A_172 = arith.constant 2 : i32
      %add3A_173 = arith.addi %mul3A_171, %add3A_172 : i32
      %lt3A_174 = arith.constant 10 : i32
      %lt3A_175 = arith.cmpi slt, %add3A_173, %lt3A_174 : i32
      %convert_element_type3A_176 = arith.extui %lt3A_175 : i1 to i32
      %cond3A_177 = arith.constant 0 : i32
      %cond3A_178 = arith.cmpi ne, %convert_element_type3A_176, %cond3A_177 : i32
      scf.if %cond3A_178 {
        %dma_start3A_334 = arith.constant 0 : i32
        %dma_start3A_335 = arith.constant 0 : i32
        %dma_start3A_336 = tpu.memref_slice %arg3[%arg0, %arg1, %add3A_173, %dma_start3A_334, %dma_start3A_335] : memref<2x16x10x10x100xi32, #tpu.memory_space<hbm>> -> memref<1x1x1x10x100xi32, #tpu.memory_space<hbm>>
        %dma_start3A_337 = tpu.memref_squeeze %dma_start3A_336 : memref<1x1x1x10x100xi32, #tpu.memory_space<hbm>> -> memref<10x100xi32, #tpu.memory_space<hbm>>
        %dma_start3A_338 = arith.constant 0 : i32
        %dma_start3A_339 = arith.constant 0 : i32
        %dma_start3A_340 = tpu.memref_slice %arg3[%arg0, %arg1, %add3A_173, %dma_start3A_338, %dma_start3A_339] : memref<2x16x10x10x100xi32, #tpu.memory_space<hbm>> -> memref<1x1x1x10x100xi32, #tpu.memory_space<hbm>>
        %dma_start3A_341 = tpu.memref_squeeze %dma_start3A_340 : memref<1x1x1x10x100xi32, #tpu.memory_space<hbm>> -> memref<10x100xi32, #tpu.memory_space<hbm>>
        tpu.enqueue_dma source(%dma_start3A_341 : memref<10x100xi32, #tpu.memory_space<hbm>>) target(%arg7 : memref<10x100xi32, #tpu.memory_space<vmem>>) target_semaphore(%arg18 : memref<!tpu.dma_semaphore, #tpu.memory_space<semaphore_mem>>)
        %dma_start3A_342 = arith.constant 0 : i32
        %dma_start3A_343 = arith.constant 0 : i32
        %dma_start3A_344 = tpu.memref_slice %arg4[%arg0, %arg1, %add3A_173, %dma_start3A_342, %dma_start3A_343] : memref<2x16x10x10x100xi32, #tpu.memory_space<hbm>> -> memref<1x1x1x10x100xi32, #tpu.memory_space<hbm>>
        %dma_start3A_345 = tpu.memref_squeeze %dma_start3A_344 : memref<1x1x1x10x100xi32, #tpu.memory_space<hbm>> -> memref<10x100xi32, #tpu.memory_space<hbm>>
        %dma_start3A_346 = arith.constant 0 : i32
        %dma_start3A_347 = arith.constant 0 : i32
        %dma_start3A_348 = tpu.memref_slice %arg4[%arg0, %arg1, %add3A_173, %dma_start3A_346, %dma_start3A_347] : memref<2x16x10x10x100xi32, #tpu.memory_space<hbm>> -> memref<1x1x1x10x100xi32, #tpu.memory_space<hbm>>
        %dma_start3A_349 = tpu.memref_squeeze %dma_start3A_348 : memref<1x1x1x10x100xi32, #tpu.memory_space<hbm>> -> memref<10x100xi32, #tpu.memory_space<hbm>>
        tpu.enqueue_dma source(%dma_start3A_349 : memref<10x100xi32, #tpu.memory_space<hbm>>) target(%arg8 : memref<10x100xi32, #tpu.memory_space<vmem>>) target_semaphore(%arg18 : memref<!tpu.dma_semaphore, #tpu.memory_space<semaphore_mem>>)
      } else {
      }
      %dma_start3A_179 = arith.constant 0 : i32
      %dma_start3A_180 = arith.constant 0 : i32
      %dma_start3A_181 = tpu.memref_slice %arg9[%dma_start3A_179, %dma_start3A_180] : memref<10x100xi32, #tpu.memory_space<vmem>> -> memref<1x100xi32, #tpu.memory_space<vmem>>
      %dma_start3A_182 = tpu.memref_squeeze %dma_start3A_181 : memref<1x100xi32, #tpu.memory_space<vmem>> -> memref<100xi32, #tpu.memory_space<vmem>>
      %dma_start3A_183 = arith.constant 0 : i32
      %dma_start3A_184 = arith.constant 0 : i32
      %dma_start3A_185 = tpu.memref_slice %arg2[%dma_start3A_183, %dma_start3A_184] : memref<10000x128xf32, #tpu.memory_space<hbm>> -> memref<10000x128xf32, #tpu.memory_space<hbm>>
      tpu.enqueue_indirect_dma source(%dma_start3A_185 : memref<10000x128xf32, #tpu.memory_space<hbm>>) target(%arg11 : memref<100x128xf32, #tpu.memory_space<vmem>>) offsets(%dma_start3A_182 : memref<100xi32, #tpu.memory_space<vmem>>) semaphore(%arg15 : memref<!tpu.dma_semaphore, #tpu.memory_space<semaphore_mem>>)
      %dma_start3A_186 = arith.constant 1 : i32
      %dma_start3A_187 = arith.constant 0 : i32
      %dma_start3A_188 = tpu.memref_slice %arg9[%dma_start3A_186, %dma_start3A_187] : memref<10x100xi32, #tpu.memory_space<vmem>> -> memref<1x100xi32, #tpu.memory_space<vmem>>
      %dma_start3A_189 = tpu.memref_squeeze %dma_start3A_188 : memref<1x100xi32, #tpu.memory_space<vmem>> -> memref<100xi32, #tpu.memory_space<vmem>>
      %dma_start3A_190 = arith.constant 0 : i32
      %dma_start3A_191 = arith.constant 0 : i32
      %dma_start3A_192 = tpu.memref_slice %arg2[%dma_start3A_190, %dma_start3A_191] : memref<10000x128xf32, #tpu.memory_space<hbm>> -> memref<10000x128xf32, #tpu.memory_space<hbm>>
      tpu.enqueue_indirect_dma source(%dma_start3A_192 : memref<10000x128xf32, #tpu.memory_space<hbm>>) target(%arg12 : memref<100x128xf32, #tpu.memory_space<vmem>>) offsets(%dma_start3A_189 : memref<100xi32, #tpu.memory_space<vmem>>) semaphore(%arg16 : memref<!tpu.dma_semaphore, #tpu.memory_space<semaphore_mem>>)
      %dma_start3A_193 = arith.constant 2 : i32
      %dma_start3A_194 = arith.constant 0 : i32
      %dma_start3A_195 = tpu.memref_slice %arg9[%dma_start3A_193, %dma_start3A_194] : memref<10x100xi32, #tpu.memory_space<vmem>> -> memref<1x100xi32, #tpu.memory_space<vmem>>
      %dma_start3A_196 = tpu.memref_squeeze %dma_start3A_195 : memref<1x100xi32, #tpu.memory_space<vmem>> -> memref<100xi32, #tpu.memory_space<vmem>>
      %dma_start3A_197 = arith.constant 0 : i32
      %dma_start3A_198 = arith.constant 0 : i32
      %dma_start3A_199 = tpu.memref_slice %arg2[%dma_start3A_197, %dma_start3A_198] : memref<10000x128xf32, #tpu.memory_space<hbm>> -> memref<10000x128xf32, #tpu.memory_space<hbm>>
      tpu.enqueue_indirect_dma source(%dma_start3A_199 : memref<10000x128xf32, #tpu.memory_space<hbm>>) target(%arg13 : memref<100x128xf32, #tpu.memory_space<vmem>>) offsets(%dma_start3A_196 : memref<100xi32, #tpu.memory_space<vmem>>) semaphore(%arg17 : memref<!tpu.dma_semaphore, #tpu.memory_space<semaphore_mem>>)
      %dma_wait3A_200 = arith.constant 0 : i32
      %dma_wait3A_201 = arith.constant 0 : i32
      %dma_wait3A_202 = tpu.memref_slice %arg9[%dma_wait3A_200, %dma_wait3A_201] : memref<10x100xi32, #tpu.memory_space<vmem>> -> memref<1x100xi32, #tpu.memory_space<vmem>>
      %dma_wait3A_203 = tpu.memref_squeeze %dma_wait3A_202 : memref<1x100xi32, #tpu.memory_space<vmem>> -> memref<100xi32, #tpu.memory_space<vmem>>
      %dma_wait3A_204 = arith.constant 0 : i32
      %dma_wait3A_205 = arith.constant 0 : i32
      %dma_wait3A_206 = tpu.memref_slice %arg2[%dma_wait3A_204, %dma_wait3A_205] : memref<10000x128xf32, #tpu.memory_space<hbm>> -> memref<10000x128xf32, #tpu.memory_space<hbm>>
      tpu.wait_indirect_dma semaphore(%arg15 : memref<!tpu.dma_semaphore, #tpu.memory_space<semaphore_mem>>) src(%dma_wait3A_206 : memref<10000x128xf32, #tpu.memory_space<hbm>>) dst(%arg11 : memref<100x128xf32, #tpu.memory_space<vmem>>)
      %run_scoped3A_207 = arith.constant 0 : i32
      "tpu.region"() ({
        %run_scoped3A_334 = tpu.sem_alloc : memref<!tpu.dma_semaphore, #tpu.memory_space<semaphore_mem>>
        %dma_start3A_335 = arith.constant 0 : i32
        %dma_start3A_336 = tpu.memref_slice %arg10[%run_scoped3A_207, %dma_start3A_335] : memref<10x100xi32, #tpu.memory_space<vmem>> -> memref<1x100xi32, #tpu.memory_space<vmem>>
        %dma_start3A_337 = tpu.memref_squeeze %dma_start3A_336 : memref<1x100xi32, #tpu.memory_space<vmem>> -> memref<100xi32, #tpu.memory_space<vmem>>
        %dma_start3A_338 = arith.constant 0 : i32
        %dma_start3A_339 = arith.constant 0 : i32
        %dma_start3A_340 = tpu.memref_slice %arg14[%dma_start3A_338, %dma_start3A_339] : memref<10240x128xf32, #tpu.memory_space<vmem_shared>> -> memref<10240x128xf32, #tpu.memory_space<vmem_shared>>
        tpu.enqueue_indirect_dma source(%arg11 : memref<100x128xf32, #tpu.memory_space<vmem>>) target(%dma_start3A_340 : memref<10240x128xf32, #tpu.memory_space<vmem_shared>>) offsets(%dma_start3A_337 : memref<100xi32, #tpu.memory_space<vmem>>) semaphore(%run_scoped3A_334 : memref<!tpu.dma_semaphore, #tpu.memory_space<semaphore_mem>>) {add = true}
        %dma_wait3A_341 = arith.constant 0 : i32
        %dma_wait3A_342 = tpu.memref_slice %arg10[%run_scoped3A_207, %dma_wait3A_341] : memref<10x100xi32, #tpu.memory_space<vmem>> -> memref<1x100xi32, #tpu.memory_space<vmem>>
        %dma_wait3A_343 = tpu.memref_squeeze %dma_wait3A_342 : memref<1x100xi32, #tpu.memory_space<vmem>> -> memref<100xi32, #tpu.memory_space<vmem>>
        %dma_wait3A_344 = arith.constant 0 : i32
        %dma_wait3A_345 = arith.constant 0 : i32
        %dma_wait3A_346 = tpu.memref_slice %arg14[%dma_wait3A_344, %dma_wait3A_345] : memref<10240x128xf32, #tpu.memory_space<vmem_shared>> -> memref<10240x128xf32, #tpu.memory_space<vmem_shared>>
        tpu.wait_indirect_dma semaphore(%run_scoped3A_334 : memref<!tpu.dma_semaphore, #tpu.memory_space<semaphore_mem>>) src(%arg11 : memref<100x128xf32, #tpu.memory_space<vmem>>) dst(%dma_wait3A_346 : memref<10240x128xf32, #tpu.memory_space<vmem_shared>>)
        tpu.yield
      }) : () -> ()
      %dma_start3A_208 = arith.constant 3 : i32
      %dma_start3A_209 = arith.constant 0 : i32
      %dma_start3A_210 = tpu.memref_slice %arg9[%dma_start3A_208, %dma_start3A_209] : memref<10x100xi32, #tpu.memory_space<vmem>> -> memref<1x100xi32, #tpu.memory_space<vmem>>
      %dma_start3A_211 = tpu.memref_squeeze %dma_start3A_210 : memref<1x100xi32, #tpu.memory_space<vmem>> -> memref<100xi32, #tpu.memory_space<vmem>>
      %dma_start3A_212 = arith.constant 0 : i32
      %dma_start3A_213 = arith.constant 0 : i32
      %dma_start3A_214 = tpu.memref_slice %arg2[%dma_start3A_212, %dma_start3A_213] : memref<10000x128xf32, #tpu.memory_space<hbm>> -> memref<10000x128xf32, #tpu.memory_space<hbm>>
      tpu.enqueue_indirect_dma source(%dma_start3A_214 : memref<10000x128xf32, #tpu.memory_space<hbm>>) target(%arg11 : memref<100x128xf32, #tpu.memory_space<vmem>>) offsets(%dma_start3A_211 : memref<100xi32, #tpu.memory_space<vmem>>) semaphore(%arg15 : memref<!tpu.dma_semaphore, #tpu.memory_space<semaphore_mem>>)
      %dma_wait3A_215 = arith.constant 1 : i32
      %dma_wait3A_216 = arith.constant 0 : i32
      %dma_wait3A_217 = tpu.memref_slice %arg9[%dma_wait3A_215, %dma_wait3A_216] : memref<10x100xi32, #tpu.memory_space<vmem>> -> memref<1x100xi32, #tpu.memory_space<vmem>>
      %dma_wait3A_218 = tpu.memref_squeeze %dma_wait3A_217 : memref<1x100xi32, #tpu.memory_space<vmem>> -> memref<100xi32, #tpu.memory_space<vmem>>
      %dma_wait3A_219 = arith.constant 0 : i32
      %dma_wait3A_220 = arith.constant 0 : i32
      %dma_wait3A_221 = tpu.memref_slice %arg2[%dma_wait3A_219, %dma_wait3A_220] : memref<10000x128xf32, #tpu.memory_space<hbm>> -> memref<10000x128xf32, #tpu.memory_space<hbm>>
      tpu.wait_indirect_dma semaphore(%arg16 : memref<!tpu.dma_semaphore, #tpu.memory_space<semaphore_mem>>) src(%dma_wait3A_221 : memref<10000x128xf32, #tpu.memory_space<hbm>>) dst(%arg12 : memref<100x128xf32, #tpu.memory_space<vmem>>)
      %run_scoped3A_222 = arith.constant 1 : i32
      "tpu.region"() ({
        %run_scoped3A_334 = tpu.sem_alloc : memref<!tpu.dma_semaphore, #tpu.memory_space<semaphore_mem>>
        %dma_start3A_335 = arith.constant 0 : i32
        %dma_start3A_336 = tpu.memref_slice %arg10[%run_scoped3A_222, %dma_start3A_335] : memref<10x100xi32, #tpu.memory_space<vmem>> -> memref<1x100xi32, #tpu.memory_space<vmem>>
        %dma_start3A_337 = tpu.memref_squeeze %dma_start3A_336 : memref<1x100xi32, #tpu.memory_space<vmem>> -> memref<100xi32, #tpu.memory_space<vmem>>
        %dma_start3A_338 = arith.constant 0 : i32
        %dma_start3A_339 = arith.constant 0 : i32
        %dma_start3A_340 = tpu.memref_slice %arg14[%dma_start3A_338, %dma_start3A_339] : memref<10240x128xf32, #tpu.memory_space<vmem_shared>> -> memref<10240x128xf32, #tpu.memory_space<vmem_shared>>
        tpu.enqueue_indirect_dma source(%arg12 : memref<100x128xf32, #tpu.memory_space<vmem>>) target(%dma_start3A_340 : memref<10240x128xf32, #tpu.memory_space<vmem_shared>>) offsets(%dma_start3A_337 : memref<100xi32, #tpu.memory_space<vmem>>) semaphore(%run_scoped3A_334 : memref<!tpu.dma_semaphore, #tpu.memory_space<semaphore_mem>>) {add = true}
        %dma_wait3A_341 = arith.constant 0 : i32
        %dma_wait3A_342 = tpu.memref_slice %arg10[%run_scoped3A_222, %dma_wait3A_341] : memref<10x100xi32, #tpu.memory_space<vmem>> -> memref<1x100xi32, #tpu.memory_space<vmem>>
        %dma_wait3A_343 = tpu.memref_squeeze %dma_wait3A_342 : memref<1x100xi32, #tpu.memory_space<vmem>> -> memref<100xi32, #tpu.memory_space<vmem>>
        %dma_wait3A_344 = arith.constant 0 : i32
        %dma_wait3A_345 = arith.constant 0 : i32
        %dma_wait3A_346 = tpu.memref_slice %arg14[%dma_wait3A_344, %dma_wait3A_345] : memref<10240x128xf32, #tpu.memory_space<vmem_shared>> -> memref<10240x128xf32, #tpu.memory_space<vmem_shared>>
        tpu.wait_indirect_dma semaphore(%run_scoped3A_334 : memref<!tpu.dma_semaphore, #tpu.memory_space<semaphore_mem>>) src(%arg12 : memref<100x128xf32, #tpu.memory_space<vmem>>) dst(%dma_wait3A_346 : memref<10240x128xf32, #tpu.memory_space<vmem_shared>>)
        tpu.yield
      }) : () -> ()
      %dma_start3A_223 = arith.constant 4 : i32
      %dma_start3A_224 = arith.constant 0 : i32
      %dma_start3A_225 = tpu.memref_slice %arg9[%dma_start3A_223, %dma_start3A_224] : memref<10x100xi32, #tpu.memory_space<vmem>> -> memref<1x100xi32, #tpu.memory_space<vmem>>
      %dma_start3A_226 = tpu.memref_squeeze %dma_start3A_225 : memref<1x100xi32, #tpu.memory_space<vmem>> -> memref<100xi32, #tpu.memory_space<vmem>>
      %dma_start3A_227 = arith.constant 0 : i32
      %dma_start3A_228 = arith.constant 0 : i32
      %dma_start3A_229 = tpu.memref_slice %arg2[%dma_start3A_227, %dma_start3A_228] : memref<10000x128xf32, #tpu.memory_space<hbm>> -> memref<10000x128xf32, #tpu.memory_space<hbm>>
      tpu.enqueue_indirect_dma source(%dma_start3A_229 : memref<10000x128xf32, #tpu.memory_space<hbm>>) target(%arg12 : memref<100x128xf32, #tpu.memory_space<vmem>>) offsets(%dma_start3A_226 : memref<100xi32, #tpu.memory_space<vmem>>) semaphore(%arg16 : memref<!tpu.dma_semaphore, #tpu.memory_space<semaphore_mem>>)
      %dma_wait3A_230 = arith.constant 2 : i32
      %dma_wait3A_231 = arith.constant 0 : i32
      %dma_wait3A_232 = tpu.memref_slice %arg9[%dma_wait3A_230, %dma_wait3A_231] : memref<10x100xi32, #tpu.memory_space<vmem>> -> memref<1x100xi32, #tpu.memory_space<vmem>>
      %dma_wait3A_233 = tpu.memref_squeeze %dma_wait3A_232 : memref<1x100xi32, #tpu.memory_space<vmem>> -> memref<100xi32, #tpu.memory_space<vmem>>
      %dma_wait3A_234 = arith.constant 0 : i32
      %dma_wait3A_235 = arith.constant 0 : i32
      %dma_wait3A_236 = tpu.memref_slice %arg2[%dma_wait3A_234, %dma_wait3A_235] : memref<10000x128xf32, #tpu.memory_space<hbm>> -> memref<10000x128xf32, #tpu.memory_space<hbm>>
      tpu.wait_indirect_dma semaphore(%arg17 : memref<!tpu.dma_semaphore, #tpu.memory_space<semaphore_mem>>) src(%dma_wait3A_236 : memref<10000x128xf32, #tpu.memory_space<hbm>>) dst(%arg13 : memref<100x128xf32, #tpu.memory_space<vmem>>)
      %run_scoped3A_237 = arith.constant 2 : i32
      "tpu.region"() ({
        %run_scoped3A_334 = tpu.sem_alloc : memref<!tpu.dma_semaphore, #tpu.memory_space<semaphore_mem>>
        %dma_start3A_335 = arith.constant 0 : i32
        %dma_start3A_336 = tpu.memref_slice %arg10[%run_scoped3A_237, %dma_start3A_335] : memref<10x100xi32, #tpu.memory_space<vmem>> -> memref<1x100xi32, #tpu.memory_space<vmem>>
        %dma_start3A_337 = tpu.memref_squeeze %dma_start3A_336 : memref<1x100xi32, #tpu.memory_space<vmem>> -> memref<100xi32, #tpu.memory_space<vmem>>
        %dma_start3A_338 = arith.constant 0 : i32
        %dma_start3A_339 = arith.constant 0 : i32
        %dma_start3A_340 = tpu.memref_slice %arg14[%dma_start3A_338, %dma_start3A_339] : memref<10240x128xf32, #tpu.memory_space<vmem_shared>> -> memref<10240x128xf32, #tpu.memory_space<vmem_shared>>
        tpu.enqueue_indirect_dma source(%arg13 : memref<100x128xf32, #tpu.memory_space<vmem>>) target(%dma_start3A_340 : memref<10240x128xf32, #tpu.memory_space<vmem_shared>>) offsets(%dma_start3A_337 : memref<100xi32, #tpu.memory_space<vmem>>) semaphore(%run_scoped3A_334 : memref<!tpu.dma_semaphore, #tpu.memory_space<semaphore_mem>>) {add = true}
        %dma_wait3A_341 = arith.constant 0 : i32
        %dma_wait3A_342 = tpu.memref_slice %arg10[%run_scoped3A_237, %dma_wait3A_341] : memref<10x100xi32, #tpu.memory_space<vmem>> -> memref<1x100xi32, #tpu.memory_space<vmem>>
        %dma_wait3A_343 = tpu.memref_squeeze %dma_wait3A_342 : memref<1x100xi32, #tpu.memory_space<vmem>> -> memref<100xi32, #tpu.memory_space<vmem>>
        %dma_wait3A_344 = arith.constant 0 : i32
        %dma_wait3A_345 = arith.constant 0 : i32
        %dma_wait3A_346 = tpu.memref_slice %arg14[%dma_wait3A_344, %dma_wait3A_345] : memref<10240x128xf32, #tpu.memory_space<vmem_shared>> -> memref<10240x128xf32, #tpu.memory_space<vmem_shared>>
        tpu.wait_indirect_dma semaphore(%run_scoped3A_334 : memref<!tpu.dma_semaphore, #tpu.memory_space<semaphore_mem>>) src(%arg13 : memref<100x128xf32, #tpu.memory_space<vmem>>) dst(%dma_wait3A_346 : memref<10240x128xf32, #tpu.memory_space<vmem_shared>>)
        tpu.yield
      }) : () -> ()
      %dma_start3A_238 = arith.constant 5 : i32
      %dma_start3A_239 = arith.constant 0 : i32
      %dma_start3A_240 = tpu.memref_slice %arg9[%dma_start3A_238, %dma_start3A_239] : memref<10x100xi32, #tpu.memory_space<vmem>> -> memref<1x100xi32, #tpu.memory_space<vmem>>
      %dma_start3A_241 = tpu.memref_squeeze %dma_start3A_240 : memref<1x100xi32, #tpu.memory_space<vmem>> -> memref<100xi32, #tpu.memory_space<vmem>>
      %dma_start3A_242 = arith.constant 0 : i32
      %dma_start3A_243 = arith.constant 0 : i32
      %dma_start3A_244 = tpu.memref_slice %arg2[%dma_start3A_242, %dma_start3A_243] : memref<10000x128xf32, #tpu.memory_space<hbm>> -> memref<10000x128xf32, #tpu.memory_space<hbm>>
      tpu.enqueue_indirect_dma source(%dma_start3A_244 : memref<10000x128xf32, #tpu.memory_space<hbm>>) target(%arg13 : memref<100x128xf32, #tpu.memory_space<vmem>>) offsets(%dma_start3A_241 : memref<100xi32, #tpu.memory_space<vmem>>) semaphore(%arg17 : memref<!tpu.dma_semaphore, #tpu.memory_space<semaphore_mem>>)
      %dma_wait3A_245 = arith.constant 3 : i32
      %dma_wait3A_246 = arith.constant 0 : i32
      %dma_wait3A_247 = tpu.memref_slice %arg9[%dma_wait3A_245, %dma_wait3A_246] : memref<10x100xi32, #tpu.memory_space<vmem>> -> memref<1x100xi32, #tpu.memory_space<vmem>>
      %dma_wait3A_248 = tpu.memref_squeeze %dma_wait3A_247 : memref<1x100xi32, #tpu.memory_space<vmem>> -> memref<100xi32, #tpu.memory_space<vmem>>
      %dma_wait3A_249 = arith.constant 0 : i32
      %dma_wait3A_250 = arith.constant 0 : i32
      %dma_wait3A_251 = tpu.memref_slice %arg2[%dma_wait3A_249, %dma_wait3A_250] : memref<10000x128xf32, #tpu.memory_space<hbm>> -> memref<10000x128xf32, #tpu.memory_space<hbm>>
      tpu.wait_indirect_dma semaphore(%arg15 : memref<!tpu.dma_semaphore, #tpu.memory_space<semaphore_mem>>) src(%dma_wait3A_251 : memref<10000x128xf32, #tpu.memory_space<hbm>>) dst(%arg11 : memref<100x128xf32, #tpu.memory_space<vmem>>)
      %run_scoped3A_252 = arith.constant 3 : i32
      "tpu.region"() ({
        %run_scoped3A_334 = tpu.sem_alloc : memref<!tpu.dma_semaphore, #tpu.memory_space<semaphore_mem>>
        %dma_start3A_335 = arith.constant 0 : i32
        %dma_start3A_336 = tpu.memref_slice %arg10[%run_scoped3A_252, %dma_start3A_335] : memref<10x100xi32, #tpu.memory_space<vmem>> -> memref<1x100xi32, #tpu.memory_space<vmem>>
        %dma_start3A_337 = tpu.memref_squeeze %dma_start3A_336 : memref<1x100xi32, #tpu.memory_space<vmem>> -> memref<100xi32, #tpu.memory_space<vmem>>
        %dma_start3A_338 = arith.constant 0 : i32
        %dma_start3A_339 = arith.constant 0 : i32
        %dma_start3A_340 = tpu.memref_slice %arg14[%dma_start3A_338, %dma_start3A_339] : memref<10240x128xf32, #tpu.memory_space<vmem_shared>> -> memref<10240x128xf32, #tpu.memory_space<vmem_shared>>
        tpu.enqueue_indirect_dma source(%arg11 : memref<100x128xf32, #tpu.memory_space<vmem>>) target(%dma_start3A_340 : memref<10240x128xf32, #tpu.memory_space<vmem_shared>>) offsets(%dma_start3A_337 : memref<100xi32, #tpu.memory_space<vmem>>) semaphore(%run_scoped3A_334 : memref<!tpu.dma_semaphore, #tpu.memory_space<semaphore_mem>>) {add = true}
        %dma_wait3A_341 = arith.constant 0 : i32
        %dma_wait3A_342 = tpu.memref_slice %arg10[%run_scoped3A_252, %dma_wait3A_341] : memref<10x100xi32, #tpu.memory_space<vmem>> -> memref<1x100xi32, #tpu.memory_space<vmem>>
        %dma_wait3A_343 = tpu.memref_squeeze %dma_wait3A_342 : memref<1x100xi32, #tpu.memory_space<vmem>> -> memref<100xi32, #tpu.memory_space<vmem>>
        %dma_wait3A_344 = arith.constant 0 : i32
        %dma_wait3A_345 = arith.constant 0 : i32
        %dma_wait3A_346 = tpu.memref_slice %arg14[%dma_wait3A_344, %dma_wait3A_345] : memref<10240x128xf32, #tpu.memory_space<vmem_shared>> -> memref<10240x128xf32, #tpu.memory_space<vmem_shared>>
        tpu.wait_indirect_dma semaphore(%run_scoped3A_334 : memref<!tpu.dma_semaphore, #tpu.memory_space<semaphore_mem>>) src(%arg11 : memref<100x128xf32, #tpu.memory_space<vmem>>) dst(%dma_wait3A_346 : memref<10240x128xf32, #tpu.memory_space<vmem_shared>>)
        tpu.yield
      }) : () -> ()
      %dma_start3A_253 = arith.constant 6 : i32
      %dma_start3A_254 = arith.constant 0 : i32
      %dma_start3A_255 = tpu.memref_slice %arg9[%dma_start3A_253, %dma_start3A_254] : memref<10x100xi32, #tpu.memory_space<vmem>> -> memref<1x100xi32, #tpu.memory_space<vmem>>
      %dma_start3A_256 = tpu.memref_squeeze %dma_start3A_255 : memref<1x100xi32, #tpu.memory_space<vmem>> -> memref<100xi32, #tpu.memory_space<vmem>>
      %dma_start3A_257 = arith.constant 0 : i32
      %dma_start3A_258 = arith.constant 0 : i32
      %dma_start3A_259 = tpu.memref_slice %arg2[%dma_start3A_257, %dma_start3A_258] : memref<10000x128xf32, #tpu.memory_space<hbm>> -> memref<10000x128xf32, #tpu.memory_space<hbm>>
      tpu.enqueue_indirect_dma source(%dma_start3A_259 : memref<10000x128xf32, #tpu.memory_space<hbm>>) target(%arg11 : memref<100x128xf32, #tpu.memory_space<vmem>>) offsets(%dma_start3A_256 : memref<100xi32, #tpu.memory_space<vmem>>) semaphore(%arg15 : memref<!tpu.dma_semaphore, #tpu.memory_space<semaphore_mem>>)
      %dma_wait3A_260 = arith.constant 4 : i32
      %dma_wait3A_261 = arith.constant 0 : i32
      %dma_wait3A_262 = tpu.memref_slice %arg9[%dma_wait3A_260, %dma_wait3A_261] : memref<10x100xi32, #tpu.memory_space<vmem>> -> memref<1x100xi32, #tpu.memory_space<vmem>>
      %dma_wait3A_263 = tpu.memref_squeeze %dma_wait3A_262 : memref<1x100xi32, #tpu.memory_space<vmem>> -> memref<100xi32, #tpu.memory_space<vmem>>
      %dma_wait3A_264 = arith.constant 0 : i32
      %dma_wait3A_265 = arith.constant 0 : i32
      %dma_wait3A_266 = tpu.memref_slice %arg2[%dma_wait3A_264, %dma_wait3A_265] : memref<10000x128xf32, #tpu.memory_space<hbm>> -> memref<10000x128xf32, #tpu.memory_space<hbm>>
      tpu.wait_indirect_dma semaphore(%arg16 : memref<!tpu.dma_semaphore, #tpu.memory_space<semaphore_mem>>) src(%dma_wait3A_266 : memref<10000x128xf32, #tpu.memory_space<hbm>>) dst(%arg12 : memref<100x128xf32, #tpu.memory_space<vmem>>)
      %run_scoped3A_267 = arith.constant 4 : i32
      "tpu.region"() ({
        %run_scoped3A_334 = tpu.sem_alloc : memref<!tpu.dma_semaphore, #tpu.memory_space<semaphore_mem>>
        %dma_start3A_335 = arith.constant 0 : i32
        %dma_start3A_336 = tpu.memref_slice %arg10[%run_scoped3A_267, %dma_start3A_335] : memref<10x100xi32, #tpu.memory_space<vmem>> -> memref<1x100xi32, #tpu.memory_space<vmem>>
        %dma_start3A_337 = tpu.memref_squeeze %dma_start3A_336 : memref<1x100xi32, #tpu.memory_space<vmem>> -> memref<100xi32, #tpu.memory_space<vmem>>
        %dma_start3A_338 = arith.constant 0 : i32
        %dma_start3A_339 = arith.constant 0 : i32
        %dma_start3A_340 = tpu.memref_slice %arg14[%dma_start3A_338, %dma_start3A_339] : memref<10240x128xf32, #tpu.memory_space<vmem_shared>> -> memref<10240x128xf32, #tpu.memory_space<vmem_shared>>
        tpu.enqueue_indirect_dma source(%arg12 : memref<100x128xf32, #tpu.memory_space<vmem>>) target(%dma_start3A_340 : memref<10240x128xf32, #tpu.memory_space<vmem_shared>>) offsets(%dma_start3A_337 : memref<100xi32, #tpu.memory_space<vmem>>) semaphore(%run_scoped3A_334 : memref<!tpu.dma_semaphore, #tpu.memory_space<semaphore_mem>>) {add = true}
        %dma_wait3A_341 = arith.constant 0 : i32
        %dma_wait3A_342 = tpu.memref_slice %arg10[%run_scoped3A_267, %dma_wait3A_341] : memref<10x100xi32, #tpu.memory_space<vmem>> -> memref<1x100xi32, #tpu.memory_space<vmem>>
        %dma_wait3A_343 = tpu.memref_squeeze %dma_wait3A_342 : memref<1x100xi32, #tpu.memory_space<vmem>> -> memref<100xi32, #tpu.memory_space<vmem>>
        %dma_wait3A_344 = arith.constant 0 : i32
        %dma_wait3A_345 = arith.constant 0 : i32
        %dma_wait3A_346 = tpu.memref_slice %arg14[%dma_wait3A_344, %dma_wait3A_345] : memref<10240x128xf32, #tpu.memory_space<vmem_shared>> -> memref<10240x128xf32, #tpu.memory_space<vmem_shared>>
        tpu.wait_indirect_dma semaphore(%run_scoped3A_334 : memref<!tpu.dma_semaphore, #tpu.memory_space<semaphore_mem>>) src(%arg12 : memref<100x128xf32, #tpu.memory_space<vmem>>) dst(%dma_wait3A_346 : memref<10240x128xf32, #tpu.memory_space<vmem_shared>>)
        tpu.yield
      }) : () -> ()
      %dma_start3A_268 = arith.constant 7 : i32
      %dma_start3A_269 = arith.constant 0 : i32
      %dma_start3A_270 = tpu.memref_slice %arg9[%dma_start3A_268, %dma_start3A_269] : memref<10x100xi32, #tpu.memory_space<vmem>> -> memref<1x100xi32, #tpu.memory_space<vmem>>
      %dma_start3A_271 = tpu.memref_squeeze %dma_start3A_270 : memref<1x100xi32, #tpu.memory_space<vmem>> -> memref<100xi32, #tpu.memory_space<vmem>>
      %dma_start3A_272 = arith.constant 0 : i32
      %dma_start3A_273 = arith.constant 0 : i32
      %dma_start3A_274 = tpu.memref_slice %arg2[%dma_start3A_272, %dma_start3A_273] : memref<10000x128xf32, #tpu.memory_space<hbm>> -> memref<10000x128xf32, #tpu.memory_space<hbm>>
      tpu.enqueue_indirect_dma source(%dma_start3A_274 : memref<10000x128xf32, #tpu.memory_space<hbm>>) target(%arg12 : memref<100x128xf32, #tpu.memory_space<vmem>>) offsets(%dma_start3A_271 : memref<100xi32, #tpu.memory_space<vmem>>) semaphore(%arg16 : memref<!tpu.dma_semaphore, #tpu.memory_space<semaphore_mem>>)
      %dma_wait3A_275 = arith.constant 5 : i32
      %dma_wait3A_276 = arith.constant 0 : i32
      %dma_wait3A_277 = tpu.memref_slice %arg9[%dma_wait3A_275, %dma_wait3A_276] : memref<10x100xi32, #tpu.memory_space<vmem>> -> memref<1x100xi32, #tpu.memory_space<vmem>>
      %dma_wait3A_278 = tpu.memref_squeeze %dma_wait3A_277 : memref<1x100xi32, #tpu.memory_space<vmem>> -> memref<100xi32, #tpu.memory_space<vmem>>
      %dma_wait3A_279 = arith.constant 0 : i32
      %dma_wait3A_280 = arith.constant 0 : i32
      %dma_wait3A_281 = tpu.memref_slice %arg2[%dma_wait3A_279, %dma_wait3A_280] : memref<10000x128xf32, #tpu.memory_space<hbm>> -> memref<10000x128xf32, #tpu.memory_space<hbm>>
      tpu.wait_indirect_dma semaphore(%arg17 : memref<!tpu.dma_semaphore, #tpu.memory_space<semaphore_mem>>) src(%dma_wait3A_281 : memref<10000x128xf32, #tpu.memory_space<hbm>>) dst(%arg13 : memref<100x128xf32, #tpu.memory_space<vmem>>)
      %run_scoped3A_282 = arith.constant 5 : i32
      "tpu.region"() ({
        %run_scoped3A_334 = tpu.sem_alloc : memref<!tpu.dma_semaphore, #tpu.memory_space<semaphore_mem>>
        %dma_start3A_335 = arith.constant 0 : i32
        %dma_start3A_336 = tpu.memref_slice %arg10[%run_scoped3A_282, %dma_start3A_335] : memref<10x100xi32, #tpu.memory_space<vmem>> -> memref<1x100xi32, #tpu.memory_space<vmem>>
        %dma_start3A_337 = tpu.memref_squeeze %dma_start3A_336 : memref<1x100xi32, #tpu.memory_space<vmem>> -> memref<100xi32, #tpu.memory_space<vmem>>
        %dma_start3A_338 = arith.constant 0 : i32
        %dma_start3A_339 = arith.constant 0 : i32
        %dma_start3A_340 = tpu.memref_slice %arg14[%dma_start3A_338, %dma_start3A_339] : memref<10240x128xf32, #tpu.memory_space<vmem_shared>> -> memref<10240x128xf32, #tpu.memory_space<vmem_shared>>
        tpu.enqueue_indirect_dma source(%arg13 : memref<100x128xf32, #tpu.memory_space<vmem>>) target(%dma_start3A_340 : memref<10240x128xf32, #tpu.memory_space<vmem_shared>>) offsets(%dma_start3A_337 : memref<100xi32, #tpu.memory_space<vmem>>) semaphore(%run_scoped3A_334 : memref<!tpu.dma_semaphore, #tpu.memory_space<semaphore_mem>>) {add = true}
        %dma_wait3A_341 = arith.constant 0 : i32
        %dma_wait3A_342 = tpu.memref_slice %arg10[%run_scoped3A_282, %dma_wait3A_341] : memref<10x100xi32, #tpu.memory_space<vmem>> -> memref<1x100xi32, #tpu.memory_space<vmem>>
        %dma_wait3A_343 = tpu.memref_squeeze %dma_wait3A_342 : memref<1x100xi32, #tpu.memory_space<vmem>> -> memref<100xi32, #tpu.memory_space<vmem>>
        %dma_wait3A_344 = arith.constant 0 : i32
        %dma_wait3A_345 = arith.constant 0 : i32
        %dma_wait3A_346 = tpu.memref_slice %arg14[%dma_wait3A_344, %dma_wait3A_345] : memref<10240x128xf32, #tpu.memory_space<vmem_shared>> -> memref<10240x128xf32, #tpu.memory_space<vmem_shared>>
        tpu.wait_indirect_dma semaphore(%run_scoped3A_334 : memref<!tpu.dma_semaphore, #tpu.memory_space<semaphore_mem>>) src(%arg13 : memref<100x128xf32, #tpu.memory_space<vmem>>) dst(%dma_wait3A_346 : memref<10240x128xf32, #tpu.memory_space<vmem_shared>>)
        tpu.yield
      }) : () -> ()
      %dma_start3A_283 = arith.constant 8 : i32
      %dma_start3A_284 = arith.constant 0 : i32
      %dma_start3A_285 = tpu.memref_slice %arg9[%dma_start3A_283, %dma_start3A_284] : memref<10x100xi32, #tpu.memory_space<vmem>> -> memref<1x100xi32, #tpu.memory_space<vmem>>
      %dma_start3A_286 = tpu.memref_squeeze %dma_start3A_285 : memref<1x100xi32, #tpu.memory_space<vmem>> -> memref<100xi32, #tpu.memory_space<vmem>>
      %dma_start3A_287 = arith.constant 0 : i32
      %dma_start3A_288 = arith.constant 0 : i32
      %dma_start3A_289 = tpu.memref_slice %arg2[%dma_start3A_287, %dma_start3A_288] : memref<10000x128xf32, #tpu.memory_space<hbm>> -> memref<10000x128xf32, #tpu.memory_space<hbm>>
      tpu.enqueue_indirect_dma source(%dma_start3A_289 : memref<10000x128xf32, #tpu.memory_space<hbm>>) target(%arg13 : memref<100x128xf32, #tpu.memory_space<vmem>>) offsets(%dma_start3A_286 : memref<100xi32, #tpu.memory_space<vmem>>) semaphore(%arg17 : memref<!tpu.dma_semaphore, #tpu.memory_space<semaphore_mem>>)
      %dma_wait3A_290 = arith.constant 6 : i32
      %dma_wait3A_291 = arith.constant 0 : i32
      %dma_wait3A_292 = tpu.memref_slice %arg9[%dma_wait3A_290, %dma_wait3A_291] : memref<10x100xi32, #tpu.memory_space<vmem>> -> memref<1x100xi32, #tpu.memory_space<vmem>>
      %dma_wait3A_293 = tpu.memref_squeeze %dma_wait3A_292 : memref<1x100xi32, #tpu.memory_space<vmem>> -> memref<100xi32, #tpu.memory_space<vmem>>
      %dma_wait3A_294 = arith.constant 0 : i32
      %dma_wait3A_295 = arith.constant 0 : i32
      %dma_wait3A_296 = tpu.memref_slice %arg2[%dma_wait3A_294, %dma_wait3A_295] : memref<10000x128xf32, #tpu.memory_space<hbm>> -> memref<10000x128xf32, #tpu.memory_space<hbm>>
      tpu.wait_indirect_dma semaphore(%arg15 : memref<!tpu.dma_semaphore, #tpu.memory_space<semaphore_mem>>) src(%dma_wait3A_296 : memref<10000x128xf32, #tpu.memory_space<hbm>>) dst(%arg11 : memref<100x128xf32, #tpu.memory_space<vmem>>)
      %run_scoped3A_297 = arith.constant 6 : i32
      "tpu.region"() ({
        %run_scoped3A_334 = tpu.sem_alloc : memref<!tpu.dma_semaphore, #tpu.memory_space<semaphore_mem>>
        %dma_start3A_335 = arith.constant 0 : i32
        %dma_start3A_336 = tpu.memref_slice %arg10[%run_scoped3A_297, %dma_start3A_335] : memref<10x100xi32, #tpu.memory_space<vmem>> -> memref<1x100xi32, #tpu.memory_space<vmem>>
        %dma_start3A_337 = tpu.memref_squeeze %dma_start3A_336 : memref<1x100xi32, #tpu.memory_space<vmem>> -> memref<100xi32, #tpu.memory_space<vmem>>
        %dma_start3A_338 = arith.constant 0 : i32
        %dma_start3A_339 = arith.constant 0 : i32
        %dma_start3A_340 = tpu.memref_slice %arg14[%dma_start3A_338, %dma_start3A_339] : memref<10240x128xf32, #tpu.memory_space<vmem_shared>> -> memref<10240x128xf32, #tpu.memory_space<vmem_shared>>
        tpu.enqueue_indirect_dma source(%arg11 : memref<100x128xf32, #tpu.memory_space<vmem>>) target(%dma_start3A_340 : memref<10240x128xf32, #tpu.memory_space<vmem_shared>>) offsets(%dma_start3A_337 : memref<100xi32, #tpu.memory_space<vmem>>) semaphore(%run_scoped3A_334 : memref<!tpu.dma_semaphore, #tpu.memory_space<semaphore_mem>>) {add = true}
        %dma_wait3A_341 = arith.constant 0 : i32
        %dma_wait3A_342 = tpu.memref_slice %arg10[%run_scoped3A_297, %dma_wait3A_341] : memref<10x100xi32, #tpu.memory_space<vmem>> -> memref<1x100xi32, #tpu.memory_space<vmem>>
        %dma_wait3A_343 = tpu.memref_squeeze %dma_wait3A_342 : memref<1x100xi32, #tpu.memory_space<vmem>> -> memref<100xi32, #tpu.memory_space<vmem>>
        %dma_wait3A_344 = arith.constant 0 : i32
        %dma_wait3A_345 = arith.constant 0 : i32
        %dma_wait3A_346 = tpu.memref_slice %arg14[%dma_wait3A_344, %dma_wait3A_345] : memref<10240x128xf32, #tpu.memory_space<vmem_shared>> -> memref<10240x128xf32, #tpu.memory_space<vmem_shared>>
        tpu.wait_indirect_dma semaphore(%run_scoped3A_334 : memref<!tpu.dma_semaphore, #tpu.memory_space<semaphore_mem>>) src(%arg11 : memref<100x128xf32, #tpu.memory_space<vmem>>) dst(%dma_wait3A_346 : memref<10240x128xf32, #tpu.memory_space<vmem_shared>>)
        tpu.yield
      }) : () -> ()
      %dma_start3A_298 = arith.constant 9 : i32
      %dma_start3A_299 = arith.constant 0 : i32
      %dma_start3A_300 = tpu.memref_slice %arg9[%dma_start3A_298, %dma_start3A_299] : memref<10x100xi32, #tpu.memory_space<vmem>> -> memref<1x100xi32, #tpu.memory_space<vmem>>
      %dma_start3A_301 = tpu.memref_squeeze %dma_start3A_300 : memref<1x100xi32, #tpu.memory_space<vmem>> -> memref<100xi32, #tpu.memory_space<vmem>>
      %dma_start3A_302 = arith.constant 0 : i32
      %dma_start3A_303 = arith.constant 0 : i32
      %dma_start3A_304 = tpu.memref_slice %arg2[%dma_start3A_302, %dma_start3A_303] : memref<10000x128xf32, #tpu.memory_space<hbm>> -> memref<10000x128xf32, #tpu.memory_space<hbm>>
      tpu.enqueue_indirect_dma source(%dma_start3A_304 : memref<10000x128xf32, #tpu.memory_space<hbm>>) target(%arg11 : memref<100x128xf32, #tpu.memory_space<vmem>>) offsets(%dma_start3A_301 : memref<100xi32, #tpu.memory_space<vmem>>) semaphore(%arg15 : memref<!tpu.dma_semaphore, #tpu.memory_space<semaphore_mem>>)
      %dma_wait3A_305 = arith.constant 7 : i32
      %dma_wait3A_306 = arith.constant 0 : i32
      %dma_wait3A_307 = tpu.memref_slice %arg9[%dma_wait3A_305, %dma_wait3A_306] : memref<10x100xi32, #tpu.memory_space<vmem>> -> memref<1x100xi32, #tpu.memory_space<vmem>>
      %dma_wait3A_308 = tpu.memref_squeeze %dma_wait3A_307 : memref<1x100xi32, #tpu.memory_space<vmem>> -> memref<100xi32, #tpu.memory_space<vmem>>
      %dma_wait3A_309 = arith.constant 0 : i32
      %dma_wait3A_310 = arith.constant 0 : i32
      %dma_wait3A_311 = tpu.memref_slice %arg2[%dma_wait3A_309, %dma_wait3A_310] : memref<10000x128xf32, #tpu.memory_space<hbm>> -> memref<10000x128xf32, #tpu.memory_space<hbm>>
      tpu.wait_indirect_dma semaphore(%arg16 : memref<!tpu.dma_semaphore, #tpu.memory_space<semaphore_mem>>) src(%dma_wait3A_311 : memref<10000x128xf32, #tpu.memory_space<hbm>>) dst(%arg12 : memref<100x128xf32, #tpu.memory_space<vmem>>)
      %run_scoped3A_312 = arith.constant 7 : i32
      "tpu.region"() ({
        %run_scoped3A_334 = tpu.sem_alloc : memref<!tpu.dma_semaphore, #tpu.memory_space<semaphore_mem>>
        %dma_start3A_335 = arith.constant 0 : i32
        %dma_start3A_336 = tpu.memref_slice %arg10[%run_scoped3A_312, %dma_start3A_335] : memref<10x100xi32, #tpu.memory_space<vmem>> -> memref<1x100xi32, #tpu.memory_space<vmem>>
        %dma_start3A_337 = tpu.memref_squeeze %dma_start3A_336 : memref<1x100xi32, #tpu.memory_space<vmem>> -> memref<100xi32, #tpu.memory_space<vmem>>
        %dma_start3A_338 = arith.constant 0 : i32
        %dma_start3A_339 = arith.constant 0 : i32
        %dma_start3A_340 = tpu.memref_slice %arg14[%dma_start3A_338, %dma_start3A_339] : memref<10240x128xf32, #tpu.memory_space<vmem_shared>> -> memref<10240x128xf32, #tpu.memory_space<vmem_shared>>
        tpu.enqueue_indirect_dma source(%arg12 : memref<100x128xf32, #tpu.memory_space<vmem>>) target(%dma_start3A_340 : memref<10240x128xf32, #tpu.memory_space<vmem_shared>>) offsets(%dma_start3A_337 : memref<100xi32, #tpu.memory_space<vmem>>) semaphore(%run_scoped3A_334 : memref<!tpu.dma_semaphore, #tpu.memory_space<semaphore_mem>>) {add = true}
        %dma_wait3A_341 = arith.constant 0 : i32
        %dma_wait3A_342 = tpu.memref_slice %arg10[%run_scoped3A_312, %dma_wait3A_341] : memref<10x100xi32, #tpu.memory_space<vmem>> -> memref<1x100xi32, #tpu.memory_space<vmem>>
        %dma_wait3A_343 = tpu.memref_squeeze %dma_wait3A_342 : memref<1x100xi32, #tpu.memory_space<vmem>> -> memref<100xi32, #tpu.memory_space<vmem>>
        %dma_wait3A_344 = arith.constant 0 : i32
        %dma_wait3A_345 = arith.constant 0 : i32
        %dma_wait3A_346 = tpu.memref_slice %arg14[%dma_wait3A_344, %dma_wait3A_345] : memref<10240x128xf32, #tpu.memory_space<vmem_shared>> -> memref<10240x128xf32, #tpu.memory_space<vmem_shared>>
        tpu.wait_indirect_dma semaphore(%run_scoped3A_334 : memref<!tpu.dma_semaphore, #tpu.memory_space<semaphore_mem>>) src(%arg12 : memref<100x128xf32, #tpu.memory_space<vmem>>) dst(%dma_wait3A_346 : memref<10240x128xf32, #tpu.memory_space<vmem_shared>>)
        tpu.yield
      }) : () -> ()
      %dma_wait3A_313 = arith.constant 8 : i32
      %dma_wait3A_314 = arith.constant 0 : i32
      %dma_wait3A_315 = tpu.memref_slice %arg9[%dma_wait3A_313, %dma_wait3A_314] : memref<10x100xi32, #tpu.memory_space<vmem>> -> memref<1x100xi32, #tpu.memory_space<vmem>>
      %dma_wait3A_316 = tpu.memref_squeeze %dma_wait3A_315 : memref<1x100xi32, #tpu.memory_space<vmem>> -> memref<100xi32, #tpu.memory_space<vmem>>
      %dma_wait3A_317 = arith.constant 0 : i32
      %dma_wait3A_318 = arith.constant 0 : i32
      %dma_wait3A_319 = tpu.memref_slice %arg2[%dma_wait3A_317, %dma_wait3A_318] : memref<10000x128xf32, #tpu.memory_space<hbm>> -> memref<10000x128xf32, #tpu.memory_space<hbm>>
      tpu.wait_indirect_dma semaphore(%arg17 : memref<!tpu.dma_semaphore, #tpu.memory_space<semaphore_mem>>) src(%dma_wait3A_319 : memref<10000x128xf32, #tpu.memory_space<hbm>>) dst(%arg13 : memref<100x128xf32, #tpu.memory_space<vmem>>)
      %run_scoped3A_320 = arith.constant 8 : i32
      "tpu.region"() ({
        %run_scoped3A_334 = tpu.sem_alloc : memref<!tpu.dma_semaphore, #tpu.memory_space<semaphore_mem>>
        %dma_start3A_335 = arith.constant 0 : i32
        %dma_start3A_336 = tpu.memref_slice %arg10[%run_scoped3A_320, %dma_start3A_335] : memref<10x100xi32, #tpu.memory_space<vmem>> -> memref<1x100xi32, #tpu.memory_space<vmem>>
        %dma_start3A_337 = tpu.memref_squeeze %dma_start3A_336 : memref<1x100xi32, #tpu.memory_space<vmem>> -> memref<100xi32, #tpu.memory_space<vmem>>
        %dma_start3A_338 = arith.constant 0 : i32
        %dma_start3A_339 = arith.constant 0 : i32
        %dma_start3A_340 = tpu.memref_slice %arg14[%dma_start3A_338, %dma_start3A_339] : memref<10240x128xf32, #tpu.memory_space<vmem_shared>> -> memref<10240x128xf32, #tpu.memory_space<vmem_shared>>
        tpu.enqueue_indirect_dma source(%arg13 : memref<100x128xf32, #tpu.memory_space<vmem>>) target(%dma_start3A_340 : memref<10240x128xf32, #tpu.memory_space<vmem_shared>>) offsets(%dma_start3A_337 : memref<100xi32, #tpu.memory_space<vmem>>) semaphore(%run_scoped3A_334 : memref<!tpu.dma_semaphore, #tpu.memory_space<semaphore_mem>>) {add = true}
        %dma_wait3A_341 = arith.constant 0 : i32
        %dma_wait3A_342 = tpu.memref_slice %arg10[%run_scoped3A_320, %dma_wait3A_341] : memref<10x100xi32, #tpu.memory_space<vmem>> -> memref<1x100xi32, #tpu.memory_space<vmem>>
        %dma_wait3A_343 = tpu.memref_squeeze %dma_wait3A_342 : memref<1x100xi32, #tpu.memory_space<vmem>> -> memref<100xi32, #tpu.memory_space<vmem>>
        %dma_wait3A_344 = arith.constant 0 : i32
        %dma_wait3A_345 = arith.constant 0 : i32
        %dma_wait3A_346 = tpu.memref_slice %arg14[%dma_wait3A_344, %dma_wait3A_345] : memref<10240x128xf32, #tpu.memory_space<vmem_shared>> -> memref<10240x128xf32, #tpu.memory_space<vmem_shared>>
        tpu.wait_indirect_dma semaphore(%run_scoped3A_334 : memref<!tpu.dma_semaphore, #tpu.memory_space<semaphore_mem>>) src(%arg13 : memref<100x128xf32, #tpu.memory_space<vmem>>) dst(%dma_wait3A_346 : memref<10240x128xf32, #tpu.memory_space<vmem_shared>>)
        tpu.yield
      }) : () -> ()
      %dma_wait3A_321 = arith.constant 9 : i32
      %dma_wait3A_322 = arith.constant 0 : i32
      %dma_wait3A_323 = tpu.memref_slice %arg9[%dma_wait3A_321, %dma_wait3A_322] : memref<10x100xi32, #tpu.memory_space<vmem>> -> memref<1x100xi32, #tpu.memory_space<vmem>>
      %dma_wait3A_324 = tpu.memref_squeeze %dma_wait3A_323 : memref<1x100xi32, #tpu.memory_space<vmem>> -> memref<100xi32, #tpu.memory_space<vmem>>
      %dma_wait3A_325 = arith.constant 0 : i32
      %dma_wait3A_326 = arith.constant 0 : i32
      %dma_wait3A_327 = tpu.memref_slice %arg2[%dma_wait3A_325, %dma_wait3A_326] : memref<10000x128xf32, #tpu.memory_space<hbm>> -> memref<10000x128xf32, #tpu.memory_space<hbm>>
      tpu.wait_indirect_dma semaphore(%arg15 : memref<!tpu.dma_semaphore, #tpu.memory_space<semaphore_mem>>) src(%dma_wait3A_327 : memref<10000x128xf32, #tpu.memory_space<hbm>>) dst(%arg11 : memref<100x128xf32, #tpu.memory_space<vmem>>)
      %run_scoped3A_328 = arith.constant 9 : i32
      "tpu.region"() ({
        %run_scoped3A_334 = tpu.sem_alloc : memref<!tpu.dma_semaphore, #tpu.memory_space<semaphore_mem>>
        %dma_start3A_335 = arith.constant 0 : i32
        %dma_start3A_336 = tpu.memref_slice %arg10[%run_scoped3A_328, %dma_start3A_335] : memref<10x100xi32, #tpu.memory_space<vmem>> -> memref<1x100xi32, #tpu.memory_space<vmem>>
        %dma_start3A_337 = tpu.memref_squeeze %dma_start3A_336 : memref<1x100xi32, #tpu.memory_space<vmem>> -> memref<100xi32, #tpu.memory_space<vmem>>
        %dma_start3A_338 = arith.constant 0 : i32
        %dma_start3A_339 = arith.constant 0 : i32
        %dma_start3A_340 = tpu.memref_slice %arg14[%dma_start3A_338, %dma_start3A_339] : memref<10240x128xf32, #tpu.memory_space<vmem_shared>> -> memref<10240x128xf32, #tpu.memory_space<vmem_shared>>
        tpu.enqueue_indirect_dma source(%arg11 : memref<100x128xf32, #tpu.memory_space<vmem>>) target(%dma_start3A_340 : memref<10240x128xf32, #tpu.memory_space<vmem_shared>>) offsets(%dma_start3A_337 : memref<100xi32, #tpu.memory_space<vmem>>) semaphore(%run_scoped3A_334 : memref<!tpu.dma_semaphore, #tpu.memory_space<semaphore_mem>>) {add = true}
        %dma_wait3A_341 = arith.constant 0 : i32
        %dma_wait3A_342 = tpu.memref_slice %arg10[%run_scoped3A_328, %dma_wait3A_341] : memref<10x100xi32, #tpu.memory_space<vmem>> -> memref<1x100xi32, #tpu.memory_space<vmem>>
        %dma_wait3A_343 = tpu.memref_squeeze %dma_wait3A_342 : memref<1x100xi32, #tpu.memory_space<vmem>> -> memref<100xi32, #tpu.memory_space<vmem>>
        %dma_wait3A_344 = arith.constant 0 : i32
        %dma_wait3A_345 = arith.constant 0 : i32
        %dma_wait3A_346 = tpu.memref_slice %arg14[%dma_wait3A_344, %dma_wait3A_345] : memref<10240x128xf32, #tpu.memory_space<vmem_shared>> -> memref<10240x128xf32, #tpu.memory_space<vmem_shared>>
        tpu.wait_indirect_dma semaphore(%run_scoped3A_334 : memref<!tpu.dma_semaphore, #tpu.memory_space<semaphore_mem>>) src(%arg11 : memref<100x128xf32, #tpu.memory_space<vmem>>) dst(%dma_wait3A_346 : memref<10240x128xf32, #tpu.memory_space<vmem_shared>>)
        tpu.yield
      }) : () -> ()
      %lt3A_329 = arith.constant 10 : i32
      %lt3A_330 = arith.cmpi slt, %add3A_173, %lt3A_329 : i32
      %convert_element_type3A_331 = arith.extui %lt3A_330 : i1 to i32
      %cond3A_332 = arith.constant 0 : i32
      %cond3A_333 = arith.cmpi ne, %convert_element_type3A_331, %cond3A_332 : i32
      scf.if %cond3A_333 {
        %dma_wait3A_334 = arith.constant 0 : i32
        %dma_wait3A_335 = arith.constant 0 : i32
        %dma_wait3A_336 = tpu.memref_slice %arg3[%arg0, %arg1, %add3A_173, %dma_wait3A_334, %dma_wait3A_335] : memref<2x16x10x10x100xi32, #tpu.memory_space<hbm>> -> memref<1x1x1x10x100xi32, #tpu.memory_space<hbm>>
        %dma_wait3A_337 = tpu.memref_squeeze %dma_wait3A_336 : memref<1x1x1x10x100xi32, #tpu.memory_space<hbm>> -> memref<10x100xi32, #tpu.memory_space<hbm>>
        %dma_wait3A_338 = arith.constant 0 : i32
        %dma_wait3A_339 = arith.constant 0 : i32
        %dma_wait3A_340 = tpu.memref_slice %arg3[%arg0, %arg1, %add3A_173, %dma_wait3A_338, %dma_wait3A_339] : memref<2x16x10x10x100xi32, #tpu.memory_space<hbm>> -> memref<1x1x1x10x100xi32, #tpu.memory_space<hbm>>
        %dma_wait3A_341 = tpu.memref_squeeze %dma_wait3A_340 : memref<1x1x1x10x100xi32, #tpu.memory_space<hbm>> -> memref<10x100xi32, #tpu.memory_space<hbm>>
        tpu.wait_dma2 semaphore(%arg18 : memref<!tpu.dma_semaphore, #tpu.memory_space<semaphore_mem>>) src(%dma_wait3A_341 : memref<10x100xi32, #tpu.memory_space<hbm>>) dst(%arg7 : memref<10x100xi32, #tpu.memory_space<vmem>>)
        %dma_wait3A_342 = arith.constant 0 : i32
        %dma_wait3A_343 = arith.constant 0 : i32
        %dma_wait3A_344 = tpu.memref_slice %arg4[%arg0, %arg1, %add3A_173, %dma_wait3A_342, %dma_wait3A_343] : memref<2x16x10x10x100xi32, #tpu.memory_space<hbm>> -> memref<1x1x1x10x100xi32, #tpu.memory_space<hbm>>
        %dma_wait3A_345 = tpu.memref_squeeze %dma_wait3A_344 : memref<1x1x1x10x100xi32, #tpu.memory_space<hbm>> -> memref<10x100xi32, #tpu.memory_space<hbm>>
        %dma_wait3A_346 = arith.constant 0 : i32
        %dma_wait3A_347 = arith.constant 0 : i32
        %dma_wait3A_348 = tpu.memref_slice %arg4[%arg0, %arg1, %add3A_173, %dma_wait3A_346, %dma_wait3A_347] : memref<2x16x10x10x100xi32, #tpu.memory_space<hbm>> -> memref<1x1x1x10x100xi32, #tpu.memory_space<hbm>>
        %dma_wait3A_349 = tpu.memref_squeeze %dma_wait3A_348 : memref<1x1x1x10x100xi32, #tpu.memory_space<hbm>> -> memref<10x100xi32, #tpu.memory_space<hbm>>
        tpu.wait_dma2 semaphore(%arg18 : memref<!tpu.dma_semaphore, #tpu.memory_space<semaphore_mem>>) src(%dma_wait3A_349 : memref<10x100xi32, #tpu.memory_space<hbm>>) dst(%arg8 : memref<10x100xi32, #tpu.memory_space<vmem>>)
      } else {
      }
    }
    %scan3A_5 = arith.constant 5 : i32
    %barrier3A_6 = arith.constant 0 : index
    tpu.barrier barrier_id(%barrier3A_6)
    "tpu.region"() ({
      %run_scoped3A_7 = tpu.sem_alloc : memref<!tpu.dma_semaphore, #tpu.memory_space<semaphore_mem>>
      %dma_start3A = arith.constant 0 : i32
      %dma_start3A_8 = tpu.memref_slice %arg6[%arg0, %mul3A_0, %dma_start3A] : memref<2x10240x128xf32, #tpu.memory_space<hbm>> -> memref<1x640x128xf32, #tpu.memory_space<hbm>>
      %dma_start3A_9 = tpu.memref_squeeze %dma_start3A_8 : memref<1x640x128xf32, #tpu.memory_space<hbm>> -> memref<640x128xf32, #tpu.memory_space<hbm>>
      %dma_start3A_10 = arith.constant 0 : i32
      %dma_start3A_11 = tpu.memref_slice %arg14[%mul3A_0, %dma_start3A_10] : memref<10240x128xf32, #tpu.memory_space<vmem_shared>> -> memref<640x128xf32, #tpu.memory_space<vmem_shared>>
      tpu.enqueue_dma source(%dma_start3A_11 : memref<640x128xf32, #tpu.memory_space<vmem_shared>>) target(%dma_start3A_9 : memref<640x128xf32, #tpu.memory_space<hbm>>) target_semaphore(%run_scoped3A_7 : memref<!tpu.dma_semaphore, #tpu.memory_space<semaphore_mem>>)
      %dma_wait3A = arith.constant 0 : i32
      %dma_wait3A_12 = tpu.memref_slice %arg6[%arg0, %mul3A_0, %dma_wait3A] : memref<2x10240x128xf32, #tpu.memory_space<hbm>> -> memref<1x640x128xf32, #tpu.memory_space<hbm>>
      %dma_wait3A_13 = tpu.memref_squeeze %dma_wait3A_12 : memref<1x640x128xf32, #tpu.memory_space<hbm>> -> memref<640x128xf32, #tpu.memory_space<hbm>>
      %dma_wait3A_14 = arith.constant 0 : i32
      %dma_wait3A_15 = tpu.memref_slice %arg14[%mul3A_0, %dma_wait3A_14] : memref<10240x128xf32, #tpu.memory_space<vmem_shared>> -> memref<640x128xf32, #tpu.memory_space<vmem_shared>>
      tpu.wait_dma2 semaphore(%run_scoped3A_7 : memref<!tpu.dma_semaphore, #tpu.memory_space<semaphore_mem>>) src(%dma_wait3A_15 : memref<640x128xf32, #tpu.memory_space<vmem_shared>>) dst(%dma_wait3A_13 : memref<640x128xf32, #tpu.memory_space<hbm>>)
      tpu.yield
    }) : () -> ()
    return
  }
}

#map = affine_map<(d0, d1) -> (0, 0, 0, 0)>
#map1 = affine_map<(d0, d1) -> (0, 0)>
#map2 = affine_map<(d0, d1) -> (0, 0, 0)>
module attributes {stable_mosaic.version = 14 : i64} {
  func.func @_deg_body(%arg0: i32, %arg1: i32, %arg2: memref<2x16x100x100xi32, #tpu.memory_space<hbm>>, %arg3: memref<10240x128xf32, #tpu.memory_space<hbm>>, %arg4: memref<100x128xf32, #tpu.memory_space<hbm>>, %arg5: memref<2x10240x128xf32, #tpu.memory_space<hbm>>, %arg6: memref<100x100xi32, #tpu.memory_space<vmem>>, %arg7: memref<100x128xf32, #tpu.memory_space<vmem>>, %arg8: memref<10240x128xf32, #tpu.memory_space<vmem_shared>>) attributes {dimension_semantics = [#tpu.dimension_semantics<core_parallel>, #tpu.dimension_semantics<subcore_parallel>], iteration_bounds = array<i64: 2, 16>, scalar_prefetch = 0 : i64, scratch_operands = 3 : i64, tpu.core_type = #tpu.core_type<sc_vector_subcore>, window_params = [{transform_indices = #map}, {transform_indices = #map1}, {transform_indices = #map1}, {transform_indices = #map2}]} {
    %mul3A = arith.constant 640 : i32
    %mul3A_0 = arith.muli %arg1, %mul3A : i32
    "tpu.region"() ({
      %run_scoped3A = tpu.sem_alloc : memref<!tpu.dma_semaphore, #tpu.memory_space<semaphore_mem>>
      %dma_start3A = arith.constant 0 : i32
      %dma_start3A_6 = tpu.memref_slice %arg8[%mul3A_0, %dma_start3A] : memref<10240x128xf32, #tpu.memory_space<vmem_shared>> -> memref<640x128xf32, #tpu.memory_space<vmem_shared>>
      %dma_start3A_7 = arith.constant 0 : i32
      %dma_start3A_8 = tpu.memref_slice %arg3[%mul3A_0, %dma_start3A_7] : memref<10240x128xf32, #tpu.memory_space<hbm>> -> memref<640x128xf32, #tpu.memory_space<hbm>>
      tpu.enqueue_dma source(%dma_start3A_8 : memref<640x128xf32, #tpu.memory_space<hbm>>) target(%dma_start3A_6 : memref<640x128xf32, #tpu.memory_space<vmem_shared>>) target_semaphore(%run_scoped3A : memref<!tpu.dma_semaphore, #tpu.memory_space<semaphore_mem>>)
      %dma_wait3A = arith.constant 0 : i32
      %dma_wait3A_9 = tpu.memref_slice %arg8[%mul3A_0, %dma_wait3A] : memref<10240x128xf32, #tpu.memory_space<vmem_shared>> -> memref<640x128xf32, #tpu.memory_space<vmem_shared>>
      %dma_wait3A_10 = arith.constant 0 : i32
      %dma_wait3A_11 = tpu.memref_slice %arg3[%mul3A_0, %dma_wait3A_10] : memref<10240x128xf32, #tpu.memory_space<hbm>> -> memref<640x128xf32, #tpu.memory_space<hbm>>
      tpu.wait_dma2 semaphore(%run_scoped3A : memref<!tpu.dma_semaphore, #tpu.memory_space<semaphore_mem>>) src(%dma_wait3A_11 : memref<640x128xf32, #tpu.memory_space<hbm>>) dst(%dma_wait3A_9 : memref<640x128xf32, #tpu.memory_space<vmem_shared>>)
      tpu.yield
    }) : () -> ()
    "tpu.region"() ({
      %run_scoped3A = tpu.sem_alloc : memref<!tpu.dma_semaphore, #tpu.memory_space<semaphore_mem>>
      tpu.enqueue_dma source(%arg4 : memref<100x128xf32, #tpu.memory_space<hbm>>) target(%arg7 : memref<100x128xf32, #tpu.memory_space<vmem>>) target_semaphore(%run_scoped3A : memref<!tpu.dma_semaphore, #tpu.memory_space<semaphore_mem>>)
      tpu.wait_dma2 semaphore(%run_scoped3A : memref<!tpu.dma_semaphore, #tpu.memory_space<semaphore_mem>>) src(%arg4 : memref<100x128xf32, #tpu.memory_space<hbm>>) dst(%arg7 : memref<100x128xf32, #tpu.memory_space<vmem>>)
      tpu.yield
    }) : () -> ()
    "tpu.region"() ({
      %run_scoped3A = tpu.sem_alloc : memref<!tpu.dma_semaphore, #tpu.memory_space<semaphore_mem>>
      %dma_start3A = arith.constant 0 : i32
      %dma_start3A_6 = arith.constant 0 : i32
      %dma_start3A_7 = tpu.memref_slice %arg2[%arg0, %arg1, %dma_start3A, %dma_start3A_6] : memref<2x16x100x100xi32, #tpu.memory_space<hbm>> -> memref<1x1x100x100xi32, #tpu.memory_space<hbm>>
      %dma_start3A_8 = tpu.memref_squeeze %dma_start3A_7 : memref<1x1x100x100xi32, #tpu.memory_space<hbm>> -> memref<100x100xi32, #tpu.memory_space<hbm>>
      %dma_start3A_9 = arith.constant 0 : i32
      %dma_start3A_10 = arith.constant 0 : i32
      %dma_start3A_11 = tpu.memref_slice %arg2[%arg0, %arg1, %dma_start3A_9, %dma_start3A_10] : memref<2x16x100x100xi32, #tpu.memory_space<hbm>> -> memref<1x1x100x100xi32, #tpu.memory_space<hbm>>
      %dma_start3A_12 = tpu.memref_squeeze %dma_start3A_11 : memref<1x1x100x100xi32, #tpu.memory_space<hbm>> -> memref<100x100xi32, #tpu.memory_space<hbm>>
      tpu.enqueue_dma source(%dma_start3A_12 : memref<100x100xi32, #tpu.memory_space<hbm>>) target(%arg6 : memref<100x100xi32, #tpu.memory_space<vmem>>) target_semaphore(%run_scoped3A : memref<!tpu.dma_semaphore, #tpu.memory_space<semaphore_mem>>)
      %dma_wait3A = arith.constant 0 : i32
      %dma_wait3A_13 = arith.constant 0 : i32
      %dma_wait3A_14 = tpu.memref_slice %arg2[%arg0, %arg1, %dma_wait3A, %dma_wait3A_13] : memref<2x16x100x100xi32, #tpu.memory_space<hbm>> -> memref<1x1x100x100xi32, #tpu.memory_space<hbm>>
      %dma_wait3A_15 = tpu.memref_squeeze %dma_wait3A_14 : memref<1x1x100x100xi32, #tpu.memory_space<hbm>> -> memref<100x100xi32, #tpu.memory_space<hbm>>
      %dma_wait3A_16 = arith.constant 0 : i32
      %dma_wait3A_17 = arith.constant 0 : i32
      %dma_wait3A_18 = tpu.memref_slice %arg2[%arg0, %arg1, %dma_wait3A_16, %dma_wait3A_17] : memref<2x16x100x100xi32, #tpu.memory_space<hbm>> -> memref<1x1x100x100xi32, #tpu.memory_space<hbm>>
      %dma_wait3A_19 = tpu.memref_squeeze %dma_wait3A_18 : memref<1x1x100x100xi32, #tpu.memory_space<hbm>> -> memref<100x100xi32, #tpu.memory_space<hbm>>
      tpu.wait_dma2 semaphore(%run_scoped3A : memref<!tpu.dma_semaphore, #tpu.memory_space<semaphore_mem>>) src(%dma_wait3A_19 : memref<100x100xi32, #tpu.memory_space<hbm>>) dst(%arg6 : memref<100x100xi32, #tpu.memory_space<vmem>>)
      tpu.yield
    }) : () -> ()
    %barrier3A = arith.constant 0 : index
    tpu.barrier barrier_id(%barrier3A)
    %scan3A = arith.constant 0 : i32
    %scan3A_1 = arith.constant 100 : i32
    %scan3A_2 = arith.addi %scan3A, %scan3A_1 : i32
    %scan3A_3 = arith.constant 1 : i32
    scf.for %scan3A_6 = %scan3A to %scan3A_2 step %scan3A_3  : i32 {
      %mul3A_7 = arith.constant 1 : i32
      %mul3A_8 = arith.muli %scan3A_6, %mul3A_7 : i32
      %add3A = arith.constant 0 : i32
      %add3A_9 = arith.addi %add3A, %mul3A_8 : i32
      "tpu.region"() ({
        %run_scoped3A = tpu.sem_alloc : memref<!tpu.dma_semaphore, #tpu.memory_space<semaphore_mem>>
        %dma_start3A = arith.constant 0 : i32
        %dma_start3A_10 = tpu.memref_slice %arg6[%add3A_9, %dma_start3A] : memref<100x100xi32, #tpu.memory_space<vmem>> -> memref<1x100xi32, #tpu.memory_space<vmem>>
        %dma_start3A_11 = tpu.memref_squeeze %dma_start3A_10 : memref<1x100xi32, #tpu.memory_space<vmem>> -> memref<100xi32, #tpu.memory_space<vmem>>
        %dma_start3A_12 = arith.constant 0 : i32
        %dma_start3A_13 = arith.constant 0 : i32
        %dma_start3A_14 = tpu.memref_slice %arg8[%dma_start3A_12, %dma_start3A_13] : memref<10240x128xf32, #tpu.memory_space<vmem_shared>> -> memref<10240x128xf32, #tpu.memory_space<vmem_shared>>
        tpu.enqueue_indirect_dma source(%arg7 : memref<100x128xf32, #tpu.memory_space<vmem>>) target(%dma_start3A_14 : memref<10240x128xf32, #tpu.memory_space<vmem_shared>>) offsets(%dma_start3A_11 : memref<100xi32, #tpu.memory_space<vmem>>) semaphore(%run_scoped3A : memref<!tpu.dma_semaphore, #tpu.memory_space<semaphore_mem>>) {add = true}
        %dma_wait3A = arith.constant 0 : i32
        %dma_wait3A_15 = tpu.memref_slice %arg6[%add3A_9, %dma_wait3A] : memref<100x100xi32, #tpu.memory_space<vmem>> -> memref<1x100xi32, #tpu.memory_space<vmem>>
        %dma_wait3A_16 = tpu.memref_squeeze %dma_wait3A_15 : memref<1x100xi32, #tpu.memory_space<vmem>> -> memref<100xi32, #tpu.memory_space<vmem>>
        %dma_wait3A_17 = arith.constant 0 : i32
        %dma_wait3A_18 = arith.constant 0 : i32
        %dma_wait3A_19 = tpu.memref_slice %arg8[%dma_wait3A_17, %dma_wait3A_18] : memref<10240x128xf32, #tpu.memory_space<vmem_shared>> -> memref<10240x128xf32, #tpu.memory_space<vmem_shared>>
        tpu.wait_indirect_dma semaphore(%run_scoped3A : memref<!tpu.dma_semaphore, #tpu.memory_space<semaphore_mem>>) src(%arg7 : memref<100x128xf32, #tpu.memory_space<vmem>>) dst(%dma_wait3A_19 : memref<10240x128xf32, #tpu.memory_space<vmem_shared>>)
        tpu.yield
      }) : () -> ()
    }
    %scan3A_4 = arith.constant 100 : i32
    %barrier3A_5 = arith.constant 0 : index
    tpu.barrier barrier_id(%barrier3A_5)
    "tpu.region"() ({
      %run_scoped3A = tpu.sem_alloc : memref<!tpu.dma_semaphore, #tpu.memory_space<semaphore_mem>>
      %dma_start3A = arith.constant 0 : i32
      %dma_start3A_6 = tpu.memref_slice %arg5[%arg0, %mul3A_0, %dma_start3A] : memref<2x10240x128xf32, #tpu.memory_space<hbm>> -> memref<1x640x128xf32, #tpu.memory_space<hbm>>
      %dma_start3A_7 = tpu.memref_squeeze %dma_start3A_6 : memref<1x640x128xf32, #tpu.memory_space<hbm>> -> memref<640x128xf32, #tpu.memory_space<hbm>>
      %dma_start3A_8 = arith.constant 0 : i32
      %dma_start3A_9 = tpu.memref_slice %arg8[%mul3A_0, %dma_start3A_8] : memref<10240x128xf32, #tpu.memory_space<vmem_shared>> -> memref<640x128xf32, #tpu.memory_space<vmem_shared>>
      tpu.enqueue_dma source(%dma_start3A_9 : memref<640x128xf32, #tpu.memory_space<vmem_shared>>) target(%dma_start3A_7 : memref<640x128xf32, #tpu.memory_space<hbm>>) target_semaphore(%run_scoped3A : memref<!tpu.dma_semaphore, #tpu.memory_space<semaphore_mem>>)
      %dma_wait3A = arith.constant 0 : i32
      %dma_wait3A_10 = tpu.memref_slice %arg5[%arg0, %mul3A_0, %dma_wait3A] : memref<2x10240x128xf32, #tpu.memory_space<hbm>> -> memref<1x640x128xf32, #tpu.memory_space<hbm>>
      %dma_wait3A_11 = tpu.memref_squeeze %dma_wait3A_10 : memref<1x640x128xf32, #tpu.memory_space<hbm>> -> memref<640x128xf32, #tpu.memory_space<hbm>>
      %dma_wait3A_12 = arith.constant 0 : i32
      %dma_wait3A_13 = tpu.memref_slice %arg8[%mul3A_0, %dma_wait3A_12] : memref<10240x128xf32, #tpu.memory_space<vmem_shared>> -> memref<640x128xf32, #tpu.memory_space<vmem_shared>>
      tpu.wait_dma2 semaphore(%run_scoped3A : memref<!tpu.dma_semaphore, #tpu.memory_space<semaphore_mem>>) src(%dma_wait3A_13 : memref<640x128xf32, #tpu.memory_space<vmem_shared>>) dst(%dma_wait3A_11 : memref<640x128xf32, #tpu.memory_space<hbm>>)
      tpu.yield
    }) : () -> ()
    return
  }
}

#map = affine_map<(d0, d1) -> (0, 0)>
#map1 = affine_map<(d0, d1) -> (0, 0, 0, 0, 0)>
#map2 = affine_map<(d0, d1) -> (0, 0, 0)>
module attributes {stable_mosaic.version = 14 : i64} {
  func.func @body(%arg0: i32, %arg1: i32, %arg2: memref<20000x128xf32, #tpu.memory_space<hbm>>, %arg3: memref<2x16x10x25x80xi32, #tpu.memory_space<hbm>>, %arg4: memref<2x16x10x25x80xi32, #tpu.memory_space<hbm>>, %arg5: memref<10240x128xf32, #tpu.memory_space<hbm>>, %arg6: memref<2x10240x128xf32, #tpu.memory_space<hbm>>, %arg7: memref<25x80xi32, #tpu.memory_space<vmem>>, %arg8: memref<25x80xi32, #tpu.memory_space<vmem>>, %arg9: memref<25x80xi32, #tpu.memory_space<vmem>>, %arg10: memref<25x80xi32, #tpu.memory_space<vmem>>, %arg11: memref<80x128xf32, #tpu.memory_space<vmem>>, %arg12: memref<80x128xf32, #tpu.memory_space<vmem>>, %arg13: memref<80x128xf32, #tpu.memory_space<vmem>>, %arg14: memref<10240x128xf32, #tpu.memory_space<vmem_shared>>, %arg15: memref<!tpu.dma_semaphore, #tpu.memory_space<semaphore_mem>>, %arg16: memref<!tpu.dma_semaphore, #tpu.memory_space<semaphore_mem>>, %arg17: memref<!tpu.dma_semaphore, #tpu.memory_space<semaphore_mem>>, %arg18: memref<!tpu.dma_semaphore, #tpu.memory_space<semaphore_mem>>) attributes {dimension_semantics = [#tpu.dimension_semantics<core_parallel>, #tpu.dimension_semantics<subcore_parallel>], iteration_bounds = array<i64: 2, 16>, scalar_prefetch = 0 : i64, scratch_operands = 12 : i64, tpu.core_type = #tpu.core_type<sc_vector_subcore>, window_params = [{transform_indices = #map}, {transform_indices = #map1}, {transform_indices = #map1}, {transform_indices = #map}, {transform_indices = #map2}]} {
    %mul3A = arith.constant 640 : i32
    %mul3A_0 = arith.muli %arg1, %mul3A : i32
    "tpu.region"() ({
      %run_scoped3A_7 = tpu.sem_alloc : memref<!tpu.dma_semaphore, #tpu.memory_space<semaphore_mem>>
      %dma_start3A = arith.constant 0 : i32
      %dma_start3A_8 = tpu.memref_slice %arg14[%mul3A_0, %dma_start3A] : memref<10240x128xf32, #tpu.memory_space<vmem_shared>> -> memref<640x128xf32, #tpu.memory_space<vmem_shared>>
      %dma_start3A_9 = arith.constant 0 : i32
      %dma_start3A_10 = tpu.memref_slice %arg5[%mul3A_0, %dma_start3A_9] : memref<10240x128xf32, #tpu.memory_space<hbm>> -> memref<640x128xf32, #tpu.memory_space<hbm>>
      tpu.enqueue_dma source(%dma_start3A_10 : memref<640x128xf32, #tpu.memory_space<hbm>>) target(%dma_start3A_8 : memref<640x128xf32, #tpu.memory_space<vmem_shared>>) target_semaphore(%run_scoped3A_7 : memref<!tpu.dma_semaphore, #tpu.memory_space<semaphore_mem>>)
      %dma_wait3A = arith.constant 0 : i32
      %dma_wait3A_11 = tpu.memref_slice %arg14[%mul3A_0, %dma_wait3A] : memref<10240x128xf32, #tpu.memory_space<vmem_shared>> -> memref<640x128xf32, #tpu.memory_space<vmem_shared>>
      %dma_wait3A_12 = arith.constant 0 : i32
      %dma_wait3A_13 = tpu.memref_slice %arg5[%mul3A_0, %dma_wait3A_12] : memref<10240x128xf32, #tpu.memory_space<hbm>> -> memref<640x128xf32, #tpu.memory_space<hbm>>
      tpu.wait_dma2 semaphore(%run_scoped3A_7 : memref<!tpu.dma_semaphore, #tpu.memory_space<semaphore_mem>>) src(%dma_wait3A_13 : memref<640x128xf32, #tpu.memory_space<hbm>>) dst(%dma_wait3A_11 : memref<640x128xf32, #tpu.memory_space<vmem_shared>>)
      tpu.yield
    }) : () -> ()
    %run_scoped3A = arith.constant 0 : i32
    "tpu.region"() ({
      %run_scoped3A_7 = tpu.sem_alloc : memref<!tpu.dma_semaphore, #tpu.memory_space<semaphore_mem>>
      %dma_start3A = arith.constant 0 : i32
      %dma_start3A_8 = arith.constant 0 : i32
      %dma_start3A_9 = tpu.memref_slice %arg3[%arg0, %arg1, %run_scoped3A, %dma_start3A, %dma_start3A_8] : memref<2x16x10x25x80xi32, #tpu.memory_space<hbm>> -> memref<1x1x1x25x80xi32, #tpu.memory_space<hbm>>
      %dma_start3A_10 = tpu.memref_squeeze %dma_start3A_9 : memref<1x1x1x25x80xi32, #tpu.memory_space<hbm>> -> memref<25x80xi32, #tpu.memory_space<hbm>>
      %dma_start3A_11 = arith.constant 0 : i32
      %dma_start3A_12 = arith.constant 0 : i32
      %dma_start3A_13 = tpu.memref_slice %arg3[%arg0, %arg1, %run_scoped3A, %dma_start3A_11, %dma_start3A_12] : memref<2x16x10x25x80xi32, #tpu.memory_space<hbm>> -> memref<1x1x1x25x80xi32, #tpu.memory_space<hbm>>
      %dma_start3A_14 = tpu.memref_squeeze %dma_start3A_13 : memref<1x1x1x25x80xi32, #tpu.memory_space<hbm>> -> memref<25x80xi32, #tpu.memory_space<hbm>>
      tpu.enqueue_dma source(%dma_start3A_14 : memref<25x80xi32, #tpu.memory_space<hbm>>) target(%arg7 : memref<25x80xi32, #tpu.memory_space<vmem>>) target_semaphore(%run_scoped3A_7 : memref<!tpu.dma_semaphore, #tpu.memory_space<semaphore_mem>>)
      %dma_wait3A = arith.constant 0 : i32
      %dma_wait3A_15 = arith.constant 0 : i32
      %dma_wait3A_16 = tpu.memref_slice %arg3[%arg0, %arg1, %run_scoped3A, %dma_wait3A, %dma_wait3A_15] : memref<2x16x10x25x80xi32, #tpu.memory_space<hbm>> -> memref<1x1x1x25x80xi32, #tpu.memory_space<hbm>>
      %dma_wait3A_17 = tpu.memref_squeeze %dma_wait3A_16 : memref<1x1x1x25x80xi32, #tpu.memory_space<hbm>> -> memref<25x80xi32, #tpu.memory_space<hbm>>
      %dma_wait3A_18 = arith.constant 0 : i32
      %dma_wait3A_19 = arith.constant 0 : i32
      %dma_wait3A_20 = tpu.memref_slice %arg3[%arg0, %arg1, %run_scoped3A, %dma_wait3A_18, %dma_wait3A_19] : memref<2x16x10x25x80xi32, #tpu.memory_space<hbm>> -> memref<1x1x1x25x80xi32, #tpu.memory_space<hbm>>
      %dma_wait3A_21 = tpu.memref_squeeze %dma_wait3A_20 : memref<1x1x1x25x80xi32, #tpu.memory_space<hbm>> -> memref<25x80xi32, #tpu.memory_space<hbm>>
      tpu.wait_dma2 semaphore(%run_scoped3A_7 : memref<!tpu.dma_semaphore, #tpu.memory_space<semaphore_mem>>) src(%dma_wait3A_21 : memref<25x80xi32, #tpu.memory_space<hbm>>) dst(%arg7 : memref<25x80xi32, #tpu.memory_space<vmem>>)
      tpu.yield
    }) : () -> ()
    %run_scoped3A_1 = arith.constant 0 : i32
    "tpu.region"() ({
      %run_scoped3A_7 = tpu.sem_alloc : memref<!tpu.dma_semaphore, #tpu.memory_space<semaphore_mem>>
      %dma_start3A = arith.constant 0 : i32
      %dma_start3A_8 = arith.constant 0 : i32
      %dma_start3A_9 = tpu.memref_slice %arg4[%arg0, %arg1, %run_scoped3A_1, %dma_start3A, %dma_start3A_8] : memref<2x16x10x25x80xi32, #tpu.memory_space<hbm>> -> memref<1x1x1x25x80xi32, #tpu.memory_space<hbm>>
      %dma_start3A_10 = tpu.memref_squeeze %dma_start3A_9 : memref<1x1x1x25x80xi32, #tpu.memory_space<hbm>> -> memref<25x80xi32, #tpu.memory_space<hbm>>
      %dma_start3A_11 = arith.constant 0 : i32
      %dma_start3A_12 = arith.constant 0 : i32
      %dma_start3A_13 = tpu.memref_slice %arg4[%arg0, %arg1, %run_scoped3A_1, %dma_start3A_11, %dma_start3A_12] : memref<2x16x10x25x80xi32, #tpu.memory_space<hbm>> -> memref<1x1x1x25x80xi32, #tpu.memory_space<hbm>>
      %dma_start3A_14 = tpu.memref_squeeze %dma_start3A_13 : memref<1x1x1x25x80xi32, #tpu.memory_space<hbm>> -> memref<25x80xi32, #tpu.memory_space<hbm>>
      tpu.enqueue_dma source(%dma_start3A_14 : memref<25x80xi32, #tpu.memory_space<hbm>>) target(%arg8 : memref<25x80xi32, #tpu.memory_space<vmem>>) target_semaphore(%run_scoped3A_7 : memref<!tpu.dma_semaphore, #tpu.memory_space<semaphore_mem>>)
      %dma_wait3A = arith.constant 0 : i32
      %dma_wait3A_15 = arith.constant 0 : i32
      %dma_wait3A_16 = tpu.memref_slice %arg4[%arg0, %arg1, %run_scoped3A_1, %dma_wait3A, %dma_wait3A_15] : memref<2x16x10x25x80xi32, #tpu.memory_space<hbm>> -> memref<1x1x1x25x80xi32, #tpu.memory_space<hbm>>
      %dma_wait3A_17 = tpu.memref_squeeze %dma_wait3A_16 : memref<1x1x1x25x80xi32, #tpu.memory_space<hbm>> -> memref<25x80xi32, #tpu.memory_space<hbm>>
      %dma_wait3A_18 = arith.constant 0 : i32
      %dma_wait3A_19 = arith.constant 0 : i32
      %dma_wait3A_20 = tpu.memref_slice %arg4[%arg0, %arg1, %run_scoped3A_1, %dma_wait3A_18, %dma_wait3A_19] : memref<2x16x10x25x80xi32, #tpu.memory_space<hbm>> -> memref<1x1x1x25x80xi32, #tpu.memory_space<hbm>>
      %dma_wait3A_21 = tpu.memref_squeeze %dma_wait3A_20 : memref<1x1x1x25x80xi32, #tpu.memory_space<hbm>> -> memref<25x80xi32, #tpu.memory_space<hbm>>
      tpu.wait_dma2 semaphore(%run_scoped3A_7 : memref<!tpu.dma_semaphore, #tpu.memory_space<semaphore_mem>>) src(%dma_wait3A_21 : memref<25x80xi32, #tpu.memory_space<hbm>>) dst(%arg8 : memref<25x80xi32, #tpu.memory_space<vmem>>)
      tpu.yield
    }) : () -> ()
    %barrier3A = arith.constant 0 : index
    tpu.barrier barrier_id(%barrier3A)
    %scan3A = arith.constant 0 : i32
    %scan3A_2 = arith.constant 5 : i32
    %scan3A_3 = arith.addi %scan3A, %scan3A_2 : i32
    %scan3A_4 = arith.constant 1 : i32
    scf.for %scan3A_7 = %scan3A to %scan3A_3 step %scan3A_4  : i32 {
      %mul3A_8 = arith.constant 1 : i32
      %mul3A_9 = arith.muli %scan3A_7, %mul3A_8 : i32
      %add3A = arith.constant 0 : i32
      %add3A_10 = arith.addi %add3A, %mul3A_9 : i32
      %mul3A_11 = arith.constant 2 : i32
      %mul3A_12 = arith.muli %mul3A_11, %add3A_10 : i32
      %add3A_13 = arith.constant 1 : i32
      %add3A_14 = arith.addi %mul3A_12, %add3A_13 : i32
      %lt3A = arith.constant 10 : i32
      %lt3A_15 = arith.cmpi slt, %add3A_14, %lt3A : i32
      %convert_element_type3A = arith.extui %lt3A_15 : i1 to i32
      %cond3A = arith.constant 0 : i32
      %cond3A_16 = arith.cmpi ne, %convert_element_type3A, %cond3A : i32
      scf.if %cond3A_16 {
        %dma_start3A_784 = arith.constant 0 : i32
        %dma_start3A_785 = arith.constant 0 : i32
        %dma_start3A_786 = tpu.memref_slice %arg3[%arg0, %arg1, %add3A_14, %dma_start3A_784, %dma_start3A_785] : memref<2x16x10x25x80xi32, #tpu.memory_space<hbm>> -> memref<1x1x1x25x80xi32, #tpu.memory_space<hbm>>
        %dma_start3A_787 = tpu.memref_squeeze %dma_start3A_786 : memref<1x1x1x25x80xi32, #tpu.memory_space<hbm>> -> memref<25x80xi32, #tpu.memory_space<hbm>>
        %dma_start3A_788 = arith.constant 0 : i32
        %dma_start3A_789 = arith.constant 0 : i32
        %dma_start3A_790 = tpu.memref_slice %arg3[%arg0, %arg1, %add3A_14, %dma_start3A_788, %dma_start3A_789] : memref<2x16x10x25x80xi32, #tpu.memory_space<hbm>> -> memref<1x1x1x25x80xi32, #tpu.memory_space<hbm>>
        %dma_start3A_791 = tpu.memref_squeeze %dma_start3A_790 : memref<1x1x1x25x80xi32, #tpu.memory_space<hbm>> -> memref<25x80xi32, #tpu.memory_space<hbm>>
        tpu.enqueue_dma source(%dma_start3A_791 : memref<25x80xi32, #tpu.memory_space<hbm>>) target(%arg9 : memref<25x80xi32, #tpu.memory_space<vmem>>) target_semaphore(%arg18 : memref<!tpu.dma_semaphore, #tpu.memory_space<semaphore_mem>>)
        %dma_start3A_792 = arith.constant 0 : i32
        %dma_start3A_793 = arith.constant 0 : i32
        %dma_start3A_794 = tpu.memref_slice %arg4[%arg0, %arg1, %add3A_14, %dma_start3A_792, %dma_start3A_793] : memref<2x16x10x25x80xi32, #tpu.memory_space<hbm>> -> memref<1x1x1x25x80xi32, #tpu.memory_space<hbm>>
        %dma_start3A_795 = tpu.memref_squeeze %dma_start3A_794 : memref<1x1x1x25x80xi32, #tpu.memory_space<hbm>> -> memref<25x80xi32, #tpu.memory_space<hbm>>
        %dma_start3A_796 = arith.constant 0 : i32
        %dma_start3A_797 = arith.constant 0 : i32
        %dma_start3A_798 = tpu.memref_slice %arg4[%arg0, %arg1, %add3A_14, %dma_start3A_796, %dma_start3A_797] : memref<2x16x10x25x80xi32, #tpu.memory_space<hbm>> -> memref<1x1x1x25x80xi32, #tpu.memory_space<hbm>>
        %dma_start3A_799 = tpu.memref_squeeze %dma_start3A_798 : memref<1x1x1x25x80xi32, #tpu.memory_space<hbm>> -> memref<25x80xi32, #tpu.memory_space<hbm>>
        tpu.enqueue_dma source(%dma_start3A_799 : memref<25x80xi32, #tpu.memory_space<hbm>>) target(%arg10 : memref<25x80xi32, #tpu.memory_space<vmem>>) target_semaphore(%arg18 : memref<!tpu.dma_semaphore, #tpu.memory_space<semaphore_mem>>)
      } else {
      }
      %dma_start3A = arith.constant 0 : i32
      %dma_start3A_17 = arith.constant 0 : i32
      %dma_start3A_18 = tpu.memref_slice %arg7[%dma_start3A, %dma_start3A_17] : memref<25x80xi32, #tpu.memory_space<vmem>> -> memref<1x80xi32, #tpu.memory_space<vmem>>
      %dma_start3A_19 = tpu.memref_squeeze %dma_start3A_18 : memref<1x80xi32, #tpu.memory_space<vmem>> -> memref<80xi32, #tpu.memory_space<vmem>>
      %dma_start3A_20 = arith.constant 0 : i32
      %dma_start3A_21 = arith.constant 0 : i32
      %dma_start3A_22 = tpu.memref_slice %arg2[%dma_start3A_20, %dma_start3A_21] : memref<20000x128xf32, #tpu.memory_space<hbm>> -> memref<20000x128xf32, #tpu.memory_space<hbm>>
      tpu.enqueue_indirect_dma source(%dma_start3A_22 : memref<20000x128xf32, #tpu.memory_space<hbm>>) target(%arg11 : memref<80x128xf32, #tpu.memory_space<vmem>>) offsets(%dma_start3A_19 : memref<80xi32, #tpu.memory_space<vmem>>) semaphore(%arg15 : memref<!tpu.dma_semaphore, #tpu.memory_space<semaphore_mem>>)
      %dma_start3A_23 = arith.constant 1 : i32
      %dma_start3A_24 = arith.constant 0 : i32
      %dma_start3A_25 = tpu.memref_slice %arg7[%dma_start3A_23, %dma_start3A_24] : memref<25x80xi32, #tpu.memory_space<vmem>> -> memref<1x80xi32, #tpu.memory_space<vmem>>
      %dma_start3A_26 = tpu.memref_squeeze %dma_start3A_25 : memref<1x80xi32, #tpu.memory_space<vmem>> -> memref<80xi32, #tpu.memory_space<vmem>>
      %dma_start3A_27 = arith.constant 0 : i32
      %dma_start3A_28 = arith.constant 0 : i32
      %dma_start3A_29 = tpu.memref_slice %arg2[%dma_start3A_27, %dma_start3A_28] : memref<20000x128xf32, #tpu.memory_space<hbm>> -> memref<20000x128xf32, #tpu.memory_space<hbm>>
      tpu.enqueue_indirect_dma source(%dma_start3A_29 : memref<20000x128xf32, #tpu.memory_space<hbm>>) target(%arg12 : memref<80x128xf32, #tpu.memory_space<vmem>>) offsets(%dma_start3A_26 : memref<80xi32, #tpu.memory_space<vmem>>) semaphore(%arg16 : memref<!tpu.dma_semaphore, #tpu.memory_space<semaphore_mem>>)
      %dma_start3A_30 = arith.constant 2 : i32
      %dma_start3A_31 = arith.constant 0 : i32
      %dma_start3A_32 = tpu.memref_slice %arg7[%dma_start3A_30, %dma_start3A_31] : memref<25x80xi32, #tpu.memory_space<vmem>> -> memref<1x80xi32, #tpu.memory_space<vmem>>
      %dma_start3A_33 = tpu.memref_squeeze %dma_start3A_32 : memref<1x80xi32, #tpu.memory_space<vmem>> -> memref<80xi32, #tpu.memory_space<vmem>>
      %dma_start3A_34 = arith.constant 0 : i32
      %dma_start3A_35 = arith.constant 0 : i32
      %dma_start3A_36 = tpu.memref_slice %arg2[%dma_start3A_34, %dma_start3A_35] : memref<20000x128xf32, #tpu.memory_space<hbm>> -> memref<20000x128xf32, #tpu.memory_space<hbm>>
      tpu.enqueue_indirect_dma source(%dma_start3A_36 : memref<20000x128xf32, #tpu.memory_space<hbm>>) target(%arg13 : memref<80x128xf32, #tpu.memory_space<vmem>>) offsets(%dma_start3A_33 : memref<80xi32, #tpu.memory_space<vmem>>) semaphore(%arg17 : memref<!tpu.dma_semaphore, #tpu.memory_space<semaphore_mem>>)
      %dma_wait3A = arith.constant 0 : i32
      %dma_wait3A_37 = arith.constant 0 : i32
      %dma_wait3A_38 = tpu.memref_slice %arg7[%dma_wait3A, %dma_wait3A_37] : memref<25x80xi32, #tpu.memory_space<vmem>> -> memref<1x80xi32, #tpu.memory_space<vmem>>
      %dma_wait3A_39 = tpu.memref_squeeze %dma_wait3A_38 : memref<1x80xi32, #tpu.memory_space<vmem>> -> memref<80xi32, #tpu.memory_space<vmem>>
      %dma_wait3A_40 = arith.constant 0 : i32
      %dma_wait3A_41 = arith.constant 0 : i32
      %dma_wait3A_42 = tpu.memref_slice %arg2[%dma_wait3A_40, %dma_wait3A_41] : memref<20000x128xf32, #tpu.memory_space<hbm>> -> memref<20000x128xf32, #tpu.memory_space<hbm>>
      tpu.wait_indirect_dma semaphore(%arg15 : memref<!tpu.dma_semaphore, #tpu.memory_space<semaphore_mem>>) src(%dma_wait3A_42 : memref<20000x128xf32, #tpu.memory_space<hbm>>) dst(%arg11 : memref<80x128xf32, #tpu.memory_space<vmem>>)
      %run_scoped3A_43 = arith.constant 0 : i32
      "tpu.region"() ({
        %run_scoped3A_784 = tpu.sem_alloc : memref<!tpu.dma_semaphore, #tpu.memory_space<semaphore_mem>>
        %dma_start3A_785 = arith.constant 0 : i32
        %dma_start3A_786 = tpu.memref_slice %arg8[%run_scoped3A_43, %dma_start3A_785] : memref<25x80xi32, #tpu.memory_space<vmem>> -> memref<1x80xi32, #tpu.memory_space<vmem>>
        %dma_start3A_787 = tpu.memref_squeeze %dma_start3A_786 : memref<1x80xi32, #tpu.memory_space<vmem>> -> memref<80xi32, #tpu.memory_space<vmem>>
        %dma_start3A_788 = arith.constant 0 : i32
        %dma_start3A_789 = arith.constant 0 : i32
        %dma_start3A_790 = tpu.memref_slice %arg14[%dma_start3A_788, %dma_start3A_789] : memref<10240x128xf32, #tpu.memory_space<vmem_shared>> -> memref<10240x128xf32, #tpu.memory_space<vmem_shared>>
        tpu.enqueue_indirect_dma source(%arg11 : memref<80x128xf32, #tpu.memory_space<vmem>>) target(%dma_start3A_790 : memref<10240x128xf32, #tpu.memory_space<vmem_shared>>) offsets(%dma_start3A_787 : memref<80xi32, #tpu.memory_space<vmem>>) semaphore(%run_scoped3A_784 : memref<!tpu.dma_semaphore, #tpu.memory_space<semaphore_mem>>) {add = true}
        %dma_wait3A_791 = arith.constant 0 : i32
        %dma_wait3A_792 = tpu.memref_slice %arg8[%run_scoped3A_43, %dma_wait3A_791] : memref<25x80xi32, #tpu.memory_space<vmem>> -> memref<1x80xi32, #tpu.memory_space<vmem>>
        %dma_wait3A_793 = tpu.memref_squeeze %dma_wait3A_792 : memref<1x80xi32, #tpu.memory_space<vmem>> -> memref<80xi32, #tpu.memory_space<vmem>>
        %dma_wait3A_794 = arith.constant 0 : i32
        %dma_wait3A_795 = arith.constant 0 : i32
        %dma_wait3A_796 = tpu.memref_slice %arg14[%dma_wait3A_794, %dma_wait3A_795] : memref<10240x128xf32, #tpu.memory_space<vmem_shared>> -> memref<10240x128xf32, #tpu.memory_space<vmem_shared>>
        tpu.wait_indirect_dma semaphore(%run_scoped3A_784 : memref<!tpu.dma_semaphore, #tpu.memory_space<semaphore_mem>>) src(%arg11 : memref<80x128xf32, #tpu.memory_space<vmem>>) dst(%dma_wait3A_796 : memref<10240x128xf32, #tpu.memory_space<vmem_shared>>)
        tpu.yield
      }) : () -> ()
      %dma_start3A_44 = arith.constant 3 : i32
      %dma_start3A_45 = arith.constant 0 : i32
      %dma_start3A_46 = tpu.memref_slice %arg7[%dma_start3A_44, %dma_start3A_45] : memref<25x80xi32, #tpu.memory_space<vmem>> -> memref<1x80xi32, #tpu.memory_space<vmem>>
      %dma_start3A_47 = tpu.memref_squeeze %dma_start3A_46 : memref<1x80xi32, #tpu.memory_space<vmem>> -> memref<80xi32, #tpu.memory_space<vmem>>
      %dma_start3A_48 = arith.constant 0 : i32
      %dma_start3A_49 = arith.constant 0 : i32
      %dma_start3A_50 = tpu.memref_slice %arg2[%dma_start3A_48, %dma_start3A_49] : memref<20000x128xf32, #tpu.memory_space<hbm>> -> memref<20000x128xf32, #tpu.memory_space<hbm>>
      tpu.enqueue_indirect_dma source(%dma_start3A_50 : memref<20000x128xf32, #tpu.memory_space<hbm>>) target(%arg11 : memref<80x128xf32, #tpu.memory_space<vmem>>) offsets(%dma_start3A_47 : memref<80xi32, #tpu.memory_space<vmem>>) semaphore(%arg15 : memref<!tpu.dma_semaphore, #tpu.memory_space<semaphore_mem>>)
      %dma_wait3A_51 = arith.constant 1 : i32
      %dma_wait3A_52 = arith.constant 0 : i32
      %dma_wait3A_53 = tpu.memref_slice %arg7[%dma_wait3A_51, %dma_wait3A_52] : memref<25x80xi32, #tpu.memory_space<vmem>> -> memref<1x80xi32, #tpu.memory_space<vmem>>
      %dma_wait3A_54 = tpu.memref_squeeze %dma_wait3A_53 : memref<1x80xi32, #tpu.memory_space<vmem>> -> memref<80xi32, #tpu.memory_space<vmem>>
      %dma_wait3A_55 = arith.constant 0 : i32
      %dma_wait3A_56 = arith.constant 0 : i32
      %dma_wait3A_57 = tpu.memref_slice %arg2[%dma_wait3A_55, %dma_wait3A_56] : memref<20000x128xf32, #tpu.memory_space<hbm>> -> memref<20000x128xf32, #tpu.memory_space<hbm>>
      tpu.wait_indirect_dma semaphore(%arg16 : memref<!tpu.dma_semaphore, #tpu.memory_space<semaphore_mem>>) src(%dma_wait3A_57 : memref<20000x128xf32, #tpu.memory_space<hbm>>) dst(%arg12 : memref<80x128xf32, #tpu.memory_space<vmem>>)
      %run_scoped3A_58 = arith.constant 1 : i32
      "tpu.region"() ({
        %run_scoped3A_784 = tpu.sem_alloc : memref<!tpu.dma_semaphore, #tpu.memory_space<semaphore_mem>>
        %dma_start3A_785 = arith.constant 0 : i32
        %dma_start3A_786 = tpu.memref_slice %arg8[%run_scoped3A_58, %dma_start3A_785] : memref<25x80xi32, #tpu.memory_space<vmem>> -> memref<1x80xi32, #tpu.memory_space<vmem>>
        %dma_start3A_787 = tpu.memref_squeeze %dma_start3A_786 : memref<1x80xi32, #tpu.memory_space<vmem>> -> memref<80xi32, #tpu.memory_space<vmem>>
        %dma_start3A_788 = arith.constant 0 : i32
        %dma_start3A_789 = arith.constant 0 : i32
        %dma_start3A_790 = tpu.memref_slice %arg14[%dma_start3A_788, %dma_start3A_789] : memref<10240x128xf32, #tpu.memory_space<vmem_shared>> -> memref<10240x128xf32, #tpu.memory_space<vmem_shared>>
        tpu.enqueue_indirect_dma source(%arg12 : memref<80x128xf32, #tpu.memory_space<vmem>>) target(%dma_start3A_790 : memref<10240x128xf32, #tpu.memory_space<vmem_shared>>) offsets(%dma_start3A_787 : memref<80xi32, #tpu.memory_space<vmem>>) semaphore(%run_scoped3A_784 : memref<!tpu.dma_semaphore, #tpu.memory_space<semaphore_mem>>) {add = true}
        %dma_wait3A_791 = arith.constant 0 : i32
        %dma_wait3A_792 = tpu.memref_slice %arg8[%run_scoped3A_58, %dma_wait3A_791] : memref<25x80xi32, #tpu.memory_space<vmem>> -> memref<1x80xi32, #tpu.memory_space<vmem>>
        %dma_wait3A_793 = tpu.memref_squeeze %dma_wait3A_792 : memref<1x80xi32, #tpu.memory_space<vmem>> -> memref<80xi32, #tpu.memory_space<vmem>>
        %dma_wait3A_794 = arith.constant 0 : i32
        %dma_wait3A_795 = arith.constant 0 : i32
        %dma_wait3A_796 = tpu.memref_slice %arg14[%dma_wait3A_794, %dma_wait3A_795] : memref<10240x128xf32, #tpu.memory_space<vmem_shared>> -> memref<10240x128xf32, #tpu.memory_space<vmem_shared>>
        tpu.wait_indirect_dma semaphore(%run_scoped3A_784 : memref<!tpu.dma_semaphore, #tpu.memory_space<semaphore_mem>>) src(%arg12 : memref<80x128xf32, #tpu.memory_space<vmem>>) dst(%dma_wait3A_796 : memref<10240x128xf32, #tpu.memory_space<vmem_shared>>)
        tpu.yield
      }) : () -> ()
      %dma_start3A_59 = arith.constant 4 : i32
      %dma_start3A_60 = arith.constant 0 : i32
      %dma_start3A_61 = tpu.memref_slice %arg7[%dma_start3A_59, %dma_start3A_60] : memref<25x80xi32, #tpu.memory_space<vmem>> -> memref<1x80xi32, #tpu.memory_space<vmem>>
      %dma_start3A_62 = tpu.memref_squeeze %dma_start3A_61 : memref<1x80xi32, #tpu.memory_space<vmem>> -> memref<80xi32, #tpu.memory_space<vmem>>
      %dma_start3A_63 = arith.constant 0 : i32
      %dma_start3A_64 = arith.constant 0 : i32
      %dma_start3A_65 = tpu.memref_slice %arg2[%dma_start3A_63, %dma_start3A_64] : memref<20000x128xf32, #tpu.memory_space<hbm>> -> memref<20000x128xf32, #tpu.memory_space<hbm>>
      tpu.enqueue_indirect_dma source(%dma_start3A_65 : memref<20000x128xf32, #tpu.memory_space<hbm>>) target(%arg12 : memref<80x128xf32, #tpu.memory_space<vmem>>) offsets(%dma_start3A_62 : memref<80xi32, #tpu.memory_space<vmem>>) semaphore(%arg16 : memref<!tpu.dma_semaphore, #tpu.memory_space<semaphore_mem>>)
      %dma_wait3A_66 = arith.constant 2 : i32
      %dma_wait3A_67 = arith.constant 0 : i32
      %dma_wait3A_68 = tpu.memref_slice %arg7[%dma_wait3A_66, %dma_wait3A_67] : memref<25x80xi32, #tpu.memory_space<vmem>> -> memref<1x80xi32, #tpu.memory_space<vmem>>
      %dma_wait3A_69 = tpu.memref_squeeze %dma_wait3A_68 : memref<1x80xi32, #tpu.memory_space<vmem>> -> memref<80xi32, #tpu.memory_space<vmem>>
      %dma_wait3A_70 = arith.constant 0 : i32
      %dma_wait3A_71 = arith.constant 0 : i32
      %dma_wait3A_72 = tpu.memref_slice %arg2[%dma_wait3A_70, %dma_wait3A_71] : memref<20000x128xf32, #tpu.memory_space<hbm>> -> memref<20000x128xf32, #tpu.memory_space<hbm>>
      tpu.wait_indirect_dma semaphore(%arg17 : memref<!tpu.dma_semaphore, #tpu.memory_space<semaphore_mem>>) src(%dma_wait3A_72 : memref<20000x128xf32, #tpu.memory_space<hbm>>) dst(%arg13 : memref<80x128xf32, #tpu.memory_space<vmem>>)
      %run_scoped3A_73 = arith.constant 2 : i32
      "tpu.region"() ({
        %run_scoped3A_784 = tpu.sem_alloc : memref<!tpu.dma_semaphore, #tpu.memory_space<semaphore_mem>>
        %dma_start3A_785 = arith.constant 0 : i32
        %dma_start3A_786 = tpu.memref_slice %arg8[%run_scoped3A_73, %dma_start3A_785] : memref<25x80xi32, #tpu.memory_space<vmem>> -> memref<1x80xi32, #tpu.memory_space<vmem>>
        %dma_start3A_787 = tpu.memref_squeeze %dma_start3A_786 : memref<1x80xi32, #tpu.memory_space<vmem>> -> memref<80xi32, #tpu.memory_space<vmem>>
        %dma_start3A_788 = arith.constant 0 : i32
        %dma_start3A_789 = arith.constant 0 : i32
        %dma_start3A_790 = tpu.memref_slice %arg14[%dma_start3A_788, %dma_start3A_789] : memref<10240x128xf32, #tpu.memory_space<vmem_shared>> -> memref<10240x128xf32, #tpu.memory_space<vmem_shared>>
        tpu.enqueue_indirect_dma source(%arg13 : memref<80x128xf32, #tpu.memory_space<vmem>>) target(%dma_start3A_790 : memref<10240x128xf32, #tpu.memory_space<vmem_shared>>) offsets(%dma_start3A_787 : memref<80xi32, #tpu.memory_space<vmem>>) semaphore(%run_scoped3A_784 : memref<!tpu.dma_semaphore, #tpu.memory_space<semaphore_mem>>) {add = true}
        %dma_wait3A_791 = arith.constant 0 : i32
        %dma_wait3A_792 = tpu.memref_slice %arg8[%run_scoped3A_73, %dma_wait3A_791] : memref<25x80xi32, #tpu.memory_space<vmem>> -> memref<1x80xi32, #tpu.memory_space<vmem>>
        %dma_wait3A_793 = tpu.memref_squeeze %dma_wait3A_792 : memref<1x80xi32, #tpu.memory_space<vmem>> -> memref<80xi32, #tpu.memory_space<vmem>>
        %dma_wait3A_794 = arith.constant 0 : i32
        %dma_wait3A_795 = arith.constant 0 : i32
        %dma_wait3A_796 = tpu.memref_slice %arg14[%dma_wait3A_794, %dma_wait3A_795] : memref<10240x128xf32, #tpu.memory_space<vmem_shared>> -> memref<10240x128xf32, #tpu.memory_space<vmem_shared>>
        tpu.wait_indirect_dma semaphore(%run_scoped3A_784 : memref<!tpu.dma_semaphore, #tpu.memory_space<semaphore_mem>>) src(%arg13 : memref<80x128xf32, #tpu.memory_space<vmem>>) dst(%dma_wait3A_796 : memref<10240x128xf32, #tpu.memory_space<vmem_shared>>)
        tpu.yield
      }) : () -> ()
      %dma_start3A_74 = arith.constant 5 : i32
      %dma_start3A_75 = arith.constant 0 : i32
      %dma_start3A_76 = tpu.memref_slice %arg7[%dma_start3A_74, %dma_start3A_75] : memref<25x80xi32, #tpu.memory_space<vmem>> -> memref<1x80xi32, #tpu.memory_space<vmem>>
      %dma_start3A_77 = tpu.memref_squeeze %dma_start3A_76 : memref<1x80xi32, #tpu.memory_space<vmem>> -> memref<80xi32, #tpu.memory_space<vmem>>
      %dma_start3A_78 = arith.constant 0 : i32
      %dma_start3A_79 = arith.constant 0 : i32
      %dma_start3A_80 = tpu.memref_slice %arg2[%dma_start3A_78, %dma_start3A_79] : memref<20000x128xf32, #tpu.memory_space<hbm>> -> memref<20000x128xf32, #tpu.memory_space<hbm>>
      tpu.enqueue_indirect_dma source(%dma_start3A_80 : memref<20000x128xf32, #tpu.memory_space<hbm>>) target(%arg13 : memref<80x128xf32, #tpu.memory_space<vmem>>) offsets(%dma_start3A_77 : memref<80xi32, #tpu.memory_space<vmem>>) semaphore(%arg17 : memref<!tpu.dma_semaphore, #tpu.memory_space<semaphore_mem>>)
      %dma_wait3A_81 = arith.constant 3 : i32
      %dma_wait3A_82 = arith.constant 0 : i32
      %dma_wait3A_83 = tpu.memref_slice %arg7[%dma_wait3A_81, %dma_wait3A_82] : memref<25x80xi32, #tpu.memory_space<vmem>> -> memref<1x80xi32, #tpu.memory_space<vmem>>
      %dma_wait3A_84 = tpu.memref_squeeze %dma_wait3A_83 : memref<1x80xi32, #tpu.memory_space<vmem>> -> memref<80xi32, #tpu.memory_space<vmem>>
      %dma_wait3A_85 = arith.constant 0 : i32
      %dma_wait3A_86 = arith.constant 0 : i32
      %dma_wait3A_87 = tpu.memref_slice %arg2[%dma_wait3A_85, %dma_wait3A_86] : memref<20000x128xf32, #tpu.memory_space<hbm>> -> memref<20000x128xf32, #tpu.memory_space<hbm>>
      tpu.wait_indirect_dma semaphore(%arg15 : memref<!tpu.dma_semaphore, #tpu.memory_space<semaphore_mem>>) src(%dma_wait3A_87 : memref<20000x128xf32, #tpu.memory_space<hbm>>) dst(%arg11 : memref<80x128xf32, #tpu.memory_space<vmem>>)
      %run_scoped3A_88 = arith.constant 3 : i32
      "tpu.region"() ({
        %run_scoped3A_784 = tpu.sem_alloc : memref<!tpu.dma_semaphore, #tpu.memory_space<semaphore_mem>>
        %dma_start3A_785 = arith.constant 0 : i32
        %dma_start3A_786 = tpu.memref_slice %arg8[%run_scoped3A_88, %dma_start3A_785] : memref<25x80xi32, #tpu.memory_space<vmem>> -> memref<1x80xi32, #tpu.memory_space<vmem>>
        %dma_start3A_787 = tpu.memref_squeeze %dma_start3A_786 : memref<1x80xi32, #tpu.memory_space<vmem>> -> memref<80xi32, #tpu.memory_space<vmem>>
        %dma_start3A_788 = arith.constant 0 : i32
        %dma_start3A_789 = arith.constant 0 : i32
        %dma_start3A_790 = tpu.memref_slice %arg14[%dma_start3A_788, %dma_start3A_789] : memref<10240x128xf32, #tpu.memory_space<vmem_shared>> -> memref<10240x128xf32, #tpu.memory_space<vmem_shared>>
        tpu.enqueue_indirect_dma source(%arg11 : memref<80x128xf32, #tpu.memory_space<vmem>>) target(%dma_start3A_790 : memref<10240x128xf32, #tpu.memory_space<vmem_shared>>) offsets(%dma_start3A_787 : memref<80xi32, #tpu.memory_space<vmem>>) semaphore(%run_scoped3A_784 : memref<!tpu.dma_semaphore, #tpu.memory_space<semaphore_mem>>) {add = true}
        %dma_wait3A_791 = arith.constant 0 : i32
        %dma_wait3A_792 = tpu.memref_slice %arg8[%run_scoped3A_88, %dma_wait3A_791] : memref<25x80xi32, #tpu.memory_space<vmem>> -> memref<1x80xi32, #tpu.memory_space<vmem>>
        %dma_wait3A_793 = tpu.memref_squeeze %dma_wait3A_792 : memref<1x80xi32, #tpu.memory_space<vmem>> -> memref<80xi32, #tpu.memory_space<vmem>>
        %dma_wait3A_794 = arith.constant 0 : i32
        %dma_wait3A_795 = arith.constant 0 : i32
        %dma_wait3A_796 = tpu.memref_slice %arg14[%dma_wait3A_794, %dma_wait3A_795] : memref<10240x128xf32, #tpu.memory_space<vmem_shared>> -> memref<10240x128xf32, #tpu.memory_space<vmem_shared>>
        tpu.wait_indirect_dma semaphore(%run_scoped3A_784 : memref<!tpu.dma_semaphore, #tpu.memory_space<semaphore_mem>>) src(%arg11 : memref<80x128xf32, #tpu.memory_space<vmem>>) dst(%dma_wait3A_796 : memref<10240x128xf32, #tpu.memory_space<vmem_shared>>)
        tpu.yield
      }) : () -> ()
      %dma_start3A_89 = arith.constant 6 : i32
      %dma_start3A_90 = arith.constant 0 : i32
      %dma_start3A_91 = tpu.memref_slice %arg7[%dma_start3A_89, %dma_start3A_90] : memref<25x80xi32, #tpu.memory_space<vmem>> -> memref<1x80xi32, #tpu.memory_space<vmem>>
      %dma_start3A_92 = tpu.memref_squeeze %dma_start3A_91 : memref<1x80xi32, #tpu.memory_space<vmem>> -> memref<80xi32, #tpu.memory_space<vmem>>
      %dma_start3A_93 = arith.constant 0 : i32
      %dma_start3A_94 = arith.constant 0 : i32
      %dma_start3A_95 = tpu.memref_slice %arg2[%dma_start3A_93, %dma_start3A_94] : memref<20000x128xf32, #tpu.memory_space<hbm>> -> memref<20000x128xf32, #tpu.memory_space<hbm>>
      tpu.enqueue_indirect_dma source(%dma_start3A_95 : memref<20000x128xf32, #tpu.memory_space<hbm>>) target(%arg11 : memref<80x128xf32, #tpu.memory_space<vmem>>) offsets(%dma_start3A_92 : memref<80xi32, #tpu.memory_space<vmem>>) semaphore(%arg15 : memref<!tpu.dma_semaphore, #tpu.memory_space<semaphore_mem>>)
      %dma_wait3A_96 = arith.constant 4 : i32
      %dma_wait3A_97 = arith.constant 0 : i32
      %dma_wait3A_98 = tpu.memref_slice %arg7[%dma_wait3A_96, %dma_wait3A_97] : memref<25x80xi32, #tpu.memory_space<vmem>> -> memref<1x80xi32, #tpu.memory_space<vmem>>
      %dma_wait3A_99 = tpu.memref_squeeze %dma_wait3A_98 : memref<1x80xi32, #tpu.memory_space<vmem>> -> memref<80xi32, #tpu.memory_space<vmem>>
      %dma_wait3A_100 = arith.constant 0 : i32
      %dma_wait3A_101 = arith.constant 0 : i32
      %dma_wait3A_102 = tpu.memref_slice %arg2[%dma_wait3A_100, %dma_wait3A_101] : memref<20000x128xf32, #tpu.memory_space<hbm>> -> memref<20000x128xf32, #tpu.memory_space<hbm>>
      tpu.wait_indirect_dma semaphore(%arg16 : memref<!tpu.dma_semaphore, #tpu.memory_space<semaphore_mem>>) src(%dma_wait3A_102 : memref<20000x128xf32, #tpu.memory_space<hbm>>) dst(%arg12 : memref<80x128xf32, #tpu.memory_space<vmem>>)
      %run_scoped3A_103 = arith.constant 4 : i32
      "tpu.region"() ({
        %run_scoped3A_784 = tpu.sem_alloc : memref<!tpu.dma_semaphore, #tpu.memory_space<semaphore_mem>>
        %dma_start3A_785 = arith.constant 0 : i32
        %dma_start3A_786 = tpu.memref_slice %arg8[%run_scoped3A_103, %dma_start3A_785] : memref<25x80xi32, #tpu.memory_space<vmem>> -> memref<1x80xi32, #tpu.memory_space<vmem>>
        %dma_start3A_787 = tpu.memref_squeeze %dma_start3A_786 : memref<1x80xi32, #tpu.memory_space<vmem>> -> memref<80xi32, #tpu.memory_space<vmem>>
        %dma_start3A_788 = arith.constant 0 : i32
        %dma_start3A_789 = arith.constant 0 : i32
        %dma_start3A_790 = tpu.memref_slice %arg14[%dma_start3A_788, %dma_start3A_789] : memref<10240x128xf32, #tpu.memory_space<vmem_shared>> -> memref<10240x128xf32, #tpu.memory_space<vmem_shared>>
        tpu.enqueue_indirect_dma source(%arg12 : memref<80x128xf32, #tpu.memory_space<vmem>>) target(%dma_start3A_790 : memref<10240x128xf32, #tpu.memory_space<vmem_shared>>) offsets(%dma_start3A_787 : memref<80xi32, #tpu.memory_space<vmem>>) semaphore(%run_scoped3A_784 : memref<!tpu.dma_semaphore, #tpu.memory_space<semaphore_mem>>) {add = true}
        %dma_wait3A_791 = arith.constant 0 : i32
        %dma_wait3A_792 = tpu.memref_slice %arg8[%run_scoped3A_103, %dma_wait3A_791] : memref<25x80xi32, #tpu.memory_space<vmem>> -> memref<1x80xi32, #tpu.memory_space<vmem>>
        %dma_wait3A_793 = tpu.memref_squeeze %dma_wait3A_792 : memref<1x80xi32, #tpu.memory_space<vmem>> -> memref<80xi32, #tpu.memory_space<vmem>>
        %dma_wait3A_794 = arith.constant 0 : i32
        %dma_wait3A_795 = arith.constant 0 : i32
        %dma_wait3A_796 = tpu.memref_slice %arg14[%dma_wait3A_794, %dma_wait3A_795] : memref<10240x128xf32, #tpu.memory_space<vmem_shared>> -> memref<10240x128xf32, #tpu.memory_space<vmem_shared>>
        tpu.wait_indirect_dma semaphore(%run_scoped3A_784 : memref<!tpu.dma_semaphore, #tpu.memory_space<semaphore_mem>>) src(%arg12 : memref<80x128xf32, #tpu.memory_space<vmem>>) dst(%dma_wait3A_796 : memref<10240x128xf32, #tpu.memory_space<vmem_shared>>)
        tpu.yield
      }) : () -> ()
      %dma_start3A_104 = arith.constant 7 : i32
      %dma_start3A_105 = arith.constant 0 : i32
      %dma_start3A_106 = tpu.memref_slice %arg7[%dma_start3A_104, %dma_start3A_105] : memref<25x80xi32, #tpu.memory_space<vmem>> -> memref<1x80xi32, #tpu.memory_space<vmem>>
      %dma_start3A_107 = tpu.memref_squeeze %dma_start3A_106 : memref<1x80xi32, #tpu.memory_space<vmem>> -> memref<80xi32, #tpu.memory_space<vmem>>
      %dma_start3A_108 = arith.constant 0 : i32
      %dma_start3A_109 = arith.constant 0 : i32
      %dma_start3A_110 = tpu.memref_slice %arg2[%dma_start3A_108, %dma_start3A_109] : memref<20000x128xf32, #tpu.memory_space<hbm>> -> memref<20000x128xf32, #tpu.memory_space<hbm>>
      tpu.enqueue_indirect_dma source(%dma_start3A_110 : memref<20000x128xf32, #tpu.memory_space<hbm>>) target(%arg12 : memref<80x128xf32, #tpu.memory_space<vmem>>) offsets(%dma_start3A_107 : memref<80xi32, #tpu.memory_space<vmem>>) semaphore(%arg16 : memref<!tpu.dma_semaphore, #tpu.memory_space<semaphore_mem>>)
      %dma_wait3A_111 = arith.constant 5 : i32
      %dma_wait3A_112 = arith.constant 0 : i32
      %dma_wait3A_113 = tpu.memref_slice %arg7[%dma_wait3A_111, %dma_wait3A_112] : memref<25x80xi32, #tpu.memory_space<vmem>> -> memref<1x80xi32, #tpu.memory_space<vmem>>
      %dma_wait3A_114 = tpu.memref_squeeze %dma_wait3A_113 : memref<1x80xi32, #tpu.memory_space<vmem>> -> memref<80xi32, #tpu.memory_space<vmem>>
      %dma_wait3A_115 = arith.constant 0 : i32
      %dma_wait3A_116 = arith.constant 0 : i32
      %dma_wait3A_117 = tpu.memref_slice %arg2[%dma_wait3A_115, %dma_wait3A_116] : memref<20000x128xf32, #tpu.memory_space<hbm>> -> memref<20000x128xf32, #tpu.memory_space<hbm>>
      tpu.wait_indirect_dma semaphore(%arg17 : memref<!tpu.dma_semaphore, #tpu.memory_space<semaphore_mem>>) src(%dma_wait3A_117 : memref<20000x128xf32, #tpu.memory_space<hbm>>) dst(%arg13 : memref<80x128xf32, #tpu.memory_space<vmem>>)
      %run_scoped3A_118 = arith.constant 5 : i32
      "tpu.region"() ({
        %run_scoped3A_784 = tpu.sem_alloc : memref<!tpu.dma_semaphore, #tpu.memory_space<semaphore_mem>>
        %dma_start3A_785 = arith.constant 0 : i32
        %dma_start3A_786 = tpu.memref_slice %arg8[%run_scoped3A_118, %dma_start3A_785] : memref<25x80xi32, #tpu.memory_space<vmem>> -> memref<1x80xi32, #tpu.memory_space<vmem>>
        %dma_start3A_787 = tpu.memref_squeeze %dma_start3A_786 : memref<1x80xi32, #tpu.memory_space<vmem>> -> memref<80xi32, #tpu.memory_space<vmem>>
        %dma_start3A_788 = arith.constant 0 : i32
        %dma_start3A_789 = arith.constant 0 : i32
        %dma_start3A_790 = tpu.memref_slice %arg14[%dma_start3A_788, %dma_start3A_789] : memref<10240x128xf32, #tpu.memory_space<vmem_shared>> -> memref<10240x128xf32, #tpu.memory_space<vmem_shared>>
        tpu.enqueue_indirect_dma source(%arg13 : memref<80x128xf32, #tpu.memory_space<vmem>>) target(%dma_start3A_790 : memref<10240x128xf32, #tpu.memory_space<vmem_shared>>) offsets(%dma_start3A_787 : memref<80xi32, #tpu.memory_space<vmem>>) semaphore(%run_scoped3A_784 : memref<!tpu.dma_semaphore, #tpu.memory_space<semaphore_mem>>) {add = true}
        %dma_wait3A_791 = arith.constant 0 : i32
        %dma_wait3A_792 = tpu.memref_slice %arg8[%run_scoped3A_118, %dma_wait3A_791] : memref<25x80xi32, #tpu.memory_space<vmem>> -> memref<1x80xi32, #tpu.memory_space<vmem>>
        %dma_wait3A_793 = tpu.memref_squeeze %dma_wait3A_792 : memref<1x80xi32, #tpu.memory_space<vmem>> -> memref<80xi32, #tpu.memory_space<vmem>>
        %dma_wait3A_794 = arith.constant 0 : i32
        %dma_wait3A_795 = arith.constant 0 : i32
        %dma_wait3A_796 = tpu.memref_slice %arg14[%dma_wait3A_794, %dma_wait3A_795] : memref<10240x128xf32, #tpu.memory_space<vmem_shared>> -> memref<10240x128xf32, #tpu.memory_space<vmem_shared>>
        tpu.wait_indirect_dma semaphore(%run_scoped3A_784 : memref<!tpu.dma_semaphore, #tpu.memory_space<semaphore_mem>>) src(%arg13 : memref<80x128xf32, #tpu.memory_space<vmem>>) dst(%dma_wait3A_796 : memref<10240x128xf32, #tpu.memory_space<vmem_shared>>)
        tpu.yield
      }) : () -> ()
      %dma_start3A_119 = arith.constant 8 : i32
      %dma_start3A_120 = arith.constant 0 : i32
      %dma_start3A_121 = tpu.memref_slice %arg7[%dma_start3A_119, %dma_start3A_120] : memref<25x80xi32, #tpu.memory_space<vmem>> -> memref<1x80xi32, #tpu.memory_space<vmem>>
      %dma_start3A_122 = tpu.memref_squeeze %dma_start3A_121 : memref<1x80xi32, #tpu.memory_space<vmem>> -> memref<80xi32, #tpu.memory_space<vmem>>
      %dma_start3A_123 = arith.constant 0 : i32
      %dma_start3A_124 = arith.constant 0 : i32
      %dma_start3A_125 = tpu.memref_slice %arg2[%dma_start3A_123, %dma_start3A_124] : memref<20000x128xf32, #tpu.memory_space<hbm>> -> memref<20000x128xf32, #tpu.memory_space<hbm>>
      tpu.enqueue_indirect_dma source(%dma_start3A_125 : memref<20000x128xf32, #tpu.memory_space<hbm>>) target(%arg13 : memref<80x128xf32, #tpu.memory_space<vmem>>) offsets(%dma_start3A_122 : memref<80xi32, #tpu.memory_space<vmem>>) semaphore(%arg17 : memref<!tpu.dma_semaphore, #tpu.memory_space<semaphore_mem>>)
      %dma_wait3A_126 = arith.constant 6 : i32
      %dma_wait3A_127 = arith.constant 0 : i32
      %dma_wait3A_128 = tpu.memref_slice %arg7[%dma_wait3A_126, %dma_wait3A_127] : memref<25x80xi32, #tpu.memory_space<vmem>> -> memref<1x80xi32, #tpu.memory_space<vmem>>
      %dma_wait3A_129 = tpu.memref_squeeze %dma_wait3A_128 : memref<1x80xi32, #tpu.memory_space<vmem>> -> memref<80xi32, #tpu.memory_space<vmem>>
      %dma_wait3A_130 = arith.constant 0 : i32
      %dma_wait3A_131 = arith.constant 0 : i32
      %dma_wait3A_132 = tpu.memref_slice %arg2[%dma_wait3A_130, %dma_wait3A_131] : memref<20000x128xf32, #tpu.memory_space<hbm>> -> memref<20000x128xf32, #tpu.memory_space<hbm>>
      tpu.wait_indirect_dma semaphore(%arg15 : memref<!tpu.dma_semaphore, #tpu.memory_space<semaphore_mem>>) src(%dma_wait3A_132 : memref<20000x128xf32, #tpu.memory_space<hbm>>) dst(%arg11 : memref<80x128xf32, #tpu.memory_space<vmem>>)
      %run_scoped3A_133 = arith.constant 6 : i32
      "tpu.region"() ({
        %run_scoped3A_784 = tpu.sem_alloc : memref<!tpu.dma_semaphore, #tpu.memory_space<semaphore_mem>>
        %dma_start3A_785 = arith.constant 0 : i32
        %dma_start3A_786 = tpu.memref_slice %arg8[%run_scoped3A_133, %dma_start3A_785] : memref<25x80xi32, #tpu.memory_space<vmem>> -> memref<1x80xi32, #tpu.memory_space<vmem>>
        %dma_start3A_787 = tpu.memref_squeeze %dma_start3A_786 : memref<1x80xi32, #tpu.memory_space<vmem>> -> memref<80xi32, #tpu.memory_space<vmem>>
        %dma_start3A_788 = arith.constant 0 : i32
        %dma_start3A_789 = arith.constant 0 : i32
        %dma_start3A_790 = tpu.memref_slice %arg14[%dma_start3A_788, %dma_start3A_789] : memref<10240x128xf32, #tpu.memory_space<vmem_shared>> -> memref<10240x128xf32, #tpu.memory_space<vmem_shared>>
        tpu.enqueue_indirect_dma source(%arg11 : memref<80x128xf32, #tpu.memory_space<vmem>>) target(%dma_start3A_790 : memref<10240x128xf32, #tpu.memory_space<vmem_shared>>) offsets(%dma_start3A_787 : memref<80xi32, #tpu.memory_space<vmem>>) semaphore(%run_scoped3A_784 : memref<!tpu.dma_semaphore, #tpu.memory_space<semaphore_mem>>) {add = true}
        %dma_wait3A_791 = arith.constant 0 : i32
        %dma_wait3A_792 = tpu.memref_slice %arg8[%run_scoped3A_133, %dma_wait3A_791] : memref<25x80xi32, #tpu.memory_space<vmem>> -> memref<1x80xi32, #tpu.memory_space<vmem>>
        %dma_wait3A_793 = tpu.memref_squeeze %dma_wait3A_792 : memref<1x80xi32, #tpu.memory_space<vmem>> -> memref<80xi32, #tpu.memory_space<vmem>>
        %dma_wait3A_794 = arith.constant 0 : i32
        %dma_wait3A_795 = arith.constant 0 : i32
        %dma_wait3A_796 = tpu.memref_slice %arg14[%dma_wait3A_794, %dma_wait3A_795] : memref<10240x128xf32, #tpu.memory_space<vmem_shared>> -> memref<10240x128xf32, #tpu.memory_space<vmem_shared>>
        tpu.wait_indirect_dma semaphore(%run_scoped3A_784 : memref<!tpu.dma_semaphore, #tpu.memory_space<semaphore_mem>>) src(%arg11 : memref<80x128xf32, #tpu.memory_space<vmem>>) dst(%dma_wait3A_796 : memref<10240x128xf32, #tpu.memory_space<vmem_shared>>)
        tpu.yield
      }) : () -> ()
      %dma_start3A_134 = arith.constant 9 : i32
      %dma_start3A_135 = arith.constant 0 : i32
      %dma_start3A_136 = tpu.memref_slice %arg7[%dma_start3A_134, %dma_start3A_135] : memref<25x80xi32, #tpu.memory_space<vmem>> -> memref<1x80xi32, #tpu.memory_space<vmem>>
      %dma_start3A_137 = tpu.memref_squeeze %dma_start3A_136 : memref<1x80xi32, #tpu.memory_space<vmem>> -> memref<80xi32, #tpu.memory_space<vmem>>
      %dma_start3A_138 = arith.constant 0 : i32
      %dma_start3A_139 = arith.constant 0 : i32
      %dma_start3A_140 = tpu.memref_slice %arg2[%dma_start3A_138, %dma_start3A_139] : memref<20000x128xf32, #tpu.memory_space<hbm>> -> memref<20000x128xf32, #tpu.memory_space<hbm>>
      tpu.enqueue_indirect_dma source(%dma_start3A_140 : memref<20000x128xf32, #tpu.memory_space<hbm>>) target(%arg11 : memref<80x128xf32, #tpu.memory_space<vmem>>) offsets(%dma_start3A_137 : memref<80xi32, #tpu.memory_space<vmem>>) semaphore(%arg15 : memref<!tpu.dma_semaphore, #tpu.memory_space<semaphore_mem>>)
      %dma_wait3A_141 = arith.constant 7 : i32
      %dma_wait3A_142 = arith.constant 0 : i32
      %dma_wait3A_143 = tpu.memref_slice %arg7[%dma_wait3A_141, %dma_wait3A_142] : memref<25x80xi32, #tpu.memory_space<vmem>> -> memref<1x80xi32, #tpu.memory_space<vmem>>
      %dma_wait3A_144 = tpu.memref_squeeze %dma_wait3A_143 : memref<1x80xi32, #tpu.memory_space<vmem>> -> memref<80xi32, #tpu.memory_space<vmem>>
      %dma_wait3A_145 = arith.constant 0 : i32
      %dma_wait3A_146 = arith.constant 0 : i32
      %dma_wait3A_147 = tpu.memref_slice %arg2[%dma_wait3A_145, %dma_wait3A_146] : memref<20000x128xf32, #tpu.memory_space<hbm>> -> memref<20000x128xf32, #tpu.memory_space<hbm>>
      tpu.wait_indirect_dma semaphore(%arg16 : memref<!tpu.dma_semaphore, #tpu.memory_space<semaphore_mem>>) src(%dma_wait3A_147 : memref<20000x128xf32, #tpu.memory_space<hbm>>) dst(%arg12 : memref<80x128xf32, #tpu.memory_space<vmem>>)
      %run_scoped3A_148 = arith.constant 7 : i32
      "tpu.region"() ({
        %run_scoped3A_784 = tpu.sem_alloc : memref<!tpu.dma_semaphore, #tpu.memory_space<semaphore_mem>>
        %dma_start3A_785 = arith.constant 0 : i32
        %dma_start3A_786 = tpu.memref_slice %arg8[%run_scoped3A_148, %dma_start3A_785] : memref<25x80xi32, #tpu.memory_space<vmem>> -> memref<1x80xi32, #tpu.memory_space<vmem>>
        %dma_start3A_787 = tpu.memref_squeeze %dma_start3A_786 : memref<1x80xi32, #tpu.memory_space<vmem>> -> memref<80xi32, #tpu.memory_space<vmem>>
        %dma_start3A_788 = arith.constant 0 : i32
        %dma_start3A_789 = arith.constant 0 : i32
        %dma_start3A_790 = tpu.memref_slice %arg14[%dma_start3A_788, %dma_start3A_789] : memref<10240x128xf32, #tpu.memory_space<vmem_shared>> -> memref<10240x128xf32, #tpu.memory_space<vmem_shared>>
        tpu.enqueue_indirect_dma source(%arg12 : memref<80x128xf32, #tpu.memory_space<vmem>>) target(%dma_start3A_790 : memref<10240x128xf32, #tpu.memory_space<vmem_shared>>) offsets(%dma_start3A_787 : memref<80xi32, #tpu.memory_space<vmem>>) semaphore(%run_scoped3A_784 : memref<!tpu.dma_semaphore, #tpu.memory_space<semaphore_mem>>) {add = true}
        %dma_wait3A_791 = arith.constant 0 : i32
        %dma_wait3A_792 = tpu.memref_slice %arg8[%run_scoped3A_148, %dma_wait3A_791] : memref<25x80xi32, #tpu.memory_space<vmem>> -> memref<1x80xi32, #tpu.memory_space<vmem>>
        %dma_wait3A_793 = tpu.memref_squeeze %dma_wait3A_792 : memref<1x80xi32, #tpu.memory_space<vmem>> -> memref<80xi32, #tpu.memory_space<vmem>>
        %dma_wait3A_794 = arith.constant 0 : i32
        %dma_wait3A_795 = arith.constant 0 : i32
        %dma_wait3A_796 = tpu.memref_slice %arg14[%dma_wait3A_794, %dma_wait3A_795] : memref<10240x128xf32, #tpu.memory_space<vmem_shared>> -> memref<10240x128xf32, #tpu.memory_space<vmem_shared>>
        tpu.wait_indirect_dma semaphore(%run_scoped3A_784 : memref<!tpu.dma_semaphore, #tpu.memory_space<semaphore_mem>>) src(%arg12 : memref<80x128xf32, #tpu.memory_space<vmem>>) dst(%dma_wait3A_796 : memref<10240x128xf32, #tpu.memory_space<vmem_shared>>)
        tpu.yield
      }) : () -> ()
      %dma_start3A_149 = arith.constant 10 : i32
      %dma_start3A_150 = arith.constant 0 : i32
      %dma_start3A_151 = tpu.memref_slice %arg7[%dma_start3A_149, %dma_start3A_150] : memref<25x80xi32, #tpu.memory_space<vmem>> -> memref<1x80xi32, #tpu.memory_space<vmem>>
      %dma_start3A_152 = tpu.memref_squeeze %dma_start3A_151 : memref<1x80xi32, #tpu.memory_space<vmem>> -> memref<80xi32, #tpu.memory_space<vmem>>
      %dma_start3A_153 = arith.constant 0 : i32
      %dma_start3A_154 = arith.constant 0 : i32
      %dma_start3A_155 = tpu.memref_slice %arg2[%dma_start3A_153, %dma_start3A_154] : memref<20000x128xf32, #tpu.memory_space<hbm>> -> memref<20000x128xf32, #tpu.memory_space<hbm>>
      tpu.enqueue_indirect_dma source(%dma_start3A_155 : memref<20000x128xf32, #tpu.memory_space<hbm>>) target(%arg12 : memref<80x128xf32, #tpu.memory_space<vmem>>) offsets(%dma_start3A_152 : memref<80xi32, #tpu.memory_space<vmem>>) semaphore(%arg16 : memref<!tpu.dma_semaphore, #tpu.memory_space<semaphore_mem>>)
      %dma_wait3A_156 = arith.constant 8 : i32
      %dma_wait3A_157 = arith.constant 0 : i32
      %dma_wait3A_158 = tpu.memref_slice %arg7[%dma_wait3A_156, %dma_wait3A_157] : memref<25x80xi32, #tpu.memory_space<vmem>> -> memref<1x80xi32, #tpu.memory_space<vmem>>
      %dma_wait3A_159 = tpu.memref_squeeze %dma_wait3A_158 : memref<1x80xi32, #tpu.memory_space<vmem>> -> memref<80xi32, #tpu.memory_space<vmem>>
      %dma_wait3A_160 = arith.constant 0 : i32
      %dma_wait3A_161 = arith.constant 0 : i32
      %dma_wait3A_162 = tpu.memref_slice %arg2[%dma_wait3A_160, %dma_wait3A_161] : memref<20000x128xf32, #tpu.memory_space<hbm>> -> memref<20000x128xf32, #tpu.memory_space<hbm>>
      tpu.wait_indirect_dma semaphore(%arg17 : memref<!tpu.dma_semaphore, #tpu.memory_space<semaphore_mem>>) src(%dma_wait3A_162 : memref<20000x128xf32, #tpu.memory_space<hbm>>) dst(%arg13 : memref<80x128xf32, #tpu.memory_space<vmem>>)
      %run_scoped3A_163 = arith.constant 8 : i32
      "tpu.region"() ({
        %run_scoped3A_784 = tpu.sem_alloc : memref<!tpu.dma_semaphore, #tpu.memory_space<semaphore_mem>>
        %dma_start3A_785 = arith.constant 0 : i32
        %dma_start3A_786 = tpu.memref_slice %arg8[%run_scoped3A_163, %dma_start3A_785] : memref<25x80xi32, #tpu.memory_space<vmem>> -> memref<1x80xi32, #tpu.memory_space<vmem>>
        %dma_start3A_787 = tpu.memref_squeeze %dma_start3A_786 : memref<1x80xi32, #tpu.memory_space<vmem>> -> memref<80xi32, #tpu.memory_space<vmem>>
        %dma_start3A_788 = arith.constant 0 : i32
        %dma_start3A_789 = arith.constant 0 : i32
        %dma_start3A_790 = tpu.memref_slice %arg14[%dma_start3A_788, %dma_start3A_789] : memref<10240x128xf32, #tpu.memory_space<vmem_shared>> -> memref<10240x128xf32, #tpu.memory_space<vmem_shared>>
        tpu.enqueue_indirect_dma source(%arg13 : memref<80x128xf32, #tpu.memory_space<vmem>>) target(%dma_start3A_790 : memref<10240x128xf32, #tpu.memory_space<vmem_shared>>) offsets(%dma_start3A_787 : memref<80xi32, #tpu.memory_space<vmem>>) semaphore(%run_scoped3A_784 : memref<!tpu.dma_semaphore, #tpu.memory_space<semaphore_mem>>) {add = true}
        %dma_wait3A_791 = arith.constant 0 : i32
        %dma_wait3A_792 = tpu.memref_slice %arg8[%run_scoped3A_163, %dma_wait3A_791] : memref<25x80xi32, #tpu.memory_space<vmem>> -> memref<1x80xi32, #tpu.memory_space<vmem>>
        %dma_wait3A_793 = tpu.memref_squeeze %dma_wait3A_792 : memref<1x80xi32, #tpu.memory_space<vmem>> -> memref<80xi32, #tpu.memory_space<vmem>>
        %dma_wait3A_794 = arith.constant 0 : i32
        %dma_wait3A_795 = arith.constant 0 : i32
        %dma_wait3A_796 = tpu.memref_slice %arg14[%dma_wait3A_794, %dma_wait3A_795] : memref<10240x128xf32, #tpu.memory_space<vmem_shared>> -> memref<10240x128xf32, #tpu.memory_space<vmem_shared>>
        tpu.wait_indirect_dma semaphore(%run_scoped3A_784 : memref<!tpu.dma_semaphore, #tpu.memory_space<semaphore_mem>>) src(%arg13 : memref<80x128xf32, #tpu.memory_space<vmem>>) dst(%dma_wait3A_796 : memref<10240x128xf32, #tpu.memory_space<vmem_shared>>)
        tpu.yield
      }) : () -> ()
      %dma_start3A_164 = arith.constant 11 : i32
      %dma_start3A_165 = arith.constant 0 : i32
      %dma_start3A_166 = tpu.memref_slice %arg7[%dma_start3A_164, %dma_start3A_165] : memref<25x80xi32, #tpu.memory_space<vmem>> -> memref<1x80xi32, #tpu.memory_space<vmem>>
      %dma_start3A_167 = tpu.memref_squeeze %dma_start3A_166 : memref<1x80xi32, #tpu.memory_space<vmem>> -> memref<80xi32, #tpu.memory_space<vmem>>
      %dma_start3A_168 = arith.constant 0 : i32
      %dma_start3A_169 = arith.constant 0 : i32
      %dma_start3A_170 = tpu.memref_slice %arg2[%dma_start3A_168, %dma_start3A_169] : memref<20000x128xf32, #tpu.memory_space<hbm>> -> memref<20000x128xf32, #tpu.memory_space<hbm>>
      tpu.enqueue_indirect_dma source(%dma_start3A_170 : memref<20000x128xf32, #tpu.memory_space<hbm>>) target(%arg13 : memref<80x128xf32, #tpu.memory_space<vmem>>) offsets(%dma_start3A_167 : memref<80xi32, #tpu.memory_space<vmem>>) semaphore(%arg17 : memref<!tpu.dma_semaphore, #tpu.memory_space<semaphore_mem>>)
      %dma_wait3A_171 = arith.constant 9 : i32
      %dma_wait3A_172 = arith.constant 0 : i32
      %dma_wait3A_173 = tpu.memref_slice %arg7[%dma_wait3A_171, %dma_wait3A_172] : memref<25x80xi32, #tpu.memory_space<vmem>> -> memref<1x80xi32, #tpu.memory_space<vmem>>
      %dma_wait3A_174 = tpu.memref_squeeze %dma_wait3A_173 : memref<1x80xi32, #tpu.memory_space<vmem>> -> memref<80xi32, #tpu.memory_space<vmem>>
      %dma_wait3A_175 = arith.constant 0 : i32
      %dma_wait3A_176 = arith.constant 0 : i32
      %dma_wait3A_177 = tpu.memref_slice %arg2[%dma_wait3A_175, %dma_wait3A_176] : memref<20000x128xf32, #tpu.memory_space<hbm>> -> memref<20000x128xf32, #tpu.memory_space<hbm>>
      tpu.wait_indirect_dma semaphore(%arg15 : memref<!tpu.dma_semaphore, #tpu.memory_space<semaphore_mem>>) src(%dma_wait3A_177 : memref<20000x128xf32, #tpu.memory_space<hbm>>) dst(%arg11 : memref<80x128xf32, #tpu.memory_space<vmem>>)
      %run_scoped3A_178 = arith.constant 9 : i32
      "tpu.region"() ({
        %run_scoped3A_784 = tpu.sem_alloc : memref<!tpu.dma_semaphore, #tpu.memory_space<semaphore_mem>>
        %dma_start3A_785 = arith.constant 0 : i32
        %dma_start3A_786 = tpu.memref_slice %arg8[%run_scoped3A_178, %dma_start3A_785] : memref<25x80xi32, #tpu.memory_space<vmem>> -> memref<1x80xi32, #tpu.memory_space<vmem>>
        %dma_start3A_787 = tpu.memref_squeeze %dma_start3A_786 : memref<1x80xi32, #tpu.memory_space<vmem>> -> memref<80xi32, #tpu.memory_space<vmem>>
        %dma_start3A_788 = arith.constant 0 : i32
        %dma_start3A_789 = arith.constant 0 : i32
        %dma_start3A_790 = tpu.memref_slice %arg14[%dma_start3A_788, %dma_start3A_789] : memref<10240x128xf32, #tpu.memory_space<vmem_shared>> -> memref<10240x128xf32, #tpu.memory_space<vmem_shared>>
        tpu.enqueue_indirect_dma source(%arg11 : memref<80x128xf32, #tpu.memory_space<vmem>>) target(%dma_start3A_790 : memref<10240x128xf32, #tpu.memory_space<vmem_shared>>) offsets(%dma_start3A_787 : memref<80xi32, #tpu.memory_space<vmem>>) semaphore(%run_scoped3A_784 : memref<!tpu.dma_semaphore, #tpu.memory_space<semaphore_mem>>) {add = true}
        %dma_wait3A_791 = arith.constant 0 : i32
        %dma_wait3A_792 = tpu.memref_slice %arg8[%run_scoped3A_178, %dma_wait3A_791] : memref<25x80xi32, #tpu.memory_space<vmem>> -> memref<1x80xi32, #tpu.memory_space<vmem>>
        %dma_wait3A_793 = tpu.memref_squeeze %dma_wait3A_792 : memref<1x80xi32, #tpu.memory_space<vmem>> -> memref<80xi32, #tpu.memory_space<vmem>>
        %dma_wait3A_794 = arith.constant 0 : i32
        %dma_wait3A_795 = arith.constant 0 : i32
        %dma_wait3A_796 = tpu.memref_slice %arg14[%dma_wait3A_794, %dma_wait3A_795] : memref<10240x128xf32, #tpu.memory_space<vmem_shared>> -> memref<10240x128xf32, #tpu.memory_space<vmem_shared>>
        tpu.wait_indirect_dma semaphore(%run_scoped3A_784 : memref<!tpu.dma_semaphore, #tpu.memory_space<semaphore_mem>>) src(%arg11 : memref<80x128xf32, #tpu.memory_space<vmem>>) dst(%dma_wait3A_796 : memref<10240x128xf32, #tpu.memory_space<vmem_shared>>)
        tpu.yield
      }) : () -> ()
      %dma_start3A_179 = arith.constant 12 : i32
      %dma_start3A_180 = arith.constant 0 : i32
      %dma_start3A_181 = tpu.memref_slice %arg7[%dma_start3A_179, %dma_start3A_180] : memref<25x80xi32, #tpu.memory_space<vmem>> -> memref<1x80xi32, #tpu.memory_space<vmem>>
      %dma_start3A_182 = tpu.memref_squeeze %dma_start3A_181 : memref<1x80xi32, #tpu.memory_space<vmem>> -> memref<80xi32, #tpu.memory_space<vmem>>
      %dma_start3A_183 = arith.constant 0 : i32
      %dma_start3A_184 = arith.constant 0 : i32
      %dma_start3A_185 = tpu.memref_slice %arg2[%dma_start3A_183, %dma_start3A_184] : memref<20000x128xf32, #tpu.memory_space<hbm>> -> memref<20000x128xf32, #tpu.memory_space<hbm>>
      tpu.enqueue_indirect_dma source(%dma_start3A_185 : memref<20000x128xf32, #tpu.memory_space<hbm>>) target(%arg11 : memref<80x128xf32, #tpu.memory_space<vmem>>) offsets(%dma_start3A_182 : memref<80xi32, #tpu.memory_space<vmem>>) semaphore(%arg15 : memref<!tpu.dma_semaphore, #tpu.memory_space<semaphore_mem>>)
      %dma_wait3A_186 = arith.constant 10 : i32
      %dma_wait3A_187 = arith.constant 0 : i32
      %dma_wait3A_188 = tpu.memref_slice %arg7[%dma_wait3A_186, %dma_wait3A_187] : memref<25x80xi32, #tpu.memory_space<vmem>> -> memref<1x80xi32, #tpu.memory_space<vmem>>
      %dma_wait3A_189 = tpu.memref_squeeze %dma_wait3A_188 : memref<1x80xi32, #tpu.memory_space<vmem>> -> memref<80xi32, #tpu.memory_space<vmem>>
      %dma_wait3A_190 = arith.constant 0 : i32
      %dma_wait3A_191 = arith.constant 0 : i32
      %dma_wait3A_192 = tpu.memref_slice %arg2[%dma_wait3A_190, %dma_wait3A_191] : memref<20000x128xf32, #tpu.memory_space<hbm>> -> memref<20000x128xf32, #tpu.memory_space<hbm>>
      tpu.wait_indirect_dma semaphore(%arg16 : memref<!tpu.dma_semaphore, #tpu.memory_space<semaphore_mem>>) src(%dma_wait3A_192 : memref<20000x128xf32, #tpu.memory_space<hbm>>) dst(%arg12 : memref<80x128xf32, #tpu.memory_space<vmem>>)
      %run_scoped3A_193 = arith.constant 10 : i32
      "tpu.region"() ({
        %run_scoped3A_784 = tpu.sem_alloc : memref<!tpu.dma_semaphore, #tpu.memory_space<semaphore_mem>>
        %dma_start3A_785 = arith.constant 0 : i32
        %dma_start3A_786 = tpu.memref_slice %arg8[%run_scoped3A_193, %dma_start3A_785] : memref<25x80xi32, #tpu.memory_space<vmem>> -> memref<1x80xi32, #tpu.memory_space<vmem>>
        %dma_start3A_787 = tpu.memref_squeeze %dma_start3A_786 : memref<1x80xi32, #tpu.memory_space<vmem>> -> memref<80xi32, #tpu.memory_space<vmem>>
        %dma_start3A_788 = arith.constant 0 : i32
        %dma_start3A_789 = arith.constant 0 : i32
        %dma_start3A_790 = tpu.memref_slice %arg14[%dma_start3A_788, %dma_start3A_789] : memref<10240x128xf32, #tpu.memory_space<vmem_shared>> -> memref<10240x128xf32, #tpu.memory_space<vmem_shared>>
        tpu.enqueue_indirect_dma source(%arg12 : memref<80x128xf32, #tpu.memory_space<vmem>>) target(%dma_start3A_790 : memref<10240x128xf32, #tpu.memory_space<vmem_shared>>) offsets(%dma_start3A_787 : memref<80xi32, #tpu.memory_space<vmem>>) semaphore(%run_scoped3A_784 : memref<!tpu.dma_semaphore, #tpu.memory_space<semaphore_mem>>) {add = true}
        %dma_wait3A_791 = arith.constant 0 : i32
        %dma_wait3A_792 = tpu.memref_slice %arg8[%run_scoped3A_193, %dma_wait3A_791] : memref<25x80xi32, #tpu.memory_space<vmem>> -> memref<1x80xi32, #tpu.memory_space<vmem>>
        %dma_wait3A_793 = tpu.memref_squeeze %dma_wait3A_792 : memref<1x80xi32, #tpu.memory_space<vmem>> -> memref<80xi32, #tpu.memory_space<vmem>>
        %dma_wait3A_794 = arith.constant 0 : i32
        %dma_wait3A_795 = arith.constant 0 : i32
        %dma_wait3A_796 = tpu.memref_slice %arg14[%dma_wait3A_794, %dma_wait3A_795] : memref<10240x128xf32, #tpu.memory_space<vmem_shared>> -> memref<10240x128xf32, #tpu.memory_space<vmem_shared>>
        tpu.wait_indirect_dma semaphore(%run_scoped3A_784 : memref<!tpu.dma_semaphore, #tpu.memory_space<semaphore_mem>>) src(%arg12 : memref<80x128xf32, #tpu.memory_space<vmem>>) dst(%dma_wait3A_796 : memref<10240x128xf32, #tpu.memory_space<vmem_shared>>)
        tpu.yield
      }) : () -> ()
      %dma_start3A_194 = arith.constant 13 : i32
      %dma_start3A_195 = arith.constant 0 : i32
      %dma_start3A_196 = tpu.memref_slice %arg7[%dma_start3A_194, %dma_start3A_195] : memref<25x80xi32, #tpu.memory_space<vmem>> -> memref<1x80xi32, #tpu.memory_space<vmem>>
      %dma_start3A_197 = tpu.memref_squeeze %dma_start3A_196 : memref<1x80xi32, #tpu.memory_space<vmem>> -> memref<80xi32, #tpu.memory_space<vmem>>
      %dma_start3A_198 = arith.constant 0 : i32
      %dma_start3A_199 = arith.constant 0 : i32
      %dma_start3A_200 = tpu.memref_slice %arg2[%dma_start3A_198, %dma_start3A_199] : memref<20000x128xf32, #tpu.memory_space<hbm>> -> memref<20000x128xf32, #tpu.memory_space<hbm>>
      tpu.enqueue_indirect_dma source(%dma_start3A_200 : memref<20000x128xf32, #tpu.memory_space<hbm>>) target(%arg12 : memref<80x128xf32, #tpu.memory_space<vmem>>) offsets(%dma_start3A_197 : memref<80xi32, #tpu.memory_space<vmem>>) semaphore(%arg16 : memref<!tpu.dma_semaphore, #tpu.memory_space<semaphore_mem>>)
      %dma_wait3A_201 = arith.constant 11 : i32
      %dma_wait3A_202 = arith.constant 0 : i32
      %dma_wait3A_203 = tpu.memref_slice %arg7[%dma_wait3A_201, %dma_wait3A_202] : memref<25x80xi32, #tpu.memory_space<vmem>> -> memref<1x80xi32, #tpu.memory_space<vmem>>
      %dma_wait3A_204 = tpu.memref_squeeze %dma_wait3A_203 : memref<1x80xi32, #tpu.memory_space<vmem>> -> memref<80xi32, #tpu.memory_space<vmem>>
      %dma_wait3A_205 = arith.constant 0 : i32
      %dma_wait3A_206 = arith.constant 0 : i32
      %dma_wait3A_207 = tpu.memref_slice %arg2[%dma_wait3A_205, %dma_wait3A_206] : memref<20000x128xf32, #tpu.memory_space<hbm>> -> memref<20000x128xf32, #tpu.memory_space<hbm>>
      tpu.wait_indirect_dma semaphore(%arg17 : memref<!tpu.dma_semaphore, #tpu.memory_space<semaphore_mem>>) src(%dma_wait3A_207 : memref<20000x128xf32, #tpu.memory_space<hbm>>) dst(%arg13 : memref<80x128xf32, #tpu.memory_space<vmem>>)
      %run_scoped3A_208 = arith.constant 11 : i32
      "tpu.region"() ({
        %run_scoped3A_784 = tpu.sem_alloc : memref<!tpu.dma_semaphore, #tpu.memory_space<semaphore_mem>>
        %dma_start3A_785 = arith.constant 0 : i32
        %dma_start3A_786 = tpu.memref_slice %arg8[%run_scoped3A_208, %dma_start3A_785] : memref<25x80xi32, #tpu.memory_space<vmem>> -> memref<1x80xi32, #tpu.memory_space<vmem>>
        %dma_start3A_787 = tpu.memref_squeeze %dma_start3A_786 : memref<1x80xi32, #tpu.memory_space<vmem>> -> memref<80xi32, #tpu.memory_space<vmem>>
        %dma_start3A_788 = arith.constant 0 : i32
        %dma_start3A_789 = arith.constant 0 : i32
        %dma_start3A_790 = tpu.memref_slice %arg14[%dma_start3A_788, %dma_start3A_789] : memref<10240x128xf32, #tpu.memory_space<vmem_shared>> -> memref<10240x128xf32, #tpu.memory_space<vmem_shared>>
        tpu.enqueue_indirect_dma source(%arg13 : memref<80x128xf32, #tpu.memory_space<vmem>>) target(%dma_start3A_790 : memref<10240x128xf32, #tpu.memory_space<vmem_shared>>) offsets(%dma_start3A_787 : memref<80xi32, #tpu.memory_space<vmem>>) semaphore(%run_scoped3A_784 : memref<!tpu.dma_semaphore, #tpu.memory_space<semaphore_mem>>) {add = true}
        %dma_wait3A_791 = arith.constant 0 : i32
        %dma_wait3A_792 = tpu.memref_slice %arg8[%run_scoped3A_208, %dma_wait3A_791] : memref<25x80xi32, #tpu.memory_space<vmem>> -> memref<1x80xi32, #tpu.memory_space<vmem>>
        %dma_wait3A_793 = tpu.memref_squeeze %dma_wait3A_792 : memref<1x80xi32, #tpu.memory_space<vmem>> -> memref<80xi32, #tpu.memory_space<vmem>>
        %dma_wait3A_794 = arith.constant 0 : i32
        %dma_wait3A_795 = arith.constant 0 : i32
        %dma_wait3A_796 = tpu.memref_slice %arg14[%dma_wait3A_794, %dma_wait3A_795] : memref<10240x128xf32, #tpu.memory_space<vmem_shared>> -> memref<10240x128xf32, #tpu.memory_space<vmem_shared>>
        tpu.wait_indirect_dma semaphore(%run_scoped3A_784 : memref<!tpu.dma_semaphore, #tpu.memory_space<semaphore_mem>>) src(%arg13 : memref<80x128xf32, #tpu.memory_space<vmem>>) dst(%dma_wait3A_796 : memref<10240x128xf32, #tpu.memory_space<vmem_shared>>)
        tpu.yield
      }) : () -> ()
      %dma_start3A_209 = arith.constant 14 : i32
      %dma_start3A_210 = arith.constant 0 : i32
      %dma_start3A_211 = tpu.memref_slice %arg7[%dma_start3A_209, %dma_start3A_210] : memref<25x80xi32, #tpu.memory_space<vmem>> -> memref<1x80xi32, #tpu.memory_space<vmem>>
      %dma_start3A_212 = tpu.memref_squeeze %dma_start3A_211 : memref<1x80xi32, #tpu.memory_space<vmem>> -> memref<80xi32, #tpu.memory_space<vmem>>
      %dma_start3A_213 = arith.constant 0 : i32
      %dma_start3A_214 = arith.constant 0 : i32
      %dma_start3A_215 = tpu.memref_slice %arg2[%dma_start3A_213, %dma_start3A_214] : memref<20000x128xf32, #tpu.memory_space<hbm>> -> memref<20000x128xf32, #tpu.memory_space<hbm>>
      tpu.enqueue_indirect_dma source(%dma_start3A_215 : memref<20000x128xf32, #tpu.memory_space<hbm>>) target(%arg13 : memref<80x128xf32, #tpu.memory_space<vmem>>) offsets(%dma_start3A_212 : memref<80xi32, #tpu.memory_space<vmem>>) semaphore(%arg17 : memref<!tpu.dma_semaphore, #tpu.memory_space<semaphore_mem>>)
      %dma_wait3A_216 = arith.constant 12 : i32
      %dma_wait3A_217 = arith.constant 0 : i32
      %dma_wait3A_218 = tpu.memref_slice %arg7[%dma_wait3A_216, %dma_wait3A_217] : memref<25x80xi32, #tpu.memory_space<vmem>> -> memref<1x80xi32, #tpu.memory_space<vmem>>
      %dma_wait3A_219 = tpu.memref_squeeze %dma_wait3A_218 : memref<1x80xi32, #tpu.memory_space<vmem>> -> memref<80xi32, #tpu.memory_space<vmem>>
      %dma_wait3A_220 = arith.constant 0 : i32
      %dma_wait3A_221 = arith.constant 0 : i32
      %dma_wait3A_222 = tpu.memref_slice %arg2[%dma_wait3A_220, %dma_wait3A_221] : memref<20000x128xf32, #tpu.memory_space<hbm>> -> memref<20000x128xf32, #tpu.memory_space<hbm>>
      tpu.wait_indirect_dma semaphore(%arg15 : memref<!tpu.dma_semaphore, #tpu.memory_space<semaphore_mem>>) src(%dma_wait3A_222 : memref<20000x128xf32, #tpu.memory_space<hbm>>) dst(%arg11 : memref<80x128xf32, #tpu.memory_space<vmem>>)
      %run_scoped3A_223 = arith.constant 12 : i32
      "tpu.region"() ({
        %run_scoped3A_784 = tpu.sem_alloc : memref<!tpu.dma_semaphore, #tpu.memory_space<semaphore_mem>>
        %dma_start3A_785 = arith.constant 0 : i32
        %dma_start3A_786 = tpu.memref_slice %arg8[%run_scoped3A_223, %dma_start3A_785] : memref<25x80xi32, #tpu.memory_space<vmem>> -> memref<1x80xi32, #tpu.memory_space<vmem>>
        %dma_start3A_787 = tpu.memref_squeeze %dma_start3A_786 : memref<1x80xi32, #tpu.memory_space<vmem>> -> memref<80xi32, #tpu.memory_space<vmem>>
        %dma_start3A_788 = arith.constant 0 : i32
        %dma_start3A_789 = arith.constant 0 : i32
        %dma_start3A_790 = tpu.memref_slice %arg14[%dma_start3A_788, %dma_start3A_789] : memref<10240x128xf32, #tpu.memory_space<vmem_shared>> -> memref<10240x128xf32, #tpu.memory_space<vmem_shared>>
        tpu.enqueue_indirect_dma source(%arg11 : memref<80x128xf32, #tpu.memory_space<vmem>>) target(%dma_start3A_790 : memref<10240x128xf32, #tpu.memory_space<vmem_shared>>) offsets(%dma_start3A_787 : memref<80xi32, #tpu.memory_space<vmem>>) semaphore(%run_scoped3A_784 : memref<!tpu.dma_semaphore, #tpu.memory_space<semaphore_mem>>) {add = true}
        %dma_wait3A_791 = arith.constant 0 : i32
        %dma_wait3A_792 = tpu.memref_slice %arg8[%run_scoped3A_223, %dma_wait3A_791] : memref<25x80xi32, #tpu.memory_space<vmem>> -> memref<1x80xi32, #tpu.memory_space<vmem>>
        %dma_wait3A_793 = tpu.memref_squeeze %dma_wait3A_792 : memref<1x80xi32, #tpu.memory_space<vmem>> -> memref<80xi32, #tpu.memory_space<vmem>>
        %dma_wait3A_794 = arith.constant 0 : i32
        %dma_wait3A_795 = arith.constant 0 : i32
        %dma_wait3A_796 = tpu.memref_slice %arg14[%dma_wait3A_794, %dma_wait3A_795] : memref<10240x128xf32, #tpu.memory_space<vmem_shared>> -> memref<10240x128xf32, #tpu.memory_space<vmem_shared>>
        tpu.wait_indirect_dma semaphore(%run_scoped3A_784 : memref<!tpu.dma_semaphore, #tpu.memory_space<semaphore_mem>>) src(%arg11 : memref<80x128xf32, #tpu.memory_space<vmem>>) dst(%dma_wait3A_796 : memref<10240x128xf32, #tpu.memory_space<vmem_shared>>)
        tpu.yield
      }) : () -> ()
      %dma_start3A_224 = arith.constant 15 : i32
      %dma_start3A_225 = arith.constant 0 : i32
      %dma_start3A_226 = tpu.memref_slice %arg7[%dma_start3A_224, %dma_start3A_225] : memref<25x80xi32, #tpu.memory_space<vmem>> -> memref<1x80xi32, #tpu.memory_space<vmem>>
      %dma_start3A_227 = tpu.memref_squeeze %dma_start3A_226 : memref<1x80xi32, #tpu.memory_space<vmem>> -> memref<80xi32, #tpu.memory_space<vmem>>
      %dma_start3A_228 = arith.constant 0 : i32
      %dma_start3A_229 = arith.constant 0 : i32
      %dma_start3A_230 = tpu.memref_slice %arg2[%dma_start3A_228, %dma_start3A_229] : memref<20000x128xf32, #tpu.memory_space<hbm>> -> memref<20000x128xf32, #tpu.memory_space<hbm>>
      tpu.enqueue_indirect_dma source(%dma_start3A_230 : memref<20000x128xf32, #tpu.memory_space<hbm>>) target(%arg11 : memref<80x128xf32, #tpu.memory_space<vmem>>) offsets(%dma_start3A_227 : memref<80xi32, #tpu.memory_space<vmem>>) semaphore(%arg15 : memref<!tpu.dma_semaphore, #tpu.memory_space<semaphore_mem>>)
      %dma_wait3A_231 = arith.constant 13 : i32
      %dma_wait3A_232 = arith.constant 0 : i32
      %dma_wait3A_233 = tpu.memref_slice %arg7[%dma_wait3A_231, %dma_wait3A_232] : memref<25x80xi32, #tpu.memory_space<vmem>> -> memref<1x80xi32, #tpu.memory_space<vmem>>
      %dma_wait3A_234 = tpu.memref_squeeze %dma_wait3A_233 : memref<1x80xi32, #tpu.memory_space<vmem>> -> memref<80xi32, #tpu.memory_space<vmem>>
      %dma_wait3A_235 = arith.constant 0 : i32
      %dma_wait3A_236 = arith.constant 0 : i32
      %dma_wait3A_237 = tpu.memref_slice %arg2[%dma_wait3A_235, %dma_wait3A_236] : memref<20000x128xf32, #tpu.memory_space<hbm>> -> memref<20000x128xf32, #tpu.memory_space<hbm>>
      tpu.wait_indirect_dma semaphore(%arg16 : memref<!tpu.dma_semaphore, #tpu.memory_space<semaphore_mem>>) src(%dma_wait3A_237 : memref<20000x128xf32, #tpu.memory_space<hbm>>) dst(%arg12 : memref<80x128xf32, #tpu.memory_space<vmem>>)
      %run_scoped3A_238 = arith.constant 13 : i32
      "tpu.region"() ({
        %run_scoped3A_784 = tpu.sem_alloc : memref<!tpu.dma_semaphore, #tpu.memory_space<semaphore_mem>>
        %dma_start3A_785 = arith.constant 0 : i32
        %dma_start3A_786 = tpu.memref_slice %arg8[%run_scoped3A_238, %dma_start3A_785] : memref<25x80xi32, #tpu.memory_space<vmem>> -> memref<1x80xi32, #tpu.memory_space<vmem>>
        %dma_start3A_787 = tpu.memref_squeeze %dma_start3A_786 : memref<1x80xi32, #tpu.memory_space<vmem>> -> memref<80xi32, #tpu.memory_space<vmem>>
        %dma_start3A_788 = arith.constant 0 : i32
        %dma_start3A_789 = arith.constant 0 : i32
        %dma_start3A_790 = tpu.memref_slice %arg14[%dma_start3A_788, %dma_start3A_789] : memref<10240x128xf32, #tpu.memory_space<vmem_shared>> -> memref<10240x128xf32, #tpu.memory_space<vmem_shared>>
        tpu.enqueue_indirect_dma source(%arg12 : memref<80x128xf32, #tpu.memory_space<vmem>>) target(%dma_start3A_790 : memref<10240x128xf32, #tpu.memory_space<vmem_shared>>) offsets(%dma_start3A_787 : memref<80xi32, #tpu.memory_space<vmem>>) semaphore(%run_scoped3A_784 : memref<!tpu.dma_semaphore, #tpu.memory_space<semaphore_mem>>) {add = true}
        %dma_wait3A_791 = arith.constant 0 : i32
        %dma_wait3A_792 = tpu.memref_slice %arg8[%run_scoped3A_238, %dma_wait3A_791] : memref<25x80xi32, #tpu.memory_space<vmem>> -> memref<1x80xi32, #tpu.memory_space<vmem>>
        %dma_wait3A_793 = tpu.memref_squeeze %dma_wait3A_792 : memref<1x80xi32, #tpu.memory_space<vmem>> -> memref<80xi32, #tpu.memory_space<vmem>>
        %dma_wait3A_794 = arith.constant 0 : i32
        %dma_wait3A_795 = arith.constant 0 : i32
        %dma_wait3A_796 = tpu.memref_slice %arg14[%dma_wait3A_794, %dma_wait3A_795] : memref<10240x128xf32, #tpu.memory_space<vmem_shared>> -> memref<10240x128xf32, #tpu.memory_space<vmem_shared>>
        tpu.wait_indirect_dma semaphore(%run_scoped3A_784 : memref<!tpu.dma_semaphore, #tpu.memory_space<semaphore_mem>>) src(%arg12 : memref<80x128xf32, #tpu.memory_space<vmem>>) dst(%dma_wait3A_796 : memref<10240x128xf32, #tpu.memory_space<vmem_shared>>)
        tpu.yield
      }) : () -> ()
      %dma_start3A_239 = arith.constant 16 : i32
      %dma_start3A_240 = arith.constant 0 : i32
      %dma_start3A_241 = tpu.memref_slice %arg7[%dma_start3A_239, %dma_start3A_240] : memref<25x80xi32, #tpu.memory_space<vmem>> -> memref<1x80xi32, #tpu.memory_space<vmem>>
      %dma_start3A_242 = tpu.memref_squeeze %dma_start3A_241 : memref<1x80xi32, #tpu.memory_space<vmem>> -> memref<80xi32, #tpu.memory_space<vmem>>
      %dma_start3A_243 = arith.constant 0 : i32
      %dma_start3A_244 = arith.constant 0 : i32
      %dma_start3A_245 = tpu.memref_slice %arg2[%dma_start3A_243, %dma_start3A_244] : memref<20000x128xf32, #tpu.memory_space<hbm>> -> memref<20000x128xf32, #tpu.memory_space<hbm>>
      tpu.enqueue_indirect_dma source(%dma_start3A_245 : memref<20000x128xf32, #tpu.memory_space<hbm>>) target(%arg12 : memref<80x128xf32, #tpu.memory_space<vmem>>) offsets(%dma_start3A_242 : memref<80xi32, #tpu.memory_space<vmem>>) semaphore(%arg16 : memref<!tpu.dma_semaphore, #tpu.memory_space<semaphore_mem>>)
      %dma_wait3A_246 = arith.constant 14 : i32
      %dma_wait3A_247 = arith.constant 0 : i32
      %dma_wait3A_248 = tpu.memref_slice %arg7[%dma_wait3A_246, %dma_wait3A_247] : memref<25x80xi32, #tpu.memory_space<vmem>> -> memref<1x80xi32, #tpu.memory_space<vmem>>
      %dma_wait3A_249 = tpu.memref_squeeze %dma_wait3A_248 : memref<1x80xi32, #tpu.memory_space<vmem>> -> memref<80xi32, #tpu.memory_space<vmem>>
      %dma_wait3A_250 = arith.constant 0 : i32
      %dma_wait3A_251 = arith.constant 0 : i32
      %dma_wait3A_252 = tpu.memref_slice %arg2[%dma_wait3A_250, %dma_wait3A_251] : memref<20000x128xf32, #tpu.memory_space<hbm>> -> memref<20000x128xf32, #tpu.memory_space<hbm>>
      tpu.wait_indirect_dma semaphore(%arg17 : memref<!tpu.dma_semaphore, #tpu.memory_space<semaphore_mem>>) src(%dma_wait3A_252 : memref<20000x128xf32, #tpu.memory_space<hbm>>) dst(%arg13 : memref<80x128xf32, #tpu.memory_space<vmem>>)
      %run_scoped3A_253 = arith.constant 14 : i32
      "tpu.region"() ({
        %run_scoped3A_784 = tpu.sem_alloc : memref<!tpu.dma_semaphore, #tpu.memory_space<semaphore_mem>>
        %dma_start3A_785 = arith.constant 0 : i32
        %dma_start3A_786 = tpu.memref_slice %arg8[%run_scoped3A_253, %dma_start3A_785] : memref<25x80xi32, #tpu.memory_space<vmem>> -> memref<1x80xi32, #tpu.memory_space<vmem>>
        %dma_start3A_787 = tpu.memref_squeeze %dma_start3A_786 : memref<1x80xi32, #tpu.memory_space<vmem>> -> memref<80xi32, #tpu.memory_space<vmem>>
        %dma_start3A_788 = arith.constant 0 : i32
        %dma_start3A_789 = arith.constant 0 : i32
        %dma_start3A_790 = tpu.memref_slice %arg14[%dma_start3A_788, %dma_start3A_789] : memref<10240x128xf32, #tpu.memory_space<vmem_shared>> -> memref<10240x128xf32, #tpu.memory_space<vmem_shared>>
        tpu.enqueue_indirect_dma source(%arg13 : memref<80x128xf32, #tpu.memory_space<vmem>>) target(%dma_start3A_790 : memref<10240x128xf32, #tpu.memory_space<vmem_shared>>) offsets(%dma_start3A_787 : memref<80xi32, #tpu.memory_space<vmem>>) semaphore(%run_scoped3A_784 : memref<!tpu.dma_semaphore, #tpu.memory_space<semaphore_mem>>) {add = true}
        %dma_wait3A_791 = arith.constant 0 : i32
        %dma_wait3A_792 = tpu.memref_slice %arg8[%run_scoped3A_253, %dma_wait3A_791] : memref<25x80xi32, #tpu.memory_space<vmem>> -> memref<1x80xi32, #tpu.memory_space<vmem>>
        %dma_wait3A_793 = tpu.memref_squeeze %dma_wait3A_792 : memref<1x80xi32, #tpu.memory_space<vmem>> -> memref<80xi32, #tpu.memory_space<vmem>>
        %dma_wait3A_794 = arith.constant 0 : i32
        %dma_wait3A_795 = arith.constant 0 : i32
        %dma_wait3A_796 = tpu.memref_slice %arg14[%dma_wait3A_794, %dma_wait3A_795] : memref<10240x128xf32, #tpu.memory_space<vmem_shared>> -> memref<10240x128xf32, #tpu.memory_space<vmem_shared>>
        tpu.wait_indirect_dma semaphore(%run_scoped3A_784 : memref<!tpu.dma_semaphore, #tpu.memory_space<semaphore_mem>>) src(%arg13 : memref<80x128xf32, #tpu.memory_space<vmem>>) dst(%dma_wait3A_796 : memref<10240x128xf32, #tpu.memory_space<vmem_shared>>)
        tpu.yield
      }) : () -> ()
      %dma_start3A_254 = arith.constant 17 : i32
      %dma_start3A_255 = arith.constant 0 : i32
      %dma_start3A_256 = tpu.memref_slice %arg7[%dma_start3A_254, %dma_start3A_255] : memref<25x80xi32, #tpu.memory_space<vmem>> -> memref<1x80xi32, #tpu.memory_space<vmem>>
      %dma_start3A_257 = tpu.memref_squeeze %dma_start3A_256 : memref<1x80xi32, #tpu.memory_space<vmem>> -> memref<80xi32, #tpu.memory_space<vmem>>
      %dma_start3A_258 = arith.constant 0 : i32
      %dma_start3A_259 = arith.constant 0 : i32
      %dma_start3A_260 = tpu.memref_slice %arg2[%dma_start3A_258, %dma_start3A_259] : memref<20000x128xf32, #tpu.memory_space<hbm>> -> memref<20000x128xf32, #tpu.memory_space<hbm>>
      tpu.enqueue_indirect_dma source(%dma_start3A_260 : memref<20000x128xf32, #tpu.memory_space<hbm>>) target(%arg13 : memref<80x128xf32, #tpu.memory_space<vmem>>) offsets(%dma_start3A_257 : memref<80xi32, #tpu.memory_space<vmem>>) semaphore(%arg17 : memref<!tpu.dma_semaphore, #tpu.memory_space<semaphore_mem>>)
      %dma_wait3A_261 = arith.constant 15 : i32
      %dma_wait3A_262 = arith.constant 0 : i32
      %dma_wait3A_263 = tpu.memref_slice %arg7[%dma_wait3A_261, %dma_wait3A_262] : memref<25x80xi32, #tpu.memory_space<vmem>> -> memref<1x80xi32, #tpu.memory_space<vmem>>
      %dma_wait3A_264 = tpu.memref_squeeze %dma_wait3A_263 : memref<1x80xi32, #tpu.memory_space<vmem>> -> memref<80xi32, #tpu.memory_space<vmem>>
      %dma_wait3A_265 = arith.constant 0 : i32
      %dma_wait3A_266 = arith.constant 0 : i32
      %dma_wait3A_267 = tpu.memref_slice %arg2[%dma_wait3A_265, %dma_wait3A_266] : memref<20000x128xf32, #tpu.memory_space<hbm>> -> memref<20000x128xf32, #tpu.memory_space<hbm>>
      tpu.wait_indirect_dma semaphore(%arg15 : memref<!tpu.dma_semaphore, #tpu.memory_space<semaphore_mem>>) src(%dma_wait3A_267 : memref<20000x128xf32, #tpu.memory_space<hbm>>) dst(%arg11 : memref<80x128xf32, #tpu.memory_space<vmem>>)
      %run_scoped3A_268 = arith.constant 15 : i32
      "tpu.region"() ({
        %run_scoped3A_784 = tpu.sem_alloc : memref<!tpu.dma_semaphore, #tpu.memory_space<semaphore_mem>>
        %dma_start3A_785 = arith.constant 0 : i32
        %dma_start3A_786 = tpu.memref_slice %arg8[%run_scoped3A_268, %dma_start3A_785] : memref<25x80xi32, #tpu.memory_space<vmem>> -> memref<1x80xi32, #tpu.memory_space<vmem>>
        %dma_start3A_787 = tpu.memref_squeeze %dma_start3A_786 : memref<1x80xi32, #tpu.memory_space<vmem>> -> memref<80xi32, #tpu.memory_space<vmem>>
        %dma_start3A_788 = arith.constant 0 : i32
        %dma_start3A_789 = arith.constant 0 : i32
        %dma_start3A_790 = tpu.memref_slice %arg14[%dma_start3A_788, %dma_start3A_789] : memref<10240x128xf32, #tpu.memory_space<vmem_shared>> -> memref<10240x128xf32, #tpu.memory_space<vmem_shared>>
        tpu.enqueue_indirect_dma source(%arg11 : memref<80x128xf32, #tpu.memory_space<vmem>>) target(%dma_start3A_790 : memref<10240x128xf32, #tpu.memory_space<vmem_shared>>) offsets(%dma_start3A_787 : memref<80xi32, #tpu.memory_space<vmem>>) semaphore(%run_scoped3A_784 : memref<!tpu.dma_semaphore, #tpu.memory_space<semaphore_mem>>) {add = true}
        %dma_wait3A_791 = arith.constant 0 : i32
        %dma_wait3A_792 = tpu.memref_slice %arg8[%run_scoped3A_268, %dma_wait3A_791] : memref<25x80xi32, #tpu.memory_space<vmem>> -> memref<1x80xi32, #tpu.memory_space<vmem>>
        %dma_wait3A_793 = tpu.memref_squeeze %dma_wait3A_792 : memref<1x80xi32, #tpu.memory_space<vmem>> -> memref<80xi32, #tpu.memory_space<vmem>>
        %dma_wait3A_794 = arith.constant 0 : i32
        %dma_wait3A_795 = arith.constant 0 : i32
        %dma_wait3A_796 = tpu.memref_slice %arg14[%dma_wait3A_794, %dma_wait3A_795] : memref<10240x128xf32, #tpu.memory_space<vmem_shared>> -> memref<10240x128xf32, #tpu.memory_space<vmem_shared>>
        tpu.wait_indirect_dma semaphore(%run_scoped3A_784 : memref<!tpu.dma_semaphore, #tpu.memory_space<semaphore_mem>>) src(%arg11 : memref<80x128xf32, #tpu.memory_space<vmem>>) dst(%dma_wait3A_796 : memref<10240x128xf32, #tpu.memory_space<vmem_shared>>)
        tpu.yield
      }) : () -> ()
      %dma_start3A_269 = arith.constant 18 : i32
      %dma_start3A_270 = arith.constant 0 : i32
      %dma_start3A_271 = tpu.memref_slice %arg7[%dma_start3A_269, %dma_start3A_270] : memref<25x80xi32, #tpu.memory_space<vmem>> -> memref<1x80xi32, #tpu.memory_space<vmem>>
      %dma_start3A_272 = tpu.memref_squeeze %dma_start3A_271 : memref<1x80xi32, #tpu.memory_space<vmem>> -> memref<80xi32, #tpu.memory_space<vmem>>
      %dma_start3A_273 = arith.constant 0 : i32
      %dma_start3A_274 = arith.constant 0 : i32
      %dma_start3A_275 = tpu.memref_slice %arg2[%dma_start3A_273, %dma_start3A_274] : memref<20000x128xf32, #tpu.memory_space<hbm>> -> memref<20000x128xf32, #tpu.memory_space<hbm>>
      tpu.enqueue_indirect_dma source(%dma_start3A_275 : memref<20000x128xf32, #tpu.memory_space<hbm>>) target(%arg11 : memref<80x128xf32, #tpu.memory_space<vmem>>) offsets(%dma_start3A_272 : memref<80xi32, #tpu.memory_space<vmem>>) semaphore(%arg15 : memref<!tpu.dma_semaphore, #tpu.memory_space<semaphore_mem>>)
      %dma_wait3A_276 = arith.constant 16 : i32
      %dma_wait3A_277 = arith.constant 0 : i32
      %dma_wait3A_278 = tpu.memref_slice %arg7[%dma_wait3A_276, %dma_wait3A_277] : memref<25x80xi32, #tpu.memory_space<vmem>> -> memref<1x80xi32, #tpu.memory_space<vmem>>
      %dma_wait3A_279 = tpu.memref_squeeze %dma_wait3A_278 : memref<1x80xi32, #tpu.memory_space<vmem>> -> memref<80xi32, #tpu.memory_space<vmem>>
      %dma_wait3A_280 = arith.constant 0 : i32
      %dma_wait3A_281 = arith.constant 0 : i32
      %dma_wait3A_282 = tpu.memref_slice %arg2[%dma_wait3A_280, %dma_wait3A_281] : memref<20000x128xf32, #tpu.memory_space<hbm>> -> memref<20000x128xf32, #tpu.memory_space<hbm>>
      tpu.wait_indirect_dma semaphore(%arg16 : memref<!tpu.dma_semaphore, #tpu.memory_space<semaphore_mem>>) src(%dma_wait3A_282 : memref<20000x128xf32, #tpu.memory_space<hbm>>) dst(%arg12 : memref<80x128xf32, #tpu.memory_space<vmem>>)
      %run_scoped3A_283 = arith.constant 16 : i32
      "tpu.region"() ({
        %run_scoped3A_784 = tpu.sem_alloc : memref<!tpu.dma_semaphore, #tpu.memory_space<semaphore_mem>>
        %dma_start3A_785 = arith.constant 0 : i32
        %dma_start3A_786 = tpu.memref_slice %arg8[%run_scoped3A_283, %dma_start3A_785] : memref<25x80xi32, #tpu.memory_space<vmem>> -> memref<1x80xi32, #tpu.memory_space<vmem>>
        %dma_start3A_787 = tpu.memref_squeeze %dma_start3A_786 : memref<1x80xi32, #tpu.memory_space<vmem>> -> memref<80xi32, #tpu.memory_space<vmem>>
        %dma_start3A_788 = arith.constant 0 : i32
        %dma_start3A_789 = arith.constant 0 : i32
        %dma_start3A_790 = tpu.memref_slice %arg14[%dma_start3A_788, %dma_start3A_789] : memref<10240x128xf32, #tpu.memory_space<vmem_shared>> -> memref<10240x128xf32, #tpu.memory_space<vmem_shared>>
        tpu.enqueue_indirect_dma source(%arg12 : memref<80x128xf32, #tpu.memory_space<vmem>>) target(%dma_start3A_790 : memref<10240x128xf32, #tpu.memory_space<vmem_shared>>) offsets(%dma_start3A_787 : memref<80xi32, #tpu.memory_space<vmem>>) semaphore(%run_scoped3A_784 : memref<!tpu.dma_semaphore, #tpu.memory_space<semaphore_mem>>) {add = true}
        %dma_wait3A_791 = arith.constant 0 : i32
        %dma_wait3A_792 = tpu.memref_slice %arg8[%run_scoped3A_283, %dma_wait3A_791] : memref<25x80xi32, #tpu.memory_space<vmem>> -> memref<1x80xi32, #tpu.memory_space<vmem>>
        %dma_wait3A_793 = tpu.memref_squeeze %dma_wait3A_792 : memref<1x80xi32, #tpu.memory_space<vmem>> -> memref<80xi32, #tpu.memory_space<vmem>>
        %dma_wait3A_794 = arith.constant 0 : i32
        %dma_wait3A_795 = arith.constant 0 : i32
        %dma_wait3A_796 = tpu.memref_slice %arg14[%dma_wait3A_794, %dma_wait3A_795] : memref<10240x128xf32, #tpu.memory_space<vmem_shared>> -> memref<10240x128xf32, #tpu.memory_space<vmem_shared>>
        tpu.wait_indirect_dma semaphore(%run_scoped3A_784 : memref<!tpu.dma_semaphore, #tpu.memory_space<semaphore_mem>>) src(%arg12 : memref<80x128xf32, #tpu.memory_space<vmem>>) dst(%dma_wait3A_796 : memref<10240x128xf32, #tpu.memory_space<vmem_shared>>)
        tpu.yield
      }) : () -> ()
      %dma_start3A_284 = arith.constant 19 : i32
      %dma_start3A_285 = arith.constant 0 : i32
      %dma_start3A_286 = tpu.memref_slice %arg7[%dma_start3A_284, %dma_start3A_285] : memref<25x80xi32, #tpu.memory_space<vmem>> -> memref<1x80xi32, #tpu.memory_space<vmem>>
      %dma_start3A_287 = tpu.memref_squeeze %dma_start3A_286 : memref<1x80xi32, #tpu.memory_space<vmem>> -> memref<80xi32, #tpu.memory_space<vmem>>
      %dma_start3A_288 = arith.constant 0 : i32
      %dma_start3A_289 = arith.constant 0 : i32
      %dma_start3A_290 = tpu.memref_slice %arg2[%dma_start3A_288, %dma_start3A_289] : memref<20000x128xf32, #tpu.memory_space<hbm>> -> memref<20000x128xf32, #tpu.memory_space<hbm>>
      tpu.enqueue_indirect_dma source(%dma_start3A_290 : memref<20000x128xf32, #tpu.memory_space<hbm>>) target(%arg12 : memref<80x128xf32, #tpu.memory_space<vmem>>) offsets(%dma_start3A_287 : memref<80xi32, #tpu.memory_space<vmem>>) semaphore(%arg16 : memref<!tpu.dma_semaphore, #tpu.memory_space<semaphore_mem>>)
      %dma_wait3A_291 = arith.constant 17 : i32
      %dma_wait3A_292 = arith.constant 0 : i32
      %dma_wait3A_293 = tpu.memref_slice %arg7[%dma_wait3A_291, %dma_wait3A_292] : memref<25x80xi32, #tpu.memory_space<vmem>> -> memref<1x80xi32, #tpu.memory_space<vmem>>
      %dma_wait3A_294 = tpu.memref_squeeze %dma_wait3A_293 : memref<1x80xi32, #tpu.memory_space<vmem>> -> memref<80xi32, #tpu.memory_space<vmem>>
      %dma_wait3A_295 = arith.constant 0 : i32
      %dma_wait3A_296 = arith.constant 0 : i32
      %dma_wait3A_297 = tpu.memref_slice %arg2[%dma_wait3A_295, %dma_wait3A_296] : memref<20000x128xf32, #tpu.memory_space<hbm>> -> memref<20000x128xf32, #tpu.memory_space<hbm>>
      tpu.wait_indirect_dma semaphore(%arg17 : memref<!tpu.dma_semaphore, #tpu.memory_space<semaphore_mem>>) src(%dma_wait3A_297 : memref<20000x128xf32, #tpu.memory_space<hbm>>) dst(%arg13 : memref<80x128xf32, #tpu.memory_space<vmem>>)
      %run_scoped3A_298 = arith.constant 17 : i32
      "tpu.region"() ({
        %run_scoped3A_784 = tpu.sem_alloc : memref<!tpu.dma_semaphore, #tpu.memory_space<semaphore_mem>>
        %dma_start3A_785 = arith.constant 0 : i32
        %dma_start3A_786 = tpu.memref_slice %arg8[%run_scoped3A_298, %dma_start3A_785] : memref<25x80xi32, #tpu.memory_space<vmem>> -> memref<1x80xi32, #tpu.memory_space<vmem>>
        %dma_start3A_787 = tpu.memref_squeeze %dma_start3A_786 : memref<1x80xi32, #tpu.memory_space<vmem>> -> memref<80xi32, #tpu.memory_space<vmem>>
        %dma_start3A_788 = arith.constant 0 : i32
        %dma_start3A_789 = arith.constant 0 : i32
        %dma_start3A_790 = tpu.memref_slice %arg14[%dma_start3A_788, %dma_start3A_789] : memref<10240x128xf32, #tpu.memory_space<vmem_shared>> -> memref<10240x128xf32, #tpu.memory_space<vmem_shared>>
        tpu.enqueue_indirect_dma source(%arg13 : memref<80x128xf32, #tpu.memory_space<vmem>>) target(%dma_start3A_790 : memref<10240x128xf32, #tpu.memory_space<vmem_shared>>) offsets(%dma_start3A_787 : memref<80xi32, #tpu.memory_space<vmem>>) semaphore(%run_scoped3A_784 : memref<!tpu.dma_semaphore, #tpu.memory_space<semaphore_mem>>) {add = true}
        %dma_wait3A_791 = arith.constant 0 : i32
        %dma_wait3A_792 = tpu.memref_slice %arg8[%run_scoped3A_298, %dma_wait3A_791] : memref<25x80xi32, #tpu.memory_space<vmem>> -> memref<1x80xi32, #tpu.memory_space<vmem>>
        %dma_wait3A_793 = tpu.memref_squeeze %dma_wait3A_792 : memref<1x80xi32, #tpu.memory_space<vmem>> -> memref<80xi32, #tpu.memory_space<vmem>>
        %dma_wait3A_794 = arith.constant 0 : i32
        %dma_wait3A_795 = arith.constant 0 : i32
        %dma_wait3A_796 = tpu.memref_slice %arg14[%dma_wait3A_794, %dma_wait3A_795] : memref<10240x128xf32, #tpu.memory_space<vmem_shared>> -> memref<10240x128xf32, #tpu.memory_space<vmem_shared>>
        tpu.wait_indirect_dma semaphore(%run_scoped3A_784 : memref<!tpu.dma_semaphore, #tpu.memory_space<semaphore_mem>>) src(%arg13 : memref<80x128xf32, #tpu.memory_space<vmem>>) dst(%dma_wait3A_796 : memref<10240x128xf32, #tpu.memory_space<vmem_shared>>)
        tpu.yield
      }) : () -> ()
      %dma_start3A_299 = arith.constant 20 : i32
      %dma_start3A_300 = arith.constant 0 : i32
      %dma_start3A_301 = tpu.memref_slice %arg7[%dma_start3A_299, %dma_start3A_300] : memref<25x80xi32, #tpu.memory_space<vmem>> -> memref<1x80xi32, #tpu.memory_space<vmem>>
      %dma_start3A_302 = tpu.memref_squeeze %dma_start3A_301 : memref<1x80xi32, #tpu.memory_space<vmem>> -> memref<80xi32, #tpu.memory_space<vmem>>
      %dma_start3A_303 = arith.constant 0 : i32
      %dma_start3A_304 = arith.constant 0 : i32
      %dma_start3A_305 = tpu.memref_slice %arg2[%dma_start3A_303, %dma_start3A_304] : memref<20000x128xf32, #tpu.memory_space<hbm>> -> memref<20000x128xf32, #tpu.memory_space<hbm>>
      tpu.enqueue_indirect_dma source(%dma_start3A_305 : memref<20000x128xf32, #tpu.memory_space<hbm>>) target(%arg13 : memref<80x128xf32, #tpu.memory_space<vmem>>) offsets(%dma_start3A_302 : memref<80xi32, #tpu.memory_space<vmem>>) semaphore(%arg17 : memref<!tpu.dma_semaphore, #tpu.memory_space<semaphore_mem>>)
      %dma_wait3A_306 = arith.constant 18 : i32
      %dma_wait3A_307 = arith.constant 0 : i32
      %dma_wait3A_308 = tpu.memref_slice %arg7[%dma_wait3A_306, %dma_wait3A_307] : memref<25x80xi32, #tpu.memory_space<vmem>> -> memref<1x80xi32, #tpu.memory_space<vmem>>
      %dma_wait3A_309 = tpu.memref_squeeze %dma_wait3A_308 : memref<1x80xi32, #tpu.memory_space<vmem>> -> memref<80xi32, #tpu.memory_space<vmem>>
      %dma_wait3A_310 = arith.constant 0 : i32
      %dma_wait3A_311 = arith.constant 0 : i32
      %dma_wait3A_312 = tpu.memref_slice %arg2[%dma_wait3A_310, %dma_wait3A_311] : memref<20000x128xf32, #tpu.memory_space<hbm>> -> memref<20000x128xf32, #tpu.memory_space<hbm>>
      tpu.wait_indirect_dma semaphore(%arg15 : memref<!tpu.dma_semaphore, #tpu.memory_space<semaphore_mem>>) src(%dma_wait3A_312 : memref<20000x128xf32, #tpu.memory_space<hbm>>) dst(%arg11 : memref<80x128xf32, #tpu.memory_space<vmem>>)
      %run_scoped3A_313 = arith.constant 18 : i32
      "tpu.region"() ({
        %run_scoped3A_784 = tpu.sem_alloc : memref<!tpu.dma_semaphore, #tpu.memory_space<semaphore_mem>>
        %dma_start3A_785 = arith.constant 0 : i32
        %dma_start3A_786 = tpu.memref_slice %arg8[%run_scoped3A_313, %dma_start3A_785] : memref<25x80xi32, #tpu.memory_space<vmem>> -> memref<1x80xi32, #tpu.memory_space<vmem>>
        %dma_start3A_787 = tpu.memref_squeeze %dma_start3A_786 : memref<1x80xi32, #tpu.memory_space<vmem>> -> memref<80xi32, #tpu.memory_space<vmem>>
        %dma_start3A_788 = arith.constant 0 : i32
        %dma_start3A_789 = arith.constant 0 : i32
        %dma_start3A_790 = tpu.memref_slice %arg14[%dma_start3A_788, %dma_start3A_789] : memref<10240x128xf32, #tpu.memory_space<vmem_shared>> -> memref<10240x128xf32, #tpu.memory_space<vmem_shared>>
        tpu.enqueue_indirect_dma source(%arg11 : memref<80x128xf32, #tpu.memory_space<vmem>>) target(%dma_start3A_790 : memref<10240x128xf32, #tpu.memory_space<vmem_shared>>) offsets(%dma_start3A_787 : memref<80xi32, #tpu.memory_space<vmem>>) semaphore(%run_scoped3A_784 : memref<!tpu.dma_semaphore, #tpu.memory_space<semaphore_mem>>) {add = true}
        %dma_wait3A_791 = arith.constant 0 : i32
        %dma_wait3A_792 = tpu.memref_slice %arg8[%run_scoped3A_313, %dma_wait3A_791] : memref<25x80xi32, #tpu.memory_space<vmem>> -> memref<1x80xi32, #tpu.memory_space<vmem>>
        %dma_wait3A_793 = tpu.memref_squeeze %dma_wait3A_792 : memref<1x80xi32, #tpu.memory_space<vmem>> -> memref<80xi32, #tpu.memory_space<vmem>>
        %dma_wait3A_794 = arith.constant 0 : i32
        %dma_wait3A_795 = arith.constant 0 : i32
        %dma_wait3A_796 = tpu.memref_slice %arg14[%dma_wait3A_794, %dma_wait3A_795] : memref<10240x128xf32, #tpu.memory_space<vmem_shared>> -> memref<10240x128xf32, #tpu.memory_space<vmem_shared>>
        tpu.wait_indirect_dma semaphore(%run_scoped3A_784 : memref<!tpu.dma_semaphore, #tpu.memory_space<semaphore_mem>>) src(%arg11 : memref<80x128xf32, #tpu.memory_space<vmem>>) dst(%dma_wait3A_796 : memref<10240x128xf32, #tpu.memory_space<vmem_shared>>)
        tpu.yield
      }) : () -> ()
      %dma_start3A_314 = arith.constant 21 : i32
      %dma_start3A_315 = arith.constant 0 : i32
      %dma_start3A_316 = tpu.memref_slice %arg7[%dma_start3A_314, %dma_start3A_315] : memref<25x80xi32, #tpu.memory_space<vmem>> -> memref<1x80xi32, #tpu.memory_space<vmem>>
      %dma_start3A_317 = tpu.memref_squeeze %dma_start3A_316 : memref<1x80xi32, #tpu.memory_space<vmem>> -> memref<80xi32, #tpu.memory_space<vmem>>
      %dma_start3A_318 = arith.constant 0 : i32
      %dma_start3A_319 = arith.constant 0 : i32
      %dma_start3A_320 = tpu.memref_slice %arg2[%dma_start3A_318, %dma_start3A_319] : memref<20000x128xf32, #tpu.memory_space<hbm>> -> memref<20000x128xf32, #tpu.memory_space<hbm>>
      tpu.enqueue_indirect_dma source(%dma_start3A_320 : memref<20000x128xf32, #tpu.memory_space<hbm>>) target(%arg11 : memref<80x128xf32, #tpu.memory_space<vmem>>) offsets(%dma_start3A_317 : memref<80xi32, #tpu.memory_space<vmem>>) semaphore(%arg15 : memref<!tpu.dma_semaphore, #tpu.memory_space<semaphore_mem>>)
      %dma_wait3A_321 = arith.constant 19 : i32
      %dma_wait3A_322 = arith.constant 0 : i32
      %dma_wait3A_323 = tpu.memref_slice %arg7[%dma_wait3A_321, %dma_wait3A_322] : memref<25x80xi32, #tpu.memory_space<vmem>> -> memref<1x80xi32, #tpu.memory_space<vmem>>
      %dma_wait3A_324 = tpu.memref_squeeze %dma_wait3A_323 : memref<1x80xi32, #tpu.memory_space<vmem>> -> memref<80xi32, #tpu.memory_space<vmem>>
      %dma_wait3A_325 = arith.constant 0 : i32
      %dma_wait3A_326 = arith.constant 0 : i32
      %dma_wait3A_327 = tpu.memref_slice %arg2[%dma_wait3A_325, %dma_wait3A_326] : memref<20000x128xf32, #tpu.memory_space<hbm>> -> memref<20000x128xf32, #tpu.memory_space<hbm>>
      tpu.wait_indirect_dma semaphore(%arg16 : memref<!tpu.dma_semaphore, #tpu.memory_space<semaphore_mem>>) src(%dma_wait3A_327 : memref<20000x128xf32, #tpu.memory_space<hbm>>) dst(%arg12 : memref<80x128xf32, #tpu.memory_space<vmem>>)
      %run_scoped3A_328 = arith.constant 19 : i32
      "tpu.region"() ({
        %run_scoped3A_784 = tpu.sem_alloc : memref<!tpu.dma_semaphore, #tpu.memory_space<semaphore_mem>>
        %dma_start3A_785 = arith.constant 0 : i32
        %dma_start3A_786 = tpu.memref_slice %arg8[%run_scoped3A_328, %dma_start3A_785] : memref<25x80xi32, #tpu.memory_space<vmem>> -> memref<1x80xi32, #tpu.memory_space<vmem>>
        %dma_start3A_787 = tpu.memref_squeeze %dma_start3A_786 : memref<1x80xi32, #tpu.memory_space<vmem>> -> memref<80xi32, #tpu.memory_space<vmem>>
        %dma_start3A_788 = arith.constant 0 : i32
        %dma_start3A_789 = arith.constant 0 : i32
        %dma_start3A_790 = tpu.memref_slice %arg14[%dma_start3A_788, %dma_start3A_789] : memref<10240x128xf32, #tpu.memory_space<vmem_shared>> -> memref<10240x128xf32, #tpu.memory_space<vmem_shared>>
        tpu.enqueue_indirect_dma source(%arg12 : memref<80x128xf32, #tpu.memory_space<vmem>>) target(%dma_start3A_790 : memref<10240x128xf32, #tpu.memory_space<vmem_shared>>) offsets(%dma_start3A_787 : memref<80xi32, #tpu.memory_space<vmem>>) semaphore(%run_scoped3A_784 : memref<!tpu.dma_semaphore, #tpu.memory_space<semaphore_mem>>) {add = true}
        %dma_wait3A_791 = arith.constant 0 : i32
        %dma_wait3A_792 = tpu.memref_slice %arg8[%run_scoped3A_328, %dma_wait3A_791] : memref<25x80xi32, #tpu.memory_space<vmem>> -> memref<1x80xi32, #tpu.memory_space<vmem>>
        %dma_wait3A_793 = tpu.memref_squeeze %dma_wait3A_792 : memref<1x80xi32, #tpu.memory_space<vmem>> -> memref<80xi32, #tpu.memory_space<vmem>>
        %dma_wait3A_794 = arith.constant 0 : i32
        %dma_wait3A_795 = arith.constant 0 : i32
        %dma_wait3A_796 = tpu.memref_slice %arg14[%dma_wait3A_794, %dma_wait3A_795] : memref<10240x128xf32, #tpu.memory_space<vmem_shared>> -> memref<10240x128xf32, #tpu.memory_space<vmem_shared>>
        tpu.wait_indirect_dma semaphore(%run_scoped3A_784 : memref<!tpu.dma_semaphore, #tpu.memory_space<semaphore_mem>>) src(%arg12 : memref<80x128xf32, #tpu.memory_space<vmem>>) dst(%dma_wait3A_796 : memref<10240x128xf32, #tpu.memory_space<vmem_shared>>)
        tpu.yield
      }) : () -> ()
      %dma_start3A_329 = arith.constant 22 : i32
      %dma_start3A_330 = arith.constant 0 : i32
      %dma_start3A_331 = tpu.memref_slice %arg7[%dma_start3A_329, %dma_start3A_330] : memref<25x80xi32, #tpu.memory_space<vmem>> -> memref<1x80xi32, #tpu.memory_space<vmem>>
      %dma_start3A_332 = tpu.memref_squeeze %dma_start3A_331 : memref<1x80xi32, #tpu.memory_space<vmem>> -> memref<80xi32, #tpu.memory_space<vmem>>
      %dma_start3A_333 = arith.constant 0 : i32
      %dma_start3A_334 = arith.constant 0 : i32
      %dma_start3A_335 = tpu.memref_slice %arg2[%dma_start3A_333, %dma_start3A_334] : memref<20000x128xf32, #tpu.memory_space<hbm>> -> memref<20000x128xf32, #tpu.memory_space<hbm>>
      tpu.enqueue_indirect_dma source(%dma_start3A_335 : memref<20000x128xf32, #tpu.memory_space<hbm>>) target(%arg12 : memref<80x128xf32, #tpu.memory_space<vmem>>) offsets(%dma_start3A_332 : memref<80xi32, #tpu.memory_space<vmem>>) semaphore(%arg16 : memref<!tpu.dma_semaphore, #tpu.memory_space<semaphore_mem>>)
      %dma_wait3A_336 = arith.constant 20 : i32
      %dma_wait3A_337 = arith.constant 0 : i32
      %dma_wait3A_338 = tpu.memref_slice %arg7[%dma_wait3A_336, %dma_wait3A_337] : memref<25x80xi32, #tpu.memory_space<vmem>> -> memref<1x80xi32, #tpu.memory_space<vmem>>
      %dma_wait3A_339 = tpu.memref_squeeze %dma_wait3A_338 : memref<1x80xi32, #tpu.memory_space<vmem>> -> memref<80xi32, #tpu.memory_space<vmem>>
      %dma_wait3A_340 = arith.constant 0 : i32
      %dma_wait3A_341 = arith.constant 0 : i32
      %dma_wait3A_342 = tpu.memref_slice %arg2[%dma_wait3A_340, %dma_wait3A_341] : memref<20000x128xf32, #tpu.memory_space<hbm>> -> memref<20000x128xf32, #tpu.memory_space<hbm>>
      tpu.wait_indirect_dma semaphore(%arg17 : memref<!tpu.dma_semaphore, #tpu.memory_space<semaphore_mem>>) src(%dma_wait3A_342 : memref<20000x128xf32, #tpu.memory_space<hbm>>) dst(%arg13 : memref<80x128xf32, #tpu.memory_space<vmem>>)
      %run_scoped3A_343 = arith.constant 20 : i32
      "tpu.region"() ({
        %run_scoped3A_784 = tpu.sem_alloc : memref<!tpu.dma_semaphore, #tpu.memory_space<semaphore_mem>>
        %dma_start3A_785 = arith.constant 0 : i32
        %dma_start3A_786 = tpu.memref_slice %arg8[%run_scoped3A_343, %dma_start3A_785] : memref<25x80xi32, #tpu.memory_space<vmem>> -> memref<1x80xi32, #tpu.memory_space<vmem>>
        %dma_start3A_787 = tpu.memref_squeeze %dma_start3A_786 : memref<1x80xi32, #tpu.memory_space<vmem>> -> memref<80xi32, #tpu.memory_space<vmem>>
        %dma_start3A_788 = arith.constant 0 : i32
        %dma_start3A_789 = arith.constant 0 : i32
        %dma_start3A_790 = tpu.memref_slice %arg14[%dma_start3A_788, %dma_start3A_789] : memref<10240x128xf32, #tpu.memory_space<vmem_shared>> -> memref<10240x128xf32, #tpu.memory_space<vmem_shared>>
        tpu.enqueue_indirect_dma source(%arg13 : memref<80x128xf32, #tpu.memory_space<vmem>>) target(%dma_start3A_790 : memref<10240x128xf32, #tpu.memory_space<vmem_shared>>) offsets(%dma_start3A_787 : memref<80xi32, #tpu.memory_space<vmem>>) semaphore(%run_scoped3A_784 : memref<!tpu.dma_semaphore, #tpu.memory_space<semaphore_mem>>) {add = true}
        %dma_wait3A_791 = arith.constant 0 : i32
        %dma_wait3A_792 = tpu.memref_slice %arg8[%run_scoped3A_343, %dma_wait3A_791] : memref<25x80xi32, #tpu.memory_space<vmem>> -> memref<1x80xi32, #tpu.memory_space<vmem>>
        %dma_wait3A_793 = tpu.memref_squeeze %dma_wait3A_792 : memref<1x80xi32, #tpu.memory_space<vmem>> -> memref<80xi32, #tpu.memory_space<vmem>>
        %dma_wait3A_794 = arith.constant 0 : i32
        %dma_wait3A_795 = arith.constant 0 : i32
        %dma_wait3A_796 = tpu.memref_slice %arg14[%dma_wait3A_794, %dma_wait3A_795] : memref<10240x128xf32, #tpu.memory_space<vmem_shared>> -> memref<10240x128xf32, #tpu.memory_space<vmem_shared>>
        tpu.wait_indirect_dma semaphore(%run_scoped3A_784 : memref<!tpu.dma_semaphore, #tpu.memory_space<semaphore_mem>>) src(%arg13 : memref<80x128xf32, #tpu.memory_space<vmem>>) dst(%dma_wait3A_796 : memref<10240x128xf32, #tpu.memory_space<vmem_shared>>)
        tpu.yield
      }) : () -> ()
      %dma_start3A_344 = arith.constant 23 : i32
      %dma_start3A_345 = arith.constant 0 : i32
      %dma_start3A_346 = tpu.memref_slice %arg7[%dma_start3A_344, %dma_start3A_345] : memref<25x80xi32, #tpu.memory_space<vmem>> -> memref<1x80xi32, #tpu.memory_space<vmem>>
      %dma_start3A_347 = tpu.memref_squeeze %dma_start3A_346 : memref<1x80xi32, #tpu.memory_space<vmem>> -> memref<80xi32, #tpu.memory_space<vmem>>
      %dma_start3A_348 = arith.constant 0 : i32
      %dma_start3A_349 = arith.constant 0 : i32
      %dma_start3A_350 = tpu.memref_slice %arg2[%dma_start3A_348, %dma_start3A_349] : memref<20000x128xf32, #tpu.memory_space<hbm>> -> memref<20000x128xf32, #tpu.memory_space<hbm>>
      tpu.enqueue_indirect_dma source(%dma_start3A_350 : memref<20000x128xf32, #tpu.memory_space<hbm>>) target(%arg13 : memref<80x128xf32, #tpu.memory_space<vmem>>) offsets(%dma_start3A_347 : memref<80xi32, #tpu.memory_space<vmem>>) semaphore(%arg17 : memref<!tpu.dma_semaphore, #tpu.memory_space<semaphore_mem>>)
      %dma_wait3A_351 = arith.constant 21 : i32
      %dma_wait3A_352 = arith.constant 0 : i32
      %dma_wait3A_353 = tpu.memref_slice %arg7[%dma_wait3A_351, %dma_wait3A_352] : memref<25x80xi32, #tpu.memory_space<vmem>> -> memref<1x80xi32, #tpu.memory_space<vmem>>
      %dma_wait3A_354 = tpu.memref_squeeze %dma_wait3A_353 : memref<1x80xi32, #tpu.memory_space<vmem>> -> memref<80xi32, #tpu.memory_space<vmem>>
      %dma_wait3A_355 = arith.constant 0 : i32
      %dma_wait3A_356 = arith.constant 0 : i32
      %dma_wait3A_357 = tpu.memref_slice %arg2[%dma_wait3A_355, %dma_wait3A_356] : memref<20000x128xf32, #tpu.memory_space<hbm>> -> memref<20000x128xf32, #tpu.memory_space<hbm>>
      tpu.wait_indirect_dma semaphore(%arg15 : memref<!tpu.dma_semaphore, #tpu.memory_space<semaphore_mem>>) src(%dma_wait3A_357 : memref<20000x128xf32, #tpu.memory_space<hbm>>) dst(%arg11 : memref<80x128xf32, #tpu.memory_space<vmem>>)
      %run_scoped3A_358 = arith.constant 21 : i32
      "tpu.region"() ({
        %run_scoped3A_784 = tpu.sem_alloc : memref<!tpu.dma_semaphore, #tpu.memory_space<semaphore_mem>>
        %dma_start3A_785 = arith.constant 0 : i32
        %dma_start3A_786 = tpu.memref_slice %arg8[%run_scoped3A_358, %dma_start3A_785] : memref<25x80xi32, #tpu.memory_space<vmem>> -> memref<1x80xi32, #tpu.memory_space<vmem>>
        %dma_start3A_787 = tpu.memref_squeeze %dma_start3A_786 : memref<1x80xi32, #tpu.memory_space<vmem>> -> memref<80xi32, #tpu.memory_space<vmem>>
        %dma_start3A_788 = arith.constant 0 : i32
        %dma_start3A_789 = arith.constant 0 : i32
        %dma_start3A_790 = tpu.memref_slice %arg14[%dma_start3A_788, %dma_start3A_789] : memref<10240x128xf32, #tpu.memory_space<vmem_shared>> -> memref<10240x128xf32, #tpu.memory_space<vmem_shared>>
        tpu.enqueue_indirect_dma source(%arg11 : memref<80x128xf32, #tpu.memory_space<vmem>>) target(%dma_start3A_790 : memref<10240x128xf32, #tpu.memory_space<vmem_shared>>) offsets(%dma_start3A_787 : memref<80xi32, #tpu.memory_space<vmem>>) semaphore(%run_scoped3A_784 : memref<!tpu.dma_semaphore, #tpu.memory_space<semaphore_mem>>) {add = true}
        %dma_wait3A_791 = arith.constant 0 : i32
        %dma_wait3A_792 = tpu.memref_slice %arg8[%run_scoped3A_358, %dma_wait3A_791] : memref<25x80xi32, #tpu.memory_space<vmem>> -> memref<1x80xi32, #tpu.memory_space<vmem>>
        %dma_wait3A_793 = tpu.memref_squeeze %dma_wait3A_792 : memref<1x80xi32, #tpu.memory_space<vmem>> -> memref<80xi32, #tpu.memory_space<vmem>>
        %dma_wait3A_794 = arith.constant 0 : i32
        %dma_wait3A_795 = arith.constant 0 : i32
        %dma_wait3A_796 = tpu.memref_slice %arg14[%dma_wait3A_794, %dma_wait3A_795] : memref<10240x128xf32, #tpu.memory_space<vmem_shared>> -> memref<10240x128xf32, #tpu.memory_space<vmem_shared>>
        tpu.wait_indirect_dma semaphore(%run_scoped3A_784 : memref<!tpu.dma_semaphore, #tpu.memory_space<semaphore_mem>>) src(%arg11 : memref<80x128xf32, #tpu.memory_space<vmem>>) dst(%dma_wait3A_796 : memref<10240x128xf32, #tpu.memory_space<vmem_shared>>)
        tpu.yield
      }) : () -> ()
      %dma_start3A_359 = arith.constant 24 : i32
      %dma_start3A_360 = arith.constant 0 : i32
      %dma_start3A_361 = tpu.memref_slice %arg7[%dma_start3A_359, %dma_start3A_360] : memref<25x80xi32, #tpu.memory_space<vmem>> -> memref<1x80xi32, #tpu.memory_space<vmem>>
      %dma_start3A_362 = tpu.memref_squeeze %dma_start3A_361 : memref<1x80xi32, #tpu.memory_space<vmem>> -> memref<80xi32, #tpu.memory_space<vmem>>
      %dma_start3A_363 = arith.constant 0 : i32
      %dma_start3A_364 = arith.constant 0 : i32
      %dma_start3A_365 = tpu.memref_slice %arg2[%dma_start3A_363, %dma_start3A_364] : memref<20000x128xf32, #tpu.memory_space<hbm>> -> memref<20000x128xf32, #tpu.memory_space<hbm>>
      tpu.enqueue_indirect_dma source(%dma_start3A_365 : memref<20000x128xf32, #tpu.memory_space<hbm>>) target(%arg11 : memref<80x128xf32, #tpu.memory_space<vmem>>) offsets(%dma_start3A_362 : memref<80xi32, #tpu.memory_space<vmem>>) semaphore(%arg15 : memref<!tpu.dma_semaphore, #tpu.memory_space<semaphore_mem>>)
      %dma_wait3A_366 = arith.constant 22 : i32
      %dma_wait3A_367 = arith.constant 0 : i32
      %dma_wait3A_368 = tpu.memref_slice %arg7[%dma_wait3A_366, %dma_wait3A_367] : memref<25x80xi32, #tpu.memory_space<vmem>> -> memref<1x80xi32, #tpu.memory_space<vmem>>
      %dma_wait3A_369 = tpu.memref_squeeze %dma_wait3A_368 : memref<1x80xi32, #tpu.memory_space<vmem>> -> memref<80xi32, #tpu.memory_space<vmem>>
      %dma_wait3A_370 = arith.constant 0 : i32
      %dma_wait3A_371 = arith.constant 0 : i32
      %dma_wait3A_372 = tpu.memref_slice %arg2[%dma_wait3A_370, %dma_wait3A_371] : memref<20000x128xf32, #tpu.memory_space<hbm>> -> memref<20000x128xf32, #tpu.memory_space<hbm>>
      tpu.wait_indirect_dma semaphore(%arg16 : memref<!tpu.dma_semaphore, #tpu.memory_space<semaphore_mem>>) src(%dma_wait3A_372 : memref<20000x128xf32, #tpu.memory_space<hbm>>) dst(%arg12 : memref<80x128xf32, #tpu.memory_space<vmem>>)
      %run_scoped3A_373 = arith.constant 22 : i32
      "tpu.region"() ({
        %run_scoped3A_784 = tpu.sem_alloc : memref<!tpu.dma_semaphore, #tpu.memory_space<semaphore_mem>>
        %dma_start3A_785 = arith.constant 0 : i32
        %dma_start3A_786 = tpu.memref_slice %arg8[%run_scoped3A_373, %dma_start3A_785] : memref<25x80xi32, #tpu.memory_space<vmem>> -> memref<1x80xi32, #tpu.memory_space<vmem>>
        %dma_start3A_787 = tpu.memref_squeeze %dma_start3A_786 : memref<1x80xi32, #tpu.memory_space<vmem>> -> memref<80xi32, #tpu.memory_space<vmem>>
        %dma_start3A_788 = arith.constant 0 : i32
        %dma_start3A_789 = arith.constant 0 : i32
        %dma_start3A_790 = tpu.memref_slice %arg14[%dma_start3A_788, %dma_start3A_789] : memref<10240x128xf32, #tpu.memory_space<vmem_shared>> -> memref<10240x128xf32, #tpu.memory_space<vmem_shared>>
        tpu.enqueue_indirect_dma source(%arg12 : memref<80x128xf32, #tpu.memory_space<vmem>>) target(%dma_start3A_790 : memref<10240x128xf32, #tpu.memory_space<vmem_shared>>) offsets(%dma_start3A_787 : memref<80xi32, #tpu.memory_space<vmem>>) semaphore(%run_scoped3A_784 : memref<!tpu.dma_semaphore, #tpu.memory_space<semaphore_mem>>) {add = true}
        %dma_wait3A_791 = arith.constant 0 : i32
        %dma_wait3A_792 = tpu.memref_slice %arg8[%run_scoped3A_373, %dma_wait3A_791] : memref<25x80xi32, #tpu.memory_space<vmem>> -> memref<1x80xi32, #tpu.memory_space<vmem>>
        %dma_wait3A_793 = tpu.memref_squeeze %dma_wait3A_792 : memref<1x80xi32, #tpu.memory_space<vmem>> -> memref<80xi32, #tpu.memory_space<vmem>>
        %dma_wait3A_794 = arith.constant 0 : i32
        %dma_wait3A_795 = arith.constant 0 : i32
        %dma_wait3A_796 = tpu.memref_slice %arg14[%dma_wait3A_794, %dma_wait3A_795] : memref<10240x128xf32, #tpu.memory_space<vmem_shared>> -> memref<10240x128xf32, #tpu.memory_space<vmem_shared>>
        tpu.wait_indirect_dma semaphore(%run_scoped3A_784 : memref<!tpu.dma_semaphore, #tpu.memory_space<semaphore_mem>>) src(%arg12 : memref<80x128xf32, #tpu.memory_space<vmem>>) dst(%dma_wait3A_796 : memref<10240x128xf32, #tpu.memory_space<vmem_shared>>)
        tpu.yield
      }) : () -> ()
      %dma_wait3A_374 = arith.constant 23 : i32
      %dma_wait3A_375 = arith.constant 0 : i32
      %dma_wait3A_376 = tpu.memref_slice %arg7[%dma_wait3A_374, %dma_wait3A_375] : memref<25x80xi32, #tpu.memory_space<vmem>> -> memref<1x80xi32, #tpu.memory_space<vmem>>
      %dma_wait3A_377 = tpu.memref_squeeze %dma_wait3A_376 : memref<1x80xi32, #tpu.memory_space<vmem>> -> memref<80xi32, #tpu.memory_space<vmem>>
      %dma_wait3A_378 = arith.constant 0 : i32
      %dma_wait3A_379 = arith.constant 0 : i32
      %dma_wait3A_380 = tpu.memref_slice %arg2[%dma_wait3A_378, %dma_wait3A_379] : memref<20000x128xf32, #tpu.memory_space<hbm>> -> memref<20000x128xf32, #tpu.memory_space<hbm>>
      tpu.wait_indirect_dma semaphore(%arg17 : memref<!tpu.dma_semaphore, #tpu.memory_space<semaphore_mem>>) src(%dma_wait3A_380 : memref<20000x128xf32, #tpu.memory_space<hbm>>) dst(%arg13 : memref<80x128xf32, #tpu.memory_space<vmem>>)
      %run_scoped3A_381 = arith.constant 23 : i32
      "tpu.region"() ({
        %run_scoped3A_784 = tpu.sem_alloc : memref<!tpu.dma_semaphore, #tpu.memory_space<semaphore_mem>>
        %dma_start3A_785 = arith.constant 0 : i32
        %dma_start3A_786 = tpu.memref_slice %arg8[%run_scoped3A_381, %dma_start3A_785] : memref<25x80xi32, #tpu.memory_space<vmem>> -> memref<1x80xi32, #tpu.memory_space<vmem>>
        %dma_start3A_787 = tpu.memref_squeeze %dma_start3A_786 : memref<1x80xi32, #tpu.memory_space<vmem>> -> memref<80xi32, #tpu.memory_space<vmem>>
        %dma_start3A_788 = arith.constant 0 : i32
        %dma_start3A_789 = arith.constant 0 : i32
        %dma_start3A_790 = tpu.memref_slice %arg14[%dma_start3A_788, %dma_start3A_789] : memref<10240x128xf32, #tpu.memory_space<vmem_shared>> -> memref<10240x128xf32, #tpu.memory_space<vmem_shared>>
        tpu.enqueue_indirect_dma source(%arg13 : memref<80x128xf32, #tpu.memory_space<vmem>>) target(%dma_start3A_790 : memref<10240x128xf32, #tpu.memory_space<vmem_shared>>) offsets(%dma_start3A_787 : memref<80xi32, #tpu.memory_space<vmem>>) semaphore(%run_scoped3A_784 : memref<!tpu.dma_semaphore, #tpu.memory_space<semaphore_mem>>) {add = true}
        %dma_wait3A_791 = arith.constant 0 : i32
        %dma_wait3A_792 = tpu.memref_slice %arg8[%run_scoped3A_381, %dma_wait3A_791] : memref<25x80xi32, #tpu.memory_space<vmem>> -> memref<1x80xi32, #tpu.memory_space<vmem>>
        %dma_wait3A_793 = tpu.memref_squeeze %dma_wait3A_792 : memref<1x80xi32, #tpu.memory_space<vmem>> -> memref<80xi32, #tpu.memory_space<vmem>>
        %dma_wait3A_794 = arith.constant 0 : i32
        %dma_wait3A_795 = arith.constant 0 : i32
        %dma_wait3A_796 = tpu.memref_slice %arg14[%dma_wait3A_794, %dma_wait3A_795] : memref<10240x128xf32, #tpu.memory_space<vmem_shared>> -> memref<10240x128xf32, #tpu.memory_space<vmem_shared>>
        tpu.wait_indirect_dma semaphore(%run_scoped3A_784 : memref<!tpu.dma_semaphore, #tpu.memory_space<semaphore_mem>>) src(%arg13 : memref<80x128xf32, #tpu.memory_space<vmem>>) dst(%dma_wait3A_796 : memref<10240x128xf32, #tpu.memory_space<vmem_shared>>)
        tpu.yield
      }) : () -> ()
      %dma_wait3A_382 = arith.constant 24 : i32
      %dma_wait3A_383 = arith.constant 0 : i32
      %dma_wait3A_384 = tpu.memref_slice %arg7[%dma_wait3A_382, %dma_wait3A_383] : memref<25x80xi32, #tpu.memory_space<vmem>> -> memref<1x80xi32, #tpu.memory_space<vmem>>
      %dma_wait3A_385 = tpu.memref_squeeze %dma_wait3A_384 : memref<1x80xi32, #tpu.memory_space<vmem>> -> memref<80xi32, #tpu.memory_space<vmem>>
      %dma_wait3A_386 = arith.constant 0 : i32
      %dma_wait3A_387 = arith.constant 0 : i32
      %dma_wait3A_388 = tpu.memref_slice %arg2[%dma_wait3A_386, %dma_wait3A_387] : memref<20000x128xf32, #tpu.memory_space<hbm>> -> memref<20000x128xf32, #tpu.memory_space<hbm>>
      tpu.wait_indirect_dma semaphore(%arg15 : memref<!tpu.dma_semaphore, #tpu.memory_space<semaphore_mem>>) src(%dma_wait3A_388 : memref<20000x128xf32, #tpu.memory_space<hbm>>) dst(%arg11 : memref<80x128xf32, #tpu.memory_space<vmem>>)
      %run_scoped3A_389 = arith.constant 24 : i32
      "tpu.region"() ({
        %run_scoped3A_784 = tpu.sem_alloc : memref<!tpu.dma_semaphore, #tpu.memory_space<semaphore_mem>>
        %dma_start3A_785 = arith.constant 0 : i32
        %dma_start3A_786 = tpu.memref_slice %arg8[%run_scoped3A_389, %dma_start3A_785] : memref<25x80xi32, #tpu.memory_space<vmem>> -> memref<1x80xi32, #tpu.memory_space<vmem>>
        %dma_start3A_787 = tpu.memref_squeeze %dma_start3A_786 : memref<1x80xi32, #tpu.memory_space<vmem>> -> memref<80xi32, #tpu.memory_space<vmem>>
        %dma_start3A_788 = arith.constant 0 : i32
        %dma_start3A_789 = arith.constant 0 : i32
        %dma_start3A_790 = tpu.memref_slice %arg14[%dma_start3A_788, %dma_start3A_789] : memref<10240x128xf32, #tpu.memory_space<vmem_shared>> -> memref<10240x128xf32, #tpu.memory_space<vmem_shared>>
        tpu.enqueue_indirect_dma source(%arg11 : memref<80x128xf32, #tpu.memory_space<vmem>>) target(%dma_start3A_790 : memref<10240x128xf32, #tpu.memory_space<vmem_shared>>) offsets(%dma_start3A_787 : memref<80xi32, #tpu.memory_space<vmem>>) semaphore(%run_scoped3A_784 : memref<!tpu.dma_semaphore, #tpu.memory_space<semaphore_mem>>) {add = true}
        %dma_wait3A_791 = arith.constant 0 : i32
        %dma_wait3A_792 = tpu.memref_slice %arg8[%run_scoped3A_389, %dma_wait3A_791] : memref<25x80xi32, #tpu.memory_space<vmem>> -> memref<1x80xi32, #tpu.memory_space<vmem>>
        %dma_wait3A_793 = tpu.memref_squeeze %dma_wait3A_792 : memref<1x80xi32, #tpu.memory_space<vmem>> -> memref<80xi32, #tpu.memory_space<vmem>>
        %dma_wait3A_794 = arith.constant 0 : i32
        %dma_wait3A_795 = arith.constant 0 : i32
        %dma_wait3A_796 = tpu.memref_slice %arg14[%dma_wait3A_794, %dma_wait3A_795] : memref<10240x128xf32, #tpu.memory_space<vmem_shared>> -> memref<10240x128xf32, #tpu.memory_space<vmem_shared>>
        tpu.wait_indirect_dma semaphore(%run_scoped3A_784 : memref<!tpu.dma_semaphore, #tpu.memory_space<semaphore_mem>>) src(%arg11 : memref<80x128xf32, #tpu.memory_space<vmem>>) dst(%dma_wait3A_796 : memref<10240x128xf32, #tpu.memory_space<vmem_shared>>)
        tpu.yield
      }) : () -> ()
      %lt3A_390 = arith.constant 10 : i32
      %lt3A_391 = arith.cmpi slt, %add3A_14, %lt3A_390 : i32
      %convert_element_type3A_392 = arith.extui %lt3A_391 : i1 to i32
      %cond3A_393 = arith.constant 0 : i32
      %cond3A_394 = arith.cmpi ne, %convert_element_type3A_392, %cond3A_393 : i32
      scf.if %cond3A_394 {
        %dma_wait3A_784 = arith.constant 0 : i32
        %dma_wait3A_785 = arith.constant 0 : i32
        %dma_wait3A_786 = tpu.memref_slice %arg3[%arg0, %arg1, %add3A_14, %dma_wait3A_784, %dma_wait3A_785] : memref<2x16x10x25x80xi32, #tpu.memory_space<hbm>> -> memref<1x1x1x25x80xi32, #tpu.memory_space<hbm>>
        %dma_wait3A_787 = tpu.memref_squeeze %dma_wait3A_786 : memref<1x1x1x25x80xi32, #tpu.memory_space<hbm>> -> memref<25x80xi32, #tpu.memory_space<hbm>>
        %dma_wait3A_788 = arith.constant 0 : i32
        %dma_wait3A_789 = arith.constant 0 : i32
        %dma_wait3A_790 = tpu.memref_slice %arg3[%arg0, %arg1, %add3A_14, %dma_wait3A_788, %dma_wait3A_789] : memref<2x16x10x25x80xi32, #tpu.memory_space<hbm>> -> memref<1x1x1x25x80xi32, #tpu.memory_space<hbm>>
        %dma_wait3A_791 = tpu.memref_squeeze %dma_wait3A_790 : memref<1x1x1x25x80xi32, #tpu.memory_space<hbm>> -> memref<25x80xi32, #tpu.memory_space<hbm>>
        tpu.wait_dma2 semaphore(%arg18 : memref<!tpu.dma_semaphore, #tpu.memory_space<semaphore_mem>>) src(%dma_wait3A_791 : memref<25x80xi32, #tpu.memory_space<hbm>>) dst(%arg9 : memref<25x80xi32, #tpu.memory_space<vmem>>)
        %dma_wait3A_792 = arith.constant 0 : i32
        %dma_wait3A_793 = arith.constant 0 : i32
        %dma_wait3A_794 = tpu.memref_slice %arg4[%arg0, %arg1, %add3A_14, %dma_wait3A_792, %dma_wait3A_793] : memref<2x16x10x25x80xi32, #tpu.memory_space<hbm>> -> memref<1x1x1x25x80xi32, #tpu.memory_space<hbm>>
        %dma_wait3A_795 = tpu.memref_squeeze %dma_wait3A_794 : memref<1x1x1x25x80xi32, #tpu.memory_space<hbm>> -> memref<25x80xi32, #tpu.memory_space<hbm>>
        %dma_wait3A_796 = arith.constant 0 : i32
        %dma_wait3A_797 = arith.constant 0 : i32
        %dma_wait3A_798 = tpu.memref_slice %arg4[%arg0, %arg1, %add3A_14, %dma_wait3A_796, %dma_wait3A_797] : memref<2x16x10x25x80xi32, #tpu.memory_space<hbm>> -> memref<1x1x1x25x80xi32, #tpu.memory_space<hbm>>
        %dma_wait3A_799 = tpu.memref_squeeze %dma_wait3A_798 : memref<1x1x1x25x80xi32, #tpu.memory_space<hbm>> -> memref<25x80xi32, #tpu.memory_space<hbm>>
        tpu.wait_dma2 semaphore(%arg18 : memref<!tpu.dma_semaphore, #tpu.memory_space<semaphore_mem>>) src(%dma_wait3A_799 : memref<25x80xi32, #tpu.memory_space<hbm>>) dst(%arg10 : memref<25x80xi32, #tpu.memory_space<vmem>>)
      } else {
      }
      %mul3A_395 = arith.constant 2 : i32
      %mul3A_396 = arith.muli %mul3A_395, %add3A_10 : i32
      %add3A_397 = arith.constant 2 : i32
      %add3A_398 = arith.addi %mul3A_396, %add3A_397 : i32
      %lt3A_399 = arith.constant 10 : i32
      %lt3A_400 = arith.cmpi slt, %add3A_398, %lt3A_399 : i32
      %convert_element_type3A_401 = arith.extui %lt3A_400 : i1 to i32
      %cond3A_402 = arith.constant 0 : i32
      %cond3A_403 = arith.cmpi ne, %convert_element_type3A_401, %cond3A_402 : i32
      scf.if %cond3A_403 {
        %dma_start3A_784 = arith.constant 0 : i32
        %dma_start3A_785 = arith.constant 0 : i32
        %dma_start3A_786 = tpu.memref_slice %arg3[%arg0, %arg1, %add3A_398, %dma_start3A_784, %dma_start3A_785] : memref<2x16x10x25x80xi32, #tpu.memory_space<hbm>> -> memref<1x1x1x25x80xi32, #tpu.memory_space<hbm>>
        %dma_start3A_787 = tpu.memref_squeeze %dma_start3A_786 : memref<1x1x1x25x80xi32, #tpu.memory_space<hbm>> -> memref<25x80xi32, #tpu.memory_space<hbm>>
        %dma_start3A_788 = arith.constant 0 : i32
        %dma_start3A_789 = arith.constant 0 : i32
        %dma_start3A_790 = tpu.memref_slice %arg3[%arg0, %arg1, %add3A_398, %dma_start3A_788, %dma_start3A_789] : memref<2x16x10x25x80xi32, #tpu.memory_space<hbm>> -> memref<1x1x1x25x80xi32, #tpu.memory_space<hbm>>
        %dma_start3A_791 = tpu.memref_squeeze %dma_start3A_790 : memref<1x1x1x25x80xi32, #tpu.memory_space<hbm>> -> memref<25x80xi32, #tpu.memory_space<hbm>>
        tpu.enqueue_dma source(%dma_start3A_791 : memref<25x80xi32, #tpu.memory_space<hbm>>) target(%arg7 : memref<25x80xi32, #tpu.memory_space<vmem>>) target_semaphore(%arg18 : memref<!tpu.dma_semaphore, #tpu.memory_space<semaphore_mem>>)
        %dma_start3A_792 = arith.constant 0 : i32
        %dma_start3A_793 = arith.constant 0 : i32
        %dma_start3A_794 = tpu.memref_slice %arg4[%arg0, %arg1, %add3A_398, %dma_start3A_792, %dma_start3A_793] : memref<2x16x10x25x80xi32, #tpu.memory_space<hbm>> -> memref<1x1x1x25x80xi32, #tpu.memory_space<hbm>>
        %dma_start3A_795 = tpu.memref_squeeze %dma_start3A_794 : memref<1x1x1x25x80xi32, #tpu.memory_space<hbm>> -> memref<25x80xi32, #tpu.memory_space<hbm>>
        %dma_start3A_796 = arith.constant 0 : i32
        %dma_start3A_797 = arith.constant 0 : i32
        %dma_start3A_798 = tpu.memref_slice %arg4[%arg0, %arg1, %add3A_398, %dma_start3A_796, %dma_start3A_797] : memref<2x16x10x25x80xi32, #tpu.memory_space<hbm>> -> memref<1x1x1x25x80xi32, #tpu.memory_space<hbm>>
        %dma_start3A_799 = tpu.memref_squeeze %dma_start3A_798 : memref<1x1x1x25x80xi32, #tpu.memory_space<hbm>> -> memref<25x80xi32, #tpu.memory_space<hbm>>
        tpu.enqueue_dma source(%dma_start3A_799 : memref<25x80xi32, #tpu.memory_space<hbm>>) target(%arg8 : memref<25x80xi32, #tpu.memory_space<vmem>>) target_semaphore(%arg18 : memref<!tpu.dma_semaphore, #tpu.memory_space<semaphore_mem>>)
      } else {
      }
      %dma_start3A_404 = arith.constant 0 : i32
      %dma_start3A_405 = arith.constant 0 : i32
      %dma_start3A_406 = tpu.memref_slice %arg9[%dma_start3A_404, %dma_start3A_405] : memref<25x80xi32, #tpu.memory_space<vmem>> -> memref<1x80xi32, #tpu.memory_space<vmem>>
      %dma_start3A_407 = tpu.memref_squeeze %dma_start3A_406 : memref<1x80xi32, #tpu.memory_space<vmem>> -> memref<80xi32, #tpu.memory_space<vmem>>
      %dma_start3A_408 = arith.constant 0 : i32
      %dma_start3A_409 = arith.constant 0 : i32
      %dma_start3A_410 = tpu.memref_slice %arg2[%dma_start3A_408, %dma_start3A_409] : memref<20000x128xf32, #tpu.memory_space<hbm>> -> memref<20000x128xf32, #tpu.memory_space<hbm>>
      tpu.enqueue_indirect_dma source(%dma_start3A_410 : memref<20000x128xf32, #tpu.memory_space<hbm>>) target(%arg11 : memref<80x128xf32, #tpu.memory_space<vmem>>) offsets(%dma_start3A_407 : memref<80xi32, #tpu.memory_space<vmem>>) semaphore(%arg15 : memref<!tpu.dma_semaphore, #tpu.memory_space<semaphore_mem>>)
      %dma_start3A_411 = arith.constant 1 : i32
      %dma_start3A_412 = arith.constant 0 : i32
      %dma_start3A_413 = tpu.memref_slice %arg9[%dma_start3A_411, %dma_start3A_412] : memref<25x80xi32, #tpu.memory_space<vmem>> -> memref<1x80xi32, #tpu.memory_space<vmem>>
      %dma_start3A_414 = tpu.memref_squeeze %dma_start3A_413 : memref<1x80xi32, #tpu.memory_space<vmem>> -> memref<80xi32, #tpu.memory_space<vmem>>
      %dma_start3A_415 = arith.constant 0 : i32
      %dma_start3A_416 = arith.constant 0 : i32
      %dma_start3A_417 = tpu.memref_slice %arg2[%dma_start3A_415, %dma_start3A_416] : memref<20000x128xf32, #tpu.memory_space<hbm>> -> memref<20000x128xf32, #tpu.memory_space<hbm>>
      tpu.enqueue_indirect_dma source(%dma_start3A_417 : memref<20000x128xf32, #tpu.memory_space<hbm>>) target(%arg12 : memref<80x128xf32, #tpu.memory_space<vmem>>) offsets(%dma_start3A_414 : memref<80xi32, #tpu.memory_space<vmem>>) semaphore(%arg16 : memref<!tpu.dma_semaphore, #tpu.memory_space<semaphore_mem>>)
      %dma_start3A_418 = arith.constant 2 : i32
      %dma_start3A_419 = arith.constant 0 : i32
      %dma_start3A_420 = tpu.memref_slice %arg9[%dma_start3A_418, %dma_start3A_419] : memref<25x80xi32, #tpu.memory_space<vmem>> -> memref<1x80xi32, #tpu.memory_space<vmem>>
      %dma_start3A_421 = tpu.memref_squeeze %dma_start3A_420 : memref<1x80xi32, #tpu.memory_space<vmem>> -> memref<80xi32, #tpu.memory_space<vmem>>
      %dma_start3A_422 = arith.constant 0 : i32
      %dma_start3A_423 = arith.constant 0 : i32
      %dma_start3A_424 = tpu.memref_slice %arg2[%dma_start3A_422, %dma_start3A_423] : memref<20000x128xf32, #tpu.memory_space<hbm>> -> memref<20000x128xf32, #tpu.memory_space<hbm>>
      tpu.enqueue_indirect_dma source(%dma_start3A_424 : memref<20000x128xf32, #tpu.memory_space<hbm>>) target(%arg13 : memref<80x128xf32, #tpu.memory_space<vmem>>) offsets(%dma_start3A_421 : memref<80xi32, #tpu.memory_space<vmem>>) semaphore(%arg17 : memref<!tpu.dma_semaphore, #tpu.memory_space<semaphore_mem>>)
      %dma_wait3A_425 = arith.constant 0 : i32
      %dma_wait3A_426 = arith.constant 0 : i32
      %dma_wait3A_427 = tpu.memref_slice %arg9[%dma_wait3A_425, %dma_wait3A_426] : memref<25x80xi32, #tpu.memory_space<vmem>> -> memref<1x80xi32, #tpu.memory_space<vmem>>
      %dma_wait3A_428 = tpu.memref_squeeze %dma_wait3A_427 : memref<1x80xi32, #tpu.memory_space<vmem>> -> memref<80xi32, #tpu.memory_space<vmem>>
      %dma_wait3A_429 = arith.constant 0 : i32
      %dma_wait3A_430 = arith.constant 0 : i32
      %dma_wait3A_431 = tpu.memref_slice %arg2[%dma_wait3A_429, %dma_wait3A_430] : memref<20000x128xf32, #tpu.memory_space<hbm>> -> memref<20000x128xf32, #tpu.memory_space<hbm>>
      tpu.wait_indirect_dma semaphore(%arg15 : memref<!tpu.dma_semaphore, #tpu.memory_space<semaphore_mem>>) src(%dma_wait3A_431 : memref<20000x128xf32, #tpu.memory_space<hbm>>) dst(%arg11 : memref<80x128xf32, #tpu.memory_space<vmem>>)
      %run_scoped3A_432 = arith.constant 0 : i32
      "tpu.region"() ({
        %run_scoped3A_784 = tpu.sem_alloc : memref<!tpu.dma_semaphore, #tpu.memory_space<semaphore_mem>>
        %dma_start3A_785 = arith.constant 0 : i32
        %dma_start3A_786 = tpu.memref_slice %arg10[%run_scoped3A_432, %dma_start3A_785] : memref<25x80xi32, #tpu.memory_space<vmem>> -> memref<1x80xi32, #tpu.memory_space<vmem>>
        %dma_start3A_787 = tpu.memref_squeeze %dma_start3A_786 : memref<1x80xi32, #tpu.memory_space<vmem>> -> memref<80xi32, #tpu.memory_space<vmem>>
        %dma_start3A_788 = arith.constant 0 : i32
        %dma_start3A_789 = arith.constant 0 : i32
        %dma_start3A_790 = tpu.memref_slice %arg14[%dma_start3A_788, %dma_start3A_789] : memref<10240x128xf32, #tpu.memory_space<vmem_shared>> -> memref<10240x128xf32, #tpu.memory_space<vmem_shared>>
        tpu.enqueue_indirect_dma source(%arg11 : memref<80x128xf32, #tpu.memory_space<vmem>>) target(%dma_start3A_790 : memref<10240x128xf32, #tpu.memory_space<vmem_shared>>) offsets(%dma_start3A_787 : memref<80xi32, #tpu.memory_space<vmem>>) semaphore(%run_scoped3A_784 : memref<!tpu.dma_semaphore, #tpu.memory_space<semaphore_mem>>) {add = true}
        %dma_wait3A_791 = arith.constant 0 : i32
        %dma_wait3A_792 = tpu.memref_slice %arg10[%run_scoped3A_432, %dma_wait3A_791] : memref<25x80xi32, #tpu.memory_space<vmem>> -> memref<1x80xi32, #tpu.memory_space<vmem>>
        %dma_wait3A_793 = tpu.memref_squeeze %dma_wait3A_792 : memref<1x80xi32, #tpu.memory_space<vmem>> -> memref<80xi32, #tpu.memory_space<vmem>>
        %dma_wait3A_794 = arith.constant 0 : i32
        %dma_wait3A_795 = arith.constant 0 : i32
        %dma_wait3A_796 = tpu.memref_slice %arg14[%dma_wait3A_794, %dma_wait3A_795] : memref<10240x128xf32, #tpu.memory_space<vmem_shared>> -> memref<10240x128xf32, #tpu.memory_space<vmem_shared>>
        tpu.wait_indirect_dma semaphore(%run_scoped3A_784 : memref<!tpu.dma_semaphore, #tpu.memory_space<semaphore_mem>>) src(%arg11 : memref<80x128xf32, #tpu.memory_space<vmem>>) dst(%dma_wait3A_796 : memref<10240x128xf32, #tpu.memory_space<vmem_shared>>)
        tpu.yield
      }) : () -> ()
      %dma_start3A_433 = arith.constant 3 : i32
      %dma_start3A_434 = arith.constant 0 : i32
      %dma_start3A_435 = tpu.memref_slice %arg9[%dma_start3A_433, %dma_start3A_434] : memref<25x80xi32, #tpu.memory_space<vmem>> -> memref<1x80xi32, #tpu.memory_space<vmem>>
      %dma_start3A_436 = tpu.memref_squeeze %dma_start3A_435 : memref<1x80xi32, #tpu.memory_space<vmem>> -> memref<80xi32, #tpu.memory_space<vmem>>
      %dma_start3A_437 = arith.constant 0 : i32
      %dma_start3A_438 = arith.constant 0 : i32
      %dma_start3A_439 = tpu.memref_slice %arg2[%dma_start3A_437, %dma_start3A_438] : memref<20000x128xf32, #tpu.memory_space<hbm>> -> memref<20000x128xf32, #tpu.memory_space<hbm>>
      tpu.enqueue_indirect_dma source(%dma_start3A_439 : memref<20000x128xf32, #tpu.memory_space<hbm>>) target(%arg11 : memref<80x128xf32, #tpu.memory_space<vmem>>) offsets(%dma_start3A_436 : memref<80xi32, #tpu.memory_space<vmem>>) semaphore(%arg15 : memref<!tpu.dma_semaphore, #tpu.memory_space<semaphore_mem>>)
      %dma_wait3A_440 = arith.constant 1 : i32
      %dma_wait3A_441 = arith.constant 0 : i32
      %dma_wait3A_442 = tpu.memref_slice %arg9[%dma_wait3A_440, %dma_wait3A_441] : memref<25x80xi32, #tpu.memory_space<vmem>> -> memref<1x80xi32, #tpu.memory_space<vmem>>
      %dma_wait3A_443 = tpu.memref_squeeze %dma_wait3A_442 : memref<1x80xi32, #tpu.memory_space<vmem>> -> memref<80xi32, #tpu.memory_space<vmem>>
      %dma_wait3A_444 = arith.constant 0 : i32
      %dma_wait3A_445 = arith.constant 0 : i32
      %dma_wait3A_446 = tpu.memref_slice %arg2[%dma_wait3A_444, %dma_wait3A_445] : memref<20000x128xf32, #tpu.memory_space<hbm>> -> memref<20000x128xf32, #tpu.memory_space<hbm>>
      tpu.wait_indirect_dma semaphore(%arg16 : memref<!tpu.dma_semaphore, #tpu.memory_space<semaphore_mem>>) src(%dma_wait3A_446 : memref<20000x128xf32, #tpu.memory_space<hbm>>) dst(%arg12 : memref<80x128xf32, #tpu.memory_space<vmem>>)
      %run_scoped3A_447 = arith.constant 1 : i32
      "tpu.region"() ({
        %run_scoped3A_784 = tpu.sem_alloc : memref<!tpu.dma_semaphore, #tpu.memory_space<semaphore_mem>>
        %dma_start3A_785 = arith.constant 0 : i32
        %dma_start3A_786 = tpu.memref_slice %arg10[%run_scoped3A_447, %dma_start3A_785] : memref<25x80xi32, #tpu.memory_space<vmem>> -> memref<1x80xi32, #tpu.memory_space<vmem>>
        %dma_start3A_787 = tpu.memref_squeeze %dma_start3A_786 : memref<1x80xi32, #tpu.memory_space<vmem>> -> memref<80xi32, #tpu.memory_space<vmem>>
        %dma_start3A_788 = arith.constant 0 : i32
        %dma_start3A_789 = arith.constant 0 : i32
        %dma_start3A_790 = tpu.memref_slice %arg14[%dma_start3A_788, %dma_start3A_789] : memref<10240x128xf32, #tpu.memory_space<vmem_shared>> -> memref<10240x128xf32, #tpu.memory_space<vmem_shared>>
        tpu.enqueue_indirect_dma source(%arg12 : memref<80x128xf32, #tpu.memory_space<vmem>>) target(%dma_start3A_790 : memref<10240x128xf32, #tpu.memory_space<vmem_shared>>) offsets(%dma_start3A_787 : memref<80xi32, #tpu.memory_space<vmem>>) semaphore(%run_scoped3A_784 : memref<!tpu.dma_semaphore, #tpu.memory_space<semaphore_mem>>) {add = true}
        %dma_wait3A_791 = arith.constant 0 : i32
        %dma_wait3A_792 = tpu.memref_slice %arg10[%run_scoped3A_447, %dma_wait3A_791] : memref<25x80xi32, #tpu.memory_space<vmem>> -> memref<1x80xi32, #tpu.memory_space<vmem>>
        %dma_wait3A_793 = tpu.memref_squeeze %dma_wait3A_792 : memref<1x80xi32, #tpu.memory_space<vmem>> -> memref<80xi32, #tpu.memory_space<vmem>>
        %dma_wait3A_794 = arith.constant 0 : i32
        %dma_wait3A_795 = arith.constant 0 : i32
        %dma_wait3A_796 = tpu.memref_slice %arg14[%dma_wait3A_794, %dma_wait3A_795] : memref<10240x128xf32, #tpu.memory_space<vmem_shared>> -> memref<10240x128xf32, #tpu.memory_space<vmem_shared>>
        tpu.wait_indirect_dma semaphore(%run_scoped3A_784 : memref<!tpu.dma_semaphore, #tpu.memory_space<semaphore_mem>>) src(%arg12 : memref<80x128xf32, #tpu.memory_space<vmem>>) dst(%dma_wait3A_796 : memref<10240x128xf32, #tpu.memory_space<vmem_shared>>)
        tpu.yield
      }) : () -> ()
      %dma_start3A_448 = arith.constant 4 : i32
      %dma_start3A_449 = arith.constant 0 : i32
      %dma_start3A_450 = tpu.memref_slice %arg9[%dma_start3A_448, %dma_start3A_449] : memref<25x80xi32, #tpu.memory_space<vmem>> -> memref<1x80xi32, #tpu.memory_space<vmem>>
      %dma_start3A_451 = tpu.memref_squeeze %dma_start3A_450 : memref<1x80xi32, #tpu.memory_space<vmem>> -> memref<80xi32, #tpu.memory_space<vmem>>
      %dma_start3A_452 = arith.constant 0 : i32
      %dma_start3A_453 = arith.constant 0 : i32
      %dma_start3A_454 = tpu.memref_slice %arg2[%dma_start3A_452, %dma_start3A_453] : memref<20000x128xf32, #tpu.memory_space<hbm>> -> memref<20000x128xf32, #tpu.memory_space<hbm>>
      tpu.enqueue_indirect_dma source(%dma_start3A_454 : memref<20000x128xf32, #tpu.memory_space<hbm>>) target(%arg12 : memref<80x128xf32, #tpu.memory_space<vmem>>) offsets(%dma_start3A_451 : memref<80xi32, #tpu.memory_space<vmem>>) semaphore(%arg16 : memref<!tpu.dma_semaphore, #tpu.memory_space<semaphore_mem>>)
      %dma_wait3A_455 = arith.constant 2 : i32
      %dma_wait3A_456 = arith.constant 0 : i32
      %dma_wait3A_457 = tpu.memref_slice %arg9[%dma_wait3A_455, %dma_wait3A_456] : memref<25x80xi32, #tpu.memory_space<vmem>> -> memref<1x80xi32, #tpu.memory_space<vmem>>
      %dma_wait3A_458 = tpu.memref_squeeze %dma_wait3A_457 : memref<1x80xi32, #tpu.memory_space<vmem>> -> memref<80xi32, #tpu.memory_space<vmem>>
      %dma_wait3A_459 = arith.constant 0 : i32
      %dma_wait3A_460 = arith.constant 0 : i32
      %dma_wait3A_461 = tpu.memref_slice %arg2[%dma_wait3A_459, %dma_wait3A_460] : memref<20000x128xf32, #tpu.memory_space<hbm>> -> memref<20000x128xf32, #tpu.memory_space<hbm>>
      tpu.wait_indirect_dma semaphore(%arg17 : memref<!tpu.dma_semaphore, #tpu.memory_space<semaphore_mem>>) src(%dma_wait3A_461 : memref<20000x128xf32, #tpu.memory_space<hbm>>) dst(%arg13 : memref<80x128xf32, #tpu.memory_space<vmem>>)
      %run_scoped3A_462 = arith.constant 2 : i32
      "tpu.region"() ({
        %run_scoped3A_784 = tpu.sem_alloc : memref<!tpu.dma_semaphore, #tpu.memory_space<semaphore_mem>>
        %dma_start3A_785 = arith.constant 0 : i32
        %dma_start3A_786 = tpu.memref_slice %arg10[%run_scoped3A_462, %dma_start3A_785] : memref<25x80xi32, #tpu.memory_space<vmem>> -> memref<1x80xi32, #tpu.memory_space<vmem>>
        %dma_start3A_787 = tpu.memref_squeeze %dma_start3A_786 : memref<1x80xi32, #tpu.memory_space<vmem>> -> memref<80xi32, #tpu.memory_space<vmem>>
        %dma_start3A_788 = arith.constant 0 : i32
        %dma_start3A_789 = arith.constant 0 : i32
        %dma_start3A_790 = tpu.memref_slice %arg14[%dma_start3A_788, %dma_start3A_789] : memref<10240x128xf32, #tpu.memory_space<vmem_shared>> -> memref<10240x128xf32, #tpu.memory_space<vmem_shared>>
        tpu.enqueue_indirect_dma source(%arg13 : memref<80x128xf32, #tpu.memory_space<vmem>>) target(%dma_start3A_790 : memref<10240x128xf32, #tpu.memory_space<vmem_shared>>) offsets(%dma_start3A_787 : memref<80xi32, #tpu.memory_space<vmem>>) semaphore(%run_scoped3A_784 : memref<!tpu.dma_semaphore, #tpu.memory_space<semaphore_mem>>) {add = true}
        %dma_wait3A_791 = arith.constant 0 : i32
        %dma_wait3A_792 = tpu.memref_slice %arg10[%run_scoped3A_462, %dma_wait3A_791] : memref<25x80xi32, #tpu.memory_space<vmem>> -> memref<1x80xi32, #tpu.memory_space<vmem>>
        %dma_wait3A_793 = tpu.memref_squeeze %dma_wait3A_792 : memref<1x80xi32, #tpu.memory_space<vmem>> -> memref<80xi32, #tpu.memory_space<vmem>>
        %dma_wait3A_794 = arith.constant 0 : i32
        %dma_wait3A_795 = arith.constant 0 : i32
        %dma_wait3A_796 = tpu.memref_slice %arg14[%dma_wait3A_794, %dma_wait3A_795] : memref<10240x128xf32, #tpu.memory_space<vmem_shared>> -> memref<10240x128xf32, #tpu.memory_space<vmem_shared>>
        tpu.wait_indirect_dma semaphore(%run_scoped3A_784 : memref<!tpu.dma_semaphore, #tpu.memory_space<semaphore_mem>>) src(%arg13 : memref<80x128xf32, #tpu.memory_space<vmem>>) dst(%dma_wait3A_796 : memref<10240x128xf32, #tpu.memory_space<vmem_shared>>)
        tpu.yield
      }) : () -> ()
      %dma_start3A_463 = arith.constant 5 : i32
      %dma_start3A_464 = arith.constant 0 : i32
      %dma_start3A_465 = tpu.memref_slice %arg9[%dma_start3A_463, %dma_start3A_464] : memref<25x80xi32, #tpu.memory_space<vmem>> -> memref<1x80xi32, #tpu.memory_space<vmem>>
      %dma_start3A_466 = tpu.memref_squeeze %dma_start3A_465 : memref<1x80xi32, #tpu.memory_space<vmem>> -> memref<80xi32, #tpu.memory_space<vmem>>
      %dma_start3A_467 = arith.constant 0 : i32
      %dma_start3A_468 = arith.constant 0 : i32
      %dma_start3A_469 = tpu.memref_slice %arg2[%dma_start3A_467, %dma_start3A_468] : memref<20000x128xf32, #tpu.memory_space<hbm>> -> memref<20000x128xf32, #tpu.memory_space<hbm>>
      tpu.enqueue_indirect_dma source(%dma_start3A_469 : memref<20000x128xf32, #tpu.memory_space<hbm>>) target(%arg13 : memref<80x128xf32, #tpu.memory_space<vmem>>) offsets(%dma_start3A_466 : memref<80xi32, #tpu.memory_space<vmem>>) semaphore(%arg17 : memref<!tpu.dma_semaphore, #tpu.memory_space<semaphore_mem>>)
      %dma_wait3A_470 = arith.constant 3 : i32
      %dma_wait3A_471 = arith.constant 0 : i32
      %dma_wait3A_472 = tpu.memref_slice %arg9[%dma_wait3A_470, %dma_wait3A_471] : memref<25x80xi32, #tpu.memory_space<vmem>> -> memref<1x80xi32, #tpu.memory_space<vmem>>
      %dma_wait3A_473 = tpu.memref_squeeze %dma_wait3A_472 : memref<1x80xi32, #tpu.memory_space<vmem>> -> memref<80xi32, #tpu.memory_space<vmem>>
      %dma_wait3A_474 = arith.constant 0 : i32
      %dma_wait3A_475 = arith.constant 0 : i32
      %dma_wait3A_476 = tpu.memref_slice %arg2[%dma_wait3A_474, %dma_wait3A_475] : memref<20000x128xf32, #tpu.memory_space<hbm>> -> memref<20000x128xf32, #tpu.memory_space<hbm>>
      tpu.wait_indirect_dma semaphore(%arg15 : memref<!tpu.dma_semaphore, #tpu.memory_space<semaphore_mem>>) src(%dma_wait3A_476 : memref<20000x128xf32, #tpu.memory_space<hbm>>) dst(%arg11 : memref<80x128xf32, #tpu.memory_space<vmem>>)
      %run_scoped3A_477 = arith.constant 3 : i32
      "tpu.region"() ({
        %run_scoped3A_784 = tpu.sem_alloc : memref<!tpu.dma_semaphore, #tpu.memory_space<semaphore_mem>>
        %dma_start3A_785 = arith.constant 0 : i32
        %dma_start3A_786 = tpu.memref_slice %arg10[%run_scoped3A_477, %dma_start3A_785] : memref<25x80xi32, #tpu.memory_space<vmem>> -> memref<1x80xi32, #tpu.memory_space<vmem>>
        %dma_start3A_787 = tpu.memref_squeeze %dma_start3A_786 : memref<1x80xi32, #tpu.memory_space<vmem>> -> memref<80xi32, #tpu.memory_space<vmem>>
        %dma_start3A_788 = arith.constant 0 : i32
        %dma_start3A_789 = arith.constant 0 : i32
        %dma_start3A_790 = tpu.memref_slice %arg14[%dma_start3A_788, %dma_start3A_789] : memref<10240x128xf32, #tpu.memory_space<vmem_shared>> -> memref<10240x128xf32, #tpu.memory_space<vmem_shared>>
        tpu.enqueue_indirect_dma source(%arg11 : memref<80x128xf32, #tpu.memory_space<vmem>>) target(%dma_start3A_790 : memref<10240x128xf32, #tpu.memory_space<vmem_shared>>) offsets(%dma_start3A_787 : memref<80xi32, #tpu.memory_space<vmem>>) semaphore(%run_scoped3A_784 : memref<!tpu.dma_semaphore, #tpu.memory_space<semaphore_mem>>) {add = true}
        %dma_wait3A_791 = arith.constant 0 : i32
        %dma_wait3A_792 = tpu.memref_slice %arg10[%run_scoped3A_477, %dma_wait3A_791] : memref<25x80xi32, #tpu.memory_space<vmem>> -> memref<1x80xi32, #tpu.memory_space<vmem>>
        %dma_wait3A_793 = tpu.memref_squeeze %dma_wait3A_792 : memref<1x80xi32, #tpu.memory_space<vmem>> -> memref<80xi32, #tpu.memory_space<vmem>>
        %dma_wait3A_794 = arith.constant 0 : i32
        %dma_wait3A_795 = arith.constant 0 : i32
        %dma_wait3A_796 = tpu.memref_slice %arg14[%dma_wait3A_794, %dma_wait3A_795] : memref<10240x128xf32, #tpu.memory_space<vmem_shared>> -> memref<10240x128xf32, #tpu.memory_space<vmem_shared>>
        tpu.wait_indirect_dma semaphore(%run_scoped3A_784 : memref<!tpu.dma_semaphore, #tpu.memory_space<semaphore_mem>>) src(%arg11 : memref<80x128xf32, #tpu.memory_space<vmem>>) dst(%dma_wait3A_796 : memref<10240x128xf32, #tpu.memory_space<vmem_shared>>)
        tpu.yield
      }) : () -> ()
      %dma_start3A_478 = arith.constant 6 : i32
      %dma_start3A_479 = arith.constant 0 : i32
      %dma_start3A_480 = tpu.memref_slice %arg9[%dma_start3A_478, %dma_start3A_479] : memref<25x80xi32, #tpu.memory_space<vmem>> -> memref<1x80xi32, #tpu.memory_space<vmem>>
      %dma_start3A_481 = tpu.memref_squeeze %dma_start3A_480 : memref<1x80xi32, #tpu.memory_space<vmem>> -> memref<80xi32, #tpu.memory_space<vmem>>
      %dma_start3A_482 = arith.constant 0 : i32
      %dma_start3A_483 = arith.constant 0 : i32
      %dma_start3A_484 = tpu.memref_slice %arg2[%dma_start3A_482, %dma_start3A_483] : memref<20000x128xf32, #tpu.memory_space<hbm>> -> memref<20000x128xf32, #tpu.memory_space<hbm>>
      tpu.enqueue_indirect_dma source(%dma_start3A_484 : memref<20000x128xf32, #tpu.memory_space<hbm>>) target(%arg11 : memref<80x128xf32, #tpu.memory_space<vmem>>) offsets(%dma_start3A_481 : memref<80xi32, #tpu.memory_space<vmem>>) semaphore(%arg15 : memref<!tpu.dma_semaphore, #tpu.memory_space<semaphore_mem>>)
      %dma_wait3A_485 = arith.constant 4 : i32
      %dma_wait3A_486 = arith.constant 0 : i32
      %dma_wait3A_487 = tpu.memref_slice %arg9[%dma_wait3A_485, %dma_wait3A_486] : memref<25x80xi32, #tpu.memory_space<vmem>> -> memref<1x80xi32, #tpu.memory_space<vmem>>
      %dma_wait3A_488 = tpu.memref_squeeze %dma_wait3A_487 : memref<1x80xi32, #tpu.memory_space<vmem>> -> memref<80xi32, #tpu.memory_space<vmem>>
      %dma_wait3A_489 = arith.constant 0 : i32
      %dma_wait3A_490 = arith.constant 0 : i32
      %dma_wait3A_491 = tpu.memref_slice %arg2[%dma_wait3A_489, %dma_wait3A_490] : memref<20000x128xf32, #tpu.memory_space<hbm>> -> memref<20000x128xf32, #tpu.memory_space<hbm>>
      tpu.wait_indirect_dma semaphore(%arg16 : memref<!tpu.dma_semaphore, #tpu.memory_space<semaphore_mem>>) src(%dma_wait3A_491 : memref<20000x128xf32, #tpu.memory_space<hbm>>) dst(%arg12 : memref<80x128xf32, #tpu.memory_space<vmem>>)
      %run_scoped3A_492 = arith.constant 4 : i32
      "tpu.region"() ({
        %run_scoped3A_784 = tpu.sem_alloc : memref<!tpu.dma_semaphore, #tpu.memory_space<semaphore_mem>>
        %dma_start3A_785 = arith.constant 0 : i32
        %dma_start3A_786 = tpu.memref_slice %arg10[%run_scoped3A_492, %dma_start3A_785] : memref<25x80xi32, #tpu.memory_space<vmem>> -> memref<1x80xi32, #tpu.memory_space<vmem>>
        %dma_start3A_787 = tpu.memref_squeeze %dma_start3A_786 : memref<1x80xi32, #tpu.memory_space<vmem>> -> memref<80xi32, #tpu.memory_space<vmem>>
        %dma_start3A_788 = arith.constant 0 : i32
        %dma_start3A_789 = arith.constant 0 : i32
        %dma_start3A_790 = tpu.memref_slice %arg14[%dma_start3A_788, %dma_start3A_789] : memref<10240x128xf32, #tpu.memory_space<vmem_shared>> -> memref<10240x128xf32, #tpu.memory_space<vmem_shared>>
        tpu.enqueue_indirect_dma source(%arg12 : memref<80x128xf32, #tpu.memory_space<vmem>>) target(%dma_start3A_790 : memref<10240x128xf32, #tpu.memory_space<vmem_shared>>) offsets(%dma_start3A_787 : memref<80xi32, #tpu.memory_space<vmem>>) semaphore(%run_scoped3A_784 : memref<!tpu.dma_semaphore, #tpu.memory_space<semaphore_mem>>) {add = true}
        %dma_wait3A_791 = arith.constant 0 : i32
        %dma_wait3A_792 = tpu.memref_slice %arg10[%run_scoped3A_492, %dma_wait3A_791] : memref<25x80xi32, #tpu.memory_space<vmem>> -> memref<1x80xi32, #tpu.memory_space<vmem>>
        %dma_wait3A_793 = tpu.memref_squeeze %dma_wait3A_792 : memref<1x80xi32, #tpu.memory_space<vmem>> -> memref<80xi32, #tpu.memory_space<vmem>>
        %dma_wait3A_794 = arith.constant 0 : i32
        %dma_wait3A_795 = arith.constant 0 : i32
        %dma_wait3A_796 = tpu.memref_slice %arg14[%dma_wait3A_794, %dma_wait3A_795] : memref<10240x128xf32, #tpu.memory_space<vmem_shared>> -> memref<10240x128xf32, #tpu.memory_space<vmem_shared>>
        tpu.wait_indirect_dma semaphore(%run_scoped3A_784 : memref<!tpu.dma_semaphore, #tpu.memory_space<semaphore_mem>>) src(%arg12 : memref<80x128xf32, #tpu.memory_space<vmem>>) dst(%dma_wait3A_796 : memref<10240x128xf32, #tpu.memory_space<vmem_shared>>)
        tpu.yield
      }) : () -> ()
      %dma_start3A_493 = arith.constant 7 : i32
      %dma_start3A_494 = arith.constant 0 : i32
      %dma_start3A_495 = tpu.memref_slice %arg9[%dma_start3A_493, %dma_start3A_494] : memref<25x80xi32, #tpu.memory_space<vmem>> -> memref<1x80xi32, #tpu.memory_space<vmem>>
      %dma_start3A_496 = tpu.memref_squeeze %dma_start3A_495 : memref<1x80xi32, #tpu.memory_space<vmem>> -> memref<80xi32, #tpu.memory_space<vmem>>
      %dma_start3A_497 = arith.constant 0 : i32
      %dma_start3A_498 = arith.constant 0 : i32
      %dma_start3A_499 = tpu.memref_slice %arg2[%dma_start3A_497, %dma_start3A_498] : memref<20000x128xf32, #tpu.memory_space<hbm>> -> memref<20000x128xf32, #tpu.memory_space<hbm>>
      tpu.enqueue_indirect_dma source(%dma_start3A_499 : memref<20000x128xf32, #tpu.memory_space<hbm>>) target(%arg12 : memref<80x128xf32, #tpu.memory_space<vmem>>) offsets(%dma_start3A_496 : memref<80xi32, #tpu.memory_space<vmem>>) semaphore(%arg16 : memref<!tpu.dma_semaphore, #tpu.memory_space<semaphore_mem>>)
      %dma_wait3A_500 = arith.constant 5 : i32
      %dma_wait3A_501 = arith.constant 0 : i32
      %dma_wait3A_502 = tpu.memref_slice %arg9[%dma_wait3A_500, %dma_wait3A_501] : memref<25x80xi32, #tpu.memory_space<vmem>> -> memref<1x80xi32, #tpu.memory_space<vmem>>
      %dma_wait3A_503 = tpu.memref_squeeze %dma_wait3A_502 : memref<1x80xi32, #tpu.memory_space<vmem>> -> memref<80xi32, #tpu.memory_space<vmem>>
      %dma_wait3A_504 = arith.constant 0 : i32
      %dma_wait3A_505 = arith.constant 0 : i32
      %dma_wait3A_506 = tpu.memref_slice %arg2[%dma_wait3A_504, %dma_wait3A_505] : memref<20000x128xf32, #tpu.memory_space<hbm>> -> memref<20000x128xf32, #tpu.memory_space<hbm>>
      tpu.wait_indirect_dma semaphore(%arg17 : memref<!tpu.dma_semaphore, #tpu.memory_space<semaphore_mem>>) src(%dma_wait3A_506 : memref<20000x128xf32, #tpu.memory_space<hbm>>) dst(%arg13 : memref<80x128xf32, #tpu.memory_space<vmem>>)
      %run_scoped3A_507 = arith.constant 5 : i32
      "tpu.region"() ({
        %run_scoped3A_784 = tpu.sem_alloc : memref<!tpu.dma_semaphore, #tpu.memory_space<semaphore_mem>>
        %dma_start3A_785 = arith.constant 0 : i32
        %dma_start3A_786 = tpu.memref_slice %arg10[%run_scoped3A_507, %dma_start3A_785] : memref<25x80xi32, #tpu.memory_space<vmem>> -> memref<1x80xi32, #tpu.memory_space<vmem>>
        %dma_start3A_787 = tpu.memref_squeeze %dma_start3A_786 : memref<1x80xi32, #tpu.memory_space<vmem>> -> memref<80xi32, #tpu.memory_space<vmem>>
        %dma_start3A_788 = arith.constant 0 : i32
        %dma_start3A_789 = arith.constant 0 : i32
        %dma_start3A_790 = tpu.memref_slice %arg14[%dma_start3A_788, %dma_start3A_789] : memref<10240x128xf32, #tpu.memory_space<vmem_shared>> -> memref<10240x128xf32, #tpu.memory_space<vmem_shared>>
        tpu.enqueue_indirect_dma source(%arg13 : memref<80x128xf32, #tpu.memory_space<vmem>>) target(%dma_start3A_790 : memref<10240x128xf32, #tpu.memory_space<vmem_shared>>) offsets(%dma_start3A_787 : memref<80xi32, #tpu.memory_space<vmem>>) semaphore(%run_scoped3A_784 : memref<!tpu.dma_semaphore, #tpu.memory_space<semaphore_mem>>) {add = true}
        %dma_wait3A_791 = arith.constant 0 : i32
        %dma_wait3A_792 = tpu.memref_slice %arg10[%run_scoped3A_507, %dma_wait3A_791] : memref<25x80xi32, #tpu.memory_space<vmem>> -> memref<1x80xi32, #tpu.memory_space<vmem>>
        %dma_wait3A_793 = tpu.memref_squeeze %dma_wait3A_792 : memref<1x80xi32, #tpu.memory_space<vmem>> -> memref<80xi32, #tpu.memory_space<vmem>>
        %dma_wait3A_794 = arith.constant 0 : i32
        %dma_wait3A_795 = arith.constant 0 : i32
        %dma_wait3A_796 = tpu.memref_slice %arg14[%dma_wait3A_794, %dma_wait3A_795] : memref<10240x128xf32, #tpu.memory_space<vmem_shared>> -> memref<10240x128xf32, #tpu.memory_space<vmem_shared>>
        tpu.wait_indirect_dma semaphore(%run_scoped3A_784 : memref<!tpu.dma_semaphore, #tpu.memory_space<semaphore_mem>>) src(%arg13 : memref<80x128xf32, #tpu.memory_space<vmem>>) dst(%dma_wait3A_796 : memref<10240x128xf32, #tpu.memory_space<vmem_shared>>)
        tpu.yield
      }) : () -> ()
      %dma_start3A_508 = arith.constant 8 : i32
      %dma_start3A_509 = arith.constant 0 : i32
      %dma_start3A_510 = tpu.memref_slice %arg9[%dma_start3A_508, %dma_start3A_509] : memref<25x80xi32, #tpu.memory_space<vmem>> -> memref<1x80xi32, #tpu.memory_space<vmem>>
      %dma_start3A_511 = tpu.memref_squeeze %dma_start3A_510 : memref<1x80xi32, #tpu.memory_space<vmem>> -> memref<80xi32, #tpu.memory_space<vmem>>
      %dma_start3A_512 = arith.constant 0 : i32
      %dma_start3A_513 = arith.constant 0 : i32
      %dma_start3A_514 = tpu.memref_slice %arg2[%dma_start3A_512, %dma_start3A_513] : memref<20000x128xf32, #tpu.memory_space<hbm>> -> memref<20000x128xf32, #tpu.memory_space<hbm>>
      tpu.enqueue_indirect_dma source(%dma_start3A_514 : memref<20000x128xf32, #tpu.memory_space<hbm>>) target(%arg13 : memref<80x128xf32, #tpu.memory_space<vmem>>) offsets(%dma_start3A_511 : memref<80xi32, #tpu.memory_space<vmem>>) semaphore(%arg17 : memref<!tpu.dma_semaphore, #tpu.memory_space<semaphore_mem>>)
      %dma_wait3A_515 = arith.constant 6 : i32
      %dma_wait3A_516 = arith.constant 0 : i32
      %dma_wait3A_517 = tpu.memref_slice %arg9[%dma_wait3A_515, %dma_wait3A_516] : memref<25x80xi32, #tpu.memory_space<vmem>> -> memref<1x80xi32, #tpu.memory_space<vmem>>
      %dma_wait3A_518 = tpu.memref_squeeze %dma_wait3A_517 : memref<1x80xi32, #tpu.memory_space<vmem>> -> memref<80xi32, #tpu.memory_space<vmem>>
      %dma_wait3A_519 = arith.constant 0 : i32
      %dma_wait3A_520 = arith.constant 0 : i32
      %dma_wait3A_521 = tpu.memref_slice %arg2[%dma_wait3A_519, %dma_wait3A_520] : memref<20000x128xf32, #tpu.memory_space<hbm>> -> memref<20000x128xf32, #tpu.memory_space<hbm>>
      tpu.wait_indirect_dma semaphore(%arg15 : memref<!tpu.dma_semaphore, #tpu.memory_space<semaphore_mem>>) src(%dma_wait3A_521 : memref<20000x128xf32, #tpu.memory_space<hbm>>) dst(%arg11 : memref<80x128xf32, #tpu.memory_space<vmem>>)
      %run_scoped3A_522 = arith.constant 6 : i32
      "tpu.region"() ({
        %run_scoped3A_784 = tpu.sem_alloc : memref<!tpu.dma_semaphore, #tpu.memory_space<semaphore_mem>>
        %dma_start3A_785 = arith.constant 0 : i32
        %dma_start3A_786 = tpu.memref_slice %arg10[%run_scoped3A_522, %dma_start3A_785] : memref<25x80xi32, #tpu.memory_space<vmem>> -> memref<1x80xi32, #tpu.memory_space<vmem>>
        %dma_start3A_787 = tpu.memref_squeeze %dma_start3A_786 : memref<1x80xi32, #tpu.memory_space<vmem>> -> memref<80xi32, #tpu.memory_space<vmem>>
        %dma_start3A_788 = arith.constant 0 : i32
        %dma_start3A_789 = arith.constant 0 : i32
        %dma_start3A_790 = tpu.memref_slice %arg14[%dma_start3A_788, %dma_start3A_789] : memref<10240x128xf32, #tpu.memory_space<vmem_shared>> -> memref<10240x128xf32, #tpu.memory_space<vmem_shared>>
        tpu.enqueue_indirect_dma source(%arg11 : memref<80x128xf32, #tpu.memory_space<vmem>>) target(%dma_start3A_790 : memref<10240x128xf32, #tpu.memory_space<vmem_shared>>) offsets(%dma_start3A_787 : memref<80xi32, #tpu.memory_space<vmem>>) semaphore(%run_scoped3A_784 : memref<!tpu.dma_semaphore, #tpu.memory_space<semaphore_mem>>) {add = true}
        %dma_wait3A_791 = arith.constant 0 : i32
        %dma_wait3A_792 = tpu.memref_slice %arg10[%run_scoped3A_522, %dma_wait3A_791] : memref<25x80xi32, #tpu.memory_space<vmem>> -> memref<1x80xi32, #tpu.memory_space<vmem>>
        %dma_wait3A_793 = tpu.memref_squeeze %dma_wait3A_792 : memref<1x80xi32, #tpu.memory_space<vmem>> -> memref<80xi32, #tpu.memory_space<vmem>>
        %dma_wait3A_794 = arith.constant 0 : i32
        %dma_wait3A_795 = arith.constant 0 : i32
        %dma_wait3A_796 = tpu.memref_slice %arg14[%dma_wait3A_794, %dma_wait3A_795] : memref<10240x128xf32, #tpu.memory_space<vmem_shared>> -> memref<10240x128xf32, #tpu.memory_space<vmem_shared>>
        tpu.wait_indirect_dma semaphore(%run_scoped3A_784 : memref<!tpu.dma_semaphore, #tpu.memory_space<semaphore_mem>>) src(%arg11 : memref<80x128xf32, #tpu.memory_space<vmem>>) dst(%dma_wait3A_796 : memref<10240x128xf32, #tpu.memory_space<vmem_shared>>)
        tpu.yield
      }) : () -> ()
      %dma_start3A_523 = arith.constant 9 : i32
      %dma_start3A_524 = arith.constant 0 : i32
      %dma_start3A_525 = tpu.memref_slice %arg9[%dma_start3A_523, %dma_start3A_524] : memref<25x80xi32, #tpu.memory_space<vmem>> -> memref<1x80xi32, #tpu.memory_space<vmem>>
      %dma_start3A_526 = tpu.memref_squeeze %dma_start3A_525 : memref<1x80xi32, #tpu.memory_space<vmem>> -> memref<80xi32, #tpu.memory_space<vmem>>
      %dma_start3A_527 = arith.constant 0 : i32
      %dma_start3A_528 = arith.constant 0 : i32
      %dma_start3A_529 = tpu.memref_slice %arg2[%dma_start3A_527, %dma_start3A_528] : memref<20000x128xf32, #tpu.memory_space<hbm>> -> memref<20000x128xf32, #tpu.memory_space<hbm>>
      tpu.enqueue_indirect_dma source(%dma_start3A_529 : memref<20000x128xf32, #tpu.memory_space<hbm>>) target(%arg11 : memref<80x128xf32, #tpu.memory_space<vmem>>) offsets(%dma_start3A_526 : memref<80xi32, #tpu.memory_space<vmem>>) semaphore(%arg15 : memref<!tpu.dma_semaphore, #tpu.memory_space<semaphore_mem>>)
      %dma_wait3A_530 = arith.constant 7 : i32
      %dma_wait3A_531 = arith.constant 0 : i32
      %dma_wait3A_532 = tpu.memref_slice %arg9[%dma_wait3A_530, %dma_wait3A_531] : memref<25x80xi32, #tpu.memory_space<vmem>> -> memref<1x80xi32, #tpu.memory_space<vmem>>
      %dma_wait3A_533 = tpu.memref_squeeze %dma_wait3A_532 : memref<1x80xi32, #tpu.memory_space<vmem>> -> memref<80xi32, #tpu.memory_space<vmem>>
      %dma_wait3A_534 = arith.constant 0 : i32
      %dma_wait3A_535 = arith.constant 0 : i32
      %dma_wait3A_536 = tpu.memref_slice %arg2[%dma_wait3A_534, %dma_wait3A_535] : memref<20000x128xf32, #tpu.memory_space<hbm>> -> memref<20000x128xf32, #tpu.memory_space<hbm>>
      tpu.wait_indirect_dma semaphore(%arg16 : memref<!tpu.dma_semaphore, #tpu.memory_space<semaphore_mem>>) src(%dma_wait3A_536 : memref<20000x128xf32, #tpu.memory_space<hbm>>) dst(%arg12 : memref<80x128xf32, #tpu.memory_space<vmem>>)
      %run_scoped3A_537 = arith.constant 7 : i32
      "tpu.region"() ({
        %run_scoped3A_784 = tpu.sem_alloc : memref<!tpu.dma_semaphore, #tpu.memory_space<semaphore_mem>>
        %dma_start3A_785 = arith.constant 0 : i32
        %dma_start3A_786 = tpu.memref_slice %arg10[%run_scoped3A_537, %dma_start3A_785] : memref<25x80xi32, #tpu.memory_space<vmem>> -> memref<1x80xi32, #tpu.memory_space<vmem>>
        %dma_start3A_787 = tpu.memref_squeeze %dma_start3A_786 : memref<1x80xi32, #tpu.memory_space<vmem>> -> memref<80xi32, #tpu.memory_space<vmem>>
        %dma_start3A_788 = arith.constant 0 : i32
        %dma_start3A_789 = arith.constant 0 : i32
        %dma_start3A_790 = tpu.memref_slice %arg14[%dma_start3A_788, %dma_start3A_789] : memref<10240x128xf32, #tpu.memory_space<vmem_shared>> -> memref<10240x128xf32, #tpu.memory_space<vmem_shared>>
        tpu.enqueue_indirect_dma source(%arg12 : memref<80x128xf32, #tpu.memory_space<vmem>>) target(%dma_start3A_790 : memref<10240x128xf32, #tpu.memory_space<vmem_shared>>) offsets(%dma_start3A_787 : memref<80xi32, #tpu.memory_space<vmem>>) semaphore(%run_scoped3A_784 : memref<!tpu.dma_semaphore, #tpu.memory_space<semaphore_mem>>) {add = true}
        %dma_wait3A_791 = arith.constant 0 : i32
        %dma_wait3A_792 = tpu.memref_slice %arg10[%run_scoped3A_537, %dma_wait3A_791] : memref<25x80xi32, #tpu.memory_space<vmem>> -> memref<1x80xi32, #tpu.memory_space<vmem>>
        %dma_wait3A_793 = tpu.memref_squeeze %dma_wait3A_792 : memref<1x80xi32, #tpu.memory_space<vmem>> -> memref<80xi32, #tpu.memory_space<vmem>>
        %dma_wait3A_794 = arith.constant 0 : i32
        %dma_wait3A_795 = arith.constant 0 : i32
        %dma_wait3A_796 = tpu.memref_slice %arg14[%dma_wait3A_794, %dma_wait3A_795] : memref<10240x128xf32, #tpu.memory_space<vmem_shared>> -> memref<10240x128xf32, #tpu.memory_space<vmem_shared>>
        tpu.wait_indirect_dma semaphore(%run_scoped3A_784 : memref<!tpu.dma_semaphore, #tpu.memory_space<semaphore_mem>>) src(%arg12 : memref<80x128xf32, #tpu.memory_space<vmem>>) dst(%dma_wait3A_796 : memref<10240x128xf32, #tpu.memory_space<vmem_shared>>)
        tpu.yield
      }) : () -> ()
      %dma_start3A_538 = arith.constant 10 : i32
      %dma_start3A_539 = arith.constant 0 : i32
      %dma_start3A_540 = tpu.memref_slice %arg9[%dma_start3A_538, %dma_start3A_539] : memref<25x80xi32, #tpu.memory_space<vmem>> -> memref<1x80xi32, #tpu.memory_space<vmem>>
      %dma_start3A_541 = tpu.memref_squeeze %dma_start3A_540 : memref<1x80xi32, #tpu.memory_space<vmem>> -> memref<80xi32, #tpu.memory_space<vmem>>
      %dma_start3A_542 = arith.constant 0 : i32
      %dma_start3A_543 = arith.constant 0 : i32
      %dma_start3A_544 = tpu.memref_slice %arg2[%dma_start3A_542, %dma_start3A_543] : memref<20000x128xf32, #tpu.memory_space<hbm>> -> memref<20000x128xf32, #tpu.memory_space<hbm>>
      tpu.enqueue_indirect_dma source(%dma_start3A_544 : memref<20000x128xf32, #tpu.memory_space<hbm>>) target(%arg12 : memref<80x128xf32, #tpu.memory_space<vmem>>) offsets(%dma_start3A_541 : memref<80xi32, #tpu.memory_space<vmem>>) semaphore(%arg16 : memref<!tpu.dma_semaphore, #tpu.memory_space<semaphore_mem>>)
      %dma_wait3A_545 = arith.constant 8 : i32
      %dma_wait3A_546 = arith.constant 0 : i32
      %dma_wait3A_547 = tpu.memref_slice %arg9[%dma_wait3A_545, %dma_wait3A_546] : memref<25x80xi32, #tpu.memory_space<vmem>> -> memref<1x80xi32, #tpu.memory_space<vmem>>
      %dma_wait3A_548 = tpu.memref_squeeze %dma_wait3A_547 : memref<1x80xi32, #tpu.memory_space<vmem>> -> memref<80xi32, #tpu.memory_space<vmem>>
      %dma_wait3A_549 = arith.constant 0 : i32
      %dma_wait3A_550 = arith.constant 0 : i32
      %dma_wait3A_551 = tpu.memref_slice %arg2[%dma_wait3A_549, %dma_wait3A_550] : memref<20000x128xf32, #tpu.memory_space<hbm>> -> memref<20000x128xf32, #tpu.memory_space<hbm>>
      tpu.wait_indirect_dma semaphore(%arg17 : memref<!tpu.dma_semaphore, #tpu.memory_space<semaphore_mem>>) src(%dma_wait3A_551 : memref<20000x128xf32, #tpu.memory_space<hbm>>) dst(%arg13 : memref<80x128xf32, #tpu.memory_space<vmem>>)
      %run_scoped3A_552 = arith.constant 8 : i32
      "tpu.region"() ({
        %run_scoped3A_784 = tpu.sem_alloc : memref<!tpu.dma_semaphore, #tpu.memory_space<semaphore_mem>>
        %dma_start3A_785 = arith.constant 0 : i32
        %dma_start3A_786 = tpu.memref_slice %arg10[%run_scoped3A_552, %dma_start3A_785] : memref<25x80xi32, #tpu.memory_space<vmem>> -> memref<1x80xi32, #tpu.memory_space<vmem>>
        %dma_start3A_787 = tpu.memref_squeeze %dma_start3A_786 : memref<1x80xi32, #tpu.memory_space<vmem>> -> memref<80xi32, #tpu.memory_space<vmem>>
        %dma_start3A_788 = arith.constant 0 : i32
        %dma_start3A_789 = arith.constant 0 : i32
        %dma_start3A_790 = tpu.memref_slice %arg14[%dma_start3A_788, %dma_start3A_789] : memref<10240x128xf32, #tpu.memory_space<vmem_shared>> -> memref<10240x128xf32, #tpu.memory_space<vmem_shared>>
        tpu.enqueue_indirect_dma source(%arg13 : memref<80x128xf32, #tpu.memory_space<vmem>>) target(%dma_start3A_790 : memref<10240x128xf32, #tpu.memory_space<vmem_shared>>) offsets(%dma_start3A_787 : memref<80xi32, #tpu.memory_space<vmem>>) semaphore(%run_scoped3A_784 : memref<!tpu.dma_semaphore, #tpu.memory_space<semaphore_mem>>) {add = true}
        %dma_wait3A_791 = arith.constant 0 : i32
        %dma_wait3A_792 = tpu.memref_slice %arg10[%run_scoped3A_552, %dma_wait3A_791] : memref<25x80xi32, #tpu.memory_space<vmem>> -> memref<1x80xi32, #tpu.memory_space<vmem>>
        %dma_wait3A_793 = tpu.memref_squeeze %dma_wait3A_792 : memref<1x80xi32, #tpu.memory_space<vmem>> -> memref<80xi32, #tpu.memory_space<vmem>>
        %dma_wait3A_794 = arith.constant 0 : i32
        %dma_wait3A_795 = arith.constant 0 : i32
        %dma_wait3A_796 = tpu.memref_slice %arg14[%dma_wait3A_794, %dma_wait3A_795] : memref<10240x128xf32, #tpu.memory_space<vmem_shared>> -> memref<10240x128xf32, #tpu.memory_space<vmem_shared>>
        tpu.wait_indirect_dma semaphore(%run_scoped3A_784 : memref<!tpu.dma_semaphore, #tpu.memory_space<semaphore_mem>>) src(%arg13 : memref<80x128xf32, #tpu.memory_space<vmem>>) dst(%dma_wait3A_796 : memref<10240x128xf32, #tpu.memory_space<vmem_shared>>)
        tpu.yield
      }) : () -> ()
      %dma_start3A_553 = arith.constant 11 : i32
      %dma_start3A_554 = arith.constant 0 : i32
      %dma_start3A_555 = tpu.memref_slice %arg9[%dma_start3A_553, %dma_start3A_554] : memref<25x80xi32, #tpu.memory_space<vmem>> -> memref<1x80xi32, #tpu.memory_space<vmem>>
      %dma_start3A_556 = tpu.memref_squeeze %dma_start3A_555 : memref<1x80xi32, #tpu.memory_space<vmem>> -> memref<80xi32, #tpu.memory_space<vmem>>
      %dma_start3A_557 = arith.constant 0 : i32
      %dma_start3A_558 = arith.constant 0 : i32
      %dma_start3A_559 = tpu.memref_slice %arg2[%dma_start3A_557, %dma_start3A_558] : memref<20000x128xf32, #tpu.memory_space<hbm>> -> memref<20000x128xf32, #tpu.memory_space<hbm>>
      tpu.enqueue_indirect_dma source(%dma_start3A_559 : memref<20000x128xf32, #tpu.memory_space<hbm>>) target(%arg13 : memref<80x128xf32, #tpu.memory_space<vmem>>) offsets(%dma_start3A_556 : memref<80xi32, #tpu.memory_space<vmem>>) semaphore(%arg17 : memref<!tpu.dma_semaphore, #tpu.memory_space<semaphore_mem>>)
      %dma_wait3A_560 = arith.constant 9 : i32
      %dma_wait3A_561 = arith.constant 0 : i32
      %dma_wait3A_562 = tpu.memref_slice %arg9[%dma_wait3A_560, %dma_wait3A_561] : memref<25x80xi32, #tpu.memory_space<vmem>> -> memref<1x80xi32, #tpu.memory_space<vmem>>
      %dma_wait3A_563 = tpu.memref_squeeze %dma_wait3A_562 : memref<1x80xi32, #tpu.memory_space<vmem>> -> memref<80xi32, #tpu.memory_space<vmem>>
      %dma_wait3A_564 = arith.constant 0 : i32
      %dma_wait3A_565 = arith.constant 0 : i32
      %dma_wait3A_566 = tpu.memref_slice %arg2[%dma_wait3A_564, %dma_wait3A_565] : memref<20000x128xf32, #tpu.memory_space<hbm>> -> memref<20000x128xf32, #tpu.memory_space<hbm>>
      tpu.wait_indirect_dma semaphore(%arg15 : memref<!tpu.dma_semaphore, #tpu.memory_space<semaphore_mem>>) src(%dma_wait3A_566 : memref<20000x128xf32, #tpu.memory_space<hbm>>) dst(%arg11 : memref<80x128xf32, #tpu.memory_space<vmem>>)
      %run_scoped3A_567 = arith.constant 9 : i32
      "tpu.region"() ({
        %run_scoped3A_784 = tpu.sem_alloc : memref<!tpu.dma_semaphore, #tpu.memory_space<semaphore_mem>>
        %dma_start3A_785 = arith.constant 0 : i32
        %dma_start3A_786 = tpu.memref_slice %arg10[%run_scoped3A_567, %dma_start3A_785] : memref<25x80xi32, #tpu.memory_space<vmem>> -> memref<1x80xi32, #tpu.memory_space<vmem>>
        %dma_start3A_787 = tpu.memref_squeeze %dma_start3A_786 : memref<1x80xi32, #tpu.memory_space<vmem>> -> memref<80xi32, #tpu.memory_space<vmem>>
        %dma_start3A_788 = arith.constant 0 : i32
        %dma_start3A_789 = arith.constant 0 : i32
        %dma_start3A_790 = tpu.memref_slice %arg14[%dma_start3A_788, %dma_start3A_789] : memref<10240x128xf32, #tpu.memory_space<vmem_shared>> -> memref<10240x128xf32, #tpu.memory_space<vmem_shared>>
        tpu.enqueue_indirect_dma source(%arg11 : memref<80x128xf32, #tpu.memory_space<vmem>>) target(%dma_start3A_790 : memref<10240x128xf32, #tpu.memory_space<vmem_shared>>) offsets(%dma_start3A_787 : memref<80xi32, #tpu.memory_space<vmem>>) semaphore(%run_scoped3A_784 : memref<!tpu.dma_semaphore, #tpu.memory_space<semaphore_mem>>) {add = true}
        %dma_wait3A_791 = arith.constant 0 : i32
        %dma_wait3A_792 = tpu.memref_slice %arg10[%run_scoped3A_567, %dma_wait3A_791] : memref<25x80xi32, #tpu.memory_space<vmem>> -> memref<1x80xi32, #tpu.memory_space<vmem>>
        %dma_wait3A_793 = tpu.memref_squeeze %dma_wait3A_792 : memref<1x80xi32, #tpu.memory_space<vmem>> -> memref<80xi32, #tpu.memory_space<vmem>>
        %dma_wait3A_794 = arith.constant 0 : i32
        %dma_wait3A_795 = arith.constant 0 : i32
        %dma_wait3A_796 = tpu.memref_slice %arg14[%dma_wait3A_794, %dma_wait3A_795] : memref<10240x128xf32, #tpu.memory_space<vmem_shared>> -> memref<10240x128xf32, #tpu.memory_space<vmem_shared>>
        tpu.wait_indirect_dma semaphore(%run_scoped3A_784 : memref<!tpu.dma_semaphore, #tpu.memory_space<semaphore_mem>>) src(%arg11 : memref<80x128xf32, #tpu.memory_space<vmem>>) dst(%dma_wait3A_796 : memref<10240x128xf32, #tpu.memory_space<vmem_shared>>)
        tpu.yield
      }) : () -> ()
      %dma_start3A_568 = arith.constant 12 : i32
      %dma_start3A_569 = arith.constant 0 : i32
      %dma_start3A_570 = tpu.memref_slice %arg9[%dma_start3A_568, %dma_start3A_569] : memref<25x80xi32, #tpu.memory_space<vmem>> -> memref<1x80xi32, #tpu.memory_space<vmem>>
      %dma_start3A_571 = tpu.memref_squeeze %dma_start3A_570 : memref<1x80xi32, #tpu.memory_space<vmem>> -> memref<80xi32, #tpu.memory_space<vmem>>
      %dma_start3A_572 = arith.constant 0 : i32
      %dma_start3A_573 = arith.constant 0 : i32
      %dma_start3A_574 = tpu.memref_slice %arg2[%dma_start3A_572, %dma_start3A_573] : memref<20000x128xf32, #tpu.memory_space<hbm>> -> memref<20000x128xf32, #tpu.memory_space<hbm>>
      tpu.enqueue_indirect_dma source(%dma_start3A_574 : memref<20000x128xf32, #tpu.memory_space<hbm>>) target(%arg11 : memref<80x128xf32, #tpu.memory_space<vmem>>) offsets(%dma_start3A_571 : memref<80xi32, #tpu.memory_space<vmem>>) semaphore(%arg15 : memref<!tpu.dma_semaphore, #tpu.memory_space<semaphore_mem>>)
      %dma_wait3A_575 = arith.constant 10 : i32
      %dma_wait3A_576 = arith.constant 0 : i32
      %dma_wait3A_577 = tpu.memref_slice %arg9[%dma_wait3A_575, %dma_wait3A_576] : memref<25x80xi32, #tpu.memory_space<vmem>> -> memref<1x80xi32, #tpu.memory_space<vmem>>
      %dma_wait3A_578 = tpu.memref_squeeze %dma_wait3A_577 : memref<1x80xi32, #tpu.memory_space<vmem>> -> memref<80xi32, #tpu.memory_space<vmem>>
      %dma_wait3A_579 = arith.constant 0 : i32
      %dma_wait3A_580 = arith.constant 0 : i32
      %dma_wait3A_581 = tpu.memref_slice %arg2[%dma_wait3A_579, %dma_wait3A_580] : memref<20000x128xf32, #tpu.memory_space<hbm>> -> memref<20000x128xf32, #tpu.memory_space<hbm>>
      tpu.wait_indirect_dma semaphore(%arg16 : memref<!tpu.dma_semaphore, #tpu.memory_space<semaphore_mem>>) src(%dma_wait3A_581 : memref<20000x128xf32, #tpu.memory_space<hbm>>) dst(%arg12 : memref<80x128xf32, #tpu.memory_space<vmem>>)
      %run_scoped3A_582 = arith.constant 10 : i32
      "tpu.region"() ({
        %run_scoped3A_784 = tpu.sem_alloc : memref<!tpu.dma_semaphore, #tpu.memory_space<semaphore_mem>>
        %dma_start3A_785 = arith.constant 0 : i32
        %dma_start3A_786 = tpu.memref_slice %arg10[%run_scoped3A_582, %dma_start3A_785] : memref<25x80xi32, #tpu.memory_space<vmem>> -> memref<1x80xi32, #tpu.memory_space<vmem>>
        %dma_start3A_787 = tpu.memref_squeeze %dma_start3A_786 : memref<1x80xi32, #tpu.memory_space<vmem>> -> memref<80xi32, #tpu.memory_space<vmem>>
        %dma_start3A_788 = arith.constant 0 : i32
        %dma_start3A_789 = arith.constant 0 : i32
        %dma_start3A_790 = tpu.memref_slice %arg14[%dma_start3A_788, %dma_start3A_789] : memref<10240x128xf32, #tpu.memory_space<vmem_shared>> -> memref<10240x128xf32, #tpu.memory_space<vmem_shared>>
        tpu.enqueue_indirect_dma source(%arg12 : memref<80x128xf32, #tpu.memory_space<vmem>>) target(%dma_start3A_790 : memref<10240x128xf32, #tpu.memory_space<vmem_shared>>) offsets(%dma_start3A_787 : memref<80xi32, #tpu.memory_space<vmem>>) semaphore(%run_scoped3A_784 : memref<!tpu.dma_semaphore, #tpu.memory_space<semaphore_mem>>) {add = true}
        %dma_wait3A_791 = arith.constant 0 : i32
        %dma_wait3A_792 = tpu.memref_slice %arg10[%run_scoped3A_582, %dma_wait3A_791] : memref<25x80xi32, #tpu.memory_space<vmem>> -> memref<1x80xi32, #tpu.memory_space<vmem>>
        %dma_wait3A_793 = tpu.memref_squeeze %dma_wait3A_792 : memref<1x80xi32, #tpu.memory_space<vmem>> -> memref<80xi32, #tpu.memory_space<vmem>>
        %dma_wait3A_794 = arith.constant 0 : i32
        %dma_wait3A_795 = arith.constant 0 : i32
        %dma_wait3A_796 = tpu.memref_slice %arg14[%dma_wait3A_794, %dma_wait3A_795] : memref<10240x128xf32, #tpu.memory_space<vmem_shared>> -> memref<10240x128xf32, #tpu.memory_space<vmem_shared>>
        tpu.wait_indirect_dma semaphore(%run_scoped3A_784 : memref<!tpu.dma_semaphore, #tpu.memory_space<semaphore_mem>>) src(%arg12 : memref<80x128xf32, #tpu.memory_space<vmem>>) dst(%dma_wait3A_796 : memref<10240x128xf32, #tpu.memory_space<vmem_shared>>)
        tpu.yield
      }) : () -> ()
      %dma_start3A_583 = arith.constant 13 : i32
      %dma_start3A_584 = arith.constant 0 : i32
      %dma_start3A_585 = tpu.memref_slice %arg9[%dma_start3A_583, %dma_start3A_584] : memref<25x80xi32, #tpu.memory_space<vmem>> -> memref<1x80xi32, #tpu.memory_space<vmem>>
      %dma_start3A_586 = tpu.memref_squeeze %dma_start3A_585 : memref<1x80xi32, #tpu.memory_space<vmem>> -> memref<80xi32, #tpu.memory_space<vmem>>
      %dma_start3A_587 = arith.constant 0 : i32
      %dma_start3A_588 = arith.constant 0 : i32
      %dma_start3A_589 = tpu.memref_slice %arg2[%dma_start3A_587, %dma_start3A_588] : memref<20000x128xf32, #tpu.memory_space<hbm>> -> memref<20000x128xf32, #tpu.memory_space<hbm>>
      tpu.enqueue_indirect_dma source(%dma_start3A_589 : memref<20000x128xf32, #tpu.memory_space<hbm>>) target(%arg12 : memref<80x128xf32, #tpu.memory_space<vmem>>) offsets(%dma_start3A_586 : memref<80xi32, #tpu.memory_space<vmem>>) semaphore(%arg16 : memref<!tpu.dma_semaphore, #tpu.memory_space<semaphore_mem>>)
      %dma_wait3A_590 = arith.constant 11 : i32
      %dma_wait3A_591 = arith.constant 0 : i32
      %dma_wait3A_592 = tpu.memref_slice %arg9[%dma_wait3A_590, %dma_wait3A_591] : memref<25x80xi32, #tpu.memory_space<vmem>> -> memref<1x80xi32, #tpu.memory_space<vmem>>
      %dma_wait3A_593 = tpu.memref_squeeze %dma_wait3A_592 : memref<1x80xi32, #tpu.memory_space<vmem>> -> memref<80xi32, #tpu.memory_space<vmem>>
      %dma_wait3A_594 = arith.constant 0 : i32
      %dma_wait3A_595 = arith.constant 0 : i32
      %dma_wait3A_596 = tpu.memref_slice %arg2[%dma_wait3A_594, %dma_wait3A_595] : memref<20000x128xf32, #tpu.memory_space<hbm>> -> memref<20000x128xf32, #tpu.memory_space<hbm>>
      tpu.wait_indirect_dma semaphore(%arg17 : memref<!tpu.dma_semaphore, #tpu.memory_space<semaphore_mem>>) src(%dma_wait3A_596 : memref<20000x128xf32, #tpu.memory_space<hbm>>) dst(%arg13 : memref<80x128xf32, #tpu.memory_space<vmem>>)
      %run_scoped3A_597 = arith.constant 11 : i32
      "tpu.region"() ({
        %run_scoped3A_784 = tpu.sem_alloc : memref<!tpu.dma_semaphore, #tpu.memory_space<semaphore_mem>>
        %dma_start3A_785 = arith.constant 0 : i32
        %dma_start3A_786 = tpu.memref_slice %arg10[%run_scoped3A_597, %dma_start3A_785] : memref<25x80xi32, #tpu.memory_space<vmem>> -> memref<1x80xi32, #tpu.memory_space<vmem>>
        %dma_start3A_787 = tpu.memref_squeeze %dma_start3A_786 : memref<1x80xi32, #tpu.memory_space<vmem>> -> memref<80xi32, #tpu.memory_space<vmem>>
        %dma_start3A_788 = arith.constant 0 : i32
        %dma_start3A_789 = arith.constant 0 : i32
        %dma_start3A_790 = tpu.memref_slice %arg14[%dma_start3A_788, %dma_start3A_789] : memref<10240x128xf32, #tpu.memory_space<vmem_shared>> -> memref<10240x128xf32, #tpu.memory_space<vmem_shared>>
        tpu.enqueue_indirect_dma source(%arg13 : memref<80x128xf32, #tpu.memory_space<vmem>>) target(%dma_start3A_790 : memref<10240x128xf32, #tpu.memory_space<vmem_shared>>) offsets(%dma_start3A_787 : memref<80xi32, #tpu.memory_space<vmem>>) semaphore(%run_scoped3A_784 : memref<!tpu.dma_semaphore, #tpu.memory_space<semaphore_mem>>) {add = true}
        %dma_wait3A_791 = arith.constant 0 : i32
        %dma_wait3A_792 = tpu.memref_slice %arg10[%run_scoped3A_597, %dma_wait3A_791] : memref<25x80xi32, #tpu.memory_space<vmem>> -> memref<1x80xi32, #tpu.memory_space<vmem>>
        %dma_wait3A_793 = tpu.memref_squeeze %dma_wait3A_792 : memref<1x80xi32, #tpu.memory_space<vmem>> -> memref<80xi32, #tpu.memory_space<vmem>>
        %dma_wait3A_794 = arith.constant 0 : i32
        %dma_wait3A_795 = arith.constant 0 : i32
        %dma_wait3A_796 = tpu.memref_slice %arg14[%dma_wait3A_794, %dma_wait3A_795] : memref<10240x128xf32, #tpu.memory_space<vmem_shared>> -> memref<10240x128xf32, #tpu.memory_space<vmem_shared>>
        tpu.wait_indirect_dma semaphore(%run_scoped3A_784 : memref<!tpu.dma_semaphore, #tpu.memory_space<semaphore_mem>>) src(%arg13 : memref<80x128xf32, #tpu.memory_space<vmem>>) dst(%dma_wait3A_796 : memref<10240x128xf32, #tpu.memory_space<vmem_shared>>)
        tpu.yield
      }) : () -> ()
      %dma_start3A_598 = arith.constant 14 : i32
      %dma_start3A_599 = arith.constant 0 : i32
      %dma_start3A_600 = tpu.memref_slice %arg9[%dma_start3A_598, %dma_start3A_599] : memref<25x80xi32, #tpu.memory_space<vmem>> -> memref<1x80xi32, #tpu.memory_space<vmem>>
      %dma_start3A_601 = tpu.memref_squeeze %dma_start3A_600 : memref<1x80xi32, #tpu.memory_space<vmem>> -> memref<80xi32, #tpu.memory_space<vmem>>
      %dma_start3A_602 = arith.constant 0 : i32
      %dma_start3A_603 = arith.constant 0 : i32
      %dma_start3A_604 = tpu.memref_slice %arg2[%dma_start3A_602, %dma_start3A_603] : memref<20000x128xf32, #tpu.memory_space<hbm>> -> memref<20000x128xf32, #tpu.memory_space<hbm>>
      tpu.enqueue_indirect_dma source(%dma_start3A_604 : memref<20000x128xf32, #tpu.memory_space<hbm>>) target(%arg13 : memref<80x128xf32, #tpu.memory_space<vmem>>) offsets(%dma_start3A_601 : memref<80xi32, #tpu.memory_space<vmem>>) semaphore(%arg17 : memref<!tpu.dma_semaphore, #tpu.memory_space<semaphore_mem>>)
      %dma_wait3A_605 = arith.constant 12 : i32
      %dma_wait3A_606 = arith.constant 0 : i32
      %dma_wait3A_607 = tpu.memref_slice %arg9[%dma_wait3A_605, %dma_wait3A_606] : memref<25x80xi32, #tpu.memory_space<vmem>> -> memref<1x80xi32, #tpu.memory_space<vmem>>
      %dma_wait3A_608 = tpu.memref_squeeze %dma_wait3A_607 : memref<1x80xi32, #tpu.memory_space<vmem>> -> memref<80xi32, #tpu.memory_space<vmem>>
      %dma_wait3A_609 = arith.constant 0 : i32
      %dma_wait3A_610 = arith.constant 0 : i32
      %dma_wait3A_611 = tpu.memref_slice %arg2[%dma_wait3A_609, %dma_wait3A_610] : memref<20000x128xf32, #tpu.memory_space<hbm>> -> memref<20000x128xf32, #tpu.memory_space<hbm>>
      tpu.wait_indirect_dma semaphore(%arg15 : memref<!tpu.dma_semaphore, #tpu.memory_space<semaphore_mem>>) src(%dma_wait3A_611 : memref<20000x128xf32, #tpu.memory_space<hbm>>) dst(%arg11 : memref<80x128xf32, #tpu.memory_space<vmem>>)
      %run_scoped3A_612 = arith.constant 12 : i32
      "tpu.region"() ({
        %run_scoped3A_784 = tpu.sem_alloc : memref<!tpu.dma_semaphore, #tpu.memory_space<semaphore_mem>>
        %dma_start3A_785 = arith.constant 0 : i32
        %dma_start3A_786 = tpu.memref_slice %arg10[%run_scoped3A_612, %dma_start3A_785] : memref<25x80xi32, #tpu.memory_space<vmem>> -> memref<1x80xi32, #tpu.memory_space<vmem>>
        %dma_start3A_787 = tpu.memref_squeeze %dma_start3A_786 : memref<1x80xi32, #tpu.memory_space<vmem>> -> memref<80xi32, #tpu.memory_space<vmem>>
        %dma_start3A_788 = arith.constant 0 : i32
        %dma_start3A_789 = arith.constant 0 : i32
        %dma_start3A_790 = tpu.memref_slice %arg14[%dma_start3A_788, %dma_start3A_789] : memref<10240x128xf32, #tpu.memory_space<vmem_shared>> -> memref<10240x128xf32, #tpu.memory_space<vmem_shared>>
        tpu.enqueue_indirect_dma source(%arg11 : memref<80x128xf32, #tpu.memory_space<vmem>>) target(%dma_start3A_790 : memref<10240x128xf32, #tpu.memory_space<vmem_shared>>) offsets(%dma_start3A_787 : memref<80xi32, #tpu.memory_space<vmem>>) semaphore(%run_scoped3A_784 : memref<!tpu.dma_semaphore, #tpu.memory_space<semaphore_mem>>) {add = true}
        %dma_wait3A_791 = arith.constant 0 : i32
        %dma_wait3A_792 = tpu.memref_slice %arg10[%run_scoped3A_612, %dma_wait3A_791] : memref<25x80xi32, #tpu.memory_space<vmem>> -> memref<1x80xi32, #tpu.memory_space<vmem>>
        %dma_wait3A_793 = tpu.memref_squeeze %dma_wait3A_792 : memref<1x80xi32, #tpu.memory_space<vmem>> -> memref<80xi32, #tpu.memory_space<vmem>>
        %dma_wait3A_794 = arith.constant 0 : i32
        %dma_wait3A_795 = arith.constant 0 : i32
        %dma_wait3A_796 = tpu.memref_slice %arg14[%dma_wait3A_794, %dma_wait3A_795] : memref<10240x128xf32, #tpu.memory_space<vmem_shared>> -> memref<10240x128xf32, #tpu.memory_space<vmem_shared>>
        tpu.wait_indirect_dma semaphore(%run_scoped3A_784 : memref<!tpu.dma_semaphore, #tpu.memory_space<semaphore_mem>>) src(%arg11 : memref<80x128xf32, #tpu.memory_space<vmem>>) dst(%dma_wait3A_796 : memref<10240x128xf32, #tpu.memory_space<vmem_shared>>)
        tpu.yield
      }) : () -> ()
      %dma_start3A_613 = arith.constant 15 : i32
      %dma_start3A_614 = arith.constant 0 : i32
      %dma_start3A_615 = tpu.memref_slice %arg9[%dma_start3A_613, %dma_start3A_614] : memref<25x80xi32, #tpu.memory_space<vmem>> -> memref<1x80xi32, #tpu.memory_space<vmem>>
      %dma_start3A_616 = tpu.memref_squeeze %dma_start3A_615 : memref<1x80xi32, #tpu.memory_space<vmem>> -> memref<80xi32, #tpu.memory_space<vmem>>
      %dma_start3A_617 = arith.constant 0 : i32
      %dma_start3A_618 = arith.constant 0 : i32
      %dma_start3A_619 = tpu.memref_slice %arg2[%dma_start3A_617, %dma_start3A_618] : memref<20000x128xf32, #tpu.memory_space<hbm>> -> memref<20000x128xf32, #tpu.memory_space<hbm>>
      tpu.enqueue_indirect_dma source(%dma_start3A_619 : memref<20000x128xf32, #tpu.memory_space<hbm>>) target(%arg11 : memref<80x128xf32, #tpu.memory_space<vmem>>) offsets(%dma_start3A_616 : memref<80xi32, #tpu.memory_space<vmem>>) semaphore(%arg15 : memref<!tpu.dma_semaphore, #tpu.memory_space<semaphore_mem>>)
      %dma_wait3A_620 = arith.constant 13 : i32
      %dma_wait3A_621 = arith.constant 0 : i32
      %dma_wait3A_622 = tpu.memref_slice %arg9[%dma_wait3A_620, %dma_wait3A_621] : memref<25x80xi32, #tpu.memory_space<vmem>> -> memref<1x80xi32, #tpu.memory_space<vmem>>
      %dma_wait3A_623 = tpu.memref_squeeze %dma_wait3A_622 : memref<1x80xi32, #tpu.memory_space<vmem>> -> memref<80xi32, #tpu.memory_space<vmem>>
      %dma_wait3A_624 = arith.constant 0 : i32
      %dma_wait3A_625 = arith.constant 0 : i32
      %dma_wait3A_626 = tpu.memref_slice %arg2[%dma_wait3A_624, %dma_wait3A_625] : memref<20000x128xf32, #tpu.memory_space<hbm>> -> memref<20000x128xf32, #tpu.memory_space<hbm>>
      tpu.wait_indirect_dma semaphore(%arg16 : memref<!tpu.dma_semaphore, #tpu.memory_space<semaphore_mem>>) src(%dma_wait3A_626 : memref<20000x128xf32, #tpu.memory_space<hbm>>) dst(%arg12 : memref<80x128xf32, #tpu.memory_space<vmem>>)
      %run_scoped3A_627 = arith.constant 13 : i32
      "tpu.region"() ({
        %run_scoped3A_784 = tpu.sem_alloc : memref<!tpu.dma_semaphore, #tpu.memory_space<semaphore_mem>>
        %dma_start3A_785 = arith.constant 0 : i32
        %dma_start3A_786 = tpu.memref_slice %arg10[%run_scoped3A_627, %dma_start3A_785] : memref<25x80xi32, #tpu.memory_space<vmem>> -> memref<1x80xi32, #tpu.memory_space<vmem>>
        %dma_start3A_787 = tpu.memref_squeeze %dma_start3A_786 : memref<1x80xi32, #tpu.memory_space<vmem>> -> memref<80xi32, #tpu.memory_space<vmem>>
        %dma_start3A_788 = arith.constant 0 : i32
        %dma_start3A_789 = arith.constant 0 : i32
        %dma_start3A_790 = tpu.memref_slice %arg14[%dma_start3A_788, %dma_start3A_789] : memref<10240x128xf32, #tpu.memory_space<vmem_shared>> -> memref<10240x128xf32, #tpu.memory_space<vmem_shared>>
        tpu.enqueue_indirect_dma source(%arg12 : memref<80x128xf32, #tpu.memory_space<vmem>>) target(%dma_start3A_790 : memref<10240x128xf32, #tpu.memory_space<vmem_shared>>) offsets(%dma_start3A_787 : memref<80xi32, #tpu.memory_space<vmem>>) semaphore(%run_scoped3A_784 : memref<!tpu.dma_semaphore, #tpu.memory_space<semaphore_mem>>) {add = true}
        %dma_wait3A_791 = arith.constant 0 : i32
        %dma_wait3A_792 = tpu.memref_slice %arg10[%run_scoped3A_627, %dma_wait3A_791] : memref<25x80xi32, #tpu.memory_space<vmem>> -> memref<1x80xi32, #tpu.memory_space<vmem>>
        %dma_wait3A_793 = tpu.memref_squeeze %dma_wait3A_792 : memref<1x80xi32, #tpu.memory_space<vmem>> -> memref<80xi32, #tpu.memory_space<vmem>>
        %dma_wait3A_794 = arith.constant 0 : i32
        %dma_wait3A_795 = arith.constant 0 : i32
        %dma_wait3A_796 = tpu.memref_slice %arg14[%dma_wait3A_794, %dma_wait3A_795] : memref<10240x128xf32, #tpu.memory_space<vmem_shared>> -> memref<10240x128xf32, #tpu.memory_space<vmem_shared>>
        tpu.wait_indirect_dma semaphore(%run_scoped3A_784 : memref<!tpu.dma_semaphore, #tpu.memory_space<semaphore_mem>>) src(%arg12 : memref<80x128xf32, #tpu.memory_space<vmem>>) dst(%dma_wait3A_796 : memref<10240x128xf32, #tpu.memory_space<vmem_shared>>)
        tpu.yield
      }) : () -> ()
      %dma_start3A_628 = arith.constant 16 : i32
      %dma_start3A_629 = arith.constant 0 : i32
      %dma_start3A_630 = tpu.memref_slice %arg9[%dma_start3A_628, %dma_start3A_629] : memref<25x80xi32, #tpu.memory_space<vmem>> -> memref<1x80xi32, #tpu.memory_space<vmem>>
      %dma_start3A_631 = tpu.memref_squeeze %dma_start3A_630 : memref<1x80xi32, #tpu.memory_space<vmem>> -> memref<80xi32, #tpu.memory_space<vmem>>
      %dma_start3A_632 = arith.constant 0 : i32
      %dma_start3A_633 = arith.constant 0 : i32
      %dma_start3A_634 = tpu.memref_slice %arg2[%dma_start3A_632, %dma_start3A_633] : memref<20000x128xf32, #tpu.memory_space<hbm>> -> memref<20000x128xf32, #tpu.memory_space<hbm>>
      tpu.enqueue_indirect_dma source(%dma_start3A_634 : memref<20000x128xf32, #tpu.memory_space<hbm>>) target(%arg12 : memref<80x128xf32, #tpu.memory_space<vmem>>) offsets(%dma_start3A_631 : memref<80xi32, #tpu.memory_space<vmem>>) semaphore(%arg16 : memref<!tpu.dma_semaphore, #tpu.memory_space<semaphore_mem>>)
      %dma_wait3A_635 = arith.constant 14 : i32
      %dma_wait3A_636 = arith.constant 0 : i32
      %dma_wait3A_637 = tpu.memref_slice %arg9[%dma_wait3A_635, %dma_wait3A_636] : memref<25x80xi32, #tpu.memory_space<vmem>> -> memref<1x80xi32, #tpu.memory_space<vmem>>
      %dma_wait3A_638 = tpu.memref_squeeze %dma_wait3A_637 : memref<1x80xi32, #tpu.memory_space<vmem>> -> memref<80xi32, #tpu.memory_space<vmem>>
      %dma_wait3A_639 = arith.constant 0 : i32
      %dma_wait3A_640 = arith.constant 0 : i32
      %dma_wait3A_641 = tpu.memref_slice %arg2[%dma_wait3A_639, %dma_wait3A_640] : memref<20000x128xf32, #tpu.memory_space<hbm>> -> memref<20000x128xf32, #tpu.memory_space<hbm>>
      tpu.wait_indirect_dma semaphore(%arg17 : memref<!tpu.dma_semaphore, #tpu.memory_space<semaphore_mem>>) src(%dma_wait3A_641 : memref<20000x128xf32, #tpu.memory_space<hbm>>) dst(%arg13 : memref<80x128xf32, #tpu.memory_space<vmem>>)
      %run_scoped3A_642 = arith.constant 14 : i32
      "tpu.region"() ({
        %run_scoped3A_784 = tpu.sem_alloc : memref<!tpu.dma_semaphore, #tpu.memory_space<semaphore_mem>>
        %dma_start3A_785 = arith.constant 0 : i32
        %dma_start3A_786 = tpu.memref_slice %arg10[%run_scoped3A_642, %dma_start3A_785] : memref<25x80xi32, #tpu.memory_space<vmem>> -> memref<1x80xi32, #tpu.memory_space<vmem>>
        %dma_start3A_787 = tpu.memref_squeeze %dma_start3A_786 : memref<1x80xi32, #tpu.memory_space<vmem>> -> memref<80xi32, #tpu.memory_space<vmem>>
        %dma_start3A_788 = arith.constant 0 : i32
        %dma_start3A_789 = arith.constant 0 : i32
        %dma_start3A_790 = tpu.memref_slice %arg14[%dma_start3A_788, %dma_start3A_789] : memref<10240x128xf32, #tpu.memory_space<vmem_shared>> -> memref<10240x128xf32, #tpu.memory_space<vmem_shared>>
        tpu.enqueue_indirect_dma source(%arg13 : memref<80x128xf32, #tpu.memory_space<vmem>>) target(%dma_start3A_790 : memref<10240x128xf32, #tpu.memory_space<vmem_shared>>) offsets(%dma_start3A_787 : memref<80xi32, #tpu.memory_space<vmem>>) semaphore(%run_scoped3A_784 : memref<!tpu.dma_semaphore, #tpu.memory_space<semaphore_mem>>) {add = true}
        %dma_wait3A_791 = arith.constant 0 : i32
        %dma_wait3A_792 = tpu.memref_slice %arg10[%run_scoped3A_642, %dma_wait3A_791] : memref<25x80xi32, #tpu.memory_space<vmem>> -> memref<1x80xi32, #tpu.memory_space<vmem>>
        %dma_wait3A_793 = tpu.memref_squeeze %dma_wait3A_792 : memref<1x80xi32, #tpu.memory_space<vmem>> -> memref<80xi32, #tpu.memory_space<vmem>>
        %dma_wait3A_794 = arith.constant 0 : i32
        %dma_wait3A_795 = arith.constant 0 : i32
        %dma_wait3A_796 = tpu.memref_slice %arg14[%dma_wait3A_794, %dma_wait3A_795] : memref<10240x128xf32, #tpu.memory_space<vmem_shared>> -> memref<10240x128xf32, #tpu.memory_space<vmem_shared>>
        tpu.wait_indirect_dma semaphore(%run_scoped3A_784 : memref<!tpu.dma_semaphore, #tpu.memory_space<semaphore_mem>>) src(%arg13 : memref<80x128xf32, #tpu.memory_space<vmem>>) dst(%dma_wait3A_796 : memref<10240x128xf32, #tpu.memory_space<vmem_shared>>)
        tpu.yield
      }) : () -> ()
      %dma_start3A_643 = arith.constant 17 : i32
      %dma_start3A_644 = arith.constant 0 : i32
      %dma_start3A_645 = tpu.memref_slice %arg9[%dma_start3A_643, %dma_start3A_644] : memref<25x80xi32, #tpu.memory_space<vmem>> -> memref<1x80xi32, #tpu.memory_space<vmem>>
      %dma_start3A_646 = tpu.memref_squeeze %dma_start3A_645 : memref<1x80xi32, #tpu.memory_space<vmem>> -> memref<80xi32, #tpu.memory_space<vmem>>
      %dma_start3A_647 = arith.constant 0 : i32
      %dma_start3A_648 = arith.constant 0 : i32
      %dma_start3A_649 = tpu.memref_slice %arg2[%dma_start3A_647, %dma_start3A_648] : memref<20000x128xf32, #tpu.memory_space<hbm>> -> memref<20000x128xf32, #tpu.memory_space<hbm>>
      tpu.enqueue_indirect_dma source(%dma_start3A_649 : memref<20000x128xf32, #tpu.memory_space<hbm>>) target(%arg13 : memref<80x128xf32, #tpu.memory_space<vmem>>) offsets(%dma_start3A_646 : memref<80xi32, #tpu.memory_space<vmem>>) semaphore(%arg17 : memref<!tpu.dma_semaphore, #tpu.memory_space<semaphore_mem>>)
      %dma_wait3A_650 = arith.constant 15 : i32
      %dma_wait3A_651 = arith.constant 0 : i32
      %dma_wait3A_652 = tpu.memref_slice %arg9[%dma_wait3A_650, %dma_wait3A_651] : memref<25x80xi32, #tpu.memory_space<vmem>> -> memref<1x80xi32, #tpu.memory_space<vmem>>
      %dma_wait3A_653 = tpu.memref_squeeze %dma_wait3A_652 : memref<1x80xi32, #tpu.memory_space<vmem>> -> memref<80xi32, #tpu.memory_space<vmem>>
      %dma_wait3A_654 = arith.constant 0 : i32
      %dma_wait3A_655 = arith.constant 0 : i32
      %dma_wait3A_656 = tpu.memref_slice %arg2[%dma_wait3A_654, %dma_wait3A_655] : memref<20000x128xf32, #tpu.memory_space<hbm>> -> memref<20000x128xf32, #tpu.memory_space<hbm>>
      tpu.wait_indirect_dma semaphore(%arg15 : memref<!tpu.dma_semaphore, #tpu.memory_space<semaphore_mem>>) src(%dma_wait3A_656 : memref<20000x128xf32, #tpu.memory_space<hbm>>) dst(%arg11 : memref<80x128xf32, #tpu.memory_space<vmem>>)
      %run_scoped3A_657 = arith.constant 15 : i32
      "tpu.region"() ({
        %run_scoped3A_784 = tpu.sem_alloc : memref<!tpu.dma_semaphore, #tpu.memory_space<semaphore_mem>>
        %dma_start3A_785 = arith.constant 0 : i32
        %dma_start3A_786 = tpu.memref_slice %arg10[%run_scoped3A_657, %dma_start3A_785] : memref<25x80xi32, #tpu.memory_space<vmem>> -> memref<1x80xi32, #tpu.memory_space<vmem>>
        %dma_start3A_787 = tpu.memref_squeeze %dma_start3A_786 : memref<1x80xi32, #tpu.memory_space<vmem>> -> memref<80xi32, #tpu.memory_space<vmem>>
        %dma_start3A_788 = arith.constant 0 : i32
        %dma_start3A_789 = arith.constant 0 : i32
        %dma_start3A_790 = tpu.memref_slice %arg14[%dma_start3A_788, %dma_start3A_789] : memref<10240x128xf32, #tpu.memory_space<vmem_shared>> -> memref<10240x128xf32, #tpu.memory_space<vmem_shared>>
        tpu.enqueue_indirect_dma source(%arg11 : memref<80x128xf32, #tpu.memory_space<vmem>>) target(%dma_start3A_790 : memref<10240x128xf32, #tpu.memory_space<vmem_shared>>) offsets(%dma_start3A_787 : memref<80xi32, #tpu.memory_space<vmem>>) semaphore(%run_scoped3A_784 : memref<!tpu.dma_semaphore, #tpu.memory_space<semaphore_mem>>) {add = true}
        %dma_wait3A_791 = arith.constant 0 : i32
        %dma_wait3A_792 = tpu.memref_slice %arg10[%run_scoped3A_657, %dma_wait3A_791] : memref<25x80xi32, #tpu.memory_space<vmem>> -> memref<1x80xi32, #tpu.memory_space<vmem>>
        %dma_wait3A_793 = tpu.memref_squeeze %dma_wait3A_792 : memref<1x80xi32, #tpu.memory_space<vmem>> -> memref<80xi32, #tpu.memory_space<vmem>>
        %dma_wait3A_794 = arith.constant 0 : i32
        %dma_wait3A_795 = arith.constant 0 : i32
        %dma_wait3A_796 = tpu.memref_slice %arg14[%dma_wait3A_794, %dma_wait3A_795] : memref<10240x128xf32, #tpu.memory_space<vmem_shared>> -> memref<10240x128xf32, #tpu.memory_space<vmem_shared>>
        tpu.wait_indirect_dma semaphore(%run_scoped3A_784 : memref<!tpu.dma_semaphore, #tpu.memory_space<semaphore_mem>>) src(%arg11 : memref<80x128xf32, #tpu.memory_space<vmem>>) dst(%dma_wait3A_796 : memref<10240x128xf32, #tpu.memory_space<vmem_shared>>)
        tpu.yield
      }) : () -> ()
      %dma_start3A_658 = arith.constant 18 : i32
      %dma_start3A_659 = arith.constant 0 : i32
      %dma_start3A_660 = tpu.memref_slice %arg9[%dma_start3A_658, %dma_start3A_659] : memref<25x80xi32, #tpu.memory_space<vmem>> -> memref<1x80xi32, #tpu.memory_space<vmem>>
      %dma_start3A_661 = tpu.memref_squeeze %dma_start3A_660 : memref<1x80xi32, #tpu.memory_space<vmem>> -> memref<80xi32, #tpu.memory_space<vmem>>
      %dma_start3A_662 = arith.constant 0 : i32
      %dma_start3A_663 = arith.constant 0 : i32
      %dma_start3A_664 = tpu.memref_slice %arg2[%dma_start3A_662, %dma_start3A_663] : memref<20000x128xf32, #tpu.memory_space<hbm>> -> memref<20000x128xf32, #tpu.memory_space<hbm>>
      tpu.enqueue_indirect_dma source(%dma_start3A_664 : memref<20000x128xf32, #tpu.memory_space<hbm>>) target(%arg11 : memref<80x128xf32, #tpu.memory_space<vmem>>) offsets(%dma_start3A_661 : memref<80xi32, #tpu.memory_space<vmem>>) semaphore(%arg15 : memref<!tpu.dma_semaphore, #tpu.memory_space<semaphore_mem>>)
      %dma_wait3A_665 = arith.constant 16 : i32
      %dma_wait3A_666 = arith.constant 0 : i32
      %dma_wait3A_667 = tpu.memref_slice %arg9[%dma_wait3A_665, %dma_wait3A_666] : memref<25x80xi32, #tpu.memory_space<vmem>> -> memref<1x80xi32, #tpu.memory_space<vmem>>
      %dma_wait3A_668 = tpu.memref_squeeze %dma_wait3A_667 : memref<1x80xi32, #tpu.memory_space<vmem>> -> memref<80xi32, #tpu.memory_space<vmem>>
      %dma_wait3A_669 = arith.constant 0 : i32
      %dma_wait3A_670 = arith.constant 0 : i32
      %dma_wait3A_671 = tpu.memref_slice %arg2[%dma_wait3A_669, %dma_wait3A_670] : memref<20000x128xf32, #tpu.memory_space<hbm>> -> memref<20000x128xf32, #tpu.memory_space<hbm>>
      tpu.wait_indirect_dma semaphore(%arg16 : memref<!tpu.dma_semaphore, #tpu.memory_space<semaphore_mem>>) src(%dma_wait3A_671 : memref<20000x128xf32, #tpu.memory_space<hbm>>) dst(%arg12 : memref<80x128xf32, #tpu.memory_space<vmem>>)
      %run_scoped3A_672 = arith.constant 16 : i32
      "tpu.region"() ({
        %run_scoped3A_784 = tpu.sem_alloc : memref<!tpu.dma_semaphore, #tpu.memory_space<semaphore_mem>>
        %dma_start3A_785 = arith.constant 0 : i32
        %dma_start3A_786 = tpu.memref_slice %arg10[%run_scoped3A_672, %dma_start3A_785] : memref<25x80xi32, #tpu.memory_space<vmem>> -> memref<1x80xi32, #tpu.memory_space<vmem>>
        %dma_start3A_787 = tpu.memref_squeeze %dma_start3A_786 : memref<1x80xi32, #tpu.memory_space<vmem>> -> memref<80xi32, #tpu.memory_space<vmem>>
        %dma_start3A_788 = arith.constant 0 : i32
        %dma_start3A_789 = arith.constant 0 : i32
        %dma_start3A_790 = tpu.memref_slice %arg14[%dma_start3A_788, %dma_start3A_789] : memref<10240x128xf32, #tpu.memory_space<vmem_shared>> -> memref<10240x128xf32, #tpu.memory_space<vmem_shared>>
        tpu.enqueue_indirect_dma source(%arg12 : memref<80x128xf32, #tpu.memory_space<vmem>>) target(%dma_start3A_790 : memref<10240x128xf32, #tpu.memory_space<vmem_shared>>) offsets(%dma_start3A_787 : memref<80xi32, #tpu.memory_space<vmem>>) semaphore(%run_scoped3A_784 : memref<!tpu.dma_semaphore, #tpu.memory_space<semaphore_mem>>) {add = true}
        %dma_wait3A_791 = arith.constant 0 : i32
        %dma_wait3A_792 = tpu.memref_slice %arg10[%run_scoped3A_672, %dma_wait3A_791] : memref<25x80xi32, #tpu.memory_space<vmem>> -> memref<1x80xi32, #tpu.memory_space<vmem>>
        %dma_wait3A_793 = tpu.memref_squeeze %dma_wait3A_792 : memref<1x80xi32, #tpu.memory_space<vmem>> -> memref<80xi32, #tpu.memory_space<vmem>>
        %dma_wait3A_794 = arith.constant 0 : i32
        %dma_wait3A_795 = arith.constant 0 : i32
        %dma_wait3A_796 = tpu.memref_slice %arg14[%dma_wait3A_794, %dma_wait3A_795] : memref<10240x128xf32, #tpu.memory_space<vmem_shared>> -> memref<10240x128xf32, #tpu.memory_space<vmem_shared>>
        tpu.wait_indirect_dma semaphore(%run_scoped3A_784 : memref<!tpu.dma_semaphore, #tpu.memory_space<semaphore_mem>>) src(%arg12 : memref<80x128xf32, #tpu.memory_space<vmem>>) dst(%dma_wait3A_796 : memref<10240x128xf32, #tpu.memory_space<vmem_shared>>)
        tpu.yield
      }) : () -> ()
      %dma_start3A_673 = arith.constant 19 : i32
      %dma_start3A_674 = arith.constant 0 : i32
      %dma_start3A_675 = tpu.memref_slice %arg9[%dma_start3A_673, %dma_start3A_674] : memref<25x80xi32, #tpu.memory_space<vmem>> -> memref<1x80xi32, #tpu.memory_space<vmem>>
      %dma_start3A_676 = tpu.memref_squeeze %dma_start3A_675 : memref<1x80xi32, #tpu.memory_space<vmem>> -> memref<80xi32, #tpu.memory_space<vmem>>
      %dma_start3A_677 = arith.constant 0 : i32
      %dma_start3A_678 = arith.constant 0 : i32
      %dma_start3A_679 = tpu.memref_slice %arg2[%dma_start3A_677, %dma_start3A_678] : memref<20000x128xf32, #tpu.memory_space<hbm>> -> memref<20000x128xf32, #tpu.memory_space<hbm>>
      tpu.enqueue_indirect_dma source(%dma_start3A_679 : memref<20000x128xf32, #tpu.memory_space<hbm>>) target(%arg12 : memref<80x128xf32, #tpu.memory_space<vmem>>) offsets(%dma_start3A_676 : memref<80xi32, #tpu.memory_space<vmem>>) semaphore(%arg16 : memref<!tpu.dma_semaphore, #tpu.memory_space<semaphore_mem>>)
      %dma_wait3A_680 = arith.constant 17 : i32
      %dma_wait3A_681 = arith.constant 0 : i32
      %dma_wait3A_682 = tpu.memref_slice %arg9[%dma_wait3A_680, %dma_wait3A_681] : memref<25x80xi32, #tpu.memory_space<vmem>> -> memref<1x80xi32, #tpu.memory_space<vmem>>
      %dma_wait3A_683 = tpu.memref_squeeze %dma_wait3A_682 : memref<1x80xi32, #tpu.memory_space<vmem>> -> memref<80xi32, #tpu.memory_space<vmem>>
      %dma_wait3A_684 = arith.constant 0 : i32
      %dma_wait3A_685 = arith.constant 0 : i32
      %dma_wait3A_686 = tpu.memref_slice %arg2[%dma_wait3A_684, %dma_wait3A_685] : memref<20000x128xf32, #tpu.memory_space<hbm>> -> memref<20000x128xf32, #tpu.memory_space<hbm>>
      tpu.wait_indirect_dma semaphore(%arg17 : memref<!tpu.dma_semaphore, #tpu.memory_space<semaphore_mem>>) src(%dma_wait3A_686 : memref<20000x128xf32, #tpu.memory_space<hbm>>) dst(%arg13 : memref<80x128xf32, #tpu.memory_space<vmem>>)
      %run_scoped3A_687 = arith.constant 17 : i32
      "tpu.region"() ({
        %run_scoped3A_784 = tpu.sem_alloc : memref<!tpu.dma_semaphore, #tpu.memory_space<semaphore_mem>>
        %dma_start3A_785 = arith.constant 0 : i32
        %dma_start3A_786 = tpu.memref_slice %arg10[%run_scoped3A_687, %dma_start3A_785] : memref<25x80xi32, #tpu.memory_space<vmem>> -> memref<1x80xi32, #tpu.memory_space<vmem>>
        %dma_start3A_787 = tpu.memref_squeeze %dma_start3A_786 : memref<1x80xi32, #tpu.memory_space<vmem>> -> memref<80xi32, #tpu.memory_space<vmem>>
        %dma_start3A_788 = arith.constant 0 : i32
        %dma_start3A_789 = arith.constant 0 : i32
        %dma_start3A_790 = tpu.memref_slice %arg14[%dma_start3A_788, %dma_start3A_789] : memref<10240x128xf32, #tpu.memory_space<vmem_shared>> -> memref<10240x128xf32, #tpu.memory_space<vmem_shared>>
        tpu.enqueue_indirect_dma source(%arg13 : memref<80x128xf32, #tpu.memory_space<vmem>>) target(%dma_start3A_790 : memref<10240x128xf32, #tpu.memory_space<vmem_shared>>) offsets(%dma_start3A_787 : memref<80xi32, #tpu.memory_space<vmem>>) semaphore(%run_scoped3A_784 : memref<!tpu.dma_semaphore, #tpu.memory_space<semaphore_mem>>) {add = true}
        %dma_wait3A_791 = arith.constant 0 : i32
        %dma_wait3A_792 = tpu.memref_slice %arg10[%run_scoped3A_687, %dma_wait3A_791] : memref<25x80xi32, #tpu.memory_space<vmem>> -> memref<1x80xi32, #tpu.memory_space<vmem>>
        %dma_wait3A_793 = tpu.memref_squeeze %dma_wait3A_792 : memref<1x80xi32, #tpu.memory_space<vmem>> -> memref<80xi32, #tpu.memory_space<vmem>>
        %dma_wait3A_794 = arith.constant 0 : i32
        %dma_wait3A_795 = arith.constant 0 : i32
        %dma_wait3A_796 = tpu.memref_slice %arg14[%dma_wait3A_794, %dma_wait3A_795] : memref<10240x128xf32, #tpu.memory_space<vmem_shared>> -> memref<10240x128xf32, #tpu.memory_space<vmem_shared>>
        tpu.wait_indirect_dma semaphore(%run_scoped3A_784 : memref<!tpu.dma_semaphore, #tpu.memory_space<semaphore_mem>>) src(%arg13 : memref<80x128xf32, #tpu.memory_space<vmem>>) dst(%dma_wait3A_796 : memref<10240x128xf32, #tpu.memory_space<vmem_shared>>)
        tpu.yield
      }) : () -> ()
      %dma_start3A_688 = arith.constant 20 : i32
      %dma_start3A_689 = arith.constant 0 : i32
      %dma_start3A_690 = tpu.memref_slice %arg9[%dma_start3A_688, %dma_start3A_689] : memref<25x80xi32, #tpu.memory_space<vmem>> -> memref<1x80xi32, #tpu.memory_space<vmem>>
      %dma_start3A_691 = tpu.memref_squeeze %dma_start3A_690 : memref<1x80xi32, #tpu.memory_space<vmem>> -> memref<80xi32, #tpu.memory_space<vmem>>
      %dma_start3A_692 = arith.constant 0 : i32
      %dma_start3A_693 = arith.constant 0 : i32
      %dma_start3A_694 = tpu.memref_slice %arg2[%dma_start3A_692, %dma_start3A_693] : memref<20000x128xf32, #tpu.memory_space<hbm>> -> memref<20000x128xf32, #tpu.memory_space<hbm>>
      tpu.enqueue_indirect_dma source(%dma_start3A_694 : memref<20000x128xf32, #tpu.memory_space<hbm>>) target(%arg13 : memref<80x128xf32, #tpu.memory_space<vmem>>) offsets(%dma_start3A_691 : memref<80xi32, #tpu.memory_space<vmem>>) semaphore(%arg17 : memref<!tpu.dma_semaphore, #tpu.memory_space<semaphore_mem>>)
      %dma_wait3A_695 = arith.constant 18 : i32
      %dma_wait3A_696 = arith.constant 0 : i32
      %dma_wait3A_697 = tpu.memref_slice %arg9[%dma_wait3A_695, %dma_wait3A_696] : memref<25x80xi32, #tpu.memory_space<vmem>> -> memref<1x80xi32, #tpu.memory_space<vmem>>
      %dma_wait3A_698 = tpu.memref_squeeze %dma_wait3A_697 : memref<1x80xi32, #tpu.memory_space<vmem>> -> memref<80xi32, #tpu.memory_space<vmem>>
      %dma_wait3A_699 = arith.constant 0 : i32
      %dma_wait3A_700 = arith.constant 0 : i32
      %dma_wait3A_701 = tpu.memref_slice %arg2[%dma_wait3A_699, %dma_wait3A_700] : memref<20000x128xf32, #tpu.memory_space<hbm>> -> memref<20000x128xf32, #tpu.memory_space<hbm>>
      tpu.wait_indirect_dma semaphore(%arg15 : memref<!tpu.dma_semaphore, #tpu.memory_space<semaphore_mem>>) src(%dma_wait3A_701 : memref<20000x128xf32, #tpu.memory_space<hbm>>) dst(%arg11 : memref<80x128xf32, #tpu.memory_space<vmem>>)
      %run_scoped3A_702 = arith.constant 18 : i32
      "tpu.region"() ({
        %run_scoped3A_784 = tpu.sem_alloc : memref<!tpu.dma_semaphore, #tpu.memory_space<semaphore_mem>>
        %dma_start3A_785 = arith.constant 0 : i32
        %dma_start3A_786 = tpu.memref_slice %arg10[%run_scoped3A_702, %dma_start3A_785] : memref<25x80xi32, #tpu.memory_space<vmem>> -> memref<1x80xi32, #tpu.memory_space<vmem>>
        %dma_start3A_787 = tpu.memref_squeeze %dma_start3A_786 : memref<1x80xi32, #tpu.memory_space<vmem>> -> memref<80xi32, #tpu.memory_space<vmem>>
        %dma_start3A_788 = arith.constant 0 : i32
        %dma_start3A_789 = arith.constant 0 : i32
        %dma_start3A_790 = tpu.memref_slice %arg14[%dma_start3A_788, %dma_start3A_789] : memref<10240x128xf32, #tpu.memory_space<vmem_shared>> -> memref<10240x128xf32, #tpu.memory_space<vmem_shared>>
        tpu.enqueue_indirect_dma source(%arg11 : memref<80x128xf32, #tpu.memory_space<vmem>>) target(%dma_start3A_790 : memref<10240x128xf32, #tpu.memory_space<vmem_shared>>) offsets(%dma_start3A_787 : memref<80xi32, #tpu.memory_space<vmem>>) semaphore(%run_scoped3A_784 : memref<!tpu.dma_semaphore, #tpu.memory_space<semaphore_mem>>) {add = true}
        %dma_wait3A_791 = arith.constant 0 : i32
        %dma_wait3A_792 = tpu.memref_slice %arg10[%run_scoped3A_702, %dma_wait3A_791] : memref<25x80xi32, #tpu.memory_space<vmem>> -> memref<1x80xi32, #tpu.memory_space<vmem>>
        %dma_wait3A_793 = tpu.memref_squeeze %dma_wait3A_792 : memref<1x80xi32, #tpu.memory_space<vmem>> -> memref<80xi32, #tpu.memory_space<vmem>>
        %dma_wait3A_794 = arith.constant 0 : i32
        %dma_wait3A_795 = arith.constant 0 : i32
        %dma_wait3A_796 = tpu.memref_slice %arg14[%dma_wait3A_794, %dma_wait3A_795] : memref<10240x128xf32, #tpu.memory_space<vmem_shared>> -> memref<10240x128xf32, #tpu.memory_space<vmem_shared>>
        tpu.wait_indirect_dma semaphore(%run_scoped3A_784 : memref<!tpu.dma_semaphore, #tpu.memory_space<semaphore_mem>>) src(%arg11 : memref<80x128xf32, #tpu.memory_space<vmem>>) dst(%dma_wait3A_796 : memref<10240x128xf32, #tpu.memory_space<vmem_shared>>)
        tpu.yield
      }) : () -> ()
      %dma_start3A_703 = arith.constant 21 : i32
      %dma_start3A_704 = arith.constant 0 : i32
      %dma_start3A_705 = tpu.memref_slice %arg9[%dma_start3A_703, %dma_start3A_704] : memref<25x80xi32, #tpu.memory_space<vmem>> -> memref<1x80xi32, #tpu.memory_space<vmem>>
      %dma_start3A_706 = tpu.memref_squeeze %dma_start3A_705 : memref<1x80xi32, #tpu.memory_space<vmem>> -> memref<80xi32, #tpu.memory_space<vmem>>
      %dma_start3A_707 = arith.constant 0 : i32
      %dma_start3A_708 = arith.constant 0 : i32
      %dma_start3A_709 = tpu.memref_slice %arg2[%dma_start3A_707, %dma_start3A_708] : memref<20000x128xf32, #tpu.memory_space<hbm>> -> memref<20000x128xf32, #tpu.memory_space<hbm>>
      tpu.enqueue_indirect_dma source(%dma_start3A_709 : memref<20000x128xf32, #tpu.memory_space<hbm>>) target(%arg11 : memref<80x128xf32, #tpu.memory_space<vmem>>) offsets(%dma_start3A_706 : memref<80xi32, #tpu.memory_space<vmem>>) semaphore(%arg15 : memref<!tpu.dma_semaphore, #tpu.memory_space<semaphore_mem>>)
      %dma_wait3A_710 = arith.constant 19 : i32
      %dma_wait3A_711 = arith.constant 0 : i32
      %dma_wait3A_712 = tpu.memref_slice %arg9[%dma_wait3A_710, %dma_wait3A_711] : memref<25x80xi32, #tpu.memory_space<vmem>> -> memref<1x80xi32, #tpu.memory_space<vmem>>
      %dma_wait3A_713 = tpu.memref_squeeze %dma_wait3A_712 : memref<1x80xi32, #tpu.memory_space<vmem>> -> memref<80xi32, #tpu.memory_space<vmem>>
      %dma_wait3A_714 = arith.constant 0 : i32
      %dma_wait3A_715 = arith.constant 0 : i32
      %dma_wait3A_716 = tpu.memref_slice %arg2[%dma_wait3A_714, %dma_wait3A_715] : memref<20000x128xf32, #tpu.memory_space<hbm>> -> memref<20000x128xf32, #tpu.memory_space<hbm>>
      tpu.wait_indirect_dma semaphore(%arg16 : memref<!tpu.dma_semaphore, #tpu.memory_space<semaphore_mem>>) src(%dma_wait3A_716 : memref<20000x128xf32, #tpu.memory_space<hbm>>) dst(%arg12 : memref<80x128xf32, #tpu.memory_space<vmem>>)
      %run_scoped3A_717 = arith.constant 19 : i32
      "tpu.region"() ({
        %run_scoped3A_784 = tpu.sem_alloc : memref<!tpu.dma_semaphore, #tpu.memory_space<semaphore_mem>>
        %dma_start3A_785 = arith.constant 0 : i32
        %dma_start3A_786 = tpu.memref_slice %arg10[%run_scoped3A_717, %dma_start3A_785] : memref<25x80xi32, #tpu.memory_space<vmem>> -> memref<1x80xi32, #tpu.memory_space<vmem>>
        %dma_start3A_787 = tpu.memref_squeeze %dma_start3A_786 : memref<1x80xi32, #tpu.memory_space<vmem>> -> memref<80xi32, #tpu.memory_space<vmem>>
        %dma_start3A_788 = arith.constant 0 : i32
        %dma_start3A_789 = arith.constant 0 : i32
        %dma_start3A_790 = tpu.memref_slice %arg14[%dma_start3A_788, %dma_start3A_789] : memref<10240x128xf32, #tpu.memory_space<vmem_shared>> -> memref<10240x128xf32, #tpu.memory_space<vmem_shared>>
        tpu.enqueue_indirect_dma source(%arg12 : memref<80x128xf32, #tpu.memory_space<vmem>>) target(%dma_start3A_790 : memref<10240x128xf32, #tpu.memory_space<vmem_shared>>) offsets(%dma_start3A_787 : memref<80xi32, #tpu.memory_space<vmem>>) semaphore(%run_scoped3A_784 : memref<!tpu.dma_semaphore, #tpu.memory_space<semaphore_mem>>) {add = true}
        %dma_wait3A_791 = arith.constant 0 : i32
        %dma_wait3A_792 = tpu.memref_slice %arg10[%run_scoped3A_717, %dma_wait3A_791] : memref<25x80xi32, #tpu.memory_space<vmem>> -> memref<1x80xi32, #tpu.memory_space<vmem>>
        %dma_wait3A_793 = tpu.memref_squeeze %dma_wait3A_792 : memref<1x80xi32, #tpu.memory_space<vmem>> -> memref<80xi32, #tpu.memory_space<vmem>>
        %dma_wait3A_794 = arith.constant 0 : i32
        %dma_wait3A_795 = arith.constant 0 : i32
        %dma_wait3A_796 = tpu.memref_slice %arg14[%dma_wait3A_794, %dma_wait3A_795] : memref<10240x128xf32, #tpu.memory_space<vmem_shared>> -> memref<10240x128xf32, #tpu.memory_space<vmem_shared>>
        tpu.wait_indirect_dma semaphore(%run_scoped3A_784 : memref<!tpu.dma_semaphore, #tpu.memory_space<semaphore_mem>>) src(%arg12 : memref<80x128xf32, #tpu.memory_space<vmem>>) dst(%dma_wait3A_796 : memref<10240x128xf32, #tpu.memory_space<vmem_shared>>)
        tpu.yield
      }) : () -> ()
      %dma_start3A_718 = arith.constant 22 : i32
      %dma_start3A_719 = arith.constant 0 : i32
      %dma_start3A_720 = tpu.memref_slice %arg9[%dma_start3A_718, %dma_start3A_719] : memref<25x80xi32, #tpu.memory_space<vmem>> -> memref<1x80xi32, #tpu.memory_space<vmem>>
      %dma_start3A_721 = tpu.memref_squeeze %dma_start3A_720 : memref<1x80xi32, #tpu.memory_space<vmem>> -> memref<80xi32, #tpu.memory_space<vmem>>
      %dma_start3A_722 = arith.constant 0 : i32
      %dma_start3A_723 = arith.constant 0 : i32
      %dma_start3A_724 = tpu.memref_slice %arg2[%dma_start3A_722, %dma_start3A_723] : memref<20000x128xf32, #tpu.memory_space<hbm>> -> memref<20000x128xf32, #tpu.memory_space<hbm>>
      tpu.enqueue_indirect_dma source(%dma_start3A_724 : memref<20000x128xf32, #tpu.memory_space<hbm>>) target(%arg12 : memref<80x128xf32, #tpu.memory_space<vmem>>) offsets(%dma_start3A_721 : memref<80xi32, #tpu.memory_space<vmem>>) semaphore(%arg16 : memref<!tpu.dma_semaphore, #tpu.memory_space<semaphore_mem>>)
      %dma_wait3A_725 = arith.constant 20 : i32
      %dma_wait3A_726 = arith.constant 0 : i32
      %dma_wait3A_727 = tpu.memref_slice %arg9[%dma_wait3A_725, %dma_wait3A_726] : memref<25x80xi32, #tpu.memory_space<vmem>> -> memref<1x80xi32, #tpu.memory_space<vmem>>
      %dma_wait3A_728 = tpu.memref_squeeze %dma_wait3A_727 : memref<1x80xi32, #tpu.memory_space<vmem>> -> memref<80xi32, #tpu.memory_space<vmem>>
      %dma_wait3A_729 = arith.constant 0 : i32
      %dma_wait3A_730 = arith.constant 0 : i32
      %dma_wait3A_731 = tpu.memref_slice %arg2[%dma_wait3A_729, %dma_wait3A_730] : memref<20000x128xf32, #tpu.memory_space<hbm>> -> memref<20000x128xf32, #tpu.memory_space<hbm>>
      tpu.wait_indirect_dma semaphore(%arg17 : memref<!tpu.dma_semaphore, #tpu.memory_space<semaphore_mem>>) src(%dma_wait3A_731 : memref<20000x128xf32, #tpu.memory_space<hbm>>) dst(%arg13 : memref<80x128xf32, #tpu.memory_space<vmem>>)
      %run_scoped3A_732 = arith.constant 20 : i32
      "tpu.region"() ({
        %run_scoped3A_784 = tpu.sem_alloc : memref<!tpu.dma_semaphore, #tpu.memory_space<semaphore_mem>>
        %dma_start3A_785 = arith.constant 0 : i32
        %dma_start3A_786 = tpu.memref_slice %arg10[%run_scoped3A_732, %dma_start3A_785] : memref<25x80xi32, #tpu.memory_space<vmem>> -> memref<1x80xi32, #tpu.memory_space<vmem>>
        %dma_start3A_787 = tpu.memref_squeeze %dma_start3A_786 : memref<1x80xi32, #tpu.memory_space<vmem>> -> memref<80xi32, #tpu.memory_space<vmem>>
        %dma_start3A_788 = arith.constant 0 : i32
        %dma_start3A_789 = arith.constant 0 : i32
        %dma_start3A_790 = tpu.memref_slice %arg14[%dma_start3A_788, %dma_start3A_789] : memref<10240x128xf32, #tpu.memory_space<vmem_shared>> -> memref<10240x128xf32, #tpu.memory_space<vmem_shared>>
        tpu.enqueue_indirect_dma source(%arg13 : memref<80x128xf32, #tpu.memory_space<vmem>>) target(%dma_start3A_790 : memref<10240x128xf32, #tpu.memory_space<vmem_shared>>) offsets(%dma_start3A_787 : memref<80xi32, #tpu.memory_space<vmem>>) semaphore(%run_scoped3A_784 : memref<!tpu.dma_semaphore, #tpu.memory_space<semaphore_mem>>) {add = true}
        %dma_wait3A_791 = arith.constant 0 : i32
        %dma_wait3A_792 = tpu.memref_slice %arg10[%run_scoped3A_732, %dma_wait3A_791] : memref<25x80xi32, #tpu.memory_space<vmem>> -> memref<1x80xi32, #tpu.memory_space<vmem>>
        %dma_wait3A_793 = tpu.memref_squeeze %dma_wait3A_792 : memref<1x80xi32, #tpu.memory_space<vmem>> -> memref<80xi32, #tpu.memory_space<vmem>>
        %dma_wait3A_794 = arith.constant 0 : i32
        %dma_wait3A_795 = arith.constant 0 : i32
        %dma_wait3A_796 = tpu.memref_slice %arg14[%dma_wait3A_794, %dma_wait3A_795] : memref<10240x128xf32, #tpu.memory_space<vmem_shared>> -> memref<10240x128xf32, #tpu.memory_space<vmem_shared>>
        tpu.wait_indirect_dma semaphore(%run_scoped3A_784 : memref<!tpu.dma_semaphore, #tpu.memory_space<semaphore_mem>>) src(%arg13 : memref<80x128xf32, #tpu.memory_space<vmem>>) dst(%dma_wait3A_796 : memref<10240x128xf32, #tpu.memory_space<vmem_shared>>)
        tpu.yield
      }) : () -> ()
      %dma_start3A_733 = arith.constant 23 : i32
      %dma_start3A_734 = arith.constant 0 : i32
      %dma_start3A_735 = tpu.memref_slice %arg9[%dma_start3A_733, %dma_start3A_734] : memref<25x80xi32, #tpu.memory_space<vmem>> -> memref<1x80xi32, #tpu.memory_space<vmem>>
      %dma_start3A_736 = tpu.memref_squeeze %dma_start3A_735 : memref<1x80xi32, #tpu.memory_space<vmem>> -> memref<80xi32, #tpu.memory_space<vmem>>
      %dma_start3A_737 = arith.constant 0 : i32
      %dma_start3A_738 = arith.constant 0 : i32
      %dma_start3A_739 = tpu.memref_slice %arg2[%dma_start3A_737, %dma_start3A_738] : memref<20000x128xf32, #tpu.memory_space<hbm>> -> memref<20000x128xf32, #tpu.memory_space<hbm>>
      tpu.enqueue_indirect_dma source(%dma_start3A_739 : memref<20000x128xf32, #tpu.memory_space<hbm>>) target(%arg13 : memref<80x128xf32, #tpu.memory_space<vmem>>) offsets(%dma_start3A_736 : memref<80xi32, #tpu.memory_space<vmem>>) semaphore(%arg17 : memref<!tpu.dma_semaphore, #tpu.memory_space<semaphore_mem>>)
      %dma_wait3A_740 = arith.constant 21 : i32
      %dma_wait3A_741 = arith.constant 0 : i32
      %dma_wait3A_742 = tpu.memref_slice %arg9[%dma_wait3A_740, %dma_wait3A_741] : memref<25x80xi32, #tpu.memory_space<vmem>> -> memref<1x80xi32, #tpu.memory_space<vmem>>
      %dma_wait3A_743 = tpu.memref_squeeze %dma_wait3A_742 : memref<1x80xi32, #tpu.memory_space<vmem>> -> memref<80xi32, #tpu.memory_space<vmem>>
      %dma_wait3A_744 = arith.constant 0 : i32
      %dma_wait3A_745 = arith.constant 0 : i32
      %dma_wait3A_746 = tpu.memref_slice %arg2[%dma_wait3A_744, %dma_wait3A_745] : memref<20000x128xf32, #tpu.memory_space<hbm>> -> memref<20000x128xf32, #tpu.memory_space<hbm>>
      tpu.wait_indirect_dma semaphore(%arg15 : memref<!tpu.dma_semaphore, #tpu.memory_space<semaphore_mem>>) src(%dma_wait3A_746 : memref<20000x128xf32, #tpu.memory_space<hbm>>) dst(%arg11 : memref<80x128xf32, #tpu.memory_space<vmem>>)
      %run_scoped3A_747 = arith.constant 21 : i32
      "tpu.region"() ({
        %run_scoped3A_784 = tpu.sem_alloc : memref<!tpu.dma_semaphore, #tpu.memory_space<semaphore_mem>>
        %dma_start3A_785 = arith.constant 0 : i32
        %dma_start3A_786 = tpu.memref_slice %arg10[%run_scoped3A_747, %dma_start3A_785] : memref<25x80xi32, #tpu.memory_space<vmem>> -> memref<1x80xi32, #tpu.memory_space<vmem>>
        %dma_start3A_787 = tpu.memref_squeeze %dma_start3A_786 : memref<1x80xi32, #tpu.memory_space<vmem>> -> memref<80xi32, #tpu.memory_space<vmem>>
        %dma_start3A_788 = arith.constant 0 : i32
        %dma_start3A_789 = arith.constant 0 : i32
        %dma_start3A_790 = tpu.memref_slice %arg14[%dma_start3A_788, %dma_start3A_789] : memref<10240x128xf32, #tpu.memory_space<vmem_shared>> -> memref<10240x128xf32, #tpu.memory_space<vmem_shared>>
        tpu.enqueue_indirect_dma source(%arg11 : memref<80x128xf32, #tpu.memory_space<vmem>>) target(%dma_start3A_790 : memref<10240x128xf32, #tpu.memory_space<vmem_shared>>) offsets(%dma_start3A_787 : memref<80xi32, #tpu.memory_space<vmem>>) semaphore(%run_scoped3A_784 : memref<!tpu.dma_semaphore, #tpu.memory_space<semaphore_mem>>) {add = true}
        %dma_wait3A_791 = arith.constant 0 : i32
        %dma_wait3A_792 = tpu.memref_slice %arg10[%run_scoped3A_747, %dma_wait3A_791] : memref<25x80xi32, #tpu.memory_space<vmem>> -> memref<1x80xi32, #tpu.memory_space<vmem>>
        %dma_wait3A_793 = tpu.memref_squeeze %dma_wait3A_792 : memref<1x80xi32, #tpu.memory_space<vmem>> -> memref<80xi32, #tpu.memory_space<vmem>>
        %dma_wait3A_794 = arith.constant 0 : i32
        %dma_wait3A_795 = arith.constant 0 : i32
        %dma_wait3A_796 = tpu.memref_slice %arg14[%dma_wait3A_794, %dma_wait3A_795] : memref<10240x128xf32, #tpu.memory_space<vmem_shared>> -> memref<10240x128xf32, #tpu.memory_space<vmem_shared>>
        tpu.wait_indirect_dma semaphore(%run_scoped3A_784 : memref<!tpu.dma_semaphore, #tpu.memory_space<semaphore_mem>>) src(%arg11 : memref<80x128xf32, #tpu.memory_space<vmem>>) dst(%dma_wait3A_796 : memref<10240x128xf32, #tpu.memory_space<vmem_shared>>)
        tpu.yield
      }) : () -> ()
      %dma_start3A_748 = arith.constant 24 : i32
      %dma_start3A_749 = arith.constant 0 : i32
      %dma_start3A_750 = tpu.memref_slice %arg9[%dma_start3A_748, %dma_start3A_749] : memref<25x80xi32, #tpu.memory_space<vmem>> -> memref<1x80xi32, #tpu.memory_space<vmem>>
      %dma_start3A_751 = tpu.memref_squeeze %dma_start3A_750 : memref<1x80xi32, #tpu.memory_space<vmem>> -> memref<80xi32, #tpu.memory_space<vmem>>
      %dma_start3A_752 = arith.constant 0 : i32
      %dma_start3A_753 = arith.constant 0 : i32
      %dma_start3A_754 = tpu.memref_slice %arg2[%dma_start3A_752, %dma_start3A_753] : memref<20000x128xf32, #tpu.memory_space<hbm>> -> memref<20000x128xf32, #tpu.memory_space<hbm>>
      tpu.enqueue_indirect_dma source(%dma_start3A_754 : memref<20000x128xf32, #tpu.memory_space<hbm>>) target(%arg11 : memref<80x128xf32, #tpu.memory_space<vmem>>) offsets(%dma_start3A_751 : memref<80xi32, #tpu.memory_space<vmem>>) semaphore(%arg15 : memref<!tpu.dma_semaphore, #tpu.memory_space<semaphore_mem>>)
      %dma_wait3A_755 = arith.constant 22 : i32
      %dma_wait3A_756 = arith.constant 0 : i32
      %dma_wait3A_757 = tpu.memref_slice %arg9[%dma_wait3A_755, %dma_wait3A_756] : memref<25x80xi32, #tpu.memory_space<vmem>> -> memref<1x80xi32, #tpu.memory_space<vmem>>
      %dma_wait3A_758 = tpu.memref_squeeze %dma_wait3A_757 : memref<1x80xi32, #tpu.memory_space<vmem>> -> memref<80xi32, #tpu.memory_space<vmem>>
      %dma_wait3A_759 = arith.constant 0 : i32
      %dma_wait3A_760 = arith.constant 0 : i32
      %dma_wait3A_761 = tpu.memref_slice %arg2[%dma_wait3A_759, %dma_wait3A_760] : memref<20000x128xf32, #tpu.memory_space<hbm>> -> memref<20000x128xf32, #tpu.memory_space<hbm>>
      tpu.wait_indirect_dma semaphore(%arg16 : memref<!tpu.dma_semaphore, #tpu.memory_space<semaphore_mem>>) src(%dma_wait3A_761 : memref<20000x128xf32, #tpu.memory_space<hbm>>) dst(%arg12 : memref<80x128xf32, #tpu.memory_space<vmem>>)
      %run_scoped3A_762 = arith.constant 22 : i32
      "tpu.region"() ({
        %run_scoped3A_784 = tpu.sem_alloc : memref<!tpu.dma_semaphore, #tpu.memory_space<semaphore_mem>>
        %dma_start3A_785 = arith.constant 0 : i32
        %dma_start3A_786 = tpu.memref_slice %arg10[%run_scoped3A_762, %dma_start3A_785] : memref<25x80xi32, #tpu.memory_space<vmem>> -> memref<1x80xi32, #tpu.memory_space<vmem>>
        %dma_start3A_787 = tpu.memref_squeeze %dma_start3A_786 : memref<1x80xi32, #tpu.memory_space<vmem>> -> memref<80xi32, #tpu.memory_space<vmem>>
        %dma_start3A_788 = arith.constant 0 : i32
        %dma_start3A_789 = arith.constant 0 : i32
        %dma_start3A_790 = tpu.memref_slice %arg14[%dma_start3A_788, %dma_start3A_789] : memref<10240x128xf32, #tpu.memory_space<vmem_shared>> -> memref<10240x128xf32, #tpu.memory_space<vmem_shared>>
        tpu.enqueue_indirect_dma source(%arg12 : memref<80x128xf32, #tpu.memory_space<vmem>>) target(%dma_start3A_790 : memref<10240x128xf32, #tpu.memory_space<vmem_shared>>) offsets(%dma_start3A_787 : memref<80xi32, #tpu.memory_space<vmem>>) semaphore(%run_scoped3A_784 : memref<!tpu.dma_semaphore, #tpu.memory_space<semaphore_mem>>) {add = true}
        %dma_wait3A_791 = arith.constant 0 : i32
        %dma_wait3A_792 = tpu.memref_slice %arg10[%run_scoped3A_762, %dma_wait3A_791] : memref<25x80xi32, #tpu.memory_space<vmem>> -> memref<1x80xi32, #tpu.memory_space<vmem>>
        %dma_wait3A_793 = tpu.memref_squeeze %dma_wait3A_792 : memref<1x80xi32, #tpu.memory_space<vmem>> -> memref<80xi32, #tpu.memory_space<vmem>>
        %dma_wait3A_794 = arith.constant 0 : i32
        %dma_wait3A_795 = arith.constant 0 : i32
        %dma_wait3A_796 = tpu.memref_slice %arg14[%dma_wait3A_794, %dma_wait3A_795] : memref<10240x128xf32, #tpu.memory_space<vmem_shared>> -> memref<10240x128xf32, #tpu.memory_space<vmem_shared>>
        tpu.wait_indirect_dma semaphore(%run_scoped3A_784 : memref<!tpu.dma_semaphore, #tpu.memory_space<semaphore_mem>>) src(%arg12 : memref<80x128xf32, #tpu.memory_space<vmem>>) dst(%dma_wait3A_796 : memref<10240x128xf32, #tpu.memory_space<vmem_shared>>)
        tpu.yield
      }) : () -> ()
      %dma_wait3A_763 = arith.constant 23 : i32
      %dma_wait3A_764 = arith.constant 0 : i32
      %dma_wait3A_765 = tpu.memref_slice %arg9[%dma_wait3A_763, %dma_wait3A_764] : memref<25x80xi32, #tpu.memory_space<vmem>> -> memref<1x80xi32, #tpu.memory_space<vmem>>
      %dma_wait3A_766 = tpu.memref_squeeze %dma_wait3A_765 : memref<1x80xi32, #tpu.memory_space<vmem>> -> memref<80xi32, #tpu.memory_space<vmem>>
      %dma_wait3A_767 = arith.constant 0 : i32
      %dma_wait3A_768 = arith.constant 0 : i32
      %dma_wait3A_769 = tpu.memref_slice %arg2[%dma_wait3A_767, %dma_wait3A_768] : memref<20000x128xf32, #tpu.memory_space<hbm>> -> memref<20000x128xf32, #tpu.memory_space<hbm>>
      tpu.wait_indirect_dma semaphore(%arg17 : memref<!tpu.dma_semaphore, #tpu.memory_space<semaphore_mem>>) src(%dma_wait3A_769 : memref<20000x128xf32, #tpu.memory_space<hbm>>) dst(%arg13 : memref<80x128xf32, #tpu.memory_space<vmem>>)
      %run_scoped3A_770 = arith.constant 23 : i32
      "tpu.region"() ({
        %run_scoped3A_784 = tpu.sem_alloc : memref<!tpu.dma_semaphore, #tpu.memory_space<semaphore_mem>>
        %dma_start3A_785 = arith.constant 0 : i32
        %dma_start3A_786 = tpu.memref_slice %arg10[%run_scoped3A_770, %dma_start3A_785] : memref<25x80xi32, #tpu.memory_space<vmem>> -> memref<1x80xi32, #tpu.memory_space<vmem>>
        %dma_start3A_787 = tpu.memref_squeeze %dma_start3A_786 : memref<1x80xi32, #tpu.memory_space<vmem>> -> memref<80xi32, #tpu.memory_space<vmem>>
        %dma_start3A_788 = arith.constant 0 : i32
        %dma_start3A_789 = arith.constant 0 : i32
        %dma_start3A_790 = tpu.memref_slice %arg14[%dma_start3A_788, %dma_start3A_789] : memref<10240x128xf32, #tpu.memory_space<vmem_shared>> -> memref<10240x128xf32, #tpu.memory_space<vmem_shared>>
        tpu.enqueue_indirect_dma source(%arg13 : memref<80x128xf32, #tpu.memory_space<vmem>>) target(%dma_start3A_790 : memref<10240x128xf32, #tpu.memory_space<vmem_shared>>) offsets(%dma_start3A_787 : memref<80xi32, #tpu.memory_space<vmem>>) semaphore(%run_scoped3A_784 : memref<!tpu.dma_semaphore, #tpu.memory_space<semaphore_mem>>) {add = true}
        %dma_wait3A_791 = arith.constant 0 : i32
        %dma_wait3A_792 = tpu.memref_slice %arg10[%run_scoped3A_770, %dma_wait3A_791] : memref<25x80xi32, #tpu.memory_space<vmem>> -> memref<1x80xi32, #tpu.memory_space<vmem>>
        %dma_wait3A_793 = tpu.memref_squeeze %dma_wait3A_792 : memref<1x80xi32, #tpu.memory_space<vmem>> -> memref<80xi32, #tpu.memory_space<vmem>>
        %dma_wait3A_794 = arith.constant 0 : i32
        %dma_wait3A_795 = arith.constant 0 : i32
        %dma_wait3A_796 = tpu.memref_slice %arg14[%dma_wait3A_794, %dma_wait3A_795] : memref<10240x128xf32, #tpu.memory_space<vmem_shared>> -> memref<10240x128xf32, #tpu.memory_space<vmem_shared>>
        tpu.wait_indirect_dma semaphore(%run_scoped3A_784 : memref<!tpu.dma_semaphore, #tpu.memory_space<semaphore_mem>>) src(%arg13 : memref<80x128xf32, #tpu.memory_space<vmem>>) dst(%dma_wait3A_796 : memref<10240x128xf32, #tpu.memory_space<vmem_shared>>)
        tpu.yield
      }) : () -> ()
      %dma_wait3A_771 = arith.constant 24 : i32
      %dma_wait3A_772 = arith.constant 0 : i32
      %dma_wait3A_773 = tpu.memref_slice %arg9[%dma_wait3A_771, %dma_wait3A_772] : memref<25x80xi32, #tpu.memory_space<vmem>> -> memref<1x80xi32, #tpu.memory_space<vmem>>
      %dma_wait3A_774 = tpu.memref_squeeze %dma_wait3A_773 : memref<1x80xi32, #tpu.memory_space<vmem>> -> memref<80xi32, #tpu.memory_space<vmem>>
      %dma_wait3A_775 = arith.constant 0 : i32
      %dma_wait3A_776 = arith.constant 0 : i32
      %dma_wait3A_777 = tpu.memref_slice %arg2[%dma_wait3A_775, %dma_wait3A_776] : memref<20000x128xf32, #tpu.memory_space<hbm>> -> memref<20000x128xf32, #tpu.memory_space<hbm>>
      tpu.wait_indirect_dma semaphore(%arg15 : memref<!tpu.dma_semaphore, #tpu.memory_space<semaphore_mem>>) src(%dma_wait3A_777 : memref<20000x128xf32, #tpu.memory_space<hbm>>) dst(%arg11 : memref<80x128xf32, #tpu.memory_space<vmem>>)
      %run_scoped3A_778 = arith.constant 24 : i32
      "tpu.region"() ({
        %run_scoped3A_784 = tpu.sem_alloc : memref<!tpu.dma_semaphore, #tpu.memory_space<semaphore_mem>>
        %dma_start3A_785 = arith.constant 0 : i32
        %dma_start3A_786 = tpu.memref_slice %arg10[%run_scoped3A_778, %dma_start3A_785] : memref<25x80xi32, #tpu.memory_space<vmem>> -> memref<1x80xi32, #tpu.memory_space<vmem>>
        %dma_start3A_787 = tpu.memref_squeeze %dma_start3A_786 : memref<1x80xi32, #tpu.memory_space<vmem>> -> memref<80xi32, #tpu.memory_space<vmem>>
        %dma_start3A_788 = arith.constant 0 : i32
        %dma_start3A_789 = arith.constant 0 : i32
        %dma_start3A_790 = tpu.memref_slice %arg14[%dma_start3A_788, %dma_start3A_789] : memref<10240x128xf32, #tpu.memory_space<vmem_shared>> -> memref<10240x128xf32, #tpu.memory_space<vmem_shared>>
        tpu.enqueue_indirect_dma source(%arg11 : memref<80x128xf32, #tpu.memory_space<vmem>>) target(%dma_start3A_790 : memref<10240x128xf32, #tpu.memory_space<vmem_shared>>) offsets(%dma_start3A_787 : memref<80xi32, #tpu.memory_space<vmem>>) semaphore(%run_scoped3A_784 : memref<!tpu.dma_semaphore, #tpu.memory_space<semaphore_mem>>) {add = true}
        %dma_wait3A_791 = arith.constant 0 : i32
        %dma_wait3A_792 = tpu.memref_slice %arg10[%run_scoped3A_778, %dma_wait3A_791] : memref<25x80xi32, #tpu.memory_space<vmem>> -> memref<1x80xi32, #tpu.memory_space<vmem>>
        %dma_wait3A_793 = tpu.memref_squeeze %dma_wait3A_792 : memref<1x80xi32, #tpu.memory_space<vmem>> -> memref<80xi32, #tpu.memory_space<vmem>>
        %dma_wait3A_794 = arith.constant 0 : i32
        %dma_wait3A_795 = arith.constant 0 : i32
        %dma_wait3A_796 = tpu.memref_slice %arg14[%dma_wait3A_794, %dma_wait3A_795] : memref<10240x128xf32, #tpu.memory_space<vmem_shared>> -> memref<10240x128xf32, #tpu.memory_space<vmem_shared>>
        tpu.wait_indirect_dma semaphore(%run_scoped3A_784 : memref<!tpu.dma_semaphore, #tpu.memory_space<semaphore_mem>>) src(%arg11 : memref<80x128xf32, #tpu.memory_space<vmem>>) dst(%dma_wait3A_796 : memref<10240x128xf32, #tpu.memory_space<vmem_shared>>)
        tpu.yield
      }) : () -> ()
      %lt3A_779 = arith.constant 10 : i32
      %lt3A_780 = arith.cmpi slt, %add3A_398, %lt3A_779 : i32
      %convert_element_type3A_781 = arith.extui %lt3A_780 : i1 to i32
      %cond3A_782 = arith.constant 0 : i32
      %cond3A_783 = arith.cmpi ne, %convert_element_type3A_781, %cond3A_782 : i32
      scf.if %cond3A_783 {
        %dma_wait3A_784 = arith.constant 0 : i32
        %dma_wait3A_785 = arith.constant 0 : i32
        %dma_wait3A_786 = tpu.memref_slice %arg3[%arg0, %arg1, %add3A_398, %dma_wait3A_784, %dma_wait3A_785] : memref<2x16x10x25x80xi32, #tpu.memory_space<hbm>> -> memref<1x1x1x25x80xi32, #tpu.memory_space<hbm>>
        %dma_wait3A_787 = tpu.memref_squeeze %dma_wait3A_786 : memref<1x1x1x25x80xi32, #tpu.memory_space<hbm>> -> memref<25x80xi32, #tpu.memory_space<hbm>>
        %dma_wait3A_788 = arith.constant 0 : i32
        %dma_wait3A_789 = arith.constant 0 : i32
        %dma_wait3A_790 = tpu.memref_slice %arg3[%arg0, %arg1, %add3A_398, %dma_wait3A_788, %dma_wait3A_789] : memref<2x16x10x25x80xi32, #tpu.memory_space<hbm>> -> memref<1x1x1x25x80xi32, #tpu.memory_space<hbm>>
        %dma_wait3A_791 = tpu.memref_squeeze %dma_wait3A_790 : memref<1x1x1x25x80xi32, #tpu.memory_space<hbm>> -> memref<25x80xi32, #tpu.memory_space<hbm>>
        tpu.wait_dma2 semaphore(%arg18 : memref<!tpu.dma_semaphore, #tpu.memory_space<semaphore_mem>>) src(%dma_wait3A_791 : memref<25x80xi32, #tpu.memory_space<hbm>>) dst(%arg7 : memref<25x80xi32, #tpu.memory_space<vmem>>)
        %dma_wait3A_792 = arith.constant 0 : i32
        %dma_wait3A_793 = arith.constant 0 : i32
        %dma_wait3A_794 = tpu.memref_slice %arg4[%arg0, %arg1, %add3A_398, %dma_wait3A_792, %dma_wait3A_793] : memref<2x16x10x25x80xi32, #tpu.memory_space<hbm>> -> memref<1x1x1x25x80xi32, #tpu.memory_space<hbm>>
        %dma_wait3A_795 = tpu.memref_squeeze %dma_wait3A_794 : memref<1x1x1x25x80xi32, #tpu.memory_space<hbm>> -> memref<25x80xi32, #tpu.memory_space<hbm>>
        %dma_wait3A_796 = arith.constant 0 : i32
        %dma_wait3A_797 = arith.constant 0 : i32
        %dma_wait3A_798 = tpu.memref_slice %arg4[%arg0, %arg1, %add3A_398, %dma_wait3A_796, %dma_wait3A_797] : memref<2x16x10x25x80xi32, #tpu.memory_space<hbm>> -> memref<1x1x1x25x80xi32, #tpu.memory_space<hbm>>
        %dma_wait3A_799 = tpu.memref_squeeze %dma_wait3A_798 : memref<1x1x1x25x80xi32, #tpu.memory_space<hbm>> -> memref<25x80xi32, #tpu.memory_space<hbm>>
        tpu.wait_dma2 semaphore(%arg18 : memref<!tpu.dma_semaphore, #tpu.memory_space<semaphore_mem>>) src(%dma_wait3A_799 : memref<25x80xi32, #tpu.memory_space<hbm>>) dst(%arg8 : memref<25x80xi32, #tpu.memory_space<vmem>>)
      } else {
      }
    }
    %scan3A_5 = arith.constant 5 : i32
    %barrier3A_6 = arith.constant 0 : index
    tpu.barrier barrier_id(%barrier3A_6)
    "tpu.region"() ({
      %run_scoped3A_7 = tpu.sem_alloc : memref<!tpu.dma_semaphore, #tpu.memory_space<semaphore_mem>>
      %dma_start3A = arith.constant 0 : i32
      %dma_start3A_8 = tpu.memref_slice %arg6[%arg0, %mul3A_0, %dma_start3A] : memref<2x10240x128xf32, #tpu.memory_space<hbm>> -> memref<1x640x128xf32, #tpu.memory_space<hbm>>
      %dma_start3A_9 = tpu.memref_squeeze %dma_start3A_8 : memref<1x640x128xf32, #tpu.memory_space<hbm>> -> memref<640x128xf32, #tpu.memory_space<hbm>>
      %dma_start3A_10 = arith.constant 0 : i32
      %dma_start3A_11 = tpu.memref_slice %arg14[%mul3A_0, %dma_start3A_10] : memref<10240x128xf32, #tpu.memory_space<vmem_shared>> -> memref<640x128xf32, #tpu.memory_space<vmem_shared>>
      tpu.enqueue_dma source(%dma_start3A_11 : memref<640x128xf32, #tpu.memory_space<vmem_shared>>) target(%dma_start3A_9 : memref<640x128xf32, #tpu.memory_space<hbm>>) target_semaphore(%run_scoped3A_7 : memref<!tpu.dma_semaphore, #tpu.memory_space<semaphore_mem>>)
      %dma_wait3A = arith.constant 0 : i32
      %dma_wait3A_12 = tpu.memref_slice %arg6[%arg0, %mul3A_0, %dma_wait3A] : memref<2x10240x128xf32, #tpu.memory_space<hbm>> -> memref<1x640x128xf32, #tpu.memory_space<hbm>>
      %dma_wait3A_13 = tpu.memref_squeeze %dma_wait3A_12 : memref<1x640x128xf32, #tpu.memory_space<hbm>> -> memref<640x128xf32, #tpu.memory_space<hbm>>
      %dma_wait3A_14 = arith.constant 0 : i32
      %dma_wait3A_15 = tpu.memref_slice %arg14[%mul3A_0, %dma_wait3A_14] : memref<10240x128xf32, #tpu.memory_space<vmem_shared>> -> memref<640x128xf32, #tpu.memory_space<vmem_shared>>
      tpu.wait_dma2 semaphore(%run_scoped3A_7 : memref<!tpu.dma_semaphore, #tpu.memory_space<semaphore_mem>>) src(%dma_wait3A_15 : memref<640x128xf32, #tpu.memory_space<vmem_shared>>) dst(%dma_wait3A_13 : memref<640x128xf32, #tpu.memory_space<hbm>>)
      tpu.yield
    }) : () -> ()
    return
  }
}

module attributes {stable_mosaic.version = 14 : i64} {
  func.func @_mm1a_body(%arg0: i32, %arg1: memref<1000x1536xf32, #tpu.memory_space<vmem>>, %arg2: memref<1536x256xf32, #tpu.memory_space<vmem>>, %arg3: memref<1000x256xf32, #tpu.memory_space<vmem>>) attributes {dimension_semantics = [#tpu.dimension_semantics<arbitrary>], iteration_bounds = array<i64: 10>, scalar_prefetch = 0 : i64, scratch_operands = 0 : i64, tpu.core_type = #tpu.core_type<tc>, window_params = [{transform_indices = @transform_0, window_bounds = array<i64: 1000, 1536>}, {pipeline_mode = #tpu.pipeline_mode<synchronous>, transform_indices = @transform_1, window_bounds = array<i64: 1536, 256>}, {transform_indices = @transform_2, window_bounds = array<i64: 1000, 256>}]} {
    %get3A = arith.constant 0 : index
    %get3A_0 = arith.constant 0 : index
    %get3A_1 = vector.load %arg1[%get3A, %get3A_0] : memref<1000x1536xf32, #tpu.memory_space<vmem>>, vector<1000x1536xf32>
    %get3A_2 = arith.constant 0 : index
    %get3A_3 = arith.constant 0 : index
    %get3A_4 = vector.load %arg2[%get3A_2, %get3A_3] : memref<1536x256xf32, #tpu.memory_space<vmem>>, vector<1536x256xf32>
    %dot_general3A = arith.constant dense<0.000000e+00> : vector<1000x256xf32>
    %dot_general3A_5 = tpu.matmul %get3A_1, %get3A_4, %dot_general3A {dimension_numbers = #tpu.dot_dimension_numbers<[1], [0], [0], [1], [0, 0, 1, 1], [], []>, transpose_lhs_hint = false} : vector<1000x1536xf32>, vector<1536x256xf32>, vector<1000x256xf32> -> vector<1000x256xf32>
    %swap3A = arith.constant 0 : index
    %swap3A_6 = arith.constant 0 : index
    %swap3A_7 = vector.load %arg3[%swap3A, %swap3A_6] : memref<1000x256xf32, #tpu.memory_space<vmem>>, vector<1000x256xf32>
    tpu.vector_store %arg3[%swap3A, %swap3A_6], %dot_general3A_5 {strides = array<i32>} : memref<1000x256xf32, #tpu.memory_space<vmem>>, vector<1000x256xf32>,
    return
  }
  func.func @transform_0(%arg0: i32) -> (i32, i32) {
    %c0_i32 = arith.constant 0 : i32
    %c0_i32_0 = arith.constant 0 : i32
    return %arg0, %c0_i32 : i32, i32
  }
  func.func @transform_1(%arg0: i32) -> (i32, i32) {
    %c0_i32 = arith.constant 0 : i32
    %c0_i32_0 = arith.constant 0 : i32
    %c0_i32_1 = arith.constant 0 : i32
    return %c0_i32, %c0_i32_0 : i32, i32
  }
  func.func @transform_2(%arg0: i32) -> (i32, i32) {
    %c0_i32 = arith.constant 0 : i32
    %c0_i32_0 = arith.constant 0 : i32
    return %arg0, %c0_i32 : i32, i32
  }
}

module attributes {stable_mosaic.version = 14 : i64} {
  func.func @_mm1b_body(%arg0: i32, %arg1: memref<1000x256xf32, #tpu.memory_space<vmem>>, %arg2: memref<2x1000x128xf32, #tpu.memory_space<vmem>>, %arg3: memref<2x1000x128xf32, #tpu.memory_space<vmem>>, %arg4: memref<1000x128xf32, #tpu.memory_space<vmem>>) attributes {dimension_semantics = [#tpu.dimension_semantics<arbitrary>], iteration_bounds = array<i64: 10>, scalar_prefetch = 0 : i64, scratch_operands = 0 : i64, tpu.core_type = #tpu.core_type<tc>, window_params = [{transform_indices = @transform_0, window_bounds = array<i64: 1000, 256>}, {transform_indices = @transform_1, window_bounds = array<i64: 2, 1000, 128>}, {transform_indices = @transform_2, window_bounds = array<i64: 2, 1000, 128>}, {transform_indices = @transform_3, window_bounds = array<i64: 1000, 128>}]} {
    %get3A = arith.constant 0 : index
    %get3A_0 = arith.constant 0 : index
    %get3A_1 = arith.constant 0 : index
    %get3A_2 = vector.load %arg2[%get3A, %get3A_0, %get3A_1] : memref<2x1000x128xf32, #tpu.memory_space<vmem>>, vector<1x1000x128xf32>
    %get3A_3 = vector.shape_cast %get3A_2 : vector<1x1000x128xf32> to vector<1000x128xf32>
    %slice3A = vector.extract_strided_slice %get3A_3 {offsets = [0, 0], sizes = [1000, 1], strides = [1, 1]} : vector<1000x128xf32> to vector<1000x1xf32>
    %get3A_4 = arith.constant 1 : index
    %get3A_5 = arith.constant 0 : index
    %get3A_6 = arith.constant 0 : index
    %get3A_7 = vector.load %arg2[%get3A_4, %get3A_5, %get3A_6] : memref<2x1000x128xf32, #tpu.memory_space<vmem>>, vector<1x1000x128xf32>
    %get3A_8 = vector.shape_cast %get3A_7 : vector<1x1000x128xf32> to vector<1000x128xf32>
    %slice3A_9 = vector.extract_strided_slice %get3A_8 {offsets = [0, 0], sizes = [1000, 1], strides = [1, 1]} : vector<1000x128xf32> to vector<1000x1xf32>
    %add3A = arith.addf %slice3A, %slice3A_9 : vector<1000x1xf32>
    %add3A_10 = arith.constant 1.000000e+00 : f32
    %add3A_11 = vector.broadcast %add3A_10 : f32 to vector<1000x1xf32>
    %add3A_12 = arith.addf %add3A, %add3A_11 : vector<1000x1xf32>
    %rsqrt3A = math.rsqrt %add3A_12 : vector<1000x1xf32>
    %get3A_13 = arith.constant 0 : index
    %get3A_14 = arith.constant 0 : index
    %get3A_15 = vector.load %arg1[%get3A_13, %get3A_14] : memref<1000x256xf32, #tpu.memory_space<vmem>>, vector<1000x256xf32>
    %mul3A = vector.broadcast %rsqrt3A : vector<1000x1xf32> to vector<1000x256xf32>
    %mul3A_16 = arith.mulf %get3A_15, %mul3A : vector<1000x256xf32>
    %slice3A_17 = vector.extract_strided_slice %mul3A_16 {offsets = [0, 0], sizes = [1000, 128], strides = [1, 1]} : vector<1000x256xf32> to vector<1000x128xf32>
    %swap3A = arith.constant 0 : index
    %swap3A_18 = arith.constant 0 : index
    %swap3A_19 = arith.constant 0 : index
    %swap3A_20 = vector.load %arg3[%swap3A, %swap3A_18, %swap3A_19] : memref<2x1000x128xf32, #tpu.memory_space<vmem>>, vector<1x1000x128xf32>
    %swap3A_21 = vector.shape_cast %swap3A_20 : vector<1x1000x128xf32> to vector<1000x128xf32>
    %swap3A_22 = vector.shape_cast %slice3A_17 : vector<1000x128xf32> to vector<1x1000x128xf32>
    tpu.vector_store %arg3[%swap3A, %swap3A_18, %swap3A_19], %swap3A_22 {strides = array<i32>} : memref<2x1000x128xf32, #tpu.memory_space<vmem>>, vector<1x1000x128xf32>,
    %slice3A_23 = vector.extract_strided_slice %mul3A_16 {offsets = [0, 128], sizes = [1000, 128], strides = [1, 1]} : vector<1000x256xf32> to vector<1000x128xf32>
    %swap3A_24 = arith.constant 1 : index
    %swap3A_25 = arith.constant 0 : index
    %swap3A_26 = arith.constant 0 : index
    %swap3A_27 = vector.load %arg3[%swap3A_24, %swap3A_25, %swap3A_26] : memref<2x1000x128xf32, #tpu.memory_space<vmem>>, vector<1x1000x128xf32>
    %swap3A_28 = vector.shape_cast %swap3A_27 : vector<1x1000x128xf32> to vector<1000x128xf32>
    %swap3A_29 = vector.shape_cast %slice3A_23 : vector<1000x128xf32> to vector<1x1000x128xf32>
    tpu.vector_store %arg3[%swap3A_24, %swap3A_25, %swap3A_26], %swap3A_29 {strides = array<i32>} : memref<2x1000x128xf32, #tpu.memory_space<vmem>>, vector<1x1000x128xf32>,
    %broadcast_in_dim3A = vector.shape_cast %rsqrt3A : vector<1000x1xf32> to vector<1000x1xf32>
    %broadcast_in_dim3A_30 = vector.broadcast %broadcast_in_dim3A : vector<1000x1xf32> to vector<1000x128xf32>
    %swap3A_31 = arith.constant 0 : index
    %swap3A_32 = arith.constant 0 : index
    %swap3A_33 = vector.load %arg4[%swap3A_31, %swap3A_32] : memref<1000x128xf32, #tpu.memory_space<vmem>>, vector<1000x128xf32>
    tpu.vector_store %arg4[%swap3A_31, %swap3A_32], %broadcast_in_dim3A_30 {strides = array<i32>} : memref<1000x128xf32, #tpu.memory_space<vmem>>, vector<1000x128xf32>,
    return
  }
  func.func @transform_0(%arg0: i32) -> (i32, i32) {
    %c0_i32 = arith.constant 0 : i32
    %c0_i32_0 = arith.constant 0 : i32
    return %arg0, %c0_i32 : i32, i32
  }
  func.func @transform_1(%arg0: i32) -> (i32, i32, i32) {
    %c0_i32 = arith.constant 0 : i32
    %c0_i32_0 = arith.constant 0 : i32
    %c0_i32_1 = arith.constant 0 : i32
    return %c0_i32, %arg0, %c0_i32_0 : i32, i32, i32
  }
  func.func @transform_2(%arg0: i32) -> (i32, i32, i32) {
    %c0_i32 = arith.constant 0 : i32
    %c0_i32_0 = arith.constant 0 : i32
    %c0_i32_1 = arith.constant 0 : i32
    return %c0_i32, %arg0, %c0_i32_0 : i32, i32, i32
  }
  func.func @transform_3(%arg0: i32) -> (i32, i32) {
    %c0_i32 = arith.constant 0 : i32
    %c0_i32_0 = arith.constant 0 : i32
    return %arg0, %c0_i32 : i32, i32
  }
}

module attributes {stable_mosaic.version = 14 : i64} {
  func.func @_mm2_body(%arg0: i32, %arg1: memref<2x1000x128xf32, #tpu.memory_space<vmem>>, %arg2: memref<2x1000x128xf32, #tpu.memory_space<vmem>>, %arg3: memref<1000x128xf32, #tpu.memory_space<vmem>>, %arg4: memref<1x256xf32, #tpu.memory_space<vmem>>, %arg5: memref<256x128xf32, #tpu.memory_space<vmem>>, %arg6: memref<1000x128xf32, #tpu.memory_space<vmem>>) attributes {dimension_semantics = [#tpu.dimension_semantics<arbitrary>], iteration_bounds = array<i64: 10>, scalar_prefetch = 0 : i64, scratch_operands = 0 : i64, tpu.core_type = #tpu.core_type<tc>, window_params = [{transform_indices = @transform_0, window_bounds = array<i64: 2, 1000, 128>}, {transform_indices = @transform_1, window_bounds = array<i64: 2, 1000, 128>}, {transform_indices = @transform_2, window_bounds = array<i64: 1000, 128>}, {pipeline_mode = #tpu.pipeline_mode<synchronous>, transform_indices = @transform_3, window_bounds = array<i64: 1, 256>}, {pipeline_mode = #tpu.pipeline_mode<synchronous>, transform_indices = @transform_4, window_bounds = array<i64: 256, 128>}, {transform_indices = @transform_5, window_bounds = array<i64: 1000, 128>}]} {
    %get3A = arith.constant 0 : index
    %get3A_0 = arith.constant 0 : index
    %get3A_1 = vector.load %arg3[%get3A, %get3A_0] : memref<1000x128xf32, #tpu.memory_space<vmem>>, vector<1000x128xf32>
    %get3A_2 = arith.constant 0 : index
    %get3A_3 = arith.constant 0 : index
    %get3A_4 = arith.constant 0 : index
    %get3A_5 = vector.load %arg1[%get3A_2, %get3A_3, %get3A_4] : memref<2x1000x128xf32, #tpu.memory_space<vmem>>, vector<1x1000x128xf32>
    %get3A_6 = vector.shape_cast %get3A_5 : vector<1x1000x128xf32> to vector<1000x128xf32>
    %get3A_7 = arith.constant 0 : index
    %get3A_8 = arith.constant 0 : index
    %get3A_9 = arith.constant 0 : index
    %get3A_10 = vector.load %arg2[%get3A_7, %get3A_8, %get3A_9] : memref<2x1000x128xf32, #tpu.memory_space<vmem>>, vector<1x1000x128xf32>
    %get3A_11 = vector.shape_cast %get3A_10 : vector<1x1000x128xf32> to vector<1000x128xf32>
    %add3A = arith.addf %get3A_6, %get3A_11 : vector<1000x128xf32>
    %mul3A = arith.mulf %add3A, %get3A_1 : vector<1000x128xf32>
    %get3A_12 = arith.constant 0 : index
    %get3A_13 = arith.constant 0 : index
    %get3A_14 = vector.load %arg4[%get3A_12, %get3A_13] : memref<1x256xf32, #tpu.memory_space<vmem>>, vector<1x128xf32>
    %add3A_15 = vector.broadcast %get3A_14 : vector<1x128xf32> to vector<1000x128xf32>
    %add3A_16 = arith.addf %mul3A, %add3A_15 : vector<1000x128xf32>
    %get3A_17 = arith.constant 1 : index
    %get3A_18 = arith.constant 0 : index
    %get3A_19 = arith.constant 0 : index
    %get3A_20 = vector.load %arg1[%get3A_17, %get3A_18, %get3A_19] : memref<2x1000x128xf32, #tpu.memory_space<vmem>>, vector<1x1000x128xf32>
    %get3A_21 = vector.shape_cast %get3A_20 : vector<1x1000x128xf32> to vector<1000x128xf32>
    %get3A_22 = arith.constant 1 : index
    %get3A_23 = arith.constant 0 : index
    %get3A_24 = arith.constant 0 : index
    %get3A_25 = vector.load %arg2[%get3A_22, %get3A_23, %get3A_24] : memref<2x1000x128xf32, #tpu.memory_space<vmem>>, vector<1x1000x128xf32>
    %get3A_26 = vector.shape_cast %get3A_25 : vector<1x1000x128xf32> to vector<1000x128xf32>
    %add3A_27 = arith.addf %get3A_21, %get3A_26 : vector<1000x128xf32>
    %mul3A_28 = arith.mulf %add3A_27, %get3A_1 : vector<1000x128xf32>
    %get3A_29 = arith.constant 0 : index
    %get3A_30 = arith.constant 128 : index
    %get3A_31 = vector.load %arg4[%get3A_29, %get3A_30] : memref<1x256xf32, #tpu.memory_space<vmem>>, vector<1x128xf32>
    %add3A_32 = vector.broadcast %get3A_31 : vector<1x128xf32> to vector<1000x128xf32>
    %add3A_33 = arith.addf %mul3A_28, %add3A_32 : vector<1000x128xf32>
    %concatenate3A = tpu.concatenate %add3A_16, %add3A_33 in 1 : vector<1000x128xf32>, vector<1000x128xf32> -> vector<1000x256xf32>
    %max3A = arith.constant 0.000000e+00 : f32
    %max3A_34 = vector.broadcast %max3A : f32 to vector<1000x256xf32>
    %max3A_35 = arith.maximumf %concatenate3A, %max3A_34 : vector<1000x256xf32>
    %get3A_36 = arith.constant 0 : index
    %get3A_37 = arith.constant 0 : index
    %get3A_38 = vector.load %arg5[%get3A_36, %get3A_37] : memref<256x128xf32, #tpu.memory_space<vmem>>, vector<256x128xf32>
    %dot_general3A = arith.constant dense<0.000000e+00> : vector<1000x128xf32>
    %dot_general3A_39 = tpu.matmul %max3A_35, %get3A_38, %dot_general3A {dimension_numbers = #tpu.dot_dimension_numbers<[1], [0], [0], [1], [0, 0, 1, 1], [], []>, transpose_lhs_hint = false} : vector<1000x256xf32>, vector<256x128xf32>, vector<1000x128xf32> -> vector<1000x128xf32>
    %mul3A_40 = arith.mulf %dot_general3A_39, %get3A_1 : vector<1000x128xf32>
    %swap3A = arith.constant 0 : index
    %swap3A_41 = arith.constant 0 : index
    %swap3A_42 = vector.load %arg6[%swap3A, %swap3A_41] : memref<1000x128xf32, #tpu.memory_space<vmem>>, vector<1000x128xf32>
    tpu.vector_store %arg6[%swap3A, %swap3A_41], %mul3A_40 {strides = array<i32>} : memref<1000x128xf32, #tpu.memory_space<vmem>>, vector<1000x128xf32>,
    return
  }
  func.func @transform_0(%arg0: i32) -> (i32, i32, i32) {
    %c0_i32 = arith.constant 0 : i32
    %c0_i32_0 = arith.constant 0 : i32
    %c0_i32_1 = arith.constant 0 : i32
    return %c0_i32, %arg0, %c0_i32_0 : i32, i32, i32
  }
  func.func @transform_1(%arg0: i32) -> (i32, i32, i32) {
    %c0_i32 = arith.constant 0 : i32
    %c0_i32_0 = arith.constant 0 : i32
    %c0_i32_1 = arith.constant 0 : i32
    return %c0_i32, %arg0, %c0_i32_0 : i32, i32, i32
  }
  func.func @transform_2(%arg0: i32) -> (i32, i32) {
    %c0_i32 = arith.constant 0 : i32
    %c0_i32_0 = arith.constant 0 : i32
    return %arg0, %c0_i32 : i32, i32
  }
  func.func @transform_3(%arg0: i32) -> (i32, i32) {
    %c0_i32 = arith.constant 0 : i32
    %c0_i32_0 = arith.constant 0 : i32
    %c0_i32_1 = arith.constant 0 : i32
    return %c0_i32, %c0_i32_0 : i32, i32
  }
  func.func @transform_4(%arg0: i32) -> (i32, i32) {
    %c0_i32 = arith.constant 0 : i32
    %c0_i32_0 = arith.constant 0 : i32
    %c0_i32_1 = arith.constant 0 : i32
    return %c0_i32, %c0_i32_0 : i32, i32
  }
  func.func @transform_5(%arg0: i32) -> (i32, i32) {
    %c0_i32 = arith.constant 0 : i32
    %c0_i32_0 = arith.constant 0 : i32
    return %arg0, %c0_i32 : i32, i32
  }
}

module attributes {stable_mosaic.version = 14 : i64} {
  func.func @_fin_body(%arg0: i32, %arg1: memref<2x1000x128xf32, #tpu.memory_space<vmem>>, %arg2: memref<1000x128xf32, #tpu.memory_space<vmem>>, %arg3: memref<1000x128xf32, #tpu.memory_space<vmem>>, %arg4: memref<1x128xf32, #tpu.memory_space<vmem>>, %arg5: memref<1000x128xf32, #tpu.memory_space<vmem>>) attributes {dimension_semantics = [#tpu.dimension_semantics<arbitrary>], iteration_bounds = array<i64: 10>, scalar_prefetch = 0 : i64, scratch_operands = 0 : i64, tpu.core_type = #tpu.core_type<tc>, window_params = [{transform_indices = @transform_0, window_bounds = array<i64: 2, 1000, 128>}, {transform_indices = @transform_1, window_bounds = array<i64: 1000, 128>}, {transform_indices = @transform_2, window_bounds = array<i64: 1000, 128>}, {pipeline_mode = #tpu.pipeline_mode<synchronous>, transform_indices = @transform_3, window_bounds = array<i64: 1, 128>}, {transform_indices = @transform_4, window_bounds = array<i64: 1000, 128>}]} {
    %get3A = arith.constant 0 : index
    %get3A_0 = arith.constant 0 : index
    %get3A_1 = arith.constant 0 : index
    %get3A_2 = vector.load %arg1[%get3A, %get3A_0, %get3A_1] : memref<2x1000x128xf32, #tpu.memory_space<vmem>>, vector<1x1000x128xf32>
    %get3A_3 = vector.shape_cast %get3A_2 : vector<1x1000x128xf32> to vector<1000x128xf32>
    %get3A_4 = arith.constant 1 : index
    %get3A_5 = arith.constant 0 : index
    %get3A_6 = arith.constant 0 : index
    %get3A_7 = vector.load %arg1[%get3A_4, %get3A_5, %get3A_6] : memref<2x1000x128xf32, #tpu.memory_space<vmem>>, vector<1x1000x128xf32>
    %get3A_8 = vector.shape_cast %get3A_7 : vector<1x1000x128xf32> to vector<1000x128xf32>
    %add3A = arith.addf %get3A_3, %get3A_8 : vector<1000x128xf32>
    %get3A_9 = arith.constant 0 : index
    %get3A_10 = arith.constant 0 : index
    %get3A_11 = vector.load %arg2[%get3A_9, %get3A_10] : memref<1000x128xf32, #tpu.memory_space<vmem>>, vector<1000x128xf32>
    %add3A_12 = arith.addf %add3A, %get3A_11 : vector<1000x128xf32>
    %get3A_13 = arith.constant 0 : index
    %get3A_14 = arith.constant 0 : index
    %get3A_15 = vector.load %arg3[%get3A_13, %get3A_14] : memref<1000x128xf32, #tpu.memory_space<vmem>>, vector<1000x128xf32>
    %mul3A = arith.mulf %add3A_12, %get3A_15 : vector<1000x128xf32>
    %get3A_16 = arith.constant 0 : index
    %get3A_17 = arith.constant 0 : index
    %get3A_18 = vector.load %arg4[%get3A_16, %get3A_17] : memref<1x128xf32, #tpu.memory_space<vmem>>, vector<1x128xf32>
    %add3A_19 = vector.broadcast %get3A_18 : vector<1x128xf32> to vector<1000x128xf32>
    %add3A_20 = arith.addf %mul3A, %add3A_19 : vector<1000x128xf32>
    %mul3A_21 = arith.mulf %add3A_20, %add3A_20 : vector<1000x128xf32>
    %reduce_sum3A = arith.constant dense<0.000000e+00> : vector<1000xf32>
    %reduce_sum3A_22 = vector.multi_reduction <add>, %mul3A_21, %reduce_sum3A [1] : vector<1000x128xf32> to vector<1000xf32>
    %broadcast_in_dim3A = vector.shape_cast %reduce_sum3A_22 : vector<1000xf32> to vector<1000x1xf32>
    %sqrt3A = math.sqrt %broadcast_in_dim3A : vector<1000x1xf32>
    %max3A = arith.constant 9.99999996E-13 : f32
    %max3A_23 = vector.broadcast %max3A : f32 to vector<1000x1xf32>
    %max3A_24 = arith.maximumf %sqrt3A, %max3A_23 : vector<1000x1xf32>
    %div3A = vector.broadcast %max3A_24 : vector<1000x1xf32> to vector<1000x128xf32>
    %div3A_25 = arith.divf %add3A_20, %div3A : vector<1000x128xf32>
    %swap3A = arith.constant 0 : index
    %swap3A_26 = arith.constant 0 : index
    %swap3A_27 = vector.load %arg5[%swap3A, %swap3A_26] : memref<1000x128xf32, #tpu.memory_space<vmem>>, vector<1000x128xf32>
    tpu.vector_store %arg5[%swap3A, %swap3A_26], %div3A_25 {strides = array<i32>} : memref<1000x128xf32, #tpu.memory_space<vmem>>, vector<1000x128xf32>,
    return
  }
  func.func @transform_0(%arg0: i32) -> (i32, i32, i32) {
    %c0_i32 = arith.constant 0 : i32
    %c0_i32_0 = arith.constant 0 : i32
    %c0_i32_1 = arith.constant 0 : i32
    return %c0_i32, %arg0, %c0_i32_0 : i32, i32, i32
  }
  func.func @transform_1(%arg0: i32) -> (i32, i32) {
    %c0_i32 = arith.constant 0 : i32
    %c0_i32_0 = arith.constant 0 : i32
    return %arg0, %c0_i32 : i32, i32
  }
  func.func @transform_2(%arg0: i32) -> (i32, i32) {
    %c0_i32 = arith.constant 0 : i32
    %c0_i32_0 = arith.constant 0 : i32
    return %arg0, %c0_i32 : i32, i32
  }
  func.func @transform_3(%arg0: i32) -> (i32, i32) {
    %c0_i32 = arith.constant 0 : i32
    %c0_i32_0 = arith.constant 0 : i32
    %c0_i32_1 = arith.constant 0 : i32
    return %c0_i32, %c0_i32_0 : i32, i32
  }
  func.func @transform_4(%arg0: i32) -> (i32, i32) {
    %c0_i32 = arith.constant 0 : i32
    %c0_i32_0 = arith.constant 0 : i32
    return %arg0, %c0_i32 : i32, i32
  }
}

</mosaic_0001>

<sc_bundles>
// kernel: kernel.12.cloned.1.call-start
scs
__scs_entry_jumppad:
0x0: {  	(pc) =	sbr.rel $0x88, $3  }
0x1: {  	(tag) =	ssettag $0x0;
	lr =	simm.s32 $0x1  }
0x2: {  	[smem:$0x3F9B] =	sst lr;
	_ =	strace $0xD0000000  }
0x3: {  	_ = 	snop  }
0x4: {  	_ = 	snop  }
0x5: {  	_ = 	snop  }
0x6: {  	_ = 	snop  }
0x7: {  	_ = 	snop  }
__scs_overlays_trampoline_lowered:
0x8: {  	[smem:$0x3FAA] =	sst s0  }
0x9: {  	[smem:$0x3FAB] =	sst s1  }
0xa: {  	[smem:$0x3FAC] =	sst s2  }
0xb: {  	[smem:$0x3FAD] =	sst s3  }
0xc: {  	[smem:$0x3FAE] =	sst s4  }
0xd: {  	[smem:$0x3FAF] =	sst s5  }
0xe: {  	[smem:$0x3FB0] =	sst s6  }
0xf: {  	[smem:$0x3FB1] =	sst s7  }
0x10: {  	[smem:$0x3FB2] =	sst s8  }
0x11: {  	[smem:$0x3FB3] =	sst s9;
	s0 =	simm.s32 @!p0 $0x0  }
0x12: {  	s1 =	sld [smem:$0x3F99];
	s0 =	simm.s32 @p0 $0x1  }
0x13: {  	[smem:$0x3FB4] =	sst s0;
	s0 =	simm.s32 @!p1 $0x0  }
0x14: {  	s2 =	sld [smem:$0x3F98];
	s0 =	simm.s32 @p1 $0x1  }
0x15: {  	[smem:$0x3FB5] =	sst s0;
	s0 =	simm.s32 @!p2 $0x0  }
0x16: {  	s3 =	sld [smem:$0x3FDB];
	s0 =	simm.s32 @p2 $0x1  }
0x17: {  	s4 =	simm.s32 $0x1BF5;
	[smem:$0x3FB7] =	sst s0  }
0x18: {  	s0 =	sld [smem:$0x3F9A];
	_ =	swait.ge [sflag:s4], $0x0  }
0x19: {  	s7 =	sld [smem:$0x3F9B]  }
0x1a: {  	s8 =	sadd.s32 $0xFFFFE003, lr  }
0x1b: {  	s9 =	sadd.s32 $0xFFFFFEF7, lr;
	s5 =	simm.s32 $0xFFFFFFFF;
	p2 =	slt.u32 s8, $0xFFFFF086  }
0x1c: {  	p1 =	slt.u32 s9, $0xF7A;
	s5 =	simm.s32 @!p2 $0x0  }
0x1d: {  	s5 =	simm.s32 @p1 $0x1;
	p0 =	seq.s32 s7, s2  }
0x1e: {  	s7 =	smul.u32 @!p0 $0xF7A, s2;
	p2 =	seq.s32 @!p0 s5, $0x0  }
0x1f: {  	s9 =	smul.u32 $0xF7A, s1;
	s8 =	simm.s32 @!p0 $0x1BF5;
	p2 =	por !p2, p0  }
0x20: {  	[sflag:s8] =	ssyncset.s32 @!p0 $0xFFFFF086;
	s6 =	sadd.s32 @!p0 s3, s7;
	s7 =	simm.s32 @!p0 $0x108  }
0x21: {  	s3 =	sadd.s32 s3, s9;
	s6 =	sadd.s32 @!p0 $0x88, s6;
	s7 =	simm.s32 @p2 $0x1082  }
0x22: {  	[simem:s7], [sflag:s8] =	dma.local @!p0 [hbm:s6], $0xF7A  }
0x23: {  	s9 =	sor.u32 $0xD0000000, s2;
	s6 =	simm.s32 $0x108;
	_ =	swait.ge @!p0 [sflag:s8], $0x0  }
0x24: {  	s3 =	sadd.s32 $0x88, s3;
	s6 =	simm.s32 @!p1 $0x1082;
	[sflag:s4] =	ssyncset.s32 $0xFFFFF086  }
0x25: {  	[simem:s6], [sflag:s4] =	dma.local [hbm:s3], $0xF7A  }
0x26: {  	[smem:$0x3F9B] =	sst s1;
	(tag) =	ssettag s2;
	_ =	strace s9  }
0x27: {  	s1 =	sld [smem:$0x3FAB]  }
0x28: {  	s2 =	sld [smem:$0x3FAC]  }
0x29: {  	s4 =	sld [smem:$0x3FAE]  }
0x2a: {  	p0 =	seq.s32 s5, $0x0;
	s5 =	sld [smem:$0x3FAF]  }
0x2b: {  	s6 =	sld [smem:$0x3FB0]  }
0x2c: {  	s7 =	sld [smem:$0x3FB1]  }
0x2d: {  	s3 =	simm.s32 $0x108;
	s8 =	sld [smem:$0x3FB2]  }
0x2e: {  	s3 =	simm.s32 @!p0 $0x1082;
	s9 =	sld [smem:$0x3FB3]  }
0x2f: {  	lr =	sadd.s32 s0, s3;
	s0 =	sld [smem:$0x3FAA]  }
0x30: {  	s3 =	sld [smem:$0x3FAD]  }
0x31: {  	[smem:$0x3FB6] =	sst s10  }
0x32: {  	s10 =	sld [smem:$0x3FB4];
	_ =	sdelay $0x3  }
0x33: {  	p0 =	seq.s32 s10, $0x1;
	s10 =	sld [smem:$0x3FB6];
	_ =	sdelay $0x3  }
0x34: {  	[smem:$0x3FB6] =	sst s10  }
0x35: {  	s10 =	sld [smem:$0x3FB5];
	_ =	sdelay $0x3  }
0x36: {  	p1 =	seq.s32 s10, $0x1;
	s10 =	sld [smem:$0x3FB6];
	_ =	sdelay $0x3  }
0x37: {  	[smem:$0x3FB6] =	sst s10  }
0x38: {  	s10 =	sld [smem:$0x3FB7]  }
0x39: {  	_ = 	snop;
	(pc) =	sbr.ind lr, $3  }
0x3a: {  	_ = 	snop  }
0x3b: {  	_ = 	snop  }
0x3c: {  	p2 =	seq.s32 s10, $0x1;
	s10 =	sld [smem:$0x3FB6]  }
0x3d: {  	_ =	shalt  }
0x3e: {  	_ =	shalt  }
0x3f: {  	_ =	shalt  }
0x40: {  	_ =	shalt  }
0x41: {  	_ =	shalt  }
0x42: {  	_ =	shalt  }
0x43: {  	_ =	shalt  }
0x44: {  	_ =	shalt  }
0x45: {  	_ =	shalt  }
0x46: {  	_ =	shalt  }
0x47: {  	_ =	shalt  }
0x48: {  	_ =	shalt  }
0x49: {  	_ =	shalt  }
0x4a: {  	_ =	shalt  }
0x4b: {  	_ =	shalt  }
0x4c: {  	_ =	shalt  }
0x4d: {  	_ =	shalt  }
0x4e: {  	_ =	shalt  }
0x4f: {  	_ =	shalt  }
0x50: {  	_ =	shalt  }
0x51: {  	_ =	shalt  }
0x52: {  	_ =	shalt  }
0x53: {  	_ =	shalt  }
0x54: {  	_ =	shalt  }
0x55: {  	_ =	shalt  }
0x56: {  	_ =	shalt  }
0x57: {  	_ =	shalt  }
0x58: {  	_ =	shalt  }
0x59: {  	_ =	shalt  }
0x5a: {  	_ =	shalt  }
0x5b: {  	_ =	shalt  }
0x5c: {  	_ =	shalt  }
0x5d: {  	_ =	shalt  }
0x5e: {  	_ =	shalt  }
0x5f: {  	_ =	shalt  }
0x60: {  	_ =	shalt  }
0x61: {  	_ =	shalt  }
0x62: {  	_ =	shalt  }
0x63: {  	_ =	shalt  }
0x64: {  	_ =	shalt  }
0x65: {  	_ =	shalt  }
0x66: {  	_ =	shalt  }
0x67: {  	_ =	shalt  }
0x68: {  	_ =	shalt  }
0x69: {  	_ =	shalt  }
0x6a: {  	_ =	shalt  }
0x6b: {  	_ =	shalt  }
0x6c: {  	_ =	shalt  }
0x6d: {  	_ =	shalt  }
0x6e: {  	_ =	shalt  }
0x6f: {  	_ =	shalt  }
0x70: {  	_ =	shalt  }
0x71: {  	_ =	shalt  }
0x72: {  	_ =	shalt  }
0x73: {  	_ =	shalt  }
0x74: {  	_ =	shalt  }
0x75: {  	_ =	shalt  }
0x76: {  	_ =	shalt  }
0x77: {  	_ =	shalt  }
0x78: {  	_ =	shalt  }
0x79: {  	_ =	shalt  }
0x7a: {  	_ =	shalt  }
0x7b: {  	_ =	shalt  }
0x7c: {  	_ =	shalt  }
0x7d: {  	_ =	shalt  }
0x7e: {  	_ =	shalt  }
0x7f: {  	_ =	shalt  }
0x80: {  	_ =	shalt  }
0x81: {  	_ =	shalt  }
0x82: {  	_ =	shalt  }
0x83: {  	_ =	shalt  }
0x84: {  	_ =	shalt  }
0x85: {  	_ =	shalt  }
0x86: {  	_ =	shalt  }
0x87: {  	_ =	shalt  }
.Lfunc_end0:
.L_simem_size_0:
called_computation.1_lowered:
.L_overlay_start_0:
0x88: {  	s2 =	sld [smem:$0x3FD9]  }
0x89: {  	s3 =	sld [smem:$0x3FFE];
	_ =	sdelay $0x1  }
0x8a: {  	s1 =	srdreg.scid  }
0x8b: {  	s0 =	sand.u32 $0x1, s1  }
0x8c: {  	s16 =	sshll.u32 s0, $0xA;
	s2 =	sadd.s32 s3, s2  }
0x8d: {  	s2 =	sadd.s32 s2, s16  }
0x8e: {  	[smem:$0x3FC2] =	sst s2  }
0x8f: {  	_ = 	snop  }
0x90: {  	(tm) =	ssettm $0x1  }
0x91: {  	s17 =	sld [smem:$0x3FFB];
	_ =	sdelay $0x3  }
0x92: {  	_ =	strace s17  }
0x93: {  	s2 =	sld [smem:$0x3FFC];
	_ =	sdelay $0x3  }
0x94: {  	_ =	strace s2  }
0x95: {  	s2 =	sld [smem:$0x3FFD];
	_ =	sdelay $0x3  }
0x96: {  	_ =	strace s2  }
0x97: {  	_ =	strace $0x8FFFFFFF  }
0x98: {  	s18 =	sld [smem:$0x3FDB];
	_ =	sdelay $0x1  }
0x99: {  	s19 =	simm.s32 $_scs_section_size  }
0x9a: {  	s4 =	simm.s32 $_size__tile_overlayer_lowered;
	s5 =	simm.s32 $_tile_overlayer_lowered  }
0x9b: {  	s22 =	simm.s32 $0x1BFF;
	s21 =	sshll.u32 s5, $0x1;
	s2 =	sadd.s32 s19, s18  }
0x9c: {  	s6 =	simm.s32 $0x0;
	s20 =	sshll.u32 s4, $0x1;
	s4 =	sadd.s32 s21, s2  }
0x9d: {  	[timem:s6], [sflag:s22] =	dma.local [hbm:s4], s20  }
0x9e: {  	_ =	swait.ge [sflag:s22], s20  }
0x9f: {  	s3 =	ssub.s32 $0x0, s20;
	[sflag:s22] =	ssyncset.done $0x0  }
0xa0: {  	[sflag:s22] =	ssyncadd.s32 s3;
	_ =	sdelay $0x1  }
0xa1: {  	s23 =	simm.s32 $0x1B8B  }
0xa2: {  	_ =	swait.ge [sflag:s23], $0x1  }
0xa3: {  	[sflag:s23] =	ssyncset.done $0x0  }
0xa4: {  	s25 =	simm.s32 $0x1B8E;
	s24 =	sld [smem:$0x3FFE];
	[sflag:s23] =	ssyncadd.s32 $0xFFFFFFFF  }
0xa5: {  	s26 =	simm.s32 $execute0_lowered;
	[smem:$0x3FD2] =	sst s25  }
0xa6: {  	s4 =	sshll.u32 s26, $0x1;
	_ =	strace $0x80000049;
	[dreg:$0x1] =	wrdreg $0xFFFFFFFF  }
0xa7: {  	s28 =	simm.s32 $_size_execute0_lowered;
	s2 =	sadd.s32 s2, s4;
	[dreg:$0x0] =	wrdreg $0x0  }
0xa8: {  	s4 =	sshll.u32 s28, $0x1;
	[dreg:$0x2] =	wrdreg s2  }
0xa9: {  	[dreg:$0x3] =	wrdreg s4  }
0xaa: {  	[dreg:$0x4] =	wrdreg $0xC0  }
0xab: {  	_ =	task [dreg:s6], $0x5FFFF  }
0xac: {  	[dreg:$0x1] =	wrdreg $0xFFFFFFFF  }
0xad: {  	[dreg:$0x0] =	wrdreg $0x60  }
0xae: {  	[dreg:$0x2] =	wrdreg s24  }
0xaf: {  	[dreg:$0x3] =	wrdreg $0xB8000  }
0xb0: {  	[dreg:$0x4] =	wrdreg $0x9  }
0xb1: {  	_ =	task.clear_ibuf [dreg:s6], $0x5FFFF;
	_ =	strace $0x90000049  }
0xb2: {  	s29 =	simm.s32 $0x9;
	_ =	strace $0x8000004B  }
0xb3: {  	_ =	swait.ge [sflag:s29], $0x1  }
0xb4: {  	[sflag:s29] =	ssyncadd.s32 $0xFFFFFFFF  }
0xb5: {  	_ =	strace $0x9000004B  }
0xb6: {  	_ =	sfence  }
0xb7: {  	s30 =	sld [smem:$0x0];
	_ =	sdelay $0x2  }
0xb8: {  	s31 =	sshll.u32 s1, $0xD;
	s1 =	sshrl.u32 s1, $0x2  }
0xb9: {  	s3 =	sand.u32 $0x4000, s31;
	s1 =	sadd.s32 s1, s30  }
0xba: {  	s0 =	sor.u32 s3, s0;
	s1 =	sshll.u32 s1, $0x11  }
0xbb: {  	s0 =	sor.u32 s1, s0  }
0xbc: {  	s0 =	sadd.s32 $0x8F2B, s0  }
0xbd: {  	[sflag:s0] =	ssyncadd.remote.s32 $0x1  }
0xbe: {  	_ =	sfence.sel $0xFFFF  }
0xbf: {  	[dreg:$0x0] =	wrdreg $0xFFFFFFFF;
	(pc) =	sbr.abs _section_cstart, $3  }
0xc0: {  	[dreg:$0x1] =	wrdreg $0xFFFFFFFF  }
0xc1: {  	_ =	task.clear_ibuf [dreg:s6], $0x2FFFF;
	_ =	strace $0x9FFFFFFF  }
0xc2: {  	(tm) =	ssettm $0x7FFFFFFF  }
0xc3: {  	_ =	shalt  }
tec
execute0_lowered:
.L_overlay_start_1:
0x0: {  	(tag) =	ssettag $0x1  }
0x1: {  	s0 =	rddreg [dreg:$0x0]  }
0x2: {  	s2 =	rddreg [dreg:$0x1];
	s3 =	simm.s32 $0x0;
	s12 =	stileid.u32  }
0x3: {  	s1 =	srdreg.scid;
	s17 =	simm.s32 $0x5;
	s28 =	simm.s32 $0x1  }
0x4: {  	s30 =	simm.s32 $0x2;
	s13 =	simm.s32 $0x2B80;
	s16 =	simm.s32 $0x2C00  }
0x5: {  	s29 =	simm.s32 $0x3C00;
	[smem:$0x7FF] =	sst s3;
	s7 =	smul.u32 $0x14000, s12  }
0x6: {  	s1 =	sand.u32 $0x1, s1;
	s4 =	sadd.s32 $0x2A400, s0;
	s10 =	smul.u32 $0x50000, s12  }
0x7: {  	s5 =	sadd.s32 $0xC8E00, s0;
	s6 =	sadd.s32 $0x78600, s0;
	s11 =	smul.u32 $0xA000, s12  }
0x8: {  	s22 =	sshll.u32 s12, $0x6;
	s12 =	simm.s32 $0x3A00;
	s8 =	smul.u32 $0x140000, s1  }
0x9: {  	_ =	strace $0x8000004A;
	s19 =	smul.u32 $0xA0000, s1;
	s1 =	ssub.s32 $0x2, s1  }
0xa: {  	s18 =	sor.u32 $0x1C05, s22;
	s22 =	simm.s32 $0x4000;
	s9 =	sshrl.u32 s7, $0x3  }
0xb: {  	s20 =	sshrl.u32 s1, $0x1;
	s10 =	sshrl.u32 s10, $0x2;
	[dreg:$0x4] =	wrdreg s18  }
0xc: {  	s9 =	sadd.s32 s9, s0;
	s7 =	sadd.s32 s7, s8;
	s1 =	ssub.s32 s1, s20  }
0xd: {  	s21 =	sadd.s32 s10, s2;
	s8 =	sadd.s32 s11, s19;
	s19 =	simm.s32 $0x2000  }
0xe: {  	s20 =	simm.s32 $0x3000;
	s11 =	simm.s32 $0x2B00;
	s7 =	sshrl.u32 s7, $0x3  }
0xf: {  	s9 =	sadd.s32 $0x2400, s9;
	s23 =	sshrl.u32 s8, $0x3;
	s25 =	sor.u32 $0x1000, s8  }
0x10: {  	s1 =	smax.u32 s1, $0x1;
	s31 =	sadd.s32 $0x2000, s8;
	s8 =	simm.s32 $0x3A80  }
0x11: {  	s0 =	sadd.s32 s7, s0;
	[dreg:$0x3] =	wrdreg s9;
	s24 =	sadd.s32 s5, s23  }
0x12: {  	s10 =	sadd.s32 s6, s23;
	s26 =	sshrl.u32 s25, $0x3;
	[dreg:$0x8] =	wrdreg s1  }
0x13: {  	[dreg:$0x9] =	wrdreg s31;
	s7 =	sshrl.u32 s21, $0x3;
	s21 =	simm.s32 $0x50  }
.Ltmp0:
0x14: {  	s1 =	simm.s32 $0x3;
	s23 =	simm.s32 $0x3B00;
	(pc) =	sbr.rel .LBB2_1-.Ltmp0, $4  }
0x15: {  	s25 =	simm.s32 $0x3B80;
	s9 =	simm.s32 $0x0;
	[dreg:$0x5] =	wrdreg s24  }
0x16: {  	[dreg:$0x6] =	wrdreg s10;
	s0 =	sadd.s32 $0xF0E00, s0;
	s14 =	sadd.s32 s26, s6  }
0x17: {  	s15 =	sadd.s32 s26, s5;
	s24 =	simm.s32 $0x6800;
	[dreg:$0xa] =	wrdreg s7  }
0x18: {  	s26 =	simm.s32 $0x9000;
	s10 =	simm.s32 $0x4;
	[dreg:$0x7] =	wrdreg s0  }
.LBB2_4:
0x19: {  	[bflag:$0x0] =	sbarrier.arrive $0xFFFF  }
0x1a: {  	s18 =	rddreg [dreg:$0x4]  }
0x1b: {  	s0 =	rddreg [dreg:$0x7]  }
0x1c: {  	s7 =	rddreg [dreg:$0xa]  }
0x1d: {  	[hbm:s0], [sflag:s18] =	dma.local [spmem:s7], $0x2800  }
0x1e: {  	_ =	swait.ge [sflag:s17], $0x2800  }
0x1f: {  	s9 =	rddreg [dreg:$0xb]  }
0x20: {  	s31 =	rddreg [dreg:$0x8];
	s9 =	sadd.s32 $0x1, s9  }
0x21: {  	p0 =	sne.s32 s9, s31  }
.Ltmp1:
0x22: {  	_ = 	snop;
	(pc) =	sbr.rel @!p0 .LBB2_5-.Ltmp1, $3  }
0x23: {  	_ =	sdelay $0x1  }
0x24: {  	[sflag:s17] =	ssyncset.done $0x0  }
0x25: {  	[sflag:s17] =	ssyncadd.s32 $0xFFFFD800  }
.LBB2_1:
0x26: {  	[dreg:$0xb] =	wrdreg s9  }
0x27: {  	s0 =	rddreg [dreg:$0x3]  }
0x28: {  	[spmem:s7], [sflag:s18] =	dma.local [hbm:s0], $0x2800  }
0x29: {  	_ =	swait.ge [sflag:s17], $0x2800  }
0x2a: {  	[sflag:s17] =	ssyncset.done $0x0  }
0x2b: {  	s7 =	rddreg [dreg:$0x5];
	[sflag:s17] =	ssyncadd.s32 $0xFFFFD800  }
0x2c: {  	[tilespmem:s3], [sflag:$0x5] =	stream.linear.gather [hbm4b:s7+s3], $0xC80, $0x38;
	[tilespmem:$0x1F800] =	vst v63  }
0x2d: {  	_ =	swait.ge [sflag:s17], $0xC80  }
0x2e: {  	[sflag:s17] =	ssyncset.done $0x0  }
0x2f: {  	s18 =	simm.s32 $0x1000;
	s9 =	rddreg [dreg:$0x6];
	[sflag:s17] =	ssyncadd.s32 $0xFFFFF380  }
0x30: {  	[tilespmem:s18], [sflag:$0x5] =	stream.linear.gather [hbm4b:s9+s3], $0xC80, $0x38;
	[tilespmem:$0x1F800] =	vst v63  }
0x31: {  	_ =	swait.ge [sflag:s17], $0xC80  }
0x32: {  	[sflag:s17] =	ssyncset.done $0x0  }
0x33: {  	[sflag:s17] =	ssyncadd.s32 $0xFFFFF380  }
0x34: {  	[bflag:$0x0] =	sbarrier.arrive $0xFFFF  }
0x35: {  	s31 =	simm.s32 $0x0;
	s0 =	rddreg [dreg:$0x9]  }
.LBB2_2:
0x36: {  	s7 =	sadd.s32 s31, s15  }
0x37: {  	[tilespmem:s19], [sflag:$0x4] =	stream.linear.gather [hbm4b:s7+s3], $0xC80, $0x38;
	[tilespmem:$0x1F800] =	vst v63  }
0x38: {  	s9 =	sadd.s32 s31, s14  }
0x39: {  	[tilespmem:s20], [sflag:$0x4] =	stream.linear.gather [hbm4b:s9+s3], $0xC80, $0x38;
	[tilespmem:$0x1F800] =	vst v63  }
0x3a: {  	_ = 	snop  }
0x3b: {  	[tilespmem:s22], [sflag:$0x1] =	stream.indirect.gather [hbm4b:s4+s21], $0x80, s3, s21, $0xb8;
	[tilespmem:$0x1F800] =	vst v63  }
0x3c: {  	s18 =	simm.s32 $0x80  }
0x3d: {  	[tilespmem:s24], [sflag:$0x2] =	stream.indirect.gather [hbm4b:s4+s21], $0x80, s18, s21, $0xb8;
	[tilespmem:$0x1F800] =	vst v63  }
0x3e: {  	s9 =	simm.s32 $0x100  }
0x3f: {  	[tilespmem:s26], [sflag:$0x3] =	stream.indirect.gather [hbm4b:s4+s21], $0x80, s9, s21, $0xb8;
	[tilespmem:$0x1F800] =	vst v63  }
0x40: {  	_ =	swait.ge [sflag:s28], $0x2800  }
0x41: {  	[sflag:s28] =	ssyncset.done $0x0  }
0x42: {  	s18 =	simm.s32 $0x1000;
	[sflag:s28] =	ssyncadd.s32 $0xFFFFD800  }
0x43: {  	[spmem:s2] =	stream.indirect.scatter.add.f32 [tilespmem:s22], [sflag:$0x5], $0x80, s18, s21, $0xb8;
	[tilespmem:$0x1F800] =	vst v63  }
0x44: {  	_ =	swait.ge [sflag:s17], $0x2800  }
0x45: {  	[sflag:s17] =	ssyncset.done $0x0  }
0x46: {  	s9 =	simm.s32 $0x180;
	[sflag:s17] =	ssyncadd.s32 $0xFFFFD800  }
0x47: {  	[tilespmem:s22], [sflag:$0x1] =	stream.indirect.gather [hbm4b:s4+s21], $0x80, s9, s21, $0xb8;
	[tilespmem:$0x1F800] =	vst v63  }
0x48: {  	_ =	swait.ge [sflag:s30], $0x2800  }
0x49: {  	[sflag:s30] =	ssyncset.done $0x0  }
0x4a: {  	s18 =	simm.s32 $0x1080;
	[sflag:s30] =	ssyncadd.s32 $0xFFFFD800  }
0x4b: {  	[spmem:s2] =	stream.indirect.scatter.add.f32 [tilespmem:s24], [sflag:$0x5], $0x80, s18, s21, $0xb8;
	[tilespmem:$0x1F800] =	vst v63  }
0x4c: {  	_ =	swait.ge [sflag:s17], $0x2800  }
0x4d: {  	[sflag:s17] =	ssyncset.done $0x0  }
0x4e: {  	s9 =	simm.s32 $0x200;
	[sflag:s17] =	ssyncadd.s32 $0xFFFFD800  }
0x4f: {  	[tilespmem:s24], [sflag:$0x2] =	stream.indirect.gather [hbm4b:s4+s21], $0x80, s9, s21, $0xb8;
	[tilespmem:$0x1F800] =	vst v63  }
0x50: {  	_ =	swait.ge [sflag:s1], $0x2800  }
0x51: {  	[sflag:s1] =	ssyncset.done $0x0  }
0x52: {  	s18 =	simm.s32 $0x1100;
	[sflag:s1] =	ssyncadd.s32 $0xFFFFD800  }
0x53: {  	[spmem:s2] =	stream.indirect.scatter.add.f32 [tilespmem:s26], [sflag:$0x5], $0x80, s18, s21, $0xb8;
	[tilespmem:$0x1F800] =	vst v63  }
0x54: {  	_ =	swait.ge [sflag:s17], $0x2800  }
0x55: {  	[sflag:s17] =	ssyncset.done $0x0  }
0x56: {  	s9 =	simm.s32 $0x280;
	[sflag:s17] =	ssyncadd.s32 $0xFFFFD800  }
0x57: {  	[tilespmem:s26], [sflag:$0x3] =	stream.indirect.gather [hbm4b:s4+s21], $0x80, s9, s21, $0xb8;
	[tilespmem:$0x1F800] =	vst v63  }
0x58: {  	_ =	swait.ge [sflag:s28], $0x2800  }
0x59: {  	[sflag:s28] =	ssyncset.done $0x0  }
0x5a: {  	s18 =	simm.s32 $0x1180;
	[sflag:s28] =	ssyncadd.s32 $0xFFFFD800  }
0x5b: {  	[spmem:s2] =	stream.indirect.scatter.add.f32 [tilespmem:s22], [sflag:$0x5], $0x80, s18, s21, $0xb8;
	[tilespmem:$0x1F800] =	vst v63  }
0x5c: {  	_ =	swait.ge [sflag:s17], $0x2800  }
0x5d: {  	[sflag:s17] =	ssyncset.done $0x0  }
0x5e: {  	s9 =	simm.s32 $0x300;
	[sflag:s17] =	ssyncadd.s32 $0xFFFFD800  }
0x5f: {  	[tilespmem:s22], [sflag:$0x1] =	stream.indirect.gather [hbm4b:s4+s21], $0x80, s9, s21, $0xb8;
	[tilespmem:$0x1F800] =	vst v63  }
0x60: {  	_ =	swait.ge [sflag:s30], $0x2800  }
0x61: {  	[sflag:s30] =	ssyncset.done $0x0  }
0x62: {  	s18 =	simm.s32 $0x1200;
	[sflag:s30] =	ssyncadd.s32 $0xFFFFD800  }
0x63: {  	[spmem:s2] =	stream.indirect.scatter.add.f32 [tilespmem:s24], [sflag:$0x5], $0x80, s18, s21, $0xb8;
	[tilespmem:$0x1F800] =	vst v63  }
0x64: {  	_ =	swait.ge [sflag:s17], $0x2800  }
0x65: {  	[sflag:s17] =	ssyncset.done $0x0  }
0x66: {  	s9 =	simm.s32 $0x380;
	[sflag:s17] =	ssyncadd.s32 $0xFFFFD800  }
0x67: {  	[tilespmem:s24], [sflag:$0x2] =	stream.indirect.gather [hbm4b:s4+s21], $0x80, s9, s21, $0xb8;
	[tilespmem:$0x1F800] =	vst v63  }
0x68: {  	_ =	swait.ge [sflag:s1], $0x2800  }
0x69: {  	[sflag:s1] =	ssyncset.done $0x0  }
0x6a: {  	s18 =	simm.s32 $0x1280;
	[sflag:s1] =	ssyncadd.s32 $0xFFFFD800  }
0x6b: {  	[spmem:s2] =	stream.indirect.scatter.add.f32 [tilespmem:s26], [sflag:$0x5], $0x80, s18, s21, $0xb8;
	[tilespmem:$0x1F800] =	vst v63  }
0x6c: {  	_ =	swait.ge [sflag:s17], $0x2800  }
0x6d: {  	[sflag:s17] =	ssyncset.done $0x0  }
0x6e: {  	s9 =	simm.s32 $0x400;
	[sflag:s17] =	ssyncadd.s32 $0xFFFFD800  }
0x6f: {  	[tilespmem:s26], [sflag:$0x3] =	stream.indirect.gather [hbm4b:s4+s21], $0x80, s9, s21, $0xb8;
	[tilespmem:$0x1F800] =	vst v63  }
0x70: {  	_ =	swait.ge [sflag:s28], $0x2800  }
0x71: {  	[sflag:s28] =	ssyncset.done $0x0  }
0x72: {  	s18 =	simm.s32 $0x1300;
	[sflag:s28] =	ssyncadd.s32 $0xFFFFD800  }
0x73: {  	[spmem:s2] =	stream.indirect.scatter.add.f32 [tilespmem:s22], [sflag:$0x5], $0x80, s18, s21, $0xb8;
	[tilespmem:$0x1F800] =	vst v63  }
0x74: {  	_ =	swait.ge [sflag:s17], $0x2800  }
0x75: {  	[sflag:s17] =	ssyncset.done $0x0  }
0x76: {  	s9 =	simm.s32 $0x480;
	[sflag:s17] =	ssyncadd.s32 $0xFFFFD800  }
0x77: {  	[tilespmem:s22], [sflag:$0x1] =	stream.indirect.gather [hbm4b:s4+s21], $0x80, s9, s21, $0xb8;
	[tilespmem:$0x1F800] =	vst v63  }
0x78: {  	_ =	swait.ge [sflag:s30], $0x2800  }
0x79: {  	[sflag:s30] =	ssyncset.done $0x0  }
0x7a: {  	s18 =	simm.s32 $0x1380;
	[sflag:s30] =	ssyncadd.s32 $0xFFFFD800  }
0x7b: {  	[spmem:s2] =	stream.indirect.scatter.add.f32 [tilespmem:s24], [sflag:$0x5], $0x80, s18, s21, $0xb8;
	[tilespmem:$0x1F800] =	vst v63  }
0x7c: {  	_ =	swait.ge [sflag:s17], $0x2800  }
0x7d: {  	[sflag:s17] =	ssyncset.done $0x0  }
0x7e: {  	s9 =	simm.s32 $0x500;
	[sflag:s17] =	ssyncadd.s32 $0xFFFFD800  }
0x7f: {  	[tilespmem:s24], [sflag:$0x2] =	stream.indirect.gather [hbm4b:s4+s21], $0x80, s9, s21, $0xb8;
	[tilespmem:$0x1F800] =	vst v63  }
0x80: {  	_ =	swait.ge [sflag:s1], $0x2800  }
0x81: {  	[sflag:s1] =	ssyncset.done $0x0  }
0x82: {  	s18 =	simm.s32 $0x1400;
	[sflag:s1] =	ssyncadd.s32 $0xFFFFD800  }
0x83: {  	[spmem:s2] =	stream.indirect.scatter.add.f32 [tilespmem:s26], [sflag:$0x5], $0x80, s18, s21, $0xb8;
	[tilespmem:$0x1F800] =	vst v63  }
0x84: {  	_ =	swait.ge [sflag:s17], $0x2800  }
0x85: {  	[sflag:s17] =	ssyncset.done $0x0  }
0x86: {  	s9 =	simm.s32 $0x580;
	[sflag:s17] =	ssyncadd.s32 $0xFFFFD800  }
0x87: {  	[tilespmem:s26], [sflag:$0x3] =	stream.indirect.gather [hbm4b:s4+s21], $0x80, s9, s21, $0xb8;
	[tilespmem:$0x1F800] =	vst v63  }
0x88: {  	_ =	swait.ge [sflag:s28], $0x2800  }
0x89: {  	[sflag:s28] =	ssyncset.done $0x0  }
0x8a: {  	s18 =	simm.s32 $0x1480;
	[sflag:s28] =	ssyncadd.s32 $0xFFFFD800  }
0x8b: {  	[spmem:s2] =	stream.indirect.scatter.add.f32 [tilespmem:s22], [sflag:$0x5], $0x80, s18, s21, $0xb8;
	[tilespmem:$0x1F800] =	vst v63  }
0x8c: {  	_ =	swait.ge [sflag:s17], $0x2800  }
0x8d: {  	[sflag:s17] =	ssyncset.done $0x0  }
0x8e: {  	s9 =	simm.s32 $0x600;
	[sflag:s17] =	ssyncadd.s32 $0xFFFFD800  }
0x8f: {  	[tilespmem:s22], [sflag:$0x1] =	stream.indirect.gather [hbm4b:s4+s21], $0x80, s9, s21, $0xb8;
	[tilespmem:$0x1F800] =	vst v63  }
0x90: {  	_ =	swait.ge [sflag:s30], $0x2800  }
0x91: {  	[sflag:s30] =	ssyncset.done $0x0  }
0x92: {  	s18 =	simm.s32 $0x1500;
	[sflag:s30] =	ssyncadd.s32 $0xFFFFD800  }
0x93: {  	[spmem:s2] =	stream.indirect.scatter.add.f32 [tilespmem:s24], [sflag:$0x5], $0x80, s18, s21, $0xb8;
	[tilespmem:$0x1F800] =	vst v63  }
0x94: {  	_ =	swait.ge [sflag:s17], $0x2800  }
0x95: {  	[sflag:s17] =	ssyncset.done $0x0  }
0x96: {  	s9 =	simm.s32 $0x680;
	[sflag:s17] =	ssyncadd.s32 $0xFFFFD800  }
0x97: {  	[tilespmem:s24], [sflag:$0x2] =	stream.indirect.gather [hbm4b:s4+s21], $0x80, s9, s21, $0xb8;
	[tilespmem:$0x1F800] =	vst v63  }
0x98: {  	_ =	swait.ge [sflag:s1], $0x2800  }
0x99: {  	[sflag:s1] =	ssyncset.done $0x0  }
0x9a: {  	s18 =	simm.s32 $0x1580;
	[sflag:s1] =	ssyncadd.s32 $0xFFFFD800  }
0x9b: {  	[spmem:s2] =	stream.indirect.scatter.add.f32 [tilespmem:s26], [sflag:$0x5], $0x80, s18, s21, $0xb8;
	[tilespmem:$0x1F800] =	vst v63  }
0x9c: {  	_ =	swait.ge [sflag:s17], $0x2800  }
0x9d: {  	[sflag:s17] =	ssyncset.done $0x0  }
0x9e: {  	s9 =	simm.s32 $0x700;
	[sflag:s17] =	ssyncadd.s32 $0xFFFFD800  }
0x9f: {  	[tilespmem:s26], [sflag:$0x3] =	stream.indirect.gather [hbm4b:s4+s21], $0x80, s9, s21, $0xb8;
	[tilespmem:$0x1F800] =	vst v63  }
0xa0: {  	_ =	swait.ge [sflag:s28], $0x2800  }
0xa1: {  	[sflag:s28] =	ssyncset.done $0x0  }
0xa2: {  	s18 =	simm.s32 $0x1600;
	[sflag:s28] =	ssyncadd.s32 $0xFFFFD800  }
0xa3: {  	[spmem:s2] =	stream.indirect.scatter.add.f32 [tilespmem:s22], [sflag:$0x5], $0x80, s18, s21, $0xb8;
	[tilespmem:$0x1F800] =	vst v63  }
0xa4: {  	_ =	swait.ge [sflag:s17], $0x2800  }
0xa5: {  	[sflag:s17] =	ssyncset.done $0x0  }
0xa6: {  	s9 =	simm.s32 $0x780;
	[sflag:s17] =	ssyncadd.s32 $0xFFFFD800  }
0xa7: {  	[tilespmem:s22], [sflag:$0x1] =	stream.indirect.gather [hbm4b:s4+s21], $0x80, s9, s21, $0xb8;
	[tilespmem:$0x1F800] =	vst v63  }
0xa8: {  	_ =	swait.ge [sflag:s30], $0x2800  }
0xa9: {  	[sflag:s30] =	ssyncset.done $0x0  }
0xaa: {  	s18 =	simm.s32 $0x1680;
	[sflag:s30] =	ssyncadd.s32 $0xFFFFD800  }
0xab: {  	[spmem:s2] =	stream.indirect.scatter.add.f32 [tilespmem:s24], [sflag:$0x5], $0x80, s18, s21, $0xb8;
	[tilespmem:$0x1F800] =	vst v63  }
0xac: {  	_ =	swait.ge [sflag:s17], $0x2800  }
0xad: {  	[sflag:s17] =	ssyncset.done $0x0  }
0xae: {  	s9 =	simm.s32 $0x800;
	[sflag:s17] =	ssyncadd.s32 $0xFFFFD800  }
0xaf: {  	[tilespmem:s24], [sflag:$0x2] =	stream.indirect.gather [hbm4b:s4+s21], $0x80, s9, s21, $0xb8;
	[tilespmem:$0x1F800] =	vst v63  }
0xb0: {  	_ =	swait.ge [sflag:s1], $0x2800  }
0xb1: {  	[sflag:s1] =	ssyncset.done $0x0  }
0xb2: {  	s18 =	simm.s32 $0x1700;
	[sflag:s1] =	ssyncadd.s32 $0xFFFFD800  }
0xb3: {  	[spmem:s2] =	stream.indirect.scatter.add.f32 [tilespmem:s26], [sflag:$0x5], $0x80, s18, s21, $0xb8;
	[tilespmem:$0x1F800] =	vst v63  }
0xb4: {  	_ =	swait.ge [sflag:s17], $0x2800  }
0xb5: {  	[sflag:s17] =	ssyncset.done $0x0  }
0xb6: {  	s9 =	simm.s32 $0x880;
	[sflag:s17] =	ssyncadd.s32 $0xFFFFD800  }
0xb7: {  	[tilespmem:s26], [sflag:$0x3] =	stream.indirect.gather [hbm4b:s4+s21], $0x80, s9, s21, $0xb8;
	[tilespmem:$0x1F800] =	vst v63  }
0xb8: {  	_ =	swait.ge [sflag:s28], $0x2800  }
0xb9: {  	[sflag:s28] =	ssyncset.done $0x0  }
0xba: {  	s18 =	simm.s32 $0x1780;
	[sflag:s28] =	ssyncadd.s32 $0xFFFFD800  }
0xbb: {  	[spmem:s2] =	stream.indirect.scatter.add.f32 [tilespmem:s22], [sflag:$0x5], $0x80, s18, s21, $0xb8;
	[tilespmem:$0x1F800] =	vst v63  }
0xbc: {  	_ =	swait.ge [sflag:s17], $0x2800  }
0xbd: {  	[sflag:s17] =	ssyncset.done $0x0  }
0xbe: {  	s9 =	simm.s32 $0x900;
	[sflag:s17] =	ssyncadd.s32 $0xFFFFD800  }
0xbf: {  	[tilespmem:s22], [sflag:$0x1] =	stream.indirect.gather [hbm4b:s4+s21], $0x80, s9, s21, $0xb8;
	[tilespmem:$0x1F800] =	vst v63  }
0xc0: {  	_ =	swait.ge [sflag:s30], $0x2800  }
0xc1: {  	[sflag:s30] =	ssyncset.done $0x0  }
0xc2: {  	s18 =	simm.s32 $0x1800;
	[sflag:s30] =	ssyncadd.s32 $0xFFFFD800  }
0xc3: {  	[spmem:s2] =	stream.indirect.scatter.add.f32 [tilespmem:s24], [sflag:$0x5], $0x80, s18, s21, $0xb8;
	[tilespmem:$0x1F800] =	vst v63  }
0xc4: {  	_ =	swait.ge [sflag:s17], $0x2800  }
0xc5: {  	[sflag:s17] =	ssyncset.done $0x0  }
0xc6: {  	s9 =	simm.s32 $0x980;
	[sflag:s17] =	ssyncadd.s32 $0xFFFFD800  }
0xc7: {  	[tilespmem:s24], [sflag:$0x2] =	stream.indirect.gather [hbm4b:s4+s21], $0x80, s9, s21, $0xb8;
	[tilespmem:$0x1F800] =	vst v63  }
0xc8: {  	_ =	swait.ge [sflag:s1], $0x2800  }
0xc9: {  	[sflag:s1] =	ssyncset.done $0x0  }
0xca: {  	s18 =	simm.s32 $0x1880;
	[sflag:s1] =	ssyncadd.s32 $0xFFFFD800  }
0xcb: {  	[spmem:s2] =	stream.indirect.scatter.add.f32 [tilespmem:s26], [sflag:$0x5], $0x80, s18, s21, $0xb8;
	[tilespmem:$0x1F800] =	vst v63  }
0xcc: {  	_ =	swait.ge [sflag:s17], $0x2800  }
0xcd: {  	[sflag:s17] =	ssyncset.done $0x0  }
0xce: {  	s9 =	simm.s32 $0xA00;
	[sflag:s17] =	ssyncadd.s32 $0xFFFFD800  }
0xcf: {  	[tilespmem:s26], [sflag:$0x3] =	stream.indirect.gather [hbm4b:s4+s21], $0x80, s9, s21, $0xb8;
	[tilespmem:$0x1F800] =	vst v63  }
0xd0: {  	_ =	swait.ge [sflag:s28], $0x2800  }
0xd1: {  	[sflag:s28] =	ssyncset.done $0x0  }
0xd2: {  	s18 =	simm.s32 $0x1900;
	[sflag:s28] =	ssyncadd.s32 $0xFFFFD800  }
0xd3: {  	[spmem:s2] =	stream.indirect.scatter.add.f32 [tilespmem:s22], [sflag:$0x5], $0x80, s18, s21, $0xb8;
	[tilespmem:$0x1F800] =	vst v63  }
0xd4: {  	_ =	swait.ge [sflag:s17], $0x2800  }
0xd5: {  	[sflag:s17] =	ssyncset.done $0x0  }
0xd6: {  	s9 =	simm.s32 $0xA80;
	[sflag:s17] =	ssyncadd.s32 $0xFFFFD800  }
0xd7: {  	[tilespmem:s22], [sflag:$0x1] =	stream.indirect.gather [hbm4b:s4+s21], $0x80, s9, s21, $0xb8;
	[tilespmem:$0x1F800] =	vst v63  }
0xd8: {  	_ =	swait.ge [sflag:s30], $0x2800  }
0xd9: {  	[sflag:s30] =	ssyncset.done $0x0  }
0xda: {  	s18 =	simm.s32 $0x1980;
	[sflag:s30] =	ssyncadd.s32 $0xFFFFD800  }
0xdb: {  	[spmem:s2] =	stream.indirect.scatter.add.f32 [tilespmem:s24], [sflag:$0x5], $0x80, s18, s21, $0xb8;
	[tilespmem:$0x1F800] =	vst v63  }
0xdc: {  	_ =	swait.ge [sflag:s17], $0x2800  }
0xdd: {  	[sflag:s17] =	ssyncset.done $0x0  }
0xde: {  	s9 =	simm.s32 $0xB00;
	[sflag:s17] =	ssyncadd.s32 $0xFFFFD800  }
0xdf: {  	[tilespmem:s24], [sflag:$0x2] =	stream.indirect.gather [hbm4b:s4+s21], $0x80, s9, s21, $0xb8;
	[tilespmem:$0x1F800] =	vst v63  }
0xe0: {  	_ =	swait.ge [sflag:s1], $0x2800  }
0xe1: {  	[sflag:s1] =	ssyncset.done $0x0  }
0xe2: {  	s18 =	simm.s32 $0x1A00;
	[sflag:s1] =	ssyncadd.s32 $0xFFFFD800  }
0xe3: {  	[spmem:s2] =	stream.indirect.scatter.add.f32 [tilespmem:s26], [sflag:$0x5], $0x80, s18, s21, $0xb8;
	[tilespmem:$0x1F800] =	vst v63  }
0xe4: {  	_ =	swait.ge [sflag:s17], $0x2800  }
0xe5: {  	[sflag:s17] =	ssyncset.done $0x0  }
0xe6: {  	s9 =	simm.s32 $0xB80;
	[sflag:s17] =	ssyncadd.s32 $0xFFFFD800  }
0xe7: {  	[tilespmem:s26], [sflag:$0x3] =	stream.indirect.gather [hbm4b:s4+s21], $0x80, s9, s21, $0xb8;
	[tilespmem:$0x1F800] =	vst v63  }
0xe8: {  	_ =	swait.ge [sflag:s28], $0x2800  }
0xe9: {  	[sflag:s28] =	ssyncset.done $0x0  }
0xea: {  	s18 =	simm.s32 $0x1A80;
	[sflag:s28] =	ssyncadd.s32 $0xFFFFD800  }
0xeb: {  	[spmem:s2] =	stream.indirect.scatter.add.f32 [tilespmem:s22], [sflag:$0x5], $0x80, s18, s21, $0xb8;
	[tilespmem:$0x1F800] =	vst v63  }
0xec: {  	_ =	swait.ge [sflag:s17], $0x2800  }
0xed: {  	[sflag:s17] =	ssyncset.done $0x0  }
0xee: {  	s9 =	simm.s32 $0xC00;
	[sflag:s17] =	ssyncadd.s32 $0xFFFFD800  }
0xef: {  	[tilespmem:s22], [sflag:$0x1] =	stream.indirect.gather [hbm4b:s4+s21], $0x80, s9, s21, $0xb8;
	[tilespmem:$0x1F800] =	vst v63  }
0xf0: {  	_ =	swait.ge [sflag:s30], $0x2800  }
0xf1: {  	[sflag:s30] =	ssyncset.done $0x0  }
0xf2: {  	s18 =	simm.s32 $0x1B00;
	[sflag:s30] =	ssyncadd.s32 $0xFFFFD800  }
0xf3: {  	[spmem:s2] =	stream.indirect.scatter.add.f32 [tilespmem:s24], [sflag:$0x5], $0x80, s18, s21, $0xb8;
	[tilespmem:$0x1F800] =	vst v63  }
0xf4: {  	_ =	swait.ge [sflag:s17], $0x2800  }
0xf5: {  	[sflag:s17] =	ssyncset.done $0x0  }
0xf6: {  	[sflag:s17] =	ssyncadd.s32 $0xFFFFD800  }
0xf7: {  	_ =	swait.ge [sflag:s1], $0x2800  }
0xf8: {  	[sflag:s1] =	ssyncset.done $0x0  }
0xf9: {  	s9 =	simm.s32 $0x1B80;
	[sflag:s1] =	ssyncadd.s32 $0xFFFFD800  }
0xfa: {  	[spmem:s2] =	stream.indirect.scatter.add.f32 [tilespmem:s26], [sflag:$0x5], $0x80, s9, s21, $0xb8;
	[tilespmem:$0x1F800] =	vst v63  }
0xfb: {  	_ =	swait.ge [sflag:s17], $0x2800  }
0xfc: {  	[sflag:s17] =	ssyncset.done $0x0  }
0xfd: {  	[sflag:s17] =	ssyncadd.s32 $0xFFFFD800  }
0xfe: {  	_ =	swait.ge [sflag:s28], $0x2800  }
0xff: {  	[sflag:s28] =	ssyncset.done $0x0  }
0x100: {  	s18 =	simm.s32 $0x1C00;
	[sflag:s28] =	ssyncadd.s32 $0xFFFFD800  }
0x101: {  	[spmem:s2] =	stream.indirect.scatter.add.f32 [tilespmem:s22], [sflag:$0x5], $0x80, s18, s21, $0xb8;
	[tilespmem:$0x1F800] =	vst v63  }
0x102: {  	_ =	swait.ge [sflag:s17], $0x2800  }
0x103: {  	[sflag:s17] =	ssyncset.done $0x0  }
0x104: {  	[sflag:s17] =	ssyncadd.s32 $0xFFFFD800  }
0x105: {  	_ =	swait.ge [sflag:s10], $0xC80  }
0x106: {  	[sflag:s10] =	ssyncset.done $0x0  }
0x107: {  	[sflag:s10] =	ssyncadd.s32 $0xFFFFF380  }
0x108: {  	p0 =	seq.s32 s31, $0x1000;
	_ =	swait.ge [sflag:s10], $0xC80  }
0x109: {  	s7 =	sshrl.u32 @!p0 s0, $0x3;
	[sflag:s10] =	ssyncset.done $0x0  }
0x10a: {  	s9 =	sadd.s32 @!p0 s5, s7;
	s18 =	simm.s32 @!p0 $0x0;
	[sflag:s10] =	ssyncadd.s32 $0xFFFFF380  }
0x10b: {  	[tilespmem:s18], [sflag:$0x4] =	stream.linear.gather @!p0 [hbm4b:s9+s18], $0xC80, $0x38;
	[tilespmem:$0x1F800] =	vst v63  }
0x10c: {  	s7 =	sadd.s32 @!p0 s6, s7;
	s9 =	simm.s32 @!p0 $0x1000  }
0x10d: {  	[tilespmem:s9], [sflag:$0x4] =	stream.linear.gather @!p0 [hbm4b:s7+s18], $0xC80, $0x38;
	[tilespmem:$0x1F800] =	vst v63  }
0x10e: {  	_ = 	snop  }
0x10f: {  	[tilespmem:s22], [sflag:$0x1] =	stream.indirect.gather [hbm4b:s4+s21], $0x80, s19, s21, $0xb8;
	[tilespmem:$0x1F800] =	vst v63  }
0x110: {  	s9 =	simm.s32 $0x2080  }
0x111: {  	[tilespmem:s24], [sflag:$0x2] =	stream.indirect.gather [hbm4b:s4+s21], $0x80, s9, s21, $0xb8;
	[tilespmem:$0x1F800] =	vst v63  }
0x112: {  	s18 =	simm.s32 $0x2100  }
0x113: {  	[tilespmem:s26], [sflag:$0x3] =	stream.indirect.gather [hbm4b:s4+s21], $0x80, s18, s21, $0xb8;
	[tilespmem:$0x1F800] =	vst v63  }
0x114: {  	_ =	swait.ge [sflag:s28], $0x2800  }
0x115: {  	[sflag:s28] =	ssyncset.done $0x0  }
0x116: {  	[sflag:s28] =	ssyncadd.s32 $0xFFFFD800  }
0x117: {  	[spmem:s2] =	stream.indirect.scatter.add.f32 [tilespmem:s22], [sflag:$0x5], $0x80, s20, s21, $0xb8;
	[tilespmem:$0x1F800] =	vst v63  }
0x118: {  	_ =	swait.ge [sflag:s17], $0x2800  }
0x119: {  	[sflag:s17] =	ssyncset.done $0x0  }
0x11a: {  	s9 =	simm.s32 $0x2180;
	[sflag:s17] =	ssyncadd.s32 $0xFFFFD800  }
0x11b: {  	[tilespmem:s22], [sflag:$0x1] =	stream.indirect.gather [hbm4b:s4+s21], $0x80, s9, s21, $0xb8;
	[tilespmem:$0x1F800] =	vst v63  }
0x11c: {  	_ =	swait.ge [sflag:s30], $0x2800  }
0x11d: {  	[sflag:s30] =	ssyncset.done $0x0  }
0x11e: {  	s18 =	simm.s32 $0x3080;
	[sflag:s30] =	ssyncadd.s32 $0xFFFFD800  }
0x11f: {  	[spmem:s2] =	stream.indirect.scatter.add.f32 [tilespmem:s24], [sflag:$0x5], $0x80, s18, s21, $0xb8;
	[tilespmem:$0x1F800] =	vst v63  }
0x120: {  	_ =	swait.ge [sflag:s17], $0x2800  }
0x121: {  	[sflag:s17] =	ssyncset.done $0x0  }
0x122: {  	s9 =	simm.s32 $0x2200;
	[sflag:s17] =	ssyncadd.s32 $0xFFFFD800  }
0x123: {  	[tilespmem:s24], [sflag:$0x2] =	stream.indirect.gather [hbm4b:s4+s21], $0x80, s9, s21, $0xb8;
	[tilespmem:$0x1F800] =	vst v63  }
0x124: {  	_ =	swait.ge [sflag:s1], $0x2800  }
0x125: {  	[sflag:s1] =	ssyncset.done $0x0  }
0x126: {  	s18 =	simm.s32 $0x3100;
	[sflag:s1] =	ssyncadd.s32 $0xFFFFD800  }
0x127: {  	[spmem:s2] =	stream.indirect.scatter.add.f32 [tilespmem:s26], [sflag:$0x5], $0x80, s18, s21, $0xb8;
	[tilespmem:$0x1F800] =	vst v63  }
0x128: {  	_ =	swait.ge [sflag:s17], $0x2800  }
0x129: {  	[sflag:s17] =	ssyncset.done $0x0  }
0x12a: {  	s9 =	simm.s32 $0x2280;
	[sflag:s17] =	ssyncadd.s32 $0xFFFFD800  }
0x12b: {  	[tilespmem:s26], [sflag:$0x3] =	stream.indirect.gather [hbm4b:s4+s21], $0x80, s9, s21, $0xb8;
	[tilespmem:$0x1F800] =	vst v63  }
0x12c: {  	_ =	swait.ge [sflag:s28], $0x2800  }
0x12d: {  	[sflag:s28] =	ssyncset.done $0x0  }
0x12e: {  	s18 =	simm.s32 $0x3180;
	[sflag:s28] =	ssyncadd.s32 $0xFFFFD800  }
0x12f: {  	[spmem:s2] =	stream.indirect.scatter.add.f32 [tilespmem:s22], [sflag:$0x5], $0x80, s18, s21, $0xb8;
	[tilespmem:$0x1F800] =	vst v63  }
0x130: {  	_ =	swait.ge [sflag:s17], $0x2800  }
0x131: {  	[sflag:s17] =	ssyncset.done $0x0  }
0x132: {  	s9 =	simm.s32 $0x2300;
	[sflag:s17] =	ssyncadd.s32 $0xFFFFD800  }
0x133: {  	[tilespmem:s22], [sflag:$0x1] =	stream.indirect.gather [hbm4b:s4+s21], $0x80, s9, s21, $0xb8;
	[tilespmem:$0x1F800] =	vst v63  }
0x134: {  	_ =	swait.ge [sflag:s30], $0x2800  }
0x135: {  	[sflag:s30] =	ssyncset.done $0x0  }
0x136: {  	s18 =	simm.s32 $0x3200;
	[sflag:s30] =	ssyncadd.s32 $0xFFFFD800  }
0x137: {  	[spmem:s2] =	stream.indirect.scatter.add.f32 [tilespmem:s24], [sflag:$0x5], $0x80, s18, s21, $0xb8;
	[tilespmem:$0x1F800] =	vst v63  }
0x138: {  	_ =	swait.ge [sflag:s17], $0x2800  }
0x139: {  	[sflag:s17] =	ssyncset.done $0x0  }
0x13a: {  	s9 =	simm.s32 $0x2380;
	[sflag:s17] =	ssyncadd.s32 $0xFFFFD800  }
0x13b: {  	[tilespmem:s24], [sflag:$0x2] =	stream.indirect.gather [hbm4b:s4+s21], $0x80, s9, s21, $0xb8;
	[tilespmem:$0x1F800] =	vst v63  }
0x13c: {  	_ =	swait.ge [sflag:s1], $0x2800  }
0x13d: {  	[sflag:s1] =	ssyncset.done $0x0  }
0x13e: {  	s18 =	simm.s32 $0x3280;
	[sflag:s1] =	ssyncadd.s32 $0xFFFFD800  }
0x13f: {  	[spmem:s2] =	stream.indirect.scatter.add.f32 [tilespmem:s26], [sflag:$0x5], $0x80, s18, s21, $0xb8;
	[tilespmem:$0x1F800] =	vst v63  }
0x140: {  	_ =	swait.ge [sflag:s17], $0x2800  }
0x141: {  	[sflag:s17] =	ssyncset.done $0x0  }
0x142: {  	s9 =	simm.s32 $0x2400;
	[sflag:s17] =	ssyncadd.s32 $0xFFFFD800  }
0x143: {  	[tilespmem:s26], [sflag:$0x3] =	stream.indirect.gather [hbm4b:s4+s21], $0x80, s9, s21, $0xb8;
	[tilespmem:$0x1F800] =	vst v63  }
0x144: {  	_ =	swait.ge [sflag:s28], $0x2800  }
0x145: {  	[sflag:s28] =	ssyncset.done $0x0  }
0x146: {  	s18 =	simm.s32 $0x3300;
	[sflag:s28] =	ssyncadd.s32 $0xFFFFD800  }
0x147: {  	[spmem:s2] =	stream.indirect.scatter.add.f32 [tilespmem:s22], [sflag:$0x5], $0x80, s18, s21, $0xb8;
	[tilespmem:$0x1F800] =	vst v63  }
0x148: {  	_ =	swait.ge [sflag:s17], $0x2800  }
0x149: {  	[sflag:s17] =	ssyncset.done $0x0  }
0x14a: {  	s9 =	simm.s32 $0x2480;
	[sflag:s17] =	ssyncadd.s32 $0xFFFFD800  }
0x14b: {  	[tilespmem:s22], [sflag:$0x1] =	stream.indirect.gather [hbm4b:s4+s21], $0x80, s9, s21, $0xb8;
	[tilespmem:$0x1F800] =	vst v63  }
0x14c: {  	_ =	swait.ge [sflag:s30], $0x2800  }
0x14d: {  	[sflag:s30] =	ssyncset.done $0x0  }
0x14e: {  	s18 =	simm.s32 $0x3380;
	[sflag:s30] =	ssyncadd.s32 $0xFFFFD800  }
0x14f: {  	[spmem:s2] =	stream.indirect.scatter.add.f32 [tilespmem:s24], [sflag:$0x5], $0x80, s18, s21, $0xb8;
	[tilespmem:$0x1F800] =	vst v63  }
0x150: {  	_ =	swait.ge [sflag:s17], $0x2800  }
0x151: {  	[sflag:s17] =	ssyncset.done $0x0  }
0x152: {  	s9 =	simm.s32 $0x2500;
	[sflag:s17] =	ssyncadd.s32 $0xFFFFD800  }
0x153: {  	[tilespmem:s24], [sflag:$0x2] =	stream.indirect.gather [hbm4b:s4+s21], $0x80, s9, s21, $0xb8;
	[tilespmem:$0x1F800] =	vst v63  }
0x154: {  	_ =	swait.ge [sflag:s1], $0x2800  }
0x155: {  	[sflag:s1] =	ssyncset.done $0x0  }
0x156: {  	s18 =	simm.s32 $0x3400;
	[sflag:s1] =	ssyncadd.s32 $0xFFFFD800  }
0x157: {  	[spmem:s2] =	stream.indirect.scatter.add.f32 [tilespmem:s26], [sflag:$0x5], $0x80, s18, s21, $0xb8;
	[tilespmem:$0x1F800] =	vst v63  }
0x158: {  	_ =	swait.ge [sflag:s17], $0x2800  }
0x159: {  	[sflag:s17] =	ssyncset.done $0x0  }
0x15a: {  	s9 =	simm.s32 $0x2580;
	[sflag:s17] =	ssyncadd.s32 $0xFFFFD800  }
0x15b: {  	[tilespmem:s26], [sflag:$0x3] =	stream.indirect.gather [hbm4b:s4+s21], $0x80, s9, s21, $0xb8;
	[tilespmem:$0x1F800] =	vst v63  }
0x15c: {  	_ =	swait.ge [sflag:s28], $0x2800  }
0x15d: {  	[sflag:s28] =	ssyncset.done $0x0  }
0x15e: {  	s18 =	simm.s32 $0x3480;
	[sflag:s28] =	ssyncadd.s32 $0xFFFFD800  }
0x15f: {  	[spmem:s2] =	stream.indirect.scatter.add.f32 [tilespmem:s22], [sflag:$0x5], $0x80, s18, s21, $0xb8;
	[tilespmem:$0x1F800] =	vst v63  }
0x160: {  	_ =	swait.ge [sflag:s17], $0x2800  }
0x161: {  	[sflag:s17] =	ssyncset.done $0x0  }
0x162: {  	s9 =	simm.s32 $0x2600;
	[sflag:s17] =	ssyncadd.s32 $0xFFFFD800  }
0x163: {  	[tilespmem:s22], [sflag:$0x1] =	stream.indirect.gather [hbm4b:s4+s21], $0x80, s9, s21, $0xb8;
	[tilespmem:$0x1F800] =	vst v63  }
0x164: {  	_ =	swait.ge [sflag:s30], $0x2800  }
0x165: {  	[sflag:s30] =	ssyncset.done $0x0  }
0x166: {  	s18 =	simm.s32 $0x3500;
	[sflag:s30] =	ssyncadd.s32 $0xFFFFD800  }
0x167: {  	[spmem:s2] =	stream.indirect.scatter.add.f32 [tilespmem:s24], [sflag:$0x5], $0x80, s18, s21, $0xb8;
	[tilespmem:$0x1F800] =	vst v63  }
0x168: {  	_ =	swait.ge [sflag:s17], $0x2800  }
0x169: {  	[sflag:s17] =	ssyncset.done $0x0  }
0x16a: {  	s9 =	simm.s32 $0x2680;
	[sflag:s17] =	ssyncadd.s32 $0xFFFFD800  }
0x16b: {  	[tilespmem:s24], [sflag:$0x2] =	stream.indirect.gather [hbm4b:s4+s21], $0x80, s9, s21, $0xb8;
	[tilespmem:$0x1F800] =	vst v63  }
0x16c: {  	_ =	swait.ge [sflag:s1], $0x2800  }
0x16d: {  	[sflag:s1] =	ssyncset.done $0x0  }
0x16e: {  	s18 =	simm.s32 $0x3580;
	[sflag:s1] =	ssyncadd.s32 $0xFFFFD800  }
0x16f: {  	[spmem:s2] =	stream.indirect.scatter.add.f32 [tilespmem:s26], [sflag:$0x5], $0x80, s18, s21, $0xb8;
	[tilespmem:$0x1F800] =	vst v63  }
0x170: {  	_ =	swait.ge [sflag:s17], $0x2800  }
0x171: {  	[sflag:s17] =	ssyncset.done $0x0  }
0x172: {  	s9 =	simm.s32 $0x2700;
	[sflag:s17] =	ssyncadd.s32 $0xFFFFD800  }
0x173: {  	[tilespmem:s26], [sflag:$0x3] =	stream.indirect.gather [hbm4b:s4+s21], $0x80, s9, s21, $0xb8;
	[tilespmem:$0x1F800] =	vst v63  }
0x174: {  	_ =	swait.ge [sflag:s28], $0x2800  }
0x175: {  	[sflag:s28] =	ssyncset.done $0x0  }
0x176: {  	s18 =	simm.s32 $0x3600;
	[sflag:s28] =	ssyncadd.s32 $0xFFFFD800  }
0x177: {  	[spmem:s2] =	stream.indirect.scatter.add.f32 [tilespmem:s22], [sflag:$0x5], $0x80, s18, s21, $0xb8;
	[tilespmem:$0x1F800] =	vst v63  }
0x178: {  	_ =	swait.ge [sflag:s17], $0x2800  }
0x179: {  	[sflag:s17] =	ssyncset.done $0x0  }
0x17a: {  	s9 =	simm.s32 $0x2780;
	[sflag:s17] =	ssyncadd.s32 $0xFFFFD800  }
0x17b: {  	[tilespmem:s22], [sflag:$0x1] =	stream.indirect.gather [hbm4b:s4+s21], $0x80, s9, s21, $0xb8;
	[tilespmem:$0x1F800] =	vst v63  }
0x17c: {  	_ =	swait.ge [sflag:s30], $0x2800  }
0x17d: {  	[sflag:s30] =	ssyncset.done $0x0  }
0x17e: {  	s18 =	simm.s32 $0x3680;
	[sflag:s30] =	ssyncadd.s32 $0xFFFFD800  }
0x17f: {  	[spmem:s2] =	stream.indirect.scatter.add.f32 [tilespmem:s24], [sflag:$0x5], $0x80, s18, s21, $0xb8;
	[tilespmem:$0x1F800] =	vst v63  }
0x180: {  	_ =	swait.ge [sflag:s17], $0x2800  }
0x181: {  	[sflag:s17] =	ssyncset.done $0x0  }
0x182: {  	s9 =	simm.s32 $0x2800;
	[sflag:s17] =	ssyncadd.s32 $0xFFFFD800  }
0x183: {  	[tilespmem:s24], [sflag:$0x2] =	stream.indirect.gather [hbm4b:s4+s21], $0x80, s9, s21, $0xb8;
	[tilespmem:$0x1F800] =	vst v63  }
0x184: {  	_ =	swait.ge [sflag:s1], $0x2800  }
0x185: {  	[sflag:s1] =	ssyncset.done $0x0  }
0x186: {  	s18 =	simm.s32 $0x3700;
	[sflag:s1] =	ssyncadd.s32 $0xFFFFD800  }
0x187: {  	[spmem:s2] =	stream.indirect.scatter.add.f32 [tilespmem:s26], [sflag:$0x5], $0x80, s18, s21, $0xb8;
	[tilespmem:$0x1F800] =	vst v63  }
0x188: {  	_ =	swait.ge [sflag:s17], $0x2800  }
0x189: {  	[sflag:s17] =	ssyncset.done $0x0  }
0x18a: {  	s9 =	simm.s32 $0x2880;
	[sflag:s17] =	ssyncadd.s32 $0xFFFFD800  }
0x18b: {  	[tilespmem:s26], [sflag:$0x3] =	stream.indirect.gather [hbm4b:s4+s21], $0x80, s9, s21, $0xb8;
	[tilespmem:$0x1F800] =	vst v63  }
0x18c: {  	_ =	swait.ge [sflag:s28], $0x2800  }
0x18d: {  	[sflag:s28] =	ssyncset.done $0x0  }
0x18e: {  	s18 =	simm.s32 $0x3780;
	[sflag:s28] =	ssyncadd.s32 $0xFFFFD800  }
0x18f: {  	[spmem:s2] =	stream.indirect.scatter.add.f32 [tilespmem:s22], [sflag:$0x5], $0x80, s18, s21, $0xb8;
	[tilespmem:$0x1F800] =	vst v63  }
0x190: {  	_ =	swait.ge [sflag:s17], $0x2800  }
0x191: {  	[sflag:s17] =	ssyncset.done $0x0  }
0x192: {  	s9 =	simm.s32 $0x2900;
	[sflag:s17] =	ssyncadd.s32 $0xFFFFD800  }
0x193: {  	[tilespmem:s22], [sflag:$0x1] =	stream.indirect.gather [hbm4b:s4+s21], $0x80, s9, s21, $0xb8;
	[tilespmem:$0x1F800] =	vst v63  }
0x194: {  	_ =	swait.ge [sflag:s30], $0x2800  }
0x195: {  	[sflag:s30] =	ssyncset.done $0x0  }
0x196: {  	s18 =	simm.s32 $0x3800;
	[sflag:s30] =	ssyncadd.s32 $0xFFFFD800  }
0x197: {  	[spmem:s2] =	stream.indirect.scatter.add.f32 [tilespmem:s24], [sflag:$0x5], $0x80, s18, s21, $0xb8;
	[tilespmem:$0x1F800] =	vst v63  }
0x198: {  	_ =	swait.ge [sflag:s17], $0x2800  }
0x199: {  	[sflag:s17] =	ssyncset.done $0x0  }
0x19a: {  	s9 =	simm.s32 $0x2980;
	[sflag:s17] =	ssyncadd.s32 $0xFFFFD800  }
0x19b: {  	[tilespmem:s24], [sflag:$0x2] =	stream.indirect.gather [hbm4b:s4+s21], $0x80, s9, s21, $0xb8;
	[tilespmem:$0x1F800] =	vst v63  }
0x19c: {  	_ =	swait.ge [sflag:s1], $0x2800  }
0x19d: {  	[sflag:s1] =	ssyncset.done $0x0  }
0x19e: {  	s18 =	simm.s32 $0x3880;
	[sflag:s1] =	ssyncadd.s32 $0xFFFFD800  }
0x19f: {  	[spmem:s2] =	stream.indirect.scatter.add.f32 [tilespmem:s26], [sflag:$0x5], $0x80, s18, s21, $0xb8;
	[tilespmem:$0x1F800] =	vst v63  }
0x1a0: {  	_ =	swait.ge [sflag:s17], $0x2800  }
0x1a1: {  	[sflag:s17] =	ssyncset.done $0x0  }
0x1a2: {  	s9 =	simm.s32 $0x2A00;
	[sflag:s17] =	ssyncadd.s32 $0xFFFFD800  }
0x1a3: {  	[tilespmem:s26], [sflag:$0x3] =	stream.indirect.gather [hbm4b:s4+s21], $0x80, s9, s21, $0xb8;
	[tilespmem:$0x1F800] =	vst v63  }
0x1a4: {  	_ =	swait.ge [sflag:s28], $0x2800  }
0x1a5: {  	[sflag:s28] =	ssyncset.done $0x0  }
0x1a6: {  	s18 =	simm.s32 $0x3900;
	[sflag:s28] =	ssyncadd.s32 $0xFFFFD800  }
0x1a7: {  	[spmem:s2] =	stream.indirect.scatter.add.f32 [tilespmem:s22], [sflag:$0x5], $0x80, s18, s21, $0xb8;
	[tilespmem:$0x1F800] =	vst v63  }
0x1a8: {  	_ =	swait.ge [sflag:s17], $0x2800  }
0x1a9: {  	[sflag:s17] =	ssyncset.done $0x0  }
0x1aa: {  	s9 =	simm.s32 $0x2A80;
	[sflag:s17] =	ssyncadd.s32 $0xFFFFD800  }
0x1ab: {  	[tilespmem:s22], [sflag:$0x1] =	stream.indirect.gather [hbm4b:s4+s21], $0x80, s9, s21, $0xb8;
	[tilespmem:$0x1F800] =	vst v63  }
0x1ac: {  	_ =	swait.ge [sflag:s30], $0x2800  }
0x1ad: {  	[sflag:s30] =	ssyncset.done $0x0  }
0x1ae: {  	s18 =	simm.s32 $0x3980;
	[sflag:s30] =	ssyncadd.s32 $0xFFFFD800  }
0x1af: {  	[spmem:s2] =	stream.indirect.scatter.add.f32 [tilespmem:s24], [sflag:$0x5], $0x80, s18, s21, $0xb8;
	[tilespmem:$0x1F800] =	vst v63  }
0x1b0: {  	_ =	swait.ge [sflag:s17], $0x2800  }
0x1b1: {  	[sflag:s17] =	ssyncset.done $0x0  }
0x1b2: {  	[sflag:s17] =	ssyncadd.s32 $0xFFFFD800  }
0x1b3: {  	[tilespmem:s24], [sflag:$0x2] =	stream.indirect.gather [hbm4b:s4+s21], $0x80, s11, s21, $0xb8;
	[tilespmem:$0x1F800] =	vst v63  }
0x1b4: {  	_ =	swait.ge [sflag:s1], $0x2800  }
0x1b5: {  	[sflag:s1] =	ssyncset.done $0x0  }
0x1b6: {  	[sflag:s1] =	ssyncadd.s32 $0xFFFFD800  }
0x1b7: {  	[spmem:s2] =	stream.indirect.scatter.add.f32 [tilespmem:s26], [sflag:$0x5], $0x80, s12, s21, $0xb8;
	[tilespmem:$0x1F800] =	vst v63  }
0x1b8: {  	_ =	swait.ge [sflag:s17], $0x2800  }
0x1b9: {  	[sflag:s17] =	ssyncset.done $0x0  }
0x1ba: {  	[sflag:s17] =	ssyncadd.s32 $0xFFFFD800  }
0x1bb: {  	[tilespmem:s26], [sflag:$0x3] =	stream.indirect.gather [hbm4b:s4+s21], $0x80, s13, s21, $0xb8;
	[tilespmem:$0x1F800] =	vst v63  }
0x1bc: {  	_ =	swait.ge [sflag:s28], $0x2800  }
0x1bd: {  	[sflag:s28] =	ssyncset.done $0x0  }
0x1be: {  	[sflag:s28] =	ssyncadd.s32 $0xFFFFD800  }
0x1bf: {  	[spmem:s2] =	stream.indirect.scatter.add.f32 [tilespmem:s22], [sflag:$0x5], $0x80, s8, s21, $0xb8;
	[tilespmem:$0x1F800] =	vst v63  }
0x1c0: {  	_ =	swait.ge [sflag:s17], $0x2800  }
0x1c1: {  	[sflag:s17] =	ssyncset.done $0x0  }
0x1c2: {  	[sflag:s17] =	ssyncadd.s32 $0xFFFFD800  }
0x1c3: {  	[tilespmem:s22], [sflag:$0x1] =	stream.indirect.gather [hbm4b:s4+s21], $0x80, s16, s21, $0xb8;
	[tilespmem:$0x1F800] =	vst v63  }
0x1c4: {  	_ =	swait.ge [sflag:s30], $0x2800  }
0x1c5: {  	[sflag:s30] =	ssyncset.done $0x0  }
0x1c6: {  	[sflag:s30] =	ssyncadd.s32 $0xFFFFD800  }
0x1c7: {  	[spmem:s2] =	stream.indirect.scatter.add.f32 [tilespmem:s24], [sflag:$0x5], $0x80, s23, s21, $0xb8;
	[tilespmem:$0x1F800] =	vst v63  }
0x1c8: {  	_ =	swait.ge [sflag:s17], $0x2800  }
0x1c9: {  	[sflag:s17] =	ssyncset.done $0x0  }
0x1ca: {  	[sflag:s17] =	ssyncadd.s32 $0xFFFFD800  }
0x1cb: {  	_ =	swait.ge [sflag:s1], $0x2800  }
0x1cc: {  	[sflag:s1] =	ssyncset.done $0x0  }
0x1cd: {  	[sflag:s1] =	ssyncadd.s32 $0xFFFFD800  }
0x1ce: {  	[spmem:s2] =	stream.indirect.scatter.add.f32 [tilespmem:s26], [sflag:$0x5], $0x80, s25, s21, $0xb8;
	[tilespmem:$0x1F800] =	vst v63  }
0x1cf: {  	_ =	swait.ge [sflag:s17], $0x2800  }
0x1d0: {  	[sflag:s17] =	ssyncset.done $0x0  }
0x1d1: {  	[sflag:s17] =	ssyncadd.s32 $0xFFFFD800  }
0x1d2: {  	_ =	swait.ge [sflag:s28], $0x2800  }
0x1d3: {  	[sflag:s28] =	ssyncset.done $0x0  }
.Ltmp2:
0x1d4: {  	[sflag:s28] =	ssyncadd.s32 $0xFFFFD800;
	(pc) =	sbr.rel @p0 .LBB2_4-.Ltmp2, $4  }
0x1d5: {  	[spmem:s2] =	stream.indirect.scatter.add.f32 [tilespmem:s22], [sflag:$0x5], $0x80, s29, s21, $0xb8;
	[tilespmem:$0x1F800] =	vst v63  }
0x1d6: {  	_ =	swait.ge [sflag:s17], $0x2800  }
0x1d7: {  	[sflag:s17] =	ssyncset.done $0x0  }
0x1d8: {  	[sflag:s17] =	ssyncadd.s32 $0xFFFFD800  }
0x1d9: {  	_ =	swait.ge [sflag:s10], $0xC80  }
.Ltmp3:
0x1da: {  	[sflag:s10] =	ssyncset.done $0x0;
	(pc) =	sbr.rel .LBB2_2-.Ltmp3, $4  }
0x1db: {  	[sflag:s10] =	ssyncadd.s32 $0xFFFFF380  }
0x1dc: {  	_ =	swait.ge [sflag:s10], $0xC80  }
0x1dd: {  	[sflag:s10] =	ssyncset.done $0x0  }
0x1de: {  	s0 =	sadd.s32 $0x2000, s0;
	s31 =	sadd.s32 $0x400, s31;
	[sflag:s10] =	ssyncadd.s32 $0xFFFFF380  }
.LBB2_5:
0x1df: {  	_ =	sfence.sel $0x180000  }
0x1e0: {  	[bflag:$0x0] =	sbarrier.arrive $0xFFFF  }
0x1e1: {  	_ =	strace $0x9000004A  }
0x1e2: {  	s0 =	stileid.u32;
	[bflag:$0x2] =	sbarrier.arrive $0xFFFF  }
0x1e3: {  	p0 =	sne.s32 s0, $0x0;
	s0 =	rddreg [dreg:$0x2]  }
0x1e4: {  	s0 =	sadd.s32 @!p0 $0x100000, s0  }
0x1e5: {  	[sflag:s0] =	ssyncadd.tile.s32 @!p0 $0x1;
	_ =	shalt  }
.Lfunc_end2:
_tile_overlayer_lowered:
.L_overlay_start_2:
0x1e6: {  	(tag) =	ssettag $0x2  }
0x1e7: {  	s0 =	rddreg [dreg:$0x0];
	s2 =	stileid.u32  }
0x1e8: {  	s1 =	rddreg [dreg:$0x1];
	p0 =	sne.s32 s2, $0x0  }
0x1e9: {  	s3 =	rddreg [dreg:$0x2];
	[bflag:$0x3] =	sbarrier.arrive $0xFFFF;
	s2 =	simm.s32 @!p0 $0x1C05  }
0x1ea: {  	[timem:s3], [sflag:s2] =	dma.local @!p0 [hbm:s0], s1  }
0x1eb: {  	s0 =	simm.s32 @!p0 $0x5  }
0x1ec: {  	_ =	swait.ge @!p0 [sflag:s0], s1  }
0x1ed: {  	s1 =	ssub.s32 @!p0 $0x0, s1;
	[sflag:s0] =	ssyncset.done @!p0 $0x0  }
0x1ee: {  	[sflag:s0] =	ssyncadd.s32 @!p0 s1  }
0x1ef: {  	[bflag:$0x3] =	sbarrier.arrive $0xFFFF  }
0x1f0: {  	_ =	shalt  }

// kernel: kernel.15.cloned.1.call-start
scs
__scs_entry_jumppad:
0x0: {  	(pc) =	sbr.rel $0x88, $3  }
0x1: {  	(tag) =	ssettag $0x0;
	lr =	simm.s32 $0x1  }
0x2: {  	[smem:$0x3F9B] =	sst lr;
	_ =	strace $0xD0000000  }
0x3: {  	_ = 	snop  }
0x4: {  	_ = 	snop  }
0x5: {  	_ = 	snop  }
0x6: {  	_ = 	snop  }
0x7: {  	_ = 	snop  }
__scs_overlays_trampoline_lowered:
0x8: {  	[smem:$0x3FAA] =	sst s0  }
0x9: {  	[smem:$0x3FAB] =	sst s1  }
0xa: {  	[smem:$0x3FAC] =	sst s2  }
0xb: {  	[smem:$0x3FAD] =	sst s3  }
0xc: {  	[smem:$0x3FAE] =	sst s4  }
0xd: {  	[smem:$0x3FAF] =	sst s5  }
0xe: {  	[smem:$0x3FB0] =	sst s6  }
0xf: {  	[smem:$0x3FB1] =	sst s7  }
0x10: {  	[smem:$0x3FB2] =	sst s8  }
0x11: {  	[smem:$0x3FB3] =	sst s9;
	s0 =	simm.s32 @!p0 $0x0  }
0x12: {  	s1 =	sld [smem:$0x3F99];
	s0 =	simm.s32 @p0 $0x1  }
0x13: {  	[smem:$0x3FB4] =	sst s0;
	s0 =	simm.s32 @!p1 $0x0  }
0x14: {  	s2 =	sld [smem:$0x3F98];
	s0 =	simm.s32 @p1 $0x1  }
0x15: {  	[smem:$0x3FB5] =	sst s0;
	s0 =	simm.s32 @!p2 $0x0  }
0x16: {  	s3 =	sld [smem:$0x3FDB];
	s0 =	simm.s32 @p2 $0x1  }
0x17: {  	s4 =	simm.s32 $0x1BF5;
	[smem:$0x3FB7] =	sst s0  }
0x18: {  	s0 =	sld [smem:$0x3F9A];
	_ =	swait.ge [sflag:s4], $0x0  }
0x19: {  	s7 =	sld [smem:$0x3F9B]  }
0x1a: {  	s8 =	sadd.s32 $0xFFFFE003, lr  }
0x1b: {  	s9 =	sadd.s32 $0xFFFFFEF7, lr;
	s5 =	simm.s32 $0xFFFFFFFF;
	p2 =	slt.u32 s8, $0xFFFFF086  }
0x1c: {  	p1 =	slt.u32 s9, $0xF7A;
	s5 =	simm.s32 @!p2 $0x0  }
0x1d: {  	s5 =	simm.s32 @p1 $0x1;
	p0 =	seq.s32 s7, s2  }
0x1e: {  	s7 =	smul.u32 @!p0 $0xF7A, s2;
	p2 =	seq.s32 @!p0 s5, $0x0  }
0x1f: {  	s9 =	smul.u32 $0xF7A, s1;
	s8 =	simm.s32 @!p0 $0x1BF5;
	p2 =	por !p2, p0  }
0x20: {  	[sflag:s8] =	ssyncset.s32 @!p0 $0xFFFFF086;
	s6 =	sadd.s32 @!p0 s3, s7;
	s7 =	simm.s32 @!p0 $0x108  }
0x21: {  	s3 =	sadd.s32 s3, s9;
	s6 =	sadd.s32 @!p0 $0x88, s6;
	s7 =	simm.s32 @p2 $0x1082  }
0x22: {  	[simem:s7], [sflag:s8] =	dma.local @!p0 [hbm:s6], $0xF7A  }
0x23: {  	s9 =	sor.u32 $0xD0000000, s2;
	s6 =	simm.s32 $0x108;
	_ =	swait.ge @!p0 [sflag:s8], $0x0  }
0x24: {  	s3 =	sadd.s32 $0x88, s3;
	s6 =	simm.s32 @!p1 $0x1082;
	[sflag:s4] =	ssyncset.s32 $0xFFFFF086  }
0x25: {  	[simem:s6], [sflag:s4] =	dma.local [hbm:s3], $0xF7A  }
0x26: {  	[smem:$0x3F9B] =	sst s1;
	(tag) =	ssettag s2;
	_ =	strace s9  }
0x27: {  	s1 =	sld [smem:$0x3FAB]  }
0x28: {  	s2 =	sld [smem:$0x3FAC]  }
0x29: {  	s4 =	sld [smem:$0x3FAE]  }
0x2a: {  	p0 =	seq.s32 s5, $0x0;
	s5 =	sld [smem:$0x3FAF]  }
0x2b: {  	s6 =	sld [smem:$0x3FB0]  }
0x2c: {  	s7 =	sld [smem:$0x3FB1]  }
0x2d: {  	s3 =	simm.s32 $0x108;
	s8 =	sld [smem:$0x3FB2]  }
0x2e: {  	s3 =	simm.s32 @!p0 $0x1082;
	s9 =	sld [smem:$0x3FB3]  }
0x2f: {  	lr =	sadd.s32 s0, s3;
	s0 =	sld [smem:$0x3FAA]  }
0x30: {  	s3 =	sld [smem:$0x3FAD]  }
0x31: {  	[smem:$0x3FB6] =	sst s10  }
0x32: {  	s10 =	sld [smem:$0x3FB4];
	_ =	sdelay $0x3  }
0x33: {  	p0 =	seq.s32 s10, $0x1;
	s10 =	sld [smem:$0x3FB6];
	_ =	sdelay $0x3  }
0x34: {  	[smem:$0x3FB6] =	sst s10  }
0x35: {  	s10 =	sld [smem:$0x3FB5];
	_ =	sdelay $0x3  }
0x36: {  	p1 =	seq.s32 s10, $0x1;
	s10 =	sld [smem:$0x3FB6];
	_ =	sdelay $0x3  }
0x37: {  	[smem:$0x3FB6] =	sst s10  }
0x38: {  	s10 =	sld [smem:$0x3FB7]  }
0x39: {  	_ = 	snop;
	(pc) =	sbr.ind lr, $3  }
0x3a: {  	_ = 	snop  }
0x3b: {  	_ = 	snop  }
0x3c: {  	p2 =	seq.s32 s10, $0x1;
	s10 =	sld [smem:$0x3FB6]  }
0x3d: {  	_ =	shalt  }
0x3e: {  	_ =	shalt  }
0x3f: {  	_ =	shalt  }
0x40: {  	_ =	shalt  }
0x41: {  	_ =	shalt  }
0x42: {  	_ =	shalt  }
0x43: {  	_ =	shalt  }
0x44: {  	_ =	shalt  }
0x45: {  	_ =	shalt  }
0x46: {  	_ =	shalt  }
0x47: {  	_ =	shalt  }
0x48: {  	_ =	shalt  }
0x49: {  	_ =	shalt  }
0x4a: {  	_ =	shalt  }
0x4b: {  	_ =	shalt  }
0x4c: {  	_ =	shalt  }
0x4d: {  	_ =	shalt  }
0x4e: {  	_ =	shalt  }
0x4f: {  	_ =	shalt  }
0x50: {  	_ =	shalt  }
0x51: {  	_ =	shalt  }
0x52: {  	_ =	shalt  }
0x53: {  	_ =	shalt  }
0x54: {  	_ =	shalt  }
0x55: {  	_ =	shalt  }
0x56: {  	_ =	shalt  }
0x57: {  	_ =	shalt  }
0x58: {  	_ =	shalt  }
0x59: {  	_ =	shalt  }
0x5a: {  	_ =	shalt  }
0x5b: {  	_ =	shalt  }
0x5c: {  	_ =	shalt  }
0x5d: {  	_ =	shalt  }
0x5e: {  	_ =	shalt  }
0x5f: {  	_ =	shalt  }
0x60: {  	_ =	shalt  }
0x61: {  	_ =	shalt  }
0x62: {  	_ =	shalt  }
0x63: {  	_ =	shalt  }
0x64: {  	_ =	shalt  }
0x65: {  	_ =	shalt  }
0x66: {  	_ =	shalt  }
0x67: {  	_ =	shalt  }
0x68: {  	_ =	shalt  }
0x69: {  	_ =	shalt  }
0x6a: {  	_ =	shalt  }
0x6b: {  	_ =	shalt  }
0x6c: {  	_ =	shalt  }
0x6d: {  	_ =	shalt  }
0x6e: {  	_ =	shalt  }
0x6f: {  	_ =	shalt  }
0x70: {  	_ =	shalt  }
0x71: {  	_ =	shalt  }
0x72: {  	_ =	shalt  }
0x73: {  	_ =	shalt  }
0x74: {  	_ =	shalt  }
0x75: {  	_ =	shalt  }
0x76: {  	_ =	shalt  }
0x77: {  	_ =	shalt  }
0x78: {  	_ =	shalt  }
0x79: {  	_ =	shalt  }
0x7a: {  	_ =	shalt  }
0x7b: {  	_ =	shalt  }
0x7c: {  	_ =	shalt  }
0x7d: {  	_ =	shalt  }
0x7e: {  	_ =	shalt  }
0x7f: {  	_ =	shalt  }
0x80: {  	_ =	shalt  }
0x81: {  	_ =	shalt  }
0x82: {  	_ =	shalt  }
0x83: {  	_ =	shalt  }
0x84: {  	_ =	shalt  }
0x85: {  	_ =	shalt  }
0x86: {  	_ =	shalt  }
0x87: {  	_ =	shalt  }
.Lfunc_end0:
.L_simem_size_0:
called_computation.2_lowered:
.L_overlay_start_0:
0x88: {  	s2 =	sld [smem:$0x3FD9]  }
0x89: {  	s3 =	sld [smem:$0x3FFE];
	_ =	sdelay $0x1  }
0x8a: {  	s1 =	srdreg.scid  }
0x8b: {  	s0 =	sand.u32 $0x1, s1  }
0x8c: {  	s17 =	sshll.u32 s0, $0xA;
	s2 =	sadd.s32 s3, s2  }
0x8d: {  	s2 =	sadd.s32 s2, s17  }
0x8e: {  	[smem:$0x3FC2] =	sst s2  }
0x8f: {  	_ = 	snop  }
0x90: {  	s2 =	sld [smem:$0x3FD0];
	(tm) =	ssettm $0x1  }
0x91: {  	s18 =	sld [smem:$0x3FFB];
	_ =	sdelay $0x3  }
0x92: {  	_ =	strace s18  }
0x93: {  	s3 =	sld [smem:$0x3FFC];
	_ =	sdelay $0x3  }
0x94: {  	_ =	strace s3  }
0x95: {  	s3 =	sld [smem:$0x3FFD];
	_ =	sdelay $0x3  }
0x96: {  	_ =	strace s3  }
0x97: {  	_ =	strace $0x8FFFFFFF  }
0x98: {  	s19 =	sld [smem:$0x3FDB];
	_ =	sdelay $0x1  }
0x99: {  	s4 =	simm.s32 $_scs_section_size  }
0x9a: {  	s5 =	simm.s32 $_size__tile_overlayer_lowered;
	s6 =	simm.s32 $_tile_overlayer_lowered  }
0x9b: {  	s22 =	simm.s32 $0x1BFF;
	s21 =	sshll.u32 s6, $0x1;
	s3 =	sadd.s32 s4, s19  }
0x9c: {  	s7 =	simm.s32 $0x0;
	s20 =	sshll.u32 s5, $0x1;
	s5 =	sadd.s32 s21, s3  }
0x9d: {  	[timem:s7], [sflag:s22] =	dma.local [hbm:s5], s20  }
0x9e: {  	_ =	swait.ge [sflag:s22], s20  }
0x9f: {  	s4 =	ssub.s32 $0x0, s20;
	[sflag:s22] =	ssyncset.done $0x0  }
0xa0: {  	[sflag:s22] =	ssyncadd.s32 s4;
	_ =	sdelay $0x1  }
0xa1: {  	s23 =	simm.s32 $0x1B8B  }
0xa2: {  	_ =	swait.ge [sflag:s23], $0x1  }
0xa3: {  	[sflag:s23] =	ssyncset.done $0x0  }
0xa4: {  	s25 =	simm.s32 $0x1B8E;
	s24 =	sld [smem:$0x3FFE];
	[sflag:s23] =	ssyncadd.s32 $0xFFFFFFFF  }
0xa5: {  	s26 =	simm.s32 $execute0_lowered;
	[smem:$0x3FD2] =	sst s25  }
0xa6: {  	s5 =	sshll.u32 s26, $0x1;
	_ =	strace $0x8000004C;
	[dreg:$0x1] =	wrdreg $0xFFFFFFFF  }
0xa7: {  	s28 =	simm.s32 $_size_execute0_lowered;
	s3 =	sadd.s32 s3, s5;
	[dreg:$0x0] =	wrdreg $0x0  }
0xa8: {  	s5 =	sshll.u32 s28, $0x1;
	[dreg:$0x2] =	wrdreg s3  }
0xa9: {  	[dreg:$0x3] =	wrdreg s5  }
0xaa: {  	[dreg:$0x4] =	wrdreg $0xC0  }
0xab: {  	_ =	task [dreg:s7], $0x5FFFF  }
0xac: {  	[dreg:$0x1] =	wrdreg $0xFFFFFFFF  }
0xad: {  	[dreg:$0x0] =	wrdreg $0x60  }
0xae: {  	[dreg:$0x2] =	wrdreg s2  }
0xaf: {  	[dreg:$0x3] =	wrdreg s24  }
0xb0: {  	[dreg:$0x4] =	wrdreg $0xBC000  }
0xb1: {  	[dreg:$0x5] =	wrdreg $0x9  }
0xb2: {  	_ =	task.clear_ibuf [dreg:s7], $0x6FFFF;
	_ =	strace $0x9000004C  }
0xb3: {  	s29 =	simm.s32 $0x9;
	_ =	strace $0x8000004E  }
0xb4: {  	_ =	swait.ge [sflag:s29], $0x1  }
0xb5: {  	[sflag:s29] =	ssyncadd.s32 $0xFFFFFFFF  }
0xb6: {  	_ =	strace $0x9000004E  }
0xb7: {  	_ =	sfence  }
0xb8: {  	s30 =	sld [smem:$0x0];
	_ =	sdelay $0x2  }
0xb9: {  	s31 =	sshll.u32 s1, $0xD;
	s1 =	sshrl.u32 s1, $0x2  }
0xba: {  	s3 =	sand.u32 $0x4000, s31;
	s1 =	sadd.s32 s1, s30  }
0xbb: {  	s0 =	sor.u32 s3, s0;
	s1 =	sshll.u32 s1, $0x11  }
0xbc: {  	s0 =	sor.u32 s1, s0  }
0xbd: {  	s0 =	sadd.s32 $0x8F2B, s0  }
0xbe: {  	[sflag:s0] =	ssyncadd.remote.s32 $0x1  }
0xbf: {  	_ =	sfence.sel $0xFFFF  }
0xc0: {  	[dreg:$0x0] =	wrdreg $0xFFFFFFFF;
	(pc) =	sbr.abs _section_cstart, $3  }
0xc1: {  	[dreg:$0x1] =	wrdreg $0xFFFFFFFF  }
0xc2: {  	_ =	task.clear_ibuf [dreg:s7], $0x2FFFF;
	_ =	strace $0x9FFFFFFF  }
0xc3: {  	(tm) =	ssettm $0x7FFFFFFF  }
tec
execute0_lowered:
.L_overlay_start_1:
0x0: {  	(tag) =	ssettag $0x1  }
0x1: {  	s1 =	rddreg [dreg:$0x0]  }
0x2: {  	s0 =	rddreg [dreg:$0x1]  }
0x3: {  	s3 =	rddreg [dreg:$0x2];
	s4 =	simm.s32 $0x0  }
0x4: {  	s12 =	stileid.u32;
	s2 =	srdreg.scid;
	s17 =	simm.s32 $0x5  }
0x5: {  	s28 =	simm.s32 $0x1;
	s30 =	simm.s32 $0x2;
	s29 =	simm.s32 $0x1A80  }
0x6: {  	s31 =	simm.s32 $0x1400;
	[smem:$0x7FF] =	sst s4;
	s7 =	smul.u32 $0x14000, s12  }
0x7: {  	s2 =	sand.u32 $0x1, s2;
	s5 =	sadd.s32 $0xB4600, s0;
	s10 =	smul.u32 $0x50000, s12  }
0x8: {  	s6 =	sadd.s32 $0xA0600, s0;
	s11 =	smul.u32 $0x5000, s12;
	s21 =	sshll.u32 s12, $0x6  }
0x9: {  	s12 =	simm.s32 $0x1C80;
	_ =	strace $0x8000004D;
	s8 =	smul.u32 $0x140000, s2  }
0xa: {  	s18 =	smul.u32 $0x50000, s2;
	s2 =	ssub.s32 $0x2, s2;
	s13 =	sor.u32 $0x1C05, s21  }
0xb: {  	s21 =	simm.s32 $0x64;
	s9 =	sshrl.u32 s7, $0x3;
	s19 =	sshrl.u32 s2, $0x1  }
0xc: {  	s10 =	sshrl.u32 s10, $0x2;
	[dreg:$0x5] =	wrdreg s13;
	s9 =	sadd.s32 s9, s0  }
0xd: {  	s7 =	sadd.s32 s7, s8;
	s2 =	ssub.s32 s2, s19;
	s20 =	sadd.s32 s10, s3  }
0xe: {  	s8 =	sadd.s32 s11, s18;
	s19 =	simm.s32 $0x1000;
	s18 =	simm.s32 $0x1380  }
0xf: {  	s11 =	simm.s32 $0x1C00;
	s7 =	sshrl.u32 s7, $0x3;
	s9 =	sadd.s32 $0x2400, s9  }
0x10: {  	s22 =	sshrl.u32 s8, $0x3;
	s24 =	sor.u32 $0x800, s8;
	s2 =	smax.u32 s2, $0x1  }
0x11: {  	s26 =	sadd.s32 $0x1000, s8;
	s16 =	sshrl.u32 s20, $0x3;
	s20 =	simm.s32 $0x1800  }
0x12: {  	s0 =	sadd.s32 s7, s0;
	[dreg:$0x4] =	wrdreg s9;
	s23 =	sadd.s32 s5, s22  }
0x13: {  	s10 =	sadd.s32 s6, s22;
	s25 =	sshrl.u32 s24, $0x3;
	[dreg:$0x9] =	wrdreg s2  }
0x14: {  	[dreg:$0xa] =	wrdreg s26;
	s22 =	simm.s32 $0x2000;
	s24 =	simm.s32 $0x5400  }
.Ltmp0:
0x15: {  	s26 =	simm.s32 $0x8800;
	[dreg:$0xb] =	wrdreg s16;
	(pc) =	sbr.rel .LBB2_1-.Ltmp0, $4  }
0x16: {  	s2 =	simm.s32 $0x3;
	s7 =	simm.s32 $0x1B00;
	[dreg:$0x6] =	wrdreg s23  }
0x17: {  	s9 =	simm.s32 $0x1480;
	[dreg:$0x7] =	wrdreg s10;
	s0 =	sadd.s32 $0x2A400, s0  }
0x18: {  	s14 =	sadd.s32 s25, s6;
	s15 =	sadd.s32 s25, s5;
	s10 =	simm.s32 $0x1B80  }
0x19: {  	s23 =	simm.s32 $0x0;
	[dreg:$0x8] =	wrdreg s0;
	s0 =	simm.s32 $0x4  }
.LBB2_4:
0x1a: {  	[bflag:$0x0] =	sbarrier.arrive $0xFFFF  }
0x1b: {  	s13 =	rddreg [dreg:$0x5]  }
0x1c: {  	s8 =	rddreg [dreg:$0x8]  }
0x1d: {  	s16 =	rddreg [dreg:$0xb]  }
0x1e: {  	[hbm:s8], [sflag:s13] =	dma.local [spmem:s16], $0x2800  }
0x1f: {  	_ =	swait.ge [sflag:s17], $0x2800  }
0x20: {  	s23 =	rddreg [dreg:$0xc]  }
0x21: {  	s25 =	rddreg [dreg:$0x9];
	s23 =	sadd.s32 $0x1, s23  }
0x22: {  	p0 =	sne.s32 s23, s25  }
.Ltmp1:
0x23: {  	_ = 	snop;
	(pc) =	sbr.rel @!p0 .LBB2_5-.Ltmp1, $3  }
0x24: {  	_ =	sdelay $0x1  }
0x25: {  	[sflag:s17] =	ssyncset.done $0x0  }
0x26: {  	[sflag:s17] =	ssyncadd.s32 $0xFFFFD800  }
.LBB2_1:
0x27: {  	[dreg:$0xc] =	wrdreg s23  }
0x28: {  	s8 =	rddreg [dreg:$0x4]  }
0x29: {  	[spmem:s16], [sflag:s13] =	dma.local [hbm:s8], $0x2800  }
0x2a: {  	_ =	swait.ge [sflag:s17], $0x2800  }
0x2b: {  	[sflag:s17] =	ssyncset.done $0x0  }
0x2c: {  	s16 =	rddreg [dreg:$0x6];
	[sflag:s17] =	ssyncadd.s32 $0xFFFFD800  }
0x2d: {  	[tilespmem:s4], [sflag:$0x5] =	stream.linear.gather [hbm4b:s16+s4], $0x500, $0x38;
	[tilespmem:$0x1FC00] =	vst v63  }
0x2e: {  	_ =	swait.ge [sflag:s17], $0x500  }
0x2f: {  	[sflag:s17] =	ssyncset.done $0x0  }
0x30: {  	s25 =	simm.s32 $0x800;
	s23 =	rddreg [dreg:$0x7];
	[sflag:s17] =	ssyncadd.s32 $0xFFFFFB00  }
0x31: {  	[tilespmem:s25], [sflag:$0x5] =	stream.linear.gather [hbm4b:s23+s4], $0x500, $0x38;
	[tilespmem:$0x1FC00] =	vst v63  }
0x32: {  	_ =	swait.ge [sflag:s17], $0x500  }
0x33: {  	[sflag:s17] =	ssyncset.done $0x0  }
0x34: {  	[sflag:s17] =	ssyncadd.s32 $0xFFFFFB00  }
0x35: {  	[bflag:$0x0] =	sbarrier.arrive $0xFFFF  }
0x36: {  	s13 =	simm.s32 $0x0;
	s8 =	rddreg [dreg:$0xa]  }
.LBB2_2:
0x37: {  	s16 =	sadd.s32 s13, s15  }
0x38: {  	[tilespmem:s19], [sflag:$0x4] =	stream.linear.gather [hbm4b:s16+s4], $0x500, $0x38;
	[tilespmem:$0x1FC00] =	vst v63  }
0x39: {  	s23 =	sadd.s32 s13, s14  }
0x3a: {  	[tilespmem:s20], [sflag:$0x4] =	stream.linear.gather [hbm4b:s23+s4], $0x500, $0x38;
	[tilespmem:$0x1FC00] =	vst v63  }
0x3b: {  	_ = 	snop  }
0x3c: {  	[tilespmem:s22], [sflag:$0x1] =	stream.indirect.gather [hbm4b:s1+s21], $0x80, s4, s21, $0xb8;
	[tilespmem:$0x1FC00] =	vst v63  }
0x3d: {  	s25 =	simm.s32 $0x80  }
0x3e: {  	[tilespmem:s24], [sflag:$0x2] =	stream.indirect.gather [hbm4b:s1+s21], $0x80, s25, s21, $0xb8;
	[tilespmem:$0x1FC00] =	vst v63  }
0x3f: {  	s23 =	simm.s32 $0x100  }
0x40: {  	[tilespmem:s26], [sflag:$0x3] =	stream.indirect.gather [hbm4b:s1+s21], $0x80, s23, s21, $0xb8;
	[tilespmem:$0x1FC00] =	vst v63  }
0x41: {  	_ =	swait.ge [sflag:s28], $0x3200  }
0x42: {  	[sflag:s28] =	ssyncset.done $0x0  }
0x43: {  	s25 =	simm.s32 $0x800;
	[sflag:s28] =	ssyncadd.s32 $0xFFFFCE00  }
0x44: {  	[spmem:s3] =	stream.indirect.scatter.add.f32 [tilespmem:s22], [sflag:$0x5], $0x80, s25, s21, $0xb8;
	[tilespmem:$0x1FC00] =	vst v63  }
0x45: {  	_ =	swait.ge [sflag:s17], $0x3200  }
0x46: {  	[sflag:s17] =	ssyncset.done $0x0  }
0x47: {  	s23 =	simm.s32 $0x180;
	[sflag:s17] =	ssyncadd.s32 $0xFFFFCE00  }
0x48: {  	[tilespmem:s22], [sflag:$0x1] =	stream.indirect.gather [hbm4b:s1+s21], $0x80, s23, s21, $0xb8;
	[tilespmem:$0x1FC00] =	vst v63  }
0x49: {  	_ =	swait.ge [sflag:s30], $0x3200  }
0x4a: {  	[sflag:s30] =	ssyncset.done $0x0  }
0x4b: {  	s25 =	simm.s32 $0x880;
	[sflag:s30] =	ssyncadd.s32 $0xFFFFCE00  }
0x4c: {  	[spmem:s3] =	stream.indirect.scatter.add.f32 [tilespmem:s24], [sflag:$0x5], $0x80, s25, s21, $0xb8;
	[tilespmem:$0x1FC00] =	vst v63  }
0x4d: {  	_ =	swait.ge [sflag:s17], $0x3200  }
0x4e: {  	[sflag:s17] =	ssyncset.done $0x0  }
0x4f: {  	s23 =	simm.s32 $0x200;
	[sflag:s17] =	ssyncadd.s32 $0xFFFFCE00  }
0x50: {  	[tilespmem:s24], [sflag:$0x2] =	stream.indirect.gather [hbm4b:s1+s21], $0x80, s23, s21, $0xb8;
	[tilespmem:$0x1FC00] =	vst v63  }
0x51: {  	_ =	swait.ge [sflag:s2], $0x3200  }
0x52: {  	[sflag:s2] =	ssyncset.done $0x0  }
0x53: {  	s25 =	simm.s32 $0x900;
	[sflag:s2] =	ssyncadd.s32 $0xFFFFCE00  }
0x54: {  	[spmem:s3] =	stream.indirect.scatter.add.f32 [tilespmem:s26], [sflag:$0x5], $0x80, s25, s21, $0xb8;
	[tilespmem:$0x1FC00] =	vst v63  }
0x55: {  	_ =	swait.ge [sflag:s17], $0x3200  }
0x56: {  	[sflag:s17] =	ssyncset.done $0x0  }
0x57: {  	s23 =	simm.s32 $0x280;
	[sflag:s17] =	ssyncadd.s32 $0xFFFFCE00  }
0x58: {  	[tilespmem:s26], [sflag:$0x3] =	stream.indirect.gather [hbm4b:s1+s21], $0x80, s23, s21, $0xb8;
	[tilespmem:$0x1FC00] =	vst v63  }
0x59: {  	_ =	swait.ge [sflag:s28], $0x3200  }
0x5a: {  	[sflag:s28] =	ssyncset.done $0x0  }
0x5b: {  	s25 =	simm.s32 $0x980;
	[sflag:s28] =	ssyncadd.s32 $0xFFFFCE00  }
0x5c: {  	[spmem:s3] =	stream.indirect.scatter.add.f32 [tilespmem:s22], [sflag:$0x5], $0x80, s25, s21, $0xb8;
	[tilespmem:$0x1FC00] =	vst v63  }
0x5d: {  	_ =	swait.ge [sflag:s17], $0x3200  }
0x5e: {  	[sflag:s17] =	ssyncset.done $0x0  }
0x5f: {  	s23 =	simm.s32 $0x300;
	[sflag:s17] =	ssyncadd.s32 $0xFFFFCE00  }
0x60: {  	[tilespmem:s22], [sflag:$0x1] =	stream.indirect.gather [hbm4b:s1+s21], $0x80, s23, s21, $0xb8;
	[tilespmem:$0x1FC00] =	vst v63  }
0x61: {  	_ =	swait.ge [sflag:s30], $0x3200  }
0x62: {  	[sflag:s30] =	ssyncset.done $0x0  }
0x63: {  	s25 =	simm.s32 $0xA00;
	[sflag:s30] =	ssyncadd.s32 $0xFFFFCE00  }
0x64: {  	[spmem:s3] =	stream.indirect.scatter.add.f32 [tilespmem:s24], [sflag:$0x5], $0x80, s25, s21, $0xb8;
	[tilespmem:$0x1FC00] =	vst v63  }
0x65: {  	_ =	swait.ge [sflag:s17], $0x3200  }
0x66: {  	[sflag:s17] =	ssyncset.done $0x0  }
0x67: {  	s23 =	simm.s32 $0x380;
	[sflag:s17] =	ssyncadd.s32 $0xFFFFCE00  }
0x68: {  	[tilespmem:s24], [sflag:$0x2] =	stream.indirect.gather [hbm4b:s1+s21], $0x80, s23, s21, $0xb8;
	[tilespmem:$0x1FC00] =	vst v63  }
0x69: {  	_ =	swait.ge [sflag:s2], $0x3200  }
0x6a: {  	[sflag:s2] =	ssyncset.done $0x0  }
0x6b: {  	s25 =	simm.s32 $0xA80;
	[sflag:s2] =	ssyncadd.s32 $0xFFFFCE00  }
0x6c: {  	[spmem:s3] =	stream.indirect.scatter.add.f32 [tilespmem:s26], [sflag:$0x5], $0x80, s25, s21, $0xb8;
	[tilespmem:$0x1FC00] =	vst v63  }
0x6d: {  	_ =	swait.ge [sflag:s17], $0x3200  }
0x6e: {  	[sflag:s17] =	ssyncset.done $0x0  }
0x6f: {  	s23 =	simm.s32 $0x400;
	[sflag:s17] =	ssyncadd.s32 $0xFFFFCE00  }
0x70: {  	[tilespmem:s26], [sflag:$0x3] =	stream.indirect.gather [hbm4b:s1+s21], $0x80, s23, s21, $0xb8;
	[tilespmem:$0x1FC00] =	vst v63  }
0x71: {  	_ =	swait.ge [sflag:s28], $0x3200  }
0x72: {  	[sflag:s28] =	ssyncset.done $0x0  }
0x73: {  	s25 =	simm.s32 $0xB00;
	[sflag:s28] =	ssyncadd.s32 $0xFFFFCE00  }
0x74: {  	[spmem:s3] =	stream.indirect.scatter.add.f32 [tilespmem:s22], [sflag:$0x5], $0x80, s25, s21, $0xb8;
	[tilespmem:$0x1FC00] =	vst v63  }
0x75: {  	_ =	swait.ge [sflag:s17], $0x3200  }
0x76: {  	[sflag:s17] =	ssyncset.done $0x0  }
0x77: {  	s23 =	simm.s32 $0x480;
	[sflag:s17] =	ssyncadd.s32 $0xFFFFCE00  }
0x78: {  	[tilespmem:s22], [sflag:$0x1] =	stream.indirect.gather [hbm4b:s1+s21], $0x80, s23, s21, $0xb8;
	[tilespmem:$0x1FC00] =	vst v63  }
0x79: {  	_ =	swait.ge [sflag:s30], $0x3200  }
0x7a: {  	[sflag:s30] =	ssyncset.done $0x0  }
0x7b: {  	s25 =	simm.s32 $0xB80;
	[sflag:s30] =	ssyncadd.s32 $0xFFFFCE00  }
0x7c: {  	[spmem:s3] =	stream.indirect.scatter.add.f32 [tilespmem:s24], [sflag:$0x5], $0x80, s25, s21, $0xb8;
	[tilespmem:$0x1FC00] =	vst v63  }
0x7d: {  	_ =	swait.ge [sflag:s17], $0x3200  }
0x7e: {  	[sflag:s17] =	ssyncset.done $0x0  }
0x7f: {  	[sflag:s17] =	ssyncadd.s32 $0xFFFFCE00  }
0x80: {  	_ =	swait.ge [sflag:s2], $0x3200  }
0x81: {  	[sflag:s2] =	ssyncset.done $0x0  }
0x82: {  	s23 =	simm.s32 $0xC00;
	[sflag:s2] =	ssyncadd.s32 $0xFFFFCE00  }
0x83: {  	[spmem:s3] =	stream.indirect.scatter.add.f32 [tilespmem:s26], [sflag:$0x5], $0x80, s23, s21, $0xb8;
	[tilespmem:$0x1FC00] =	vst v63  }
0x84: {  	_ =	swait.ge [sflag:s17], $0x3200  }
0x85: {  	[sflag:s17] =	ssyncset.done $0x0  }
0x86: {  	[sflag:s17] =	ssyncadd.s32 $0xFFFFCE00  }
0x87: {  	_ =	swait.ge [sflag:s28], $0x3200  }
0x88: {  	[sflag:s28] =	ssyncset.done $0x0  }
0x89: {  	s25 =	simm.s32 $0xC80;
	[sflag:s28] =	ssyncadd.s32 $0xFFFFCE00  }
0x8a: {  	[spmem:s3] =	stream.indirect.scatter.add.f32 [tilespmem:s22], [sflag:$0x5], $0x80, s25, s21, $0xb8;
	[tilespmem:$0x1FC00] =	vst v63  }
0x8b: {  	_ =	swait.ge [sflag:s17], $0x3200  }
0x8c: {  	[sflag:s17] =	ssyncset.done $0x0  }
0x8d: {  	[sflag:s17] =	ssyncadd.s32 $0xFFFFCE00  }
0x8e: {  	_ =	swait.ge [sflag:s0], $0x500  }
0x8f: {  	[sflag:s0] =	ssyncset.done $0x0  }
0x90: {  	[sflag:s0] =	ssyncadd.s32 $0xFFFFFB00  }
0x91: {  	p0 =	seq.s32 s13, $0x800;
	_ =	swait.ge [sflag:s0], $0x500  }
0x92: {  	s16 =	sshrl.u32 @!p0 s8, $0x3;
	[sflag:s0] =	ssyncset.done $0x0  }
0x93: {  	s23 =	sadd.s32 @!p0 s5, s16;
	s25 =	simm.s32 @!p0 $0x0;
	[sflag:s0] =	ssyncadd.s32 $0xFFFFFB00  }
0x94: {  	[tilespmem:s25], [sflag:$0x4] =	stream.linear.gather @!p0 [hbm4b:s23+s25], $0x500, $0x38;
	[tilespmem:$0x1FC00] =	vst v63  }
0x95: {  	s16 =	sadd.s32 @!p0 s6, s16;
	s23 =	simm.s32 @!p0 $0x800  }
0x96: {  	[tilespmem:s23], [sflag:$0x4] =	stream.linear.gather @!p0 [hbm4b:s16+s25], $0x500, $0x38;
	[tilespmem:$0x1FC00] =	vst v63  }
0x97: {  	_ = 	snop  }
0x98: {  	[tilespmem:s22], [sflag:$0x1] =	stream.indirect.gather [hbm4b:s1+s21], $0x80, s19, s21, $0xb8;
	[tilespmem:$0x1FC00] =	vst v63  }
0x99: {  	s23 =	simm.s32 $0x1080  }
0x9a: {  	[tilespmem:s24], [sflag:$0x2] =	stream.indirect.gather [hbm4b:s1+s21], $0x80, s23, s21, $0xb8;
	[tilespmem:$0x1FC00] =	vst v63  }
0x9b: {  	s25 =	simm.s32 $0x1100  }
0x9c: {  	[tilespmem:s26], [sflag:$0x3] =	stream.indirect.gather [hbm4b:s1+s21], $0x80, s25, s21, $0xb8;
	[tilespmem:$0x1FC00] =	vst v63  }
0x9d: {  	_ =	swait.ge [sflag:s28], $0x3200  }
0x9e: {  	[sflag:s28] =	ssyncset.done $0x0  }
0x9f: {  	[sflag:s28] =	ssyncadd.s32 $0xFFFFCE00  }
0xa0: {  	[spmem:s3] =	stream.indirect.scatter.add.f32 [tilespmem:s22], [sflag:$0x5], $0x80, s20, s21, $0xb8;
	[tilespmem:$0x1FC00] =	vst v63  }
0xa1: {  	_ =	swait.ge [sflag:s17], $0x3200  }
0xa2: {  	[sflag:s17] =	ssyncset.done $0x0  }
0xa3: {  	s23 =	simm.s32 $0x1180;
	[sflag:s17] =	ssyncadd.s32 $0xFFFFCE00  }
0xa4: {  	[tilespmem:s22], [sflag:$0x1] =	stream.indirect.gather [hbm4b:s1+s21], $0x80, s23, s21, $0xb8;
	[tilespmem:$0x1FC00] =	vst v63  }
0xa5: {  	_ =	swait.ge [sflag:s30], $0x3200  }
0xa6: {  	[sflag:s30] =	ssyncset.done $0x0  }
0xa7: {  	s25 =	simm.s32 $0x1880;
	[sflag:s30] =	ssyncadd.s32 $0xFFFFCE00  }
0xa8: {  	[spmem:s3] =	stream.indirect.scatter.add.f32 [tilespmem:s24], [sflag:$0x5], $0x80, s25, s21, $0xb8;
	[tilespmem:$0x1FC00] =	vst v63  }
0xa9: {  	_ =	swait.ge [sflag:s17], $0x3200  }
0xaa: {  	[sflag:s17] =	ssyncset.done $0x0  }
0xab: {  	s23 =	simm.s32 $0x1200;
	[sflag:s17] =	ssyncadd.s32 $0xFFFFCE00  }
0xac: {  	[tilespmem:s24], [sflag:$0x2] =	stream.indirect.gather [hbm4b:s1+s21], $0x80, s23, s21, $0xb8;
	[tilespmem:$0x1FC00] =	vst v63  }
0xad: {  	_ =	swait.ge [sflag:s2], $0x3200  }
0xae: {  	[sflag:s2] =	ssyncset.done $0x0  }
0xaf: {  	s25 =	simm.s32 $0x1900;
	[sflag:s2] =	ssyncadd.s32 $0xFFFFCE00  }
0xb0: {  	[spmem:s3] =	stream.indirect.scatter.add.f32 [tilespmem:s26], [sflag:$0x5], $0x80, s25, s21, $0xb8;
	[tilespmem:$0x1FC00] =	vst v63  }
0xb1: {  	_ =	swait.ge [sflag:s17], $0x3200  }
0xb2: {  	[sflag:s17] =	ssyncset.done $0x0  }
0xb3: {  	s23 =	simm.s32 $0x1280;
	[sflag:s17] =	ssyncadd.s32 $0xFFFFCE00  }
0xb4: {  	[tilespmem:s26], [sflag:$0x3] =	stream.indirect.gather [hbm4b:s1+s21], $0x80, s23, s21, $0xb8;
	[tilespmem:$0x1FC00] =	vst v63  }
0xb5: {  	_ =	swait.ge [sflag:s28], $0x3200  }
0xb6: {  	[sflag:s28] =	ssyncset.done $0x0  }
0xb7: {  	s25 =	simm.s32 $0x1980;
	[sflag:s28] =	ssyncadd.s32 $0xFFFFCE00  }
0xb8: {  	[spmem:s3] =	stream.indirect.scatter.add.f32 [tilespmem:s22], [sflag:$0x5], $0x80, s25, s21, $0xb8;
	[tilespmem:$0x1FC00] =	vst v63  }
0xb9: {  	_ =	swait.ge [sflag:s17], $0x3200  }
0xba: {  	[sflag:s17] =	ssyncset.done $0x0  }
0xbb: {  	s23 =	simm.s32 $0x1300;
	[sflag:s17] =	ssyncadd.s32 $0xFFFFCE00  }
0xbc: {  	[tilespmem:s22], [sflag:$0x1] =	stream.indirect.gather [hbm4b:s1+s21], $0x80, s23, s21, $0xb8;
	[tilespmem:$0x1FC00] =	vst v63  }
0xbd: {  	_ =	swait.ge [sflag:s30], $0x3200  }
0xbe: {  	[sflag:s30] =	ssyncset.done $0x0  }
0xbf: {  	s25 =	simm.s32 $0x1A00;
	[sflag:s30] =	ssyncadd.s32 $0xFFFFCE00  }
0xc0: {  	[spmem:s3] =	stream.indirect.scatter.add.f32 [tilespmem:s24], [sflag:$0x5], $0x80, s25, s21, $0xb8;
	[tilespmem:$0x1FC00] =	vst v63  }
0xc1: {  	_ =	swait.ge [sflag:s17], $0x3200  }
0xc2: {  	[sflag:s17] =	ssyncset.done $0x0  }
0xc3: {  	[sflag:s17] =	ssyncadd.s32 $0xFFFFCE00  }
0xc4: {  	[tilespmem:s24], [sflag:$0x2] =	stream.indirect.gather [hbm4b:s1+s21], $0x80, s18, s21, $0xb8;
	[tilespmem:$0x1FC00] =	vst v63  }
0xc5: {  	_ =	swait.ge [sflag:s2], $0x3200  }
0xc6: {  	[sflag:s2] =	ssyncset.done $0x0  }
0xc7: {  	[sflag:s2] =	ssyncadd.s32 $0xFFFFCE00  }
0xc8: {  	[spmem:s3] =	stream.indirect.scatter.add.f32 [tilespmem:s26], [sflag:$0x5], $0x80, s29, s21, $0xb8;
	[tilespmem:$0x1FC00] =	vst v63  }
0xc9: {  	_ =	swait.ge [sflag:s17], $0x3200  }
0xca: {  	[sflag:s17] =	ssyncset.done $0x0  }
0xcb: {  	[sflag:s17] =	ssyncadd.s32 $0xFFFFCE00  }
0xcc: {  	[tilespmem:s26], [sflag:$0x3] =	stream.indirect.gather [hbm4b:s1+s21], $0x80, s31, s21, $0xb8;
	[tilespmem:$0x1FC00] =	vst v63  }
0xcd: {  	_ =	swait.ge [sflag:s28], $0x3200  }
0xce: {  	[sflag:s28] =	ssyncset.done $0x0  }
0xcf: {  	[sflag:s28] =	ssyncadd.s32 $0xFFFFCE00  }
0xd0: {  	[spmem:s3] =	stream.indirect.scatter.add.f32 [tilespmem:s22], [sflag:$0x5], $0x80, s7, s21, $0xb8;
	[tilespmem:$0x1FC00] =	vst v63  }
0xd1: {  	_ =	swait.ge [sflag:s17], $0x3200  }
0xd2: {  	[sflag:s17] =	ssyncset.done $0x0  }
0xd3: {  	[sflag:s17] =	ssyncadd.s32 $0xFFFFCE00  }
0xd4: {  	[tilespmem:s22], [sflag:$0x1] =	stream.indirect.gather [hbm4b:s1+s21], $0x80, s9, s21, $0xb8;
	[tilespmem:$0x1FC00] =	vst v63  }
0xd5: {  	_ =	swait.ge [sflag:s30], $0x3200  }
0xd6: {  	[sflag:s30] =	ssyncset.done $0x0  }
0xd7: {  	[sflag:s30] =	ssyncadd.s32 $0xFFFFCE00  }
0xd8: {  	[spmem:s3] =	stream.indirect.scatter.add.f32 [tilespmem:s24], [sflag:$0x5], $0x80, s10, s21, $0xb8;
	[tilespmem:$0x1FC00] =	vst v63  }
0xd9: {  	_ =	swait.ge [sflag:s17], $0x3200  }
0xda: {  	[sflag:s17] =	ssyncset.done $0x0  }
0xdb: {  	[sflag:s17] =	ssyncadd.s32 $0xFFFFCE00  }
0xdc: {  	_ =	swait.ge [sflag:s2], $0x3200  }
0xdd: {  	[sflag:s2] =	ssyncset.done $0x0  }
0xde: {  	[sflag:s2] =	ssyncadd.s32 $0xFFFFCE00  }
0xdf: {  	[spmem:s3] =	stream.indirect.scatter.add.f32 [tilespmem:s26], [sflag:$0x5], $0x80, s11, s21, $0xb8;
	[tilespmem:$0x1FC00] =	vst v63  }
0xe0: {  	_ =	swait.ge [sflag:s17], $0x3200  }
0xe1: {  	[sflag:s17] =	ssyncset.done $0x0  }
0xe2: {  	[sflag:s17] =	ssyncadd.s32 $0xFFFFCE00  }
0xe3: {  	_ =	swait.ge [sflag:s28], $0x3200  }
0xe4: {  	[sflag:s28] =	ssyncset.done $0x0  }
.Ltmp2:
0xe5: {  	[sflag:s28] =	ssyncadd.s32 $0xFFFFCE00;
	(pc) =	sbr.rel @p0 .LBB2_4-.Ltmp2, $4  }
0xe6: {  	[spmem:s3] =	stream.indirect.scatter.add.f32 [tilespmem:s22], [sflag:$0x5], $0x80, s12, s21, $0xb8;
	[tilespmem:$0x1FC00] =	vst v63  }
0xe7: {  	_ =	swait.ge [sflag:s17], $0x3200  }
0xe8: {  	[sflag:s17] =	ssyncset.done $0x0  }
0xe9: {  	[sflag:s17] =	ssyncadd.s32 $0xFFFFCE00  }
0xea: {  	_ =	swait.ge [sflag:s0], $0x500  }
.Ltmp3:
0xeb: {  	[sflag:s0] =	ssyncset.done $0x0;
	(pc) =	sbr.rel .LBB2_2-.Ltmp3, $4  }
0xec: {  	[sflag:s0] =	ssyncadd.s32 $0xFFFFFB00  }
0xed: {  	_ =	swait.ge [sflag:s0], $0x500  }
0xee: {  	[sflag:s0] =	ssyncset.done $0x0  }
0xef: {  	s8 =	sadd.s32 $0x1000, s8;
	s13 =	sadd.s32 $0x200, s13;
	[sflag:s0] =	ssyncadd.s32 $0xFFFFFB00  }
.LBB2_5:
0xf0: {  	_ =	sfence.sel $0x180000  }
0xf1: {  	[bflag:$0x0] =	sbarrier.arrive $0xFFFF  }
0xf2: {  	_ =	strace $0x9000004D  }
0xf3: {  	s0 =	stileid.u32;
	[bflag:$0x2] =	sbarrier.arrive $0xFFFF  }
0xf4: {  	p0 =	sne.s32 s0, $0x0;
	s0 =	rddreg [dreg:$0x3]  }
0xf5: {  	s0 =	sadd.s32 @!p0 $0x100000, s0  }
0xf6: {  	[sflag:s0] =	ssyncadd.tile.s32 @!p0 $0x1;
	_ =	shalt  }
.Lfunc_end2:
_tile_overlayer_lowered:
.L_overlay_start_2:
0xf7: {  	(tag) =	ssettag $0x2  }
0xf8: {  	s0 =	rddreg [dreg:$0x0];
	s2 =	stileid.u32  }
0xf9: {  	s1 =	rddreg [dreg:$0x1];
	p0 =	sne.s32 s2, $0x0  }
0xfa: {  	s3 =	rddreg [dreg:$0x2];
	[bflag:$0x3] =	sbarrier.arrive $0xFFFF;
	s2 =	simm.s32 @!p0 $0x1C05  }
0xfb: {  	[timem:s3], [sflag:s2] =	dma.local @!p0 [hbm:s0], s1  }
0xfc: {  	s0 =	simm.s32 @!p0 $0x5  }
0xfd: {  	_ =	swait.ge @!p0 [sflag:s0], s1  }
0xfe: {  	s1 =	ssub.s32 @!p0 $0x0, s1;
	[sflag:s0] =	ssyncset.done @!p0 $0x0  }
0xff: {  	[sflag:s0] =	ssyncadd.s32 @!p0 s1  }
0x100: {  	[bflag:$0x3] =	sbarrier.arrive $0xFFFF  }
0x101: {  	_ =	shalt  }

// kernel: kernel.9.cloned.1.call-start
scs
__scs_entry_jumppad:
0x0: {  	(pc) =	sbr.rel $0x88, $3  }
0x1: {  	(tag) =	ssettag $0x0;
	lr =	simm.s32 $0x1  }
0x2: {  	[smem:$0x3F9B] =	sst lr;
	_ =	strace $0xD0000000  }
0x3: {  	_ = 	snop  }
0x4: {  	_ = 	snop  }
0x5: {  	_ = 	snop  }
0x6: {  	_ = 	snop  }
0x7: {  	_ = 	snop  }
__scs_overlays_trampoline_lowered:
0x8: {  	[smem:$0x3FAA] =	sst s0  }
0x9: {  	[smem:$0x3FAB] =	sst s1  }
0xa: {  	[smem:$0x3FAC] =	sst s2  }
0xb: {  	[smem:$0x3FAD] =	sst s3  }
0xc: {  	[smem:$0x3FAE] =	sst s4  }
0xd: {  	[smem:$0x3FAF] =	sst s5  }
0xe: {  	[smem:$0x3FB0] =	sst s6  }
0xf: {  	[smem:$0x3FB1] =	sst s7  }
0x10: {  	[smem:$0x3FB2] =	sst s8  }
0x11: {  	[smem:$0x3FB3] =	sst s9;
	s0 =	simm.s32 @!p0 $0x0  }
0x12: {  	s1 =	sld [smem:$0x3F99];
	s0 =	simm.s32 @p0 $0x1  }
0x13: {  	[smem:$0x3FB4] =	sst s0;
	s0 =	simm.s32 @!p1 $0x0  }
0x14: {  	s2 =	sld [smem:$0x3F98];
	s0 =	simm.s32 @p1 $0x1  }
0x15: {  	[smem:$0x3FB5] =	sst s0;
	s0 =	simm.s32 @!p2 $0x0  }
0x16: {  	s3 =	sld [smem:$0x3FDB];
	s0 =	simm.s32 @p2 $0x1  }
0x17: {  	s4 =	simm.s32 $0x1BF5;
	[smem:$0x3FB7] =	sst s0  }
0x18: {  	s0 =	sld [smem:$0x3F9A];
	_ =	swait.ge [sflag:s4], $0x0  }
0x19: {  	s7 =	sld [smem:$0x3F9B]  }
0x1a: {  	s8 =	sadd.s32 $0xFFFFE003, lr  }
0x1b: {  	s9 =	sadd.s32 $0xFFFFFEF7, lr;
	s5 =	simm.s32 $0xFFFFFFFF;
	p2 =	slt.u32 s8, $0xFFFFF086  }
0x1c: {  	p1 =	slt.u32 s9, $0xF7A;
	s5 =	simm.s32 @!p2 $0x0  }
0x1d: {  	s5 =	simm.s32 @p1 $0x1;
	p0 =	seq.s32 s7, s2  }
0x1e: {  	s7 =	smul.u32 @!p0 $0xF7A, s2;
	p2 =	seq.s32 @!p0 s5, $0x0  }
0x1f: {  	s9 =	smul.u32 $0xF7A, s1;
	s8 =	simm.s32 @!p0 $0x1BF5;
	p2 =	por !p2, p0  }
0x20: {  	[sflag:s8] =	ssyncset.s32 @!p0 $0xFFFFF086;
	s6 =	sadd.s32 @!p0 s3, s7;
	s7 =	simm.s32 @!p0 $0x108  }
0x21: {  	s3 =	sadd.s32 s3, s9;
	s6 =	sadd.s32 @!p0 $0x88, s6;
	s7 =	simm.s32 @p2 $0x1082  }
0x22: {  	[simem:s7], [sflag:s8] =	dma.local @!p0 [hbm:s6], $0xF7A  }
0x23: {  	s9 =	sor.u32 $0xD0000000, s2;
	s6 =	simm.s32 $0x108;
	_ =	swait.ge @!p0 [sflag:s8], $0x0  }
0x24: {  	s3 =	sadd.s32 $0x88, s3;
	s6 =	simm.s32 @!p1 $0x1082;
	[sflag:s4] =	ssyncset.s32 $0xFFFFF086  }
0x25: {  	[simem:s6], [sflag:s4] =	dma.local [hbm:s3], $0xF7A  }
0x26: {  	[smem:$0x3F9B] =	sst s1;
	(tag) =	ssettag s2;
	_ =	strace s9  }
0x27: {  	s1 =	sld [smem:$0x3FAB]  }
0x28: {  	s2 =	sld [smem:$0x3FAC]  }
0x29: {  	s4 =	sld [smem:$0x3FAE]  }
0x2a: {  	p0 =	seq.s32 s5, $0x0;
	s5 =	sld [smem:$0x3FAF]  }
0x2b: {  	s6 =	sld [smem:$0x3FB0]  }
0x2c: {  	s7 =	sld [smem:$0x3FB1]  }
0x2d: {  	s3 =	simm.s32 $0x108;
	s8 =	sld [smem:$0x3FB2]  }
0x2e: {  	s3 =	simm.s32 @!p0 $0x1082;
	s9 =	sld [smem:$0x3FB3]  }
0x2f: {  	lr =	sadd.s32 s0, s3;
	s0 =	sld [smem:$0x3FAA]  }
0x30: {  	s3 =	sld [smem:$0x3FAD]  }
0x31: {  	[smem:$0x3FB6] =	sst s10  }
0x32: {  	s10 =	sld [smem:$0x3FB4];
	_ =	sdelay $0x3  }
0x33: {  	p0 =	seq.s32 s10, $0x1;
	s10 =	sld [smem:$0x3FB6];
	_ =	sdelay $0x3  }
0x34: {  	[smem:$0x3FB6] =	sst s10  }
0x35: {  	s10 =	sld [smem:$0x3FB5];
	_ =	sdelay $0x3  }
0x36: {  	p1 =	seq.s32 s10, $0x1;
	s10 =	sld [smem:$0x3FB6];
	_ =	sdelay $0x3  }
0x37: {  	[smem:$0x3FB6] =	sst s10  }
0x38: {  	s10 =	sld [smem:$0x3FB7]  }
0x39: {  	_ = 	snop;
	(pc) =	sbr.ind lr, $3  }
0x3a: {  	_ = 	snop  }
0x3b: {  	_ = 	snop  }
0x3c: {  	p2 =	seq.s32 s10, $0x1;
	s10 =	sld [smem:$0x3FB6]  }
0x3d: {  	_ =	shalt  }
0x3e: {  	_ =	shalt  }
0x3f: {  	_ =	shalt  }
0x40: {  	_ =	shalt  }
0x41: {  	_ =	shalt  }
0x42: {  	_ =	shalt  }
0x43: {  	_ =	shalt  }
0x44: {  	_ =	shalt  }
0x45: {  	_ =	shalt  }
0x46: {  	_ =	shalt  }
0x47: {  	_ =	shalt  }
0x48: {  	_ =	shalt  }
0x49: {  	_ =	shalt  }
0x4a: {  	_ =	shalt  }
0x4b: {  	_ =	shalt  }
0x4c: {  	_ =	shalt  }
0x4d: {  	_ =	shalt  }
0x4e: {  	_ =	shalt  }
0x4f: {  	_ =	shalt  }
0x50: {  	_ =	shalt  }
0x51: {  	_ =	shalt  }
0x52: {  	_ =	shalt  }
0x53: {  	_ =	shalt  }
0x54: {  	_ =	shalt  }
0x55: {  	_ =	shalt  }
0x56: {  	_ =	shalt  }
0x57: {  	_ =	shalt  }
0x58: {  	_ =	shalt  }
0x59: {  	_ =	shalt  }
0x5a: {  	_ =	shalt  }
0x5b: {  	_ =	shalt  }
0x5c: {  	_ =	shalt  }
0x5d: {  	_ =	shalt  }
0x5e: {  	_ =	shalt  }
0x5f: {  	_ =	shalt  }
0x60: {  	_ =	shalt  }
0x61: {  	_ =	shalt  }
0x62: {  	_ =	shalt  }
0x63: {  	_ =	shalt  }
0x64: {  	_ =	shalt  }
0x65: {  	_ =	shalt  }
0x66: {  	_ =	shalt  }
0x67: {  	_ =	shalt  }
0x68: {  	_ =	shalt  }
0x69: {  	_ =	shalt  }
0x6a: {  	_ =	shalt  }
0x6b: {  	_ =	shalt  }
0x6c: {  	_ =	shalt  }
0x6d: {  	_ =	shalt  }
0x6e: {  	_ =	shalt  }
0x6f: {  	_ =	shalt  }
0x70: {  	_ =	shalt  }
0x71: {  	_ =	shalt  }
0x72: {  	_ =	shalt  }
0x73: {  	_ =	shalt  }
0x74: {  	_ =	shalt  }
0x75: {  	_ =	shalt  }
0x76: {  	_ =	shalt  }
0x77: {  	_ =	shalt  }
0x78: {  	_ =	shalt  }
0x79: {  	_ =	shalt  }
0x7a: {  	_ =	shalt  }
0x7b: {  	_ =	shalt  }
0x7c: {  	_ =	shalt  }
0x7d: {  	_ =	shalt  }
0x7e: {  	_ =	shalt  }
0x7f: {  	_ =	shalt  }
0x80: {  	_ =	shalt  }
0x81: {  	_ =	shalt  }
0x82: {  	_ =	shalt  }
0x83: {  	_ =	shalt  }
0x84: {  	_ =	shalt  }
0x85: {  	_ =	shalt  }
0x86: {  	_ =	shalt  }
0x87: {  	_ =	shalt  }
.Lfunc_end0:
.L_simem_size_0:
called_computation_lowered:
.L_overlay_start_0:
0x88: {  	s2 =	sld [smem:$0x3FD9]  }
0x89: {  	s3 =	sld [smem:$0x3FFE];
	_ =	sdelay $0x1  }
0x8a: {  	s1 =	srdreg.scid  }
0x8b: {  	s0 =	sand.u32 $0x1, s1  }
0x8c: {  	s17 =	sshll.u32 s0, $0xA;
	s2 =	sadd.s32 s3, s2  }
0x8d: {  	s2 =	sadd.s32 s2, s17  }
0x8e: {  	[smem:$0x3FC2] =	sst s2  }
0x8f: {  	_ = 	snop  }
0x90: {  	s2 =	sld [smem:$0x3FD0];
	(tm) =	ssettm $0x1  }
0x91: {  	s18 =	sld [smem:$0x3FFB];
	_ =	sdelay $0x3  }
0x92: {  	_ =	strace s18  }
0x93: {  	s3 =	sld [smem:$0x3FFC];
	_ =	sdelay $0x3  }
0x94: {  	_ =	strace s3  }
0x95: {  	s3 =	sld [smem:$0x3FFD];
	_ =	sdelay $0x3  }
0x96: {  	_ =	strace s3  }
0x97: {  	_ =	strace $0x8FFFFFFF  }
0x98: {  	s19 =	sld [smem:$0x3FDB];
	_ =	sdelay $0x1  }
0x99: {  	s4 =	simm.s32 $_scs_section_size  }
0x9a: {  	s5 =	simm.s32 $_size__tile_overlayer_lowered;
	s6 =	simm.s32 $_tile_overlayer_lowered  }
0x9b: {  	s22 =	simm.s32 $0x1BFF;
	s21 =	sshll.u32 s6, $0x1;
	s3 =	sadd.s32 s4, s19  }
0x9c: {  	s7 =	simm.s32 $0x0;
	s20 =	sshll.u32 s5, $0x1;
	s5 =	sadd.s32 s21, s3  }
0x9d: {  	[timem:s7], [sflag:s22] =	dma.local [hbm:s5], s20  }
0x9e: {  	_ =	swait.ge [sflag:s22], s20  }
0x9f: {  	s4 =	ssub.s32 $0x0, s20;
	[sflag:s22] =	ssyncset.done $0x0  }
0xa0: {  	[sflag:s22] =	ssyncadd.s32 s4;
	_ =	sdelay $0x1  }
0xa1: {  	s23 =	simm.s32 $0x1B8B  }
0xa2: {  	_ =	swait.ge [sflag:s23], $0x1  }
0xa3: {  	[sflag:s23] =	ssyncset.done $0x0  }
0xa4: {  	s25 =	simm.s32 $0x1B8E;
	s24 =	sld [smem:$0x3FFE];
	[sflag:s23] =	ssyncadd.s32 $0xFFFFFFFF  }
0xa5: {  	s26 =	simm.s32 $execute0_lowered;
	[smem:$0x3FD2] =	sst s25  }
0xa6: {  	s5 =	sshll.u32 s26, $0x1;
	_ =	strace $0x80000046;
	[dreg:$0x1] =	wrdreg $0xFFFFFFFF  }
0xa7: {  	s28 =	simm.s32 $_size_execute0_lowered;
	s3 =	sadd.s32 s3, s5;
	[dreg:$0x0] =	wrdreg $0x0  }
0xa8: {  	s5 =	sshll.u32 s28, $0x1;
	[dreg:$0x2] =	wrdreg s3  }
0xa9: {  	[dreg:$0x3] =	wrdreg s5  }
0xaa: {  	[dreg:$0x4] =	wrdreg $0xC0  }
0xab: {  	_ =	task [dreg:s7], $0x5FFFF  }
0xac: {  	[dreg:$0x1] =	wrdreg $0xFFFFFFFF  }
0xad: {  	[dreg:$0x0] =	wrdreg $0x60  }
0xae: {  	[dreg:$0x2] =	wrdreg s2  }
0xaf: {  	[dreg:$0x3] =	wrdreg s24  }
0xb0: {  	[dreg:$0x4] =	wrdreg $0x68000  }
0xb1: {  	[dreg:$0x5] =	wrdreg $0x9  }
0xb2: {  	_ =	task.clear_ibuf [dreg:s7], $0x6FFFF;
	_ =	strace $0x90000046  }
0xb3: {  	s29 =	simm.s32 $0x9;
	_ =	strace $0x80000048  }
0xb4: {  	_ =	swait.ge [sflag:s29], $0x1  }
0xb5: {  	[sflag:s29] =	ssyncadd.s32 $0xFFFFFFFF  }
0xb6: {  	_ =	strace $0x90000048  }
0xb7: {  	_ =	sfence  }
0xb8: {  	s30 =	sld [smem:$0x0];
	_ =	sdelay $0x2  }
0xb9: {  	s31 =	sshll.u32 s1, $0xD;
	s1 =	sshrl.u32 s1, $0x2  }
0xba: {  	s3 =	sand.u32 $0x4000, s31;
	s1 =	sadd.s32 s1, s30  }
0xbb: {  	s0 =	sor.u32 s3, s0;
	s1 =	sshll.u32 s1, $0x11  }
0xbc: {  	s0 =	sor.u32 s1, s0  }
0xbd: {  	s0 =	sadd.s32 $0x8F2B, s0  }
0xbe: {  	[sflag:s0] =	ssyncadd.remote.s32 $0x1  }
0xbf: {  	_ =	sfence.sel $0xFFFF  }
0xc0: {  	[dreg:$0x0] =	wrdreg $0xFFFFFFFF;
	(pc) =	sbr.abs _section_cstart, $3  }
0xc1: {  	[dreg:$0x1] =	wrdreg $0xFFFFFFFF  }
0xc2: {  	_ =	task.clear_ibuf [dreg:s7], $0x2FFFF;
	_ =	strace $0x9FFFFFFF  }
0xc3: {  	(tm) =	ssettm $0x7FFFFFFF  }
tec
execute0_lowered:
.L_overlay_start_1:
0x0: {  	(tag) =	ssettag $0x1  }
0x1: {  	s7 =	rddreg [dreg:$0x0]  }
0x2: {  	s5 =	rddreg [dreg:$0x1]  }
0x3: {  	s2 =	rddreg [dreg:$0x2];
	s0 =	stileid.u32  }
0x4: {  	s4 =	srdreg.scid;
	s6 =	smul.u32 $0x14000, s0  }
0x5: {  	s1 =	rddreg [dreg:$0x3];
	s3 =	simm.s32 $0x0;
	s11 =	smul.u32 $0x50000, s0  }
0x6: {  	s8 =	sand.u32 $0x1, s4;
	[smem:$0x7FF] =	sst s3;
	s12 =	smul.u32 $0x3400, s0  }
0x7: {  	s4 =	sadd.s32 $0x2A400, s5;
	s31 =	sshll.u32 s0, $0x6;
	s9 =	smul.u32 $0x140000, s8  }
0x8: {  	_ =	strace $0x80000047;
	s25 =	smul.u32 $0x34000, s8;
	s8 =	ssub.s32 $0x2, s8  }
0x9: {  	s24 =	sshrl.u32 s6, $0x3;
	s26 =	sshrl.u32 s8, $0x1;
	s28 =	sshrl.u32 s11, $0x2  }
0xa: {  	s11 =	simm.s32 $0x1;
	s10 =	sadd.s32 s24, s5;
	s6 =	sadd.s32 s6, s9  }
0xb: {  	s29 =	ssub.s32 s8, s26;
	s14 =	sadd.s32 s28, s2;
	s30 =	sadd.s32 s12, s25  }
0xc: {  	s12 =	simm.s32 $0x3400;
	s6 =	sshrl.u32 s6, $0x3;
	s9 =	sshrl.u32 s30, $0x3  }
0xd: {  	s13 =	sadd.s32 s6, s5;
	s5 =	sadd.s32 $0x2400, s10;
	s6 =	sor.u32 $0x1C01, s31  }
0xe: {  	s7 =	sadd.s32 s7, s9;
	s9 =	smax.u32 s29, $0x1;
	s10 =	sshrl.u32 s14, $0x3  }
0xf: {  	s14 =	simm.s32 $0x0;
	s8 =	sadd.s32 $0x2AC00, s13;
	s13 =	simm.s32 $0x64  }
.LBB2_1:
0x10: {  	[spmem:s10], [sflag:s6] =	dma.local [hbm:s5], $0x2800  }
0x11: {  	_ =	swait.ge [sflag:s11], $0x2800  }
0x12: {  	[sflag:s11] =	ssyncset.done $0x0  }
0x13: {  	[sflag:s11] =	ssyncadd.s32 $0xFFFFD800  }
0x14: {  	[tilespmem:s12], [sflag:$0x1] =	stream.linear.gather [hbm4b:s4+s3], $0x3200, $0x38;
	[tilespmem:$0x1A800] =	vst v63  }
0x15: {  	_ =	swait.ge [sflag:s11], $0x3200  }
0x16: {  	[sflag:s11] =	ssyncset.done $0x0  }
0x17: {  	[sflag:s11] =	ssyncadd.s32 $0xFFFFCE00  }
0x18: {  	[tilespmem:s3], [sflag:$0x1] =	stream.linear.gather [hbm4b:s7+s3], $0x3200, $0x38;
	[tilespmem:$0x1A800] =	vst v63  }
0x19: {  	_ =	swait.ge [sflag:s11], $0x3200  }
0x1a: {  	[sflag:s11] =	ssyncset.done $0x0  }
0x1b: {  	[sflag:s11] =	ssyncadd.s32 $0xFFFFCE00  }
0x1c: {  	s15 =	simm.s32 $0x0;
	[bflag:$0x0] =	sbarrier.arrive $0xFFFF  }
0x1d: {  	[spmem:s2] =	stream.indirect.scatter.add.f32 [tilespmem:s12], [sflag:$0x1], $0x80, s15, s13, $0xb8;
	[tilespmem:$0x1A800] =	vst v63  }
0x1e: {  	_ =	swait.ge [sflag:s11], $0x3200  }
0x1f: {  	s15 =	simm.s32 $0x200;
	[sflag:s11] =	ssyncset.done $0x0  }
.LBB2_2:
0x20: {  	s16 =	sshra.s32 s15, $0x2;
	[sflag:s11] =	ssyncadd.s32 $0xFFFFCE00;
	p0 =	sne.s32 s15, $0xC600  }
0x21: {  	[spmem:s2] =	stream.indirect.scatter.add.f32 [tilespmem:s12], [sflag:$0x1], $0x80, s16, s13, $0xb8;
	[tilespmem:$0x1A800] =	vst v63  }
.Ltmp0:
0x22: {  	_ = 	snop;
	(pc) =	sbr.rel @p0 .LBB2_2-.Ltmp0, $4  }
0x23: {  	_ = 	snop  }
0x24: {  	s15 =	sadd.s32 $0x200, s15  }
0x25: {  	_ =	swait.ge [sflag:s11], $0x3200  }
0x26: {  	[sflag:s11] =	ssyncset.done $0x0  }
0x27: {  	s14 =	sadd.s32 $0x1, s14  }
0x28: {  	[sflag:s11] =	ssyncadd.s32 $0xFFFFCE00;
	p0 =	sne.s32 s14, s9  }
.Ltmp1:
0x29: {  	[bflag:$0x0] =	sbarrier.arrive $0xFFFF;
	(pc) =	sbr.rel @p0 .LBB2_1-.Ltmp1, $4  }
0x2a: {  	[hbm:s8], [sflag:s6] =	dma.local [spmem:s10], $0x2800  }
0x2b: {  	_ =	swait.ge [sflag:s11], $0x2800  }
0x2c: {  	[sflag:s11] =	ssyncset.done $0x0  }
0x2d: {  	[sflag:s11] =	ssyncadd.s32 $0xFFFFD800  }
0x2e: {  	_ =	sfence.sel $0x180000  }
0x2f: {  	[bflag:$0x0] =	sbarrier.arrive $0xFFFF  }
0x30: {  	p0 =	sne.s32 s0, $0x0;
	_ =	strace $0x90000047  }
0x31: {  	s0 =	sadd.s32 @!p0 $0x100000, s1;
	[bflag:$0x2] =	sbarrier.arrive $0xFFFF  }
0x32: {  	[sflag:s0] =	ssyncadd.tile.s32 @!p0 $0x1;
	_ =	shalt  }
.Lfunc_end2:
_tile_overlayer_lowered:
.L_overlay_start_2:
0x33: {  	(tag) =	ssettag $0x2  }
0x34: {  	s0 =	rddreg [dreg:$0x0];
	s2 =	stileid.u32  }
0x35: {  	s1 =	rddreg [dreg:$0x1];
	p0 =	sne.s32 s2, $0x0  }
0x36: {  	s3 =	rddreg [dreg:$0x2];
	[bflag:$0x3] =	sbarrier.arrive $0xFFFF;
	s2 =	simm.s32 @!p0 $0x1C01  }
0x37: {  	[timem:s3], [sflag:s2] =	dma.local @!p0 [hbm:s0], s1  }
0x38: {  	s0 =	simm.s32 @!p0 $0x1  }
0x39: {  	_ =	swait.ge @!p0 [sflag:s0], s1  }
0x3a: {  	s1 =	ssub.s32 @!p0 $0x0, s1;
	[sflag:s0] =	ssyncset.done @!p0 $0x0  }
0x3b: {  	[sflag:s0] =	ssyncadd.s32 @!p0 s1  }
0x3c: {  	[bflag:$0x3] =	sbarrier.arrive $0xFFFF  }
0x3d: {  	_ =	shalt  }

</sc_bundles>
